<compile_context>
chip_gen: v7x
topology: tpu7x:2x2x1
jax: 0.10.2.dev20260603
libtpu: 0.0.44.dev20260713+nightly
codegen_flags: <defaults>
</compile_context>

<pallas_src>
import functools

import jax
import jax.numpy as jnp
from jax import lax
from jax.experimental import pallas as pl
from jax.experimental.pallas import tpu as pltpu
from jax.experimental.pallas import tpu_sc as plsc

N = 10000
F = 128
STEPS = 10
TILES = 16
NPAD = 10240
ROWS_PT = NPAD // TILES
RCHUNK = 32
NCHUNKS = ROWS_PT // RCHUNK
ECHUNK = 64
EBLK = 16
NBUF = 4
NEWTON_ITERS = 22


def _sc_diffusion_body(x_ref, src_ref, dst_ref, tn_ref, tn0_ref,
                       y_ref, g_ref,
                       acc_sh,
                       gbuf, na, ng, ny, dinv_c,
                       idx_s, idx_d, tnv, tn0v,
                       sg0, sg1, sg2, sg3, ss0, ss1, ss2, ss3):
    wid = lax.axis_index("s")
    r0 = wid * ROWS_PT
    n_eblks = src_ref.shape[1] // EBLK
    iota16 = lax.broadcasted_iota(jnp.int32, (16,), 0)

    pltpu.sync_copy(tn_ref, tnv)
    pltpu.sync_copy(tn0_ref, tn0v)

    def _ones_row(r, _):
        o16 = jnp.ones((16,), jnp.float32)
        for j in range(F // 16):
            gbuf[0, r, pl.ds(j * 16, 16)] = o16
        return 0
    lax.fori_loop(0, ECHUNK, _ones_row, 0)

    _ch = min(ECHUNK, ROWS_PT)
    for c in range(ROWS_PT // _ch):
        pltpu.sync_copy(gbuf.at[0, pl.ds(0, _ch)],
                        acc_sh.at[pl.ds(r0 + c * _ch, _ch)])
    plsc.subcore_barrier()

    def _deg(jb, _):
        pltpu.sync_copy(dst_ref.at[wid, pl.ds(jb * EBLK, EBLK)], idx_d)
        for k in range(EBLK):
            pltpu.sync_copy(gbuf.at[0], acc_sh.at[idx_d.at[k]], add=True)
        return 0
    lax.fori_loop(0, n_eblks, _deg, 0)
    plsc.subcore_barrier()

    def _dinv16(k, _):
        pltpu.sync_copy(acc_sh.at[pl.ds(r0 + k * 16, 16)], na.at[pl.ds(0, 16)])
        d = plsc.load_gather(na, [iota16, iota16 * 0 + 1])
        yv = 1.0 / d
        for _i in range(NEWTON_ITERS):
            yv = yv * (1.5 - 0.5 * d * yv * yv)
        dinv_c[pl.ds(k * 16, 16)] = yv
        return 0
    lax.fori_loop(0, ROWS_PT // 16, _dinv16, 0)

    tn0 = tn0v[...]

    def _ginit(c, _):
        base = r0 + c * RCHUNK
        pltpu.sync_copy(x_ref.at[pl.ds(base, RCHUNK)], na)

        def _row(r, _):
            dv = plsc.load_gather(dinv_c, [iota16 * 0 + (c * RCHUNK + r)])
            for j in range(F // 16):
                v = na[r, pl.ds(j * 16, 16)]
                ng[r, pl.ds(j * 16, 16)] = dv * v
                ny[r, pl.ds(j * 16, 16)] = tn0 * v
            return 0
        lax.fori_loop(0, RCHUNK, _row, 0)
        pltpu.sync_copy(ng, g_ref.at[pl.ds(base, RCHUNK)])
        pltpu.sync_copy(ny, y_ref.at[pl.ds(base, RCHUNK)])
        return 0
    lax.fori_loop(0, NCHUNKS, _ginit, 0)
    plsc.subcore_barrier()

    def _step(i, _):
        def _zb(r, _):
            z16 = jnp.zeros((16,), jnp.float32)
            for j in range(F // 16):
                na[r, pl.ds(j * 16, 16)] = z16
            return 0
        lax.fori_loop(0, RCHUNK, _zb, 0)

        def _z(c, _):
            pltpu.sync_copy(na, acc_sh.at[pl.ds(r0 + c * RCHUNK, RCHUNK)])
            return 0
        lax.fori_loop(0, NCHUNKS, _z, 0)
        plsc.subcore_barrier()

        def _eblk(jb, _):
            pltpu.sync_copy(src_ref.at[wid, pl.ds(jb * EBLK, EBLK)], idx_s)
            pltpu.sync_copy(dst_ref.at[wid, pl.ds(jb * EBLK, EBLK)], idx_d)
            sg = (sg0, sg1, sg2, sg3)
            ss = (ss0, ss1, ss2, ss3)
            gds = [None] * NBUF
            sds = [None] * NBUF
            for b in range(NBUF):
                gds[b] = pltpu.async_copy(
                    g_ref.at[idx_s.at[b]], gbuf.at[b], sg[b])
            for k in range(EBLK):
                b = k % NBUF
                gds[b].wait()
                sds[b] = pltpu.async_copy(
                    gbuf.at[b], acc_sh.at[idx_d.at[k]], ss[b], add=True)
                if k + NBUF < EBLK:
                    sds[b].wait()
                    gds[b] = pltpu.async_copy(
                        g_ref.at[idx_s.at[k + NBUF]], gbuf.at[b], sg[b])
            for b in range(NBUF):
                sds[b].wait()
            return 0
        lax.fori_loop(0, n_eblks, _eblk, 0)
        plsc.subcore_barrier()

        tni = plsc.load_gather(tnv, [iota16 * 0 + i])

        def _n(c, _):
            base = r0 + c * RCHUNK
            pltpu.sync_copy(acc_sh.at[pl.ds(base, RCHUNK)], na)
            pltpu.sync_copy(g_ref.at[pl.ds(base, RCHUNK)], ng)
            pltpu.sync_copy(y_ref.at[pl.ds(base, RCHUNK)], ny)

            def _row(r, _):
                dv = plsc.load_gather(dinv_c, [iota16 * 0 + (c * RCHUNK + r)])
                dv2 = dv * dv
                cy = tni * dv
                for j in range(F // 16):
                    tmp = na[r, pl.ds(j * 16, 16)] + ng[r, pl.ds(j * 16, 16)]
                    ny[r, pl.ds(j * 16, 16)] = ny[r, pl.ds(j * 16, 16)] + cy * tmp
                    ng[r, pl.ds(j * 16, 16)] = dv2 * tmp
                return 0
            lax.fori_loop(0, RCHUNK, _row, 0)
            pltpu.sync_copy(ng, g_ref.at[pl.ds(base, RCHUNK)])
            pltpu.sync_copy(ny, y_ref.at[pl.ds(base, RCHUNK)])
            return 0
        lax.fori_loop(0, NCHUNKS, _n, 0)
        plsc.subcore_barrier()
        return 0
    lax.fori_loop(1, STEPS, _step, 0)


@functools.lru_cache(maxsize=None)
def _make_sc_diffusion(n_echunks):
    return pl.kernel(
        _sc_diffusion_body,
        out_type=(
            jax.ShapeDtypeStruct((NPAD, F), jnp.float32),
            jax.ShapeDtypeStruct((NPAD, F), jnp.float32),
        ),
        mesh=plsc.VectorSubcoreMesh(
            core_axis_name="c", subcore_axis_name="s", num_cores=1),
        compiler_params=pltpu.CompilerParams(
            needs_layout_passes=False, use_tc_tiling_on_sc=False),
        scratch_types=[
            pltpu.VMEM_SHARED((NPAD, F), jnp.float32),
            pltpu.VMEM((NBUF, ECHUNK, F), jnp.float32),
            pltpu.VMEM((RCHUNK, F), jnp.float32),
            pltpu.VMEM((RCHUNK, F), jnp.float32),
            pltpu.VMEM((RCHUNK, F), jnp.float32),
            pltpu.VMEM((ROWS_PT,), jnp.float32),
            pltpu.VMEM((EBLK, ECHUNK), jnp.int32),
            pltpu.VMEM((EBLK, ECHUNK), jnp.int32),
            pltpu.VMEM((16,), jnp.float32),
            pltpu.VMEM((16,), jnp.float32),
        ] + [pltpu.SemaphoreType.DMA] * 8,
    )


def _tnorm_body(t_ref, o_ref):
    tv = t_ref[...]
    ex = jnp.exp(tv - jnp.max(tv))
    tn = ex / jnp.sum(ex)
    o_ref[0:1, :] = tn
    o_ref[1:2, :] = jnp.full((1, 128), tn[0, 0], jnp.float32)


def _tnorm(t):
    t_p = jnp.full((1, 128), -jnp.inf, jnp.float32).at[0, :t.shape[0]].set(t)
    return pl.pallas_call(
        _tnorm_body,
        out_shape=jax.ShapeDtypeStruct((2, 128), jnp.float32),
    )(t_p)


def _head_body(y_ref, w1_ref, w2_ref, b_ref, o_ref):
    w = w1_ref[0] + w2_ref[0, 0]
    acc = jnp.dot(y_ref[...], w, preferred_element_type=jnp.float32)
    o_ref[...] = jnp.maximum(acc + b_ref[0, 0], 0.0)


def _arma_head(y, init_weight, root_weight, bias):
    blk = 1000
    grid = (N // blk,)
    return pl.pallas_call(
        _head_body,
        grid=grid,
        in_specs=[
            pl.BlockSpec((blk, F), lambda i: (i, 0)),
            pl.BlockSpec(init_weight.shape, lambda i: (0, 0, 0)),
            pl.BlockSpec(root_weight.shape, lambda i: (0, 0, 0, 0)),
            pl.BlockSpec(bias.shape, lambda i: (0, 0, 0, 0)),
        ],
        out_specs=pl.BlockSpec((blk, F), lambda i: (i, 0)),
        out_shape=jax.ShapeDtypeStruct((N, F), jnp.float32),
    )(y, init_weight, root_weight, bias)


def kernel(x, edge_index, t, init_weight, root_weight, bias):
    src = edge_index[0]
    dst = edge_index[1]
    e = src.shape[0]
    ept = -(-e // (TILES * ECHUNK * EBLK)) * (ECHUNK * EBLK)
    pad = TILES * ept - e
    src_p = jnp.concatenate(
        [src, jnp.full((pad,), N, jnp.int32)]).reshape(TILES, ept // ECHUNK, ECHUNK)
    dst_p = jnp.concatenate(
        [dst, jnp.full((pad,), N, jnp.int32)]).reshape(TILES, ept // ECHUNK, ECHUNK)
    x_p = jnp.zeros((NPAD, F), jnp.float32).at[:N].set(x)
    tn_all = _tnorm(t)
    tn = tn_all[0, :16]
    tn0 = tn_all[1, :16]

    y_full, _ = _make_sc_diffusion(ept // ECHUNK)(x_p, src_p, dst_p, tn, tn0)
    return _arma_head(y_full[:N], init_weight, root_weight, bias)

# --- scband reference (transcript-rebuilt; emitter-appended) ---
"""Pipeline reference for scband-armaplus-conv-27419071218305 (READ-ONLY COPY).

The authoritative reference and input builder live on the scoring server;
editing this copy changes nothing except your own understanding.
"""

import jax, jax.numpy as jnp
import numpy as np

STEP = 10
K = 1
F_IN = 128
F_OUT = 128
N = 10000
E = 320000


def setup_inputs(seed: int = 0) -> dict:
    key = jax.random.key(seed)
    ks = jax.random.split(key, 5)
    x = jax.random.normal(ks[0], (N, F_IN), dtype=jnp.float32)
    edge_index = jax.random.randint(ks[1], (2, E), 0, N, dtype=jnp.int32)
    # TDPlusConv diffusion temperature params (denseT=True variant: shape [step]),
    # initialized to init_t=1.0 as in reset_parameters
    t = jnp.full((STEP,), 1.0, dtype=jnp.float32)
    # glorot-style init for ARMA weights
    init_weight = jax.random.normal(ks[2], (K, F_IN, F_OUT), dtype=jnp.float32) * (1.0 / np.sqrt(F_IN))
    root_weight = jax.random.normal(ks[3], (1, K, F_IN, F_OUT), dtype=jnp.float32) * (1.0 / np.sqrt(F_IN))
    bias = jnp.zeros((1, K, 1, F_OUT), dtype=jnp.float32)
    return {"x": x, "edge_index": edge_index, "t": t,
            "init_weight": init_weight, "root_weight": root_weight, "bias": bias}


def reference(x, edge_index, t, init_weight, root_weight, bias):
    n = x.shape[0]
    # add self loops
    loops = jnp.arange(n, dtype=edge_index.dtype)
    src = jnp.concatenate([edge_index[0], loops])
    dst = jnp.concatenate([edge_index[1], loops])
    # symmetric normalization: deg computed on col (dst)
    deg = jnp.zeros((n,), dtype=x.dtype).at[dst].add(1.0)
    dinv = jax.lax.rsqrt(deg)
    norm = dinv[src] * dinv[dst]
    # TDPlusConv: 10-step diffusion with softmax-weighted combination
    t_norm = jax.nn.softmax(t, axis=0)
    h = x
    y = t_norm[0] * x
    for i in range(1, STEP):
        msg = norm[:, None] * h[src]           # gather + scale
        h = jnp.zeros_like(x).at[dst].add(msg)  # scatter-add aggregation
        y = y + t_norm[i] * h
    # ARMA head
    z = y[None, :, :]                 # [1, N, F_in] (unsqueeze(-3))
    out = z @ init_weight             # [K, N, F_out]
    out = out + z @ root_weight[0]    # dropout p=0.0 -> identity
    out = out + bias[0]
    out = jax.nn.relu(out)
    return out.mean(axis=0)           # mean over stacks K -> [N, F_out]

if __name__ == "__main__":
    import jax
    _d = setup_inputs()
    print(jax.jit(kernel)(*tuple(_d.values())))

</pallas_src>

<mosaic_0001>
#map = affine_map<(d0, d1) -> (0, 0)>
#map1 = affine_map<(d0, d1) -> (0, 0, 0)>
#map2 = affine_map<(d0, d1) -> (0)>
module attributes {stable_mosaic.version = 14 : i64} {
  func.func @_sc_diffusion_body(%arg0: i32, %arg1: i32, %arg2: memref<10240x128xf32, #tpu.memory_space<hbm>>, %arg3: memref<16x320x64xi32, #tpu.memory_space<hbm>>, %arg4: memref<16x320x64xi32, #tpu.memory_space<hbm>>, %arg5: memref<16xf32, #tpu.memory_space<hbm>>, %arg6: memref<16xf32, #tpu.memory_space<hbm>>, %arg7: memref<10240x128xf32, #tpu.memory_space<hbm>>, %arg8: memref<10240x128xf32, #tpu.memory_space<hbm>>, %arg9: memref<10240x128xf32, #tpu.memory_space<vmem_shared>>, %arg10: memref<4x64x128xf32, #tpu.memory_space<vmem>>, %arg11: memref<32x128xf32, #tpu.memory_space<vmem>>, %arg12: memref<32x128xf32, #tpu.memory_space<vmem>>, %arg13: memref<32x128xf32, #tpu.memory_space<vmem>>, %arg14: memref<640xf32, #tpu.memory_space<vmem>>, %arg15: memref<16x64xi32, #tpu.memory_space<vmem>>, %arg16: memref<16x64xi32, #tpu.memory_space<vmem>>, %arg17: memref<16xf32, #tpu.memory_space<vmem>>, %arg18: memref<16xf32, #tpu.memory_space<vmem>>, %arg19: memref<!tpu.dma_semaphore, #tpu.memory_space<semaphore_mem>>, %arg20: memref<!tpu.dma_semaphore, #tpu.memory_space<semaphore_mem>>, %arg21: memref<!tpu.dma_semaphore, #tpu.memory_space<semaphore_mem>>, %arg22: memref<!tpu.dma_semaphore, #tpu.memory_space<semaphore_mem>>, %arg23: memref<!tpu.dma_semaphore, #tpu.memory_space<semaphore_mem>>, %arg24: memref<!tpu.dma_semaphore, #tpu.memory_space<semaphore_mem>>, %arg25: memref<!tpu.dma_semaphore, #tpu.memory_space<semaphore_mem>>, %arg26: memref<!tpu.dma_semaphore, #tpu.memory_space<semaphore_mem>>) attributes {dimension_semantics = [#tpu.dimension_semantics<core_parallel>, #tpu.dimension_semantics<subcore_parallel>], iteration_bounds = array<i64: 1, 16>, scalar_prefetch = 0 : i64, scratch_operands = 18 : i64, tpu.core_type = #tpu.core_type<sc_vector_subcore>, window_params = [{transform_indices = #map}, {transform_indices = #map1}, {transform_indices = #map1}, {transform_indices = #map2}, {transform_indices = #map2}, {transform_indices = #map}, {transform_indices = #map}]} {
    %mul3A = arith.constant 640 : i32
    %mul3A_0 = arith.muli %arg1, %mul3A : i32
    %iota3A = tpu.iota {dimensions = array<i32: 0>} : vector<16xi32>
    "tpu.region"() ({
      %run_scoped3A_66 = tpu.sem_alloc : memref<!tpu.dma_semaphore, #tpu.memory_space<semaphore_mem>>
      tpu.enqueue_dma source(%arg5 : memref<16xf32, #tpu.memory_space<hbm>>) target(%arg17 : memref<16xf32, #tpu.memory_space<vmem>>) target_semaphore(%run_scoped3A_66 : memref<!tpu.dma_semaphore, #tpu.memory_space<semaphore_mem>>)
      tpu.wait_dma2 semaphore(%run_scoped3A_66 : memref<!tpu.dma_semaphore, #tpu.memory_space<semaphore_mem>>) src(%arg5 : memref<16xf32, #tpu.memory_space<hbm>>) dst(%arg17 : memref<16xf32, #tpu.memory_space<vmem>>)
      tpu.yield
    }) : () -> ()
    "tpu.region"() ({
      %run_scoped3A_66 = tpu.sem_alloc : memref<!tpu.dma_semaphore, #tpu.memory_space<semaphore_mem>>
      tpu.enqueue_dma source(%arg6 : memref<16xf32, #tpu.memory_space<hbm>>) target(%arg18 : memref<16xf32, #tpu.memory_space<vmem>>) target_semaphore(%run_scoped3A_66 : memref<!tpu.dma_semaphore, #tpu.memory_space<semaphore_mem>>)
      tpu.wait_dma2 semaphore(%run_scoped3A_66 : memref<!tpu.dma_semaphore, #tpu.memory_space<semaphore_mem>>) src(%arg6 : memref<16xf32, #tpu.memory_space<hbm>>) dst(%arg18 : memref<16xf32, #tpu.memory_space<vmem>>)
      tpu.yield
    }) : () -> ()
    %scan3A = arith.constant 0 : i32
    %scan3A_1 = arith.constant 0 : i32
    %scan3A_2 = arith.constant 64 : i32
    %scan3A_3 = arith.addi %scan3A_1, %scan3A_2 : i32
    %scan3A_4 = arith.constant 1 : i32
    %scan3A_5 = scf.for %scan3A_66 = %scan3A_1 to %scan3A_3 step %scan3A_4 iter_args(%scan3A_67 = %scan3A) -> (i32)  : i32 {
      %broadcast_in_dim3A = arith.constant 1.000000e+00 : f32
      %broadcast_in_dim3A_68 = vector.broadcast %broadcast_in_dim3A : f32 to vector<16xf32>
      %swap3A = arith.constant 0 : i32
      %swap3A_69 = arith.index_cast %swap3A : i32 to index
      %swap3A_70 = arith.index_cast %scan3A_66 : i32 to index
      %swap3A_71 = arith.constant 0 : index
      %swap3A_72 = tpu.vector_load %arg10[%swap3A_69, %swap3A_70, %swap3A_71] {strides = array<i32>} : memref<4x64x128xf32, #tpu.memory_space<vmem>>, vector<16xf32>,
      tpu.vector_store %arg10[%swap3A_69, %swap3A_70, %swap3A_71], %broadcast_in_dim3A_68 {strides = array<i32>} : memref<4x64x128xf32, #tpu.memory_space<vmem>>, vector<16xf32>,
      %swap3A_73 = arith.constant 0 : i32
      %swap3A_74 = arith.index_cast %swap3A_73 : i32 to index
      %swap3A_75 = arith.index_cast %scan3A_66 : i32 to index
      %swap3A_76 = arith.constant 16 : index
      %swap3A_77 = tpu.vector_load %arg10[%swap3A_74, %swap3A_75, %swap3A_76] {strides = array<i32>} : memref<4x64x128xf32, #tpu.memory_space<vmem>>, vector<16xf32>,
      tpu.vector_store %arg10[%swap3A_74, %swap3A_75, %swap3A_76], %broadcast_in_dim3A_68 {strides = array<i32>} : memref<4x64x128xf32, #tpu.memory_space<vmem>>, vector<16xf32>,
      %swap3A_78 = arith.constant 0 : i32
      %swap3A_79 = arith.index_cast %swap3A_78 : i32 to index
      %swap3A_80 = arith.index_cast %scan3A_66 : i32 to index
      %swap3A_81 = arith.constant 32 : index
      %swap3A_82 = tpu.vector_load %arg10[%swap3A_79, %swap3A_80, %swap3A_81] {strides = array<i32>} : memref<4x64x128xf32, #tpu.memory_space<vmem>>, vector<16xf32>,
      tpu.vector_store %arg10[%swap3A_79, %swap3A_80, %swap3A_81], %broadcast_in_dim3A_68 {strides = array<i32>} : memref<4x64x128xf32, #tpu.memory_space<vmem>>, vector<16xf32>,
      %swap3A_83 = arith.constant 0 : i32
      %swap3A_84 = arith.index_cast %swap3A_83 : i32 to index
      %swap3A_85 = arith.index_cast %scan3A_66 : i32 to index
      %swap3A_86 = arith.constant 48 : index
      %swap3A_87 = tpu.vector_load %arg10[%swap3A_84, %swap3A_85, %swap3A_86] {strides = array<i32>} : memref<4x64x128xf32, #tpu.memory_space<vmem>>, vector<16xf32>,
      tpu.vector_store %arg10[%swap3A_84, %swap3A_85, %swap3A_86], %broadcast_in_dim3A_68 {strides = array<i32>} : memref<4x64x128xf32, #tpu.memory_space<vmem>>, vector<16xf32>,
      %swap3A_88 = arith.constant 0 : i32
      %swap3A_89 = arith.index_cast %swap3A_88 : i32 to index
      %swap3A_90 = arith.index_cast %scan3A_66 : i32 to index
      %swap3A_91 = arith.constant 64 : index
      %swap3A_92 = tpu.vector_load %arg10[%swap3A_89, %swap3A_90, %swap3A_91] {strides = array<i32>} : memref<4x64x128xf32, #tpu.memory_space<vmem>>, vector<16xf32>,
      tpu.vector_store %arg10[%swap3A_89, %swap3A_90, %swap3A_91], %broadcast_in_dim3A_68 {strides = array<i32>} : memref<4x64x128xf32, #tpu.memory_space<vmem>>, vector<16xf32>,
      %swap3A_93 = arith.constant 0 : i32
      %swap3A_94 = arith.index_cast %swap3A_93 : i32 to index
      %swap3A_95 = arith.index_cast %scan3A_66 : i32 to index
      %swap3A_96 = arith.constant 80 : index
      %swap3A_97 = tpu.vector_load %arg10[%swap3A_94, %swap3A_95, %swap3A_96] {strides = array<i32>} : memref<4x64x128xf32, #tpu.memory_space<vmem>>, vector<16xf32>,
      tpu.vector_store %arg10[%swap3A_94, %swap3A_95, %swap3A_96], %broadcast_in_dim3A_68 {strides = array<i32>} : memref<4x64x128xf32, #tpu.memory_space<vmem>>, vector<16xf32>,
      %swap3A_98 = arith.constant 0 : i32
      %swap3A_99 = arith.index_cast %swap3A_98 : i32 to index
      %swap3A_100 = arith.index_cast %scan3A_66 : i32 to index
      %swap3A_101 = arith.constant 96 : index
      %swap3A_102 = tpu.vector_load %arg10[%swap3A_99, %swap3A_100, %swap3A_101] {strides = array<i32>} : memref<4x64x128xf32, #tpu.memory_space<vmem>>, vector<16xf32>,
      tpu.vector_store %arg10[%swap3A_99, %swap3A_100, %swap3A_101], %broadcast_in_dim3A_68 {strides = array<i32>} : memref<4x64x128xf32, #tpu.memory_space<vmem>>, vector<16xf32>,
      %swap3A_103 = arith.constant 0 : i32
      %swap3A_104 = arith.index_cast %swap3A_103 : i32 to index
      %swap3A_105 = arith.index_cast %scan3A_66 : i32 to index
      %swap3A_106 = arith.constant 112 : index
      %swap3A_107 = tpu.vector_load %arg10[%swap3A_104, %swap3A_105, %swap3A_106] {strides = array<i32>} : memref<4x64x128xf32, #tpu.memory_space<vmem>>, vector<16xf32>,
      tpu.vector_store %arg10[%swap3A_104, %swap3A_105, %swap3A_106], %broadcast_in_dim3A_68 {strides = array<i32>} : memref<4x64x128xf32, #tpu.memory_space<vmem>>, vector<16xf32>,
      %scan3A_108 = arith.constant 0 : i32
      scf.yield %scan3A_108 : i32
    }
    %scan3A_6 = arith.constant 64 : i32
    %add3A = arith.constant 0 : i32
    %add3A_7 = arith.addi %mul3A_0, %add3A : i32
    %run_scoped3A = arith.constant 0 : i32
    "tpu.region"() ({
      %run_scoped3A_66 = tpu.sem_alloc : memref<!tpu.dma_semaphore, #tpu.memory_space<semaphore_mem>>
      %dma_start3A = arith.constant 0 : i32
      %dma_start3A_67 = arith.constant 0 : i32
      %dma_start3A_68 = tpu.memref_slice %arg10[%run_scoped3A, %dma_start3A, %dma_start3A_67] : memref<4x64x128xf32, #tpu.memory_space<vmem>> -> memref<1x64x128xf32, #tpu.memory_space<vmem>>
      %dma_start3A_69 = tpu.memref_squeeze %dma_start3A_68 : memref<1x64x128xf32, #tpu.memory_space<vmem>> -> memref<64x128xf32, #tpu.memory_space<vmem>>
      %dma_start3A_70 = arith.constant 0 : i32
      %dma_start3A_71 = tpu.memref_slice %arg9[%add3A_7, %dma_start3A_70] : memref<10240x128xf32, #tpu.memory_space<vmem_shared>> -> memref<64x128xf32, #tpu.memory_space<vmem_shared>>
      %dma_start3A_72 = arith.constant 0 : i32
      %dma_start3A_73 = tpu.memref_slice %arg9[%add3A_7, %dma_start3A_72] : memref<10240x128xf32, #tpu.memory_space<vmem_shared>> -> memref<64x128xf32, #tpu.memory_space<vmem_shared>>
      %dma_start3A_74 = arith.constant 0 : i32
      %dma_start3A_75 = arith.constant 0 : i32
      %dma_start3A_76 = tpu.memref_slice %arg10[%run_scoped3A, %dma_start3A_74, %dma_start3A_75] : memref<4x64x128xf32, #tpu.memory_space<vmem>> -> memref<1x64x128xf32, #tpu.memory_space<vmem>>
      %dma_start3A_77 = tpu.memref_squeeze %dma_start3A_76 : memref<1x64x128xf32, #tpu.memory_space<vmem>> -> memref<64x128xf32, #tpu.memory_space<vmem>>
      tpu.enqueue_dma source(%dma_start3A_77 : memref<64x128xf32, #tpu.memory_space<vmem>>) target(%dma_start3A_73 : memref<64x128xf32, #tpu.memory_space<vmem_shared>>) target_semaphore(%run_scoped3A_66 : memref<!tpu.dma_semaphore, #tpu.memory_space<semaphore_mem>>)
      %dma_wait3A = arith.constant 0 : i32
      %dma_wait3A_78 = arith.constant 0 : i32
      %dma_wait3A_79 = tpu.memref_slice %arg10[%run_scoped3A, %dma_wait3A, %dma_wait3A_78] : memref<4x64x128xf32, #tpu.memory_space<vmem>> -> memref<1x64x128xf32, #tpu.memory_space<vmem>>
      %dma_wait3A_80 = tpu.memref_squeeze %dma_wait3A_79 : memref<1x64x128xf32, #tpu.memory_space<vmem>> -> memref<64x128xf32, #tpu.memory_space<vmem>>
      %dma_wait3A_81 = arith.constant 0 : i32
      %dma_wait3A_82 = tpu.memref_slice %arg9[%add3A_7, %dma_wait3A_81] : memref<10240x128xf32, #tpu.memory_space<vmem_shared>> -> memref<64x128xf32, #tpu.memory_space<vmem_shared>>
      %dma_wait3A_83 = arith.constant 0 : i32
      %dma_wait3A_84 = tpu.memref_slice %arg9[%add3A_7, %dma_wait3A_83] : memref<10240x128xf32, #tpu.memory_space<vmem_shared>> -> memref<64x128xf32, #tpu.memory_space<vmem_shared>>
      %dma_wait3A_85 = arith.constant 0 : i32
      %dma_wait3A_86 = arith.constant 0 : i32
      %dma_wait3A_87 = tpu.memref_slice %arg10[%run_scoped3A, %dma_wait3A_85, %dma_wait3A_86] : memref<4x64x128xf32, #tpu.memory_space<vmem>> -> memref<1x64x128xf32, #tpu.memory_space<vmem>>
      %dma_wait3A_88 = tpu.memref_squeeze %dma_wait3A_87 : memref<1x64x128xf32, #tpu.memory_space<vmem>> -> memref<64x128xf32, #tpu.memory_space<vmem>>
      tpu.wait_dma2 semaphore(%run_scoped3A_66 : memref<!tpu.dma_semaphore, #tpu.memory_space<semaphore_mem>>) src(%dma_wait3A_88 : memref<64x128xf32, #tpu.memory_space<vmem>>) dst(%dma_wait3A_84 : memref<64x128xf32, #tpu.memory_space<vmem_shared>>)
      tpu.yield
    }) : () -> ()
    %add3A_8 = arith.constant 64 : i32
    %add3A_9 = arith.addi %mul3A_0, %add3A_8 : i32
    %run_scoped3A_10 = arith.constant 0 : i32
    "tpu.region"() ({
      %run_scoped3A_66 = tpu.sem_alloc : memref<!tpu.dma_semaphore, #tpu.memory_space<semaphore_mem>>
      %dma_start3A = arith.constant 0 : i32
      %dma_start3A_67 = arith.constant 0 : i32
      %dma_start3A_68 = tpu.memref_slice %arg10[%run_scoped3A_10, %dma_start3A, %dma_start3A_67] : memref<4x64x128xf32, #tpu.memory_space<vmem>> -> memref<1x64x128xf32, #tpu.memory_space<vmem>>
      %dma_start3A_69 = tpu.memref_squeeze %dma_start3A_68 : memref<1x64x128xf32, #tpu.memory_space<vmem>> -> memref<64x128xf32, #tpu.memory_space<vmem>>
      %dma_start3A_70 = arith.constant 0 : i32
      %dma_start3A_71 = tpu.memref_slice %arg9[%add3A_9, %dma_start3A_70] : memref<10240x128xf32, #tpu.memory_space<vmem_shared>> -> memref<64x128xf32, #tpu.memory_space<vmem_shared>>
      %dma_start3A_72 = arith.constant 0 : i32
      %dma_start3A_73 = tpu.memref_slice %arg9[%add3A_9, %dma_start3A_72] : memref<10240x128xf32, #tpu.memory_space<vmem_shared>> -> memref<64x128xf32, #tpu.memory_space<vmem_shared>>
      %dma_start3A_74 = arith.constant 0 : i32
      %dma_start3A_75 = arith.constant 0 : i32
      %dma_start3A_76 = tpu.memref_slice %arg10[%run_scoped3A_10, %dma_start3A_74, %dma_start3A_75] : memref<4x64x128xf32, #tpu.memory_space<vmem>> -> memref<1x64x128xf32, #tpu.memory_space<vmem>>
      %dma_start3A_77 = tpu.memref_squeeze %dma_start3A_76 : memref<1x64x128xf32, #tpu.memory_space<vmem>> -> memref<64x128xf32, #tpu.memory_space<vmem>>
      tpu.enqueue_dma source(%dma_start3A_77 : memref<64x128xf32, #tpu.memory_space<vmem>>) target(%dma_start3A_73 : memref<64x128xf32, #tpu.memory_space<vmem_shared>>) target_semaphore(%run_scoped3A_66 : memref<!tpu.dma_semaphore, #tpu.memory_space<semaphore_mem>>)
      %dma_wait3A = arith.constant 0 : i32
      %dma_wait3A_78 = arith.constant 0 : i32
      %dma_wait3A_79 = tpu.memref_slice %arg10[%run_scoped3A_10, %dma_wait3A, %dma_wait3A_78] : memref<4x64x128xf32, #tpu.memory_space<vmem>> -> memref<1x64x128xf32, #tpu.memory_space<vmem>>
      %dma_wait3A_80 = tpu.memref_squeeze %dma_wait3A_79 : memref<1x64x128xf32, #tpu.memory_space<vmem>> -> memref<64x128xf32, #tpu.memory_space<vmem>>
      %dma_wait3A_81 = arith.constant 0 : i32
      %dma_wait3A_82 = tpu.memref_slice %arg9[%add3A_9, %dma_wait3A_81] : memref<10240x128xf32, #tpu.memory_space<vmem_shared>> -> memref<64x128xf32, #tpu.memory_space<vmem_shared>>
      %dma_wait3A_83 = arith.constant 0 : i32
      %dma_wait3A_84 = tpu.memref_slice %arg9[%add3A_9, %dma_wait3A_83] : memref<10240x128xf32, #tpu.memory_space<vmem_shared>> -> memref<64x128xf32, #tpu.memory_space<vmem_shared>>
      %dma_wait3A_85 = arith.constant 0 : i32
      %dma_wait3A_86 = arith.constant 0 : i32
      %dma_wait3A_87 = tpu.memref_slice %arg10[%run_scoped3A_10, %dma_wait3A_85, %dma_wait3A_86] : memref<4x64x128xf32, #tpu.memory_space<vmem>> -> memref<1x64x128xf32, #tpu.memory_space<vmem>>
      %dma_wait3A_88 = tpu.memref_squeeze %dma_wait3A_87 : memref<1x64x128xf32, #tpu.memory_space<vmem>> -> memref<64x128xf32, #tpu.memory_space<vmem>>
      tpu.wait_dma2 semaphore(%run_scoped3A_66 : memref<!tpu.dma_semaphore, #tpu.memory_space<semaphore_mem>>) src(%dma_wait3A_88 : memref<64x128xf32, #tpu.memory_space<vmem>>) dst(%dma_wait3A_84 : memref<64x128xf32, #tpu.memory_space<vmem_shared>>)
      tpu.yield
    }) : () -> ()
    %add3A_11 = arith.constant 128 : i32
    %add3A_12 = arith.addi %mul3A_0, %add3A_11 : i32
    %run_scoped3A_13 = arith.constant 0 : i32
    "tpu.region"() ({
      %run_scoped3A_66 = tpu.sem_alloc : memref<!tpu.dma_semaphore, #tpu.memory_space<semaphore_mem>>
      %dma_start3A = arith.constant 0 : i32
      %dma_start3A_67 = arith.constant 0 : i32
      %dma_start3A_68 = tpu.memref_slice %arg10[%run_scoped3A_13, %dma_start3A, %dma_start3A_67] : memref<4x64x128xf32, #tpu.memory_space<vmem>> -> memref<1x64x128xf32, #tpu.memory_space<vmem>>
      %dma_start3A_69 = tpu.memref_squeeze %dma_start3A_68 : memref<1x64x128xf32, #tpu.memory_space<vmem>> -> memref<64x128xf32, #tpu.memory_space<vmem>>
      %dma_start3A_70 = arith.constant 0 : i32
      %dma_start3A_71 = tpu.memref_slice %arg9[%add3A_12, %dma_start3A_70] : memref<10240x128xf32, #tpu.memory_space<vmem_shared>> -> memref<64x128xf32, #tpu.memory_space<vmem_shared>>
      %dma_start3A_72 = arith.constant 0 : i32
      %dma_start3A_73 = tpu.memref_slice %arg9[%add3A_12, %dma_start3A_72] : memref<10240x128xf32, #tpu.memory_space<vmem_shared>> -> memref<64x128xf32, #tpu.memory_space<vmem_shared>>
      %dma_start3A_74 = arith.constant 0 : i32
      %dma_start3A_75 = arith.constant 0 : i32
      %dma_start3A_76 = tpu.memref_slice %arg10[%run_scoped3A_13, %dma_start3A_74, %dma_start3A_75] : memref<4x64x128xf32, #tpu.memory_space<vmem>> -> memref<1x64x128xf32, #tpu.memory_space<vmem>>
      %dma_start3A_77 = tpu.memref_squeeze %dma_start3A_76 : memref<1x64x128xf32, #tpu.memory_space<vmem>> -> memref<64x128xf32, #tpu.memory_space<vmem>>
      tpu.enqueue_dma source(%dma_start3A_77 : memref<64x128xf32, #tpu.memory_space<vmem>>) target(%dma_start3A_73 : memref<64x128xf32, #tpu.memory_space<vmem_shared>>) target_semaphore(%run_scoped3A_66 : memref<!tpu.dma_semaphore, #tpu.memory_space<semaphore_mem>>)
      %dma_wait3A = arith.constant 0 : i32
      %dma_wait3A_78 = arith.constant 0 : i32
      %dma_wait3A_79 = tpu.memref_slice %arg10[%run_scoped3A_13, %dma_wait3A, %dma_wait3A_78] : memref<4x64x128xf32, #tpu.memory_space<vmem>> -> memref<1x64x128xf32, #tpu.memory_space<vmem>>
      %dma_wait3A_80 = tpu.memref_squeeze %dma_wait3A_79 : memref<1x64x128xf32, #tpu.memory_space<vmem>> -> memref<64x128xf32, #tpu.memory_space<vmem>>
      %dma_wait3A_81 = arith.constant 0 : i32
      %dma_wait3A_82 = tpu.memref_slice %arg9[%add3A_12, %dma_wait3A_81] : memref<10240x128xf32, #tpu.memory_space<vmem_shared>> -> memref<64x128xf32, #tpu.memory_space<vmem_shared>>
      %dma_wait3A_83 = arith.constant 0 : i32
      %dma_wait3A_84 = tpu.memref_slice %arg9[%add3A_12, %dma_wait3A_83] : memref<10240x128xf32, #tpu.memory_space<vmem_shared>> -> memref<64x128xf32, #tpu.memory_space<vmem_shared>>
      %dma_wait3A_85 = arith.constant 0 : i32
      %dma_wait3A_86 = arith.constant 0 : i32
      %dma_wait3A_87 = tpu.memref_slice %arg10[%run_scoped3A_13, %dma_wait3A_85, %dma_wait3A_86] : memref<4x64x128xf32, #tpu.memory_space<vmem>> -> memref<1x64x128xf32, #tpu.memory_space<vmem>>
      %dma_wait3A_88 = tpu.memref_squeeze %dma_wait3A_87 : memref<1x64x128xf32, #tpu.memory_space<vmem>> -> memref<64x128xf32, #tpu.memory_space<vmem>>
      tpu.wait_dma2 semaphore(%run_scoped3A_66 : memref<!tpu.dma_semaphore, #tpu.memory_space<semaphore_mem>>) src(%dma_wait3A_88 : memref<64x128xf32, #tpu.memory_space<vmem>>) dst(%dma_wait3A_84 : memref<64x128xf32, #tpu.memory_space<vmem_shared>>)
      tpu.yield
    }) : () -> ()
    %add3A_14 = arith.constant 192 : i32
    %add3A_15 = arith.addi %mul3A_0, %add3A_14 : i32
    %run_scoped3A_16 = arith.constant 0 : i32
    "tpu.region"() ({
      %run_scoped3A_66 = tpu.sem_alloc : memref<!tpu.dma_semaphore, #tpu.memory_space<semaphore_mem>>
      %dma_start3A = arith.constant 0 : i32
      %dma_start3A_67 = arith.constant 0 : i32
      %dma_start3A_68 = tpu.memref_slice %arg10[%run_scoped3A_16, %dma_start3A, %dma_start3A_67] : memref<4x64x128xf32, #tpu.memory_space<vmem>> -> memref<1x64x128xf32, #tpu.memory_space<vmem>>
      %dma_start3A_69 = tpu.memref_squeeze %dma_start3A_68 : memref<1x64x128xf32, #tpu.memory_space<vmem>> -> memref<64x128xf32, #tpu.memory_space<vmem>>
      %dma_start3A_70 = arith.constant 0 : i32
      %dma_start3A_71 = tpu.memref_slice %arg9[%add3A_15, %dma_start3A_70] : memref<10240x128xf32, #tpu.memory_space<vmem_shared>> -> memref<64x128xf32, #tpu.memory_space<vmem_shared>>
      %dma_start3A_72 = arith.constant 0 : i32
      %dma_start3A_73 = tpu.memref_slice %arg9[%add3A_15, %dma_start3A_72] : memref<10240x128xf32, #tpu.memory_space<vmem_shared>> -> memref<64x128xf32, #tpu.memory_space<vmem_shared>>
      %dma_start3A_74 = arith.constant 0 : i32
      %dma_start3A_75 = arith.constant 0 : i32
      %dma_start3A_76 = tpu.memref_slice %arg10[%run_scoped3A_16, %dma_start3A_74, %dma_start3A_75] : memref<4x64x128xf32, #tpu.memory_space<vmem>> -> memref<1x64x128xf32, #tpu.memory_space<vmem>>
      %dma_start3A_77 = tpu.memref_squeeze %dma_start3A_76 : memref<1x64x128xf32, #tpu.memory_space<vmem>> -> memref<64x128xf32, #tpu.memory_space<vmem>>
      tpu.enqueue_dma source(%dma_start3A_77 : memref<64x128xf32, #tpu.memory_space<vmem>>) target(%dma_start3A_73 : memref<64x128xf32, #tpu.memory_space<vmem_shared>>) target_semaphore(%run_scoped3A_66 : memref<!tpu.dma_semaphore, #tpu.memory_space<semaphore_mem>>)
      %dma_wait3A = arith.constant 0 : i32
      %dma_wait3A_78 = arith.constant 0 : i32
      %dma_wait3A_79 = tpu.memref_slice %arg10[%run_scoped3A_16, %dma_wait3A, %dma_wait3A_78] : memref<4x64x128xf32, #tpu.memory_space<vmem>> -> memref<1x64x128xf32, #tpu.memory_space<vmem>>
      %dma_wait3A_80 = tpu.memref_squeeze %dma_wait3A_79 : memref<1x64x128xf32, #tpu.memory_space<vmem>> -> memref<64x128xf32, #tpu.memory_space<vmem>>
      %dma_wait3A_81 = arith.constant 0 : i32
      %dma_wait3A_82 = tpu.memref_slice %arg9[%add3A_15, %dma_wait3A_81] : memref<10240x128xf32, #tpu.memory_space<vmem_shared>> -> memref<64x128xf32, #tpu.memory_space<vmem_shared>>
      %dma_wait3A_83 = arith.constant 0 : i32
      %dma_wait3A_84 = tpu.memref_slice %arg9[%add3A_15, %dma_wait3A_83] : memref<10240x128xf32, #tpu.memory_space<vmem_shared>> -> memref<64x128xf32, #tpu.memory_space<vmem_shared>>
      %dma_wait3A_85 = arith.constant 0 : i32
      %dma_wait3A_86 = arith.constant 0 : i32
      %dma_wait3A_87 = tpu.memref_slice %arg10[%run_scoped3A_16, %dma_wait3A_85, %dma_wait3A_86] : memref<4x64x128xf32, #tpu.memory_space<vmem>> -> memref<1x64x128xf32, #tpu.memory_space<vmem>>
      %dma_wait3A_88 = tpu.memref_squeeze %dma_wait3A_87 : memref<1x64x128xf32, #tpu.memory_space<vmem>> -> memref<64x128xf32, #tpu.memory_space<vmem>>
      tpu.wait_dma2 semaphore(%run_scoped3A_66 : memref<!tpu.dma_semaphore, #tpu.memory_space<semaphore_mem>>) src(%dma_wait3A_88 : memref<64x128xf32, #tpu.memory_space<vmem>>) dst(%dma_wait3A_84 : memref<64x128xf32, #tpu.memory_space<vmem_shared>>)
      tpu.yield
    }) : () -> ()
    %add3A_17 = arith.constant 256 : i32
    %add3A_18 = arith.addi %mul3A_0, %add3A_17 : i32
    %run_scoped3A_19 = arith.constant 0 : i32
    "tpu.region"() ({
      %run_scoped3A_66 = tpu.sem_alloc : memref<!tpu.dma_semaphore, #tpu.memory_space<semaphore_mem>>
      %dma_start3A = arith.constant 0 : i32
      %dma_start3A_67 = arith.constant 0 : i32
      %dma_start3A_68 = tpu.memref_slice %arg10[%run_scoped3A_19, %dma_start3A, %dma_start3A_67] : memref<4x64x128xf32, #tpu.memory_space<vmem>> -> memref<1x64x128xf32, #tpu.memory_space<vmem>>
      %dma_start3A_69 = tpu.memref_squeeze %dma_start3A_68 : memref<1x64x128xf32, #tpu.memory_space<vmem>> -> memref<64x128xf32, #tpu.memory_space<vmem>>
      %dma_start3A_70 = arith.constant 0 : i32
      %dma_start3A_71 = tpu.memref_slice %arg9[%add3A_18, %dma_start3A_70] : memref<10240x128xf32, #tpu.memory_space<vmem_shared>> -> memref<64x128xf32, #tpu.memory_space<vmem_shared>>
      %dma_start3A_72 = arith.constant 0 : i32
      %dma_start3A_73 = tpu.memref_slice %arg9[%add3A_18, %dma_start3A_72] : memref<10240x128xf32, #tpu.memory_space<vmem_shared>> -> memref<64x128xf32, #tpu.memory_space<vmem_shared>>
      %dma_start3A_74 = arith.constant 0 : i32
      %dma_start3A_75 = arith.constant 0 : i32
      %dma_start3A_76 = tpu.memref_slice %arg10[%run_scoped3A_19, %dma_start3A_74, %dma_start3A_75] : memref<4x64x128xf32, #tpu.memory_space<vmem>> -> memref<1x64x128xf32, #tpu.memory_space<vmem>>
      %dma_start3A_77 = tpu.memref_squeeze %dma_start3A_76 : memref<1x64x128xf32, #tpu.memory_space<vmem>> -> memref<64x128xf32, #tpu.memory_space<vmem>>
      tpu.enqueue_dma source(%dma_start3A_77 : memref<64x128xf32, #tpu.memory_space<vmem>>) target(%dma_start3A_73 : memref<64x128xf32, #tpu.memory_space<vmem_shared>>) target_semaphore(%run_scoped3A_66 : memref<!tpu.dma_semaphore, #tpu.memory_space<semaphore_mem>>)
      %dma_wait3A = arith.constant 0 : i32
      %dma_wait3A_78 = arith.constant 0 : i32
      %dma_wait3A_79 = tpu.memref_slice %arg10[%run_scoped3A_19, %dma_wait3A, %dma_wait3A_78] : memref<4x64x128xf32, #tpu.memory_space<vmem>> -> memref<1x64x128xf32, #tpu.memory_space<vmem>>
      %dma_wait3A_80 = tpu.memref_squeeze %dma_wait3A_79 : memref<1x64x128xf32, #tpu.memory_space<vmem>> -> memref<64x128xf32, #tpu.memory_space<vmem>>
      %dma_wait3A_81 = arith.constant 0 : i32
      %dma_wait3A_82 = tpu.memref_slice %arg9[%add3A_18, %dma_wait3A_81] : memref<10240x128xf32, #tpu.memory_space<vmem_shared>> -> memref<64x128xf32, #tpu.memory_space<vmem_shared>>
      %dma_wait3A_83 = arith.constant 0 : i32
      %dma_wait3A_84 = tpu.memref_slice %arg9[%add3A_18, %dma_wait3A_83] : memref<10240x128xf32, #tpu.memory_space<vmem_shared>> -> memref<64x128xf32, #tpu.memory_space<vmem_shared>>
      %dma_wait3A_85 = arith.constant 0 : i32
      %dma_wait3A_86 = arith.constant 0 : i32
      %dma_wait3A_87 = tpu.memref_slice %arg10[%run_scoped3A_19, %dma_wait3A_85, %dma_wait3A_86] : memref<4x64x128xf32, #tpu.memory_space<vmem>> -> memref<1x64x128xf32, #tpu.memory_space<vmem>>
      %dma_wait3A_88 = tpu.memref_squeeze %dma_wait3A_87 : memref<1x64x128xf32, #tpu.memory_space<vmem>> -> memref<64x128xf32, #tpu.memory_space<vmem>>
      tpu.wait_dma2 semaphore(%run_scoped3A_66 : memref<!tpu.dma_semaphore, #tpu.memory_space<semaphore_mem>>) src(%dma_wait3A_88 : memref<64x128xf32, #tpu.memory_space<vmem>>) dst(%dma_wait3A_84 : memref<64x128xf32, #tpu.memory_space<vmem_shared>>)
      tpu.yield
    }) : () -> ()
    %add3A_20 = arith.constant 320 : i32
    %add3A_21 = arith.addi %mul3A_0, %add3A_20 : i32
    %run_scoped3A_22 = arith.constant 0 : i32
    "tpu.region"() ({
      %run_scoped3A_66 = tpu.sem_alloc : memref<!tpu.dma_semaphore, #tpu.memory_space<semaphore_mem>>
      %dma_start3A = arith.constant 0 : i32
      %dma_start3A_67 = arith.constant 0 : i32
      %dma_start3A_68 = tpu.memref_slice %arg10[%run_scoped3A_22, %dma_start3A, %dma_start3A_67] : memref<4x64x128xf32, #tpu.memory_space<vmem>> -> memref<1x64x128xf32, #tpu.memory_space<vmem>>
      %dma_start3A_69 = tpu.memref_squeeze %dma_start3A_68 : memref<1x64x128xf32, #tpu.memory_space<vmem>> -> memref<64x128xf32, #tpu.memory_space<vmem>>
      %dma_start3A_70 = arith.constant 0 : i32
      %dma_start3A_71 = tpu.memref_slice %arg9[%add3A_21, %dma_start3A_70] : memref<10240x128xf32, #tpu.memory_space<vmem_shared>> -> memref<64x128xf32, #tpu.memory_space<vmem_shared>>
      %dma_start3A_72 = arith.constant 0 : i32
      %dma_start3A_73 = tpu.memref_slice %arg9[%add3A_21, %dma_start3A_72] : memref<10240x128xf32, #tpu.memory_space<vmem_shared>> -> memref<64x128xf32, #tpu.memory_space<vmem_shared>>
      %dma_start3A_74 = arith.constant 0 : i32
      %dma_start3A_75 = arith.constant 0 : i32
      %dma_start3A_76 = tpu.memref_slice %arg10[%run_scoped3A_22, %dma_start3A_74, %dma_start3A_75] : memref<4x64x128xf32, #tpu.memory_space<vmem>> -> memref<1x64x128xf32, #tpu.memory_space<vmem>>
      %dma_start3A_77 = tpu.memref_squeeze %dma_start3A_76 : memref<1x64x128xf32, #tpu.memory_space<vmem>> -> memref<64x128xf32, #tpu.memory_space<vmem>>
      tpu.enqueue_dma source(%dma_start3A_77 : memref<64x128xf32, #tpu.memory_space<vmem>>) target(%dma_start3A_73 : memref<64x128xf32, #tpu.memory_space<vmem_shared>>) target_semaphore(%run_scoped3A_66 : memref<!tpu.dma_semaphore, #tpu.memory_space<semaphore_mem>>)
      %dma_wait3A = arith.constant 0 : i32
      %dma_wait3A_78 = arith.constant 0 : i32
      %dma_wait3A_79 = tpu.memref_slice %arg10[%run_scoped3A_22, %dma_wait3A, %dma_wait3A_78] : memref<4x64x128xf32, #tpu.memory_space<vmem>> -> memref<1x64x128xf32, #tpu.memory_space<vmem>>
      %dma_wait3A_80 = tpu.memref_squeeze %dma_wait3A_79 : memref<1x64x128xf32, #tpu.memory_space<vmem>> -> memref<64x128xf32, #tpu.memory_space<vmem>>
      %dma_wait3A_81 = arith.constant 0 : i32
      %dma_wait3A_82 = tpu.memref_slice %arg9[%add3A_21, %dma_wait3A_81] : memref<10240x128xf32, #tpu.memory_space<vmem_shared>> -> memref<64x128xf32, #tpu.memory_space<vmem_shared>>
      %dma_wait3A_83 = arith.constant 0 : i32
      %dma_wait3A_84 = tpu.memref_slice %arg9[%add3A_21, %dma_wait3A_83] : memref<10240x128xf32, #tpu.memory_space<vmem_shared>> -> memref<64x128xf32, #tpu.memory_space<vmem_shared>>
      %dma_wait3A_85 = arith.constant 0 : i32
      %dma_wait3A_86 = arith.constant 0 : i32
      %dma_wait3A_87 = tpu.memref_slice %arg10[%run_scoped3A_22, %dma_wait3A_85, %dma_wait3A_86] : memref<4x64x128xf32, #tpu.memory_space<vmem>> -> memref<1x64x128xf32, #tpu.memory_space<vmem>>
      %dma_wait3A_88 = tpu.memref_squeeze %dma_wait3A_87 : memref<1x64x128xf32, #tpu.memory_space<vmem>> -> memref<64x128xf32, #tpu.memory_space<vmem>>
      tpu.wait_dma2 semaphore(%run_scoped3A_66 : memref<!tpu.dma_semaphore, #tpu.memory_space<semaphore_mem>>) src(%dma_wait3A_88 : memref<64x128xf32, #tpu.memory_space<vmem>>) dst(%dma_wait3A_84 : memref<64x128xf32, #tpu.memory_space<vmem_shared>>)
      tpu.yield
    }) : () -> ()
    %add3A_23 = arith.constant 384 : i32
    %add3A_24 = arith.addi %mul3A_0, %add3A_23 : i32
    %run_scoped3A_25 = arith.constant 0 : i32
    "tpu.region"() ({
      %run_scoped3A_66 = tpu.sem_alloc : memref<!tpu.dma_semaphore, #tpu.memory_space<semaphore_mem>>
      %dma_start3A = arith.constant 0 : i32
      %dma_start3A_67 = arith.constant 0 : i32
      %dma_start3A_68 = tpu.memref_slice %arg10[%run_scoped3A_25, %dma_start3A, %dma_start3A_67] : memref<4x64x128xf32, #tpu.memory_space<vmem>> -> memref<1x64x128xf32, #tpu.memory_space<vmem>>
      %dma_start3A_69 = tpu.memref_squeeze %dma_start3A_68 : memref<1x64x128xf32, #tpu.memory_space<vmem>> -> memref<64x128xf32, #tpu.memory_space<vmem>>
      %dma_start3A_70 = arith.constant 0 : i32
      %dma_start3A_71 = tpu.memref_slice %arg9[%add3A_24, %dma_start3A_70] : memref<10240x128xf32, #tpu.memory_space<vmem_shared>> -> memref<64x128xf32, #tpu.memory_space<vmem_shared>>
      %dma_start3A_72 = arith.constant 0 : i32
      %dma_start3A_73 = tpu.memref_slice %arg9[%add3A_24, %dma_start3A_72] : memref<10240x128xf32, #tpu.memory_space<vmem_shared>> -> memref<64x128xf32, #tpu.memory_space<vmem_shared>>
      %dma_start3A_74 = arith.constant 0 : i32
      %dma_start3A_75 = arith.constant 0 : i32
      %dma_start3A_76 = tpu.memref_slice %arg10[%run_scoped3A_25, %dma_start3A_74, %dma_start3A_75] : memref<4x64x128xf32, #tpu.memory_space<vmem>> -> memref<1x64x128xf32, #tpu.memory_space<vmem>>
      %dma_start3A_77 = tpu.memref_squeeze %dma_start3A_76 : memref<1x64x128xf32, #tpu.memory_space<vmem>> -> memref<64x128xf32, #tpu.memory_space<vmem>>
      tpu.enqueue_dma source(%dma_start3A_77 : memref<64x128xf32, #tpu.memory_space<vmem>>) target(%dma_start3A_73 : memref<64x128xf32, #tpu.memory_space<vmem_shared>>) target_semaphore(%run_scoped3A_66 : memref<!tpu.dma_semaphore, #tpu.memory_space<semaphore_mem>>)
      %dma_wait3A = arith.constant 0 : i32
      %dma_wait3A_78 = arith.constant 0 : i32
      %dma_wait3A_79 = tpu.memref_slice %arg10[%run_scoped3A_25, %dma_wait3A, %dma_wait3A_78] : memref<4x64x128xf32, #tpu.memory_space<vmem>> -> memref<1x64x128xf32, #tpu.memory_space<vmem>>
      %dma_wait3A_80 = tpu.memref_squeeze %dma_wait3A_79 : memref<1x64x128xf32, #tpu.memory_space<vmem>> -> memref<64x128xf32, #tpu.memory_space<vmem>>
      %dma_wait3A_81 = arith.constant 0 : i32
      %dma_wait3A_82 = tpu.memref_slice %arg9[%add3A_24, %dma_wait3A_81] : memref<10240x128xf32, #tpu.memory_space<vmem_shared>> -> memref<64x128xf32, #tpu.memory_space<vmem_shared>>
      %dma_wait3A_83 = arith.constant 0 : i32
      %dma_wait3A_84 = tpu.memref_slice %arg9[%add3A_24, %dma_wait3A_83] : memref<10240x128xf32, #tpu.memory_space<vmem_shared>> -> memref<64x128xf32, #tpu.memory_space<vmem_shared>>
      %dma_wait3A_85 = arith.constant 0 : i32
      %dma_wait3A_86 = arith.constant 0 : i32
      %dma_wait3A_87 = tpu.memref_slice %arg10[%run_scoped3A_25, %dma_wait3A_85, %dma_wait3A_86] : memref<4x64x128xf32, #tpu.memory_space<vmem>> -> memref<1x64x128xf32, #tpu.memory_space<vmem>>
      %dma_wait3A_88 = tpu.memref_squeeze %dma_wait3A_87 : memref<1x64x128xf32, #tpu.memory_space<vmem>> -> memref<64x128xf32, #tpu.memory_space<vmem>>
      tpu.wait_dma2 semaphore(%run_scoped3A_66 : memref<!tpu.dma_semaphore, #tpu.memory_space<semaphore_mem>>) src(%dma_wait3A_88 : memref<64x128xf32, #tpu.memory_space<vmem>>) dst(%dma_wait3A_84 : memref<64x128xf32, #tpu.memory_space<vmem_shared>>)
      tpu.yield
    }) : () -> ()
    %add3A_26 = arith.constant 448 : i32
    %add3A_27 = arith.addi %mul3A_0, %add3A_26 : i32
    %run_scoped3A_28 = arith.constant 0 : i32
    "tpu.region"() ({
      %run_scoped3A_66 = tpu.sem_alloc : memref<!tpu.dma_semaphore, #tpu.memory_space<semaphore_mem>>
      %dma_start3A = arith.constant 0 : i32
      %dma_start3A_67 = arith.constant 0 : i32
      %dma_start3A_68 = tpu.memref_slice %arg10[%run_scoped3A_28, %dma_start3A, %dma_start3A_67] : memref<4x64x128xf32, #tpu.memory_space<vmem>> -> memref<1x64x128xf32, #tpu.memory_space<vmem>>
      %dma_start3A_69 = tpu.memref_squeeze %dma_start3A_68 : memref<1x64x128xf32, #tpu.memory_space<vmem>> -> memref<64x128xf32, #tpu.memory_space<vmem>>
      %dma_start3A_70 = arith.constant 0 : i32
      %dma_start3A_71 = tpu.memref_slice %arg9[%add3A_27, %dma_start3A_70] : memref<10240x128xf32, #tpu.memory_space<vmem_shared>> -> memref<64x128xf32, #tpu.memory_space<vmem_shared>>
      %dma_start3A_72 = arith.constant 0 : i32
      %dma_start3A_73 = tpu.memref_slice %arg9[%add3A_27, %dma_start3A_72] : memref<10240x128xf32, #tpu.memory_space<vmem_shared>> -> memref<64x128xf32, #tpu.memory_space<vmem_shared>>
      %dma_start3A_74 = arith.constant 0 : i32
      %dma_start3A_75 = arith.constant 0 : i32
      %dma_start3A_76 = tpu.memref_slice %arg10[%run_scoped3A_28, %dma_start3A_74, %dma_start3A_75] : memref<4x64x128xf32, #tpu.memory_space<vmem>> -> memref<1x64x128xf32, #tpu.memory_space<vmem>>
      %dma_start3A_77 = tpu.memref_squeeze %dma_start3A_76 : memref<1x64x128xf32, #tpu.memory_space<vmem>> -> memref<64x128xf32, #tpu.memory_space<vmem>>
      tpu.enqueue_dma source(%dma_start3A_77 : memref<64x128xf32, #tpu.memory_space<vmem>>) target(%dma_start3A_73 : memref<64x128xf32, #tpu.memory_space<vmem_shared>>) target_semaphore(%run_scoped3A_66 : memref<!tpu.dma_semaphore, #tpu.memory_space<semaphore_mem>>)
      %dma_wait3A = arith.constant 0 : i32
      %dma_wait3A_78 = arith.constant 0 : i32
      %dma_wait3A_79 = tpu.memref_slice %arg10[%run_scoped3A_28, %dma_wait3A, %dma_wait3A_78] : memref<4x64x128xf32, #tpu.memory_space<vmem>> -> memref<1x64x128xf32, #tpu.memory_space<vmem>>
      %dma_wait3A_80 = tpu.memref_squeeze %dma_wait3A_79 : memref<1x64x128xf32, #tpu.memory_space<vmem>> -> memref<64x128xf32, #tpu.memory_space<vmem>>
      %dma_wait3A_81 = arith.constant 0 : i32
      %dma_wait3A_82 = tpu.memref_slice %arg9[%add3A_27, %dma_wait3A_81] : memref<10240x128xf32, #tpu.memory_space<vmem_shared>> -> memref<64x128xf32, #tpu.memory_space<vmem_shared>>
      %dma_wait3A_83 = arith.constant 0 : i32
      %dma_wait3A_84 = tpu.memref_slice %arg9[%add3A_27, %dma_wait3A_83] : memref<10240x128xf32, #tpu.memory_space<vmem_shared>> -> memref<64x128xf32, #tpu.memory_space<vmem_shared>>
      %dma_wait3A_85 = arith.constant 0 : i32
      %dma_wait3A_86 = arith.constant 0 : i32
      %dma_wait3A_87 = tpu.memref_slice %arg10[%run_scoped3A_28, %dma_wait3A_85, %dma_wait3A_86] : memref<4x64x128xf32, #tpu.memory_space<vmem>> -> memref<1x64x128xf32, #tpu.memory_space<vmem>>
      %dma_wait3A_88 = tpu.memref_squeeze %dma_wait3A_87 : memref<1x64x128xf32, #tpu.memory_space<vmem>> -> memref<64x128xf32, #tpu.memory_space<vmem>>
      tpu.wait_dma2 semaphore(%run_scoped3A_66 : memref<!tpu.dma_semaphore, #tpu.memory_space<semaphore_mem>>) src(%dma_wait3A_88 : memref<64x128xf32, #tpu.memory_space<vmem>>) dst(%dma_wait3A_84 : memref<64x128xf32, #tpu.memory_space<vmem_shared>>)
      tpu.yield
    }) : () -> ()
    %add3A_29 = arith.constant 512 : i32
    %add3A_30 = arith.addi %mul3A_0, %add3A_29 : i32
    %run_scoped3A_31 = arith.constant 0 : i32
    "tpu.region"() ({
      %run_scoped3A_66 = tpu.sem_alloc : memref<!tpu.dma_semaphore, #tpu.memory_space<semaphore_mem>>
      %dma_start3A = arith.constant 0 : i32
      %dma_start3A_67 = arith.constant 0 : i32
      %dma_start3A_68 = tpu.memref_slice %arg10[%run_scoped3A_31, %dma_start3A, %dma_start3A_67] : memref<4x64x128xf32, #tpu.memory_space<vmem>> -> memref<1x64x128xf32, #tpu.memory_space<vmem>>
      %dma_start3A_69 = tpu.memref_squeeze %dma_start3A_68 : memref<1x64x128xf32, #tpu.memory_space<vmem>> -> memref<64x128xf32, #tpu.memory_space<vmem>>
      %dma_start3A_70 = arith.constant 0 : i32
      %dma_start3A_71 = tpu.memref_slice %arg9[%add3A_30, %dma_start3A_70] : memref<10240x128xf32, #tpu.memory_space<vmem_shared>> -> memref<64x128xf32, #tpu.memory_space<vmem_shared>>
      %dma_start3A_72 = arith.constant 0 : i32
      %dma_start3A_73 = tpu.memref_slice %arg9[%add3A_30, %dma_start3A_72] : memref<10240x128xf32, #tpu.memory_space<vmem_shared>> -> memref<64x128xf32, #tpu.memory_space<vmem_shared>>
      %dma_start3A_74 = arith.constant 0 : i32
      %dma_start3A_75 = arith.constant 0 : i32
      %dma_start3A_76 = tpu.memref_slice %arg10[%run_scoped3A_31, %dma_start3A_74, %dma_start3A_75] : memref<4x64x128xf32, #tpu.memory_space<vmem>> -> memref<1x64x128xf32, #tpu.memory_space<vmem>>
      %dma_start3A_77 = tpu.memref_squeeze %dma_start3A_76 : memref<1x64x128xf32, #tpu.memory_space<vmem>> -> memref<64x128xf32, #tpu.memory_space<vmem>>
      tpu.enqueue_dma source(%dma_start3A_77 : memref<64x128xf32, #tpu.memory_space<vmem>>) target(%dma_start3A_73 : memref<64x128xf32, #tpu.memory_space<vmem_shared>>) target_semaphore(%run_scoped3A_66 : memref<!tpu.dma_semaphore, #tpu.memory_space<semaphore_mem>>)
      %dma_wait3A = arith.constant 0 : i32
      %dma_wait3A_78 = arith.constant 0 : i32
      %dma_wait3A_79 = tpu.memref_slice %arg10[%run_scoped3A_31, %dma_wait3A, %dma_wait3A_78] : memref<4x64x128xf32, #tpu.memory_space<vmem>> -> memref<1x64x128xf32, #tpu.memory_space<vmem>>
      %dma_wait3A_80 = tpu.memref_squeeze %dma_wait3A_79 : memref<1x64x128xf32, #tpu.memory_space<vmem>> -> memref<64x128xf32, #tpu.memory_space<vmem>>
      %dma_wait3A_81 = arith.constant 0 : i32
      %dma_wait3A_82 = tpu.memref_slice %arg9[%add3A_30, %dma_wait3A_81] : memref<10240x128xf32, #tpu.memory_space<vmem_shared>> -> memref<64x128xf32, #tpu.memory_space<vmem_shared>>
      %dma_wait3A_83 = arith.constant 0 : i32
      %dma_wait3A_84 = tpu.memref_slice %arg9[%add3A_30, %dma_wait3A_83] : memref<10240x128xf32, #tpu.memory_space<vmem_shared>> -> memref<64x128xf32, #tpu.memory_space<vmem_shared>>
      %dma_wait3A_85 = arith.constant 0 : i32
      %dma_wait3A_86 = arith.constant 0 : i32
      %dma_wait3A_87 = tpu.memref_slice %arg10[%run_scoped3A_31, %dma_wait3A_85, %dma_wait3A_86] : memref<4x64x128xf32, #tpu.memory_space<vmem>> -> memref<1x64x128xf32, #tpu.memory_space<vmem>>
      %dma_wait3A_88 = tpu.memref_squeeze %dma_wait3A_87 : memref<1x64x128xf32, #tpu.memory_space<vmem>> -> memref<64x128xf32, #tpu.memory_space<vmem>>
      tpu.wait_dma2 semaphore(%run_scoped3A_66 : memref<!tpu.dma_semaphore, #tpu.memory_space<semaphore_mem>>) src(%dma_wait3A_88 : memref<64x128xf32, #tpu.memory_space<vmem>>) dst(%dma_wait3A_84 : memref<64x128xf32, #tpu.memory_space<vmem_shared>>)
      tpu.yield
    }) : () -> ()
    %add3A_32 = arith.constant 576 : i32
    %add3A_33 = arith.addi %mul3A_0, %add3A_32 : i32
    %run_scoped3A_34 = arith.constant 0 : i32
    "tpu.region"() ({
      %run_scoped3A_66 = tpu.sem_alloc : memref<!tpu.dma_semaphore, #tpu.memory_space<semaphore_mem>>
      %dma_start3A = arith.constant 0 : i32
      %dma_start3A_67 = arith.constant 0 : i32
      %dma_start3A_68 = tpu.memref_slice %arg10[%run_scoped3A_34, %dma_start3A, %dma_start3A_67] : memref<4x64x128xf32, #tpu.memory_space<vmem>> -> memref<1x64x128xf32, #tpu.memory_space<vmem>>
      %dma_start3A_69 = tpu.memref_squeeze %dma_start3A_68 : memref<1x64x128xf32, #tpu.memory_space<vmem>> -> memref<64x128xf32, #tpu.memory_space<vmem>>
      %dma_start3A_70 = arith.constant 0 : i32
      %dma_start3A_71 = tpu.memref_slice %arg9[%add3A_33, %dma_start3A_70] : memref<10240x128xf32, #tpu.memory_space<vmem_shared>> -> memref<64x128xf32, #tpu.memory_space<vmem_shared>>
      %dma_start3A_72 = arith.constant 0 : i32
      %dma_start3A_73 = tpu.memref_slice %arg9[%add3A_33, %dma_start3A_72] : memref<10240x128xf32, #tpu.memory_space<vmem_shared>> -> memref<64x128xf32, #tpu.memory_space<vmem_shared>>
      %dma_start3A_74 = arith.constant 0 : i32
      %dma_start3A_75 = arith.constant 0 : i32
      %dma_start3A_76 = tpu.memref_slice %arg10[%run_scoped3A_34, %dma_start3A_74, %dma_start3A_75] : memref<4x64x128xf32, #tpu.memory_space<vmem>> -> memref<1x64x128xf32, #tpu.memory_space<vmem>>
      %dma_start3A_77 = tpu.memref_squeeze %dma_start3A_76 : memref<1x64x128xf32, #tpu.memory_space<vmem>> -> memref<64x128xf32, #tpu.memory_space<vmem>>
      tpu.enqueue_dma source(%dma_start3A_77 : memref<64x128xf32, #tpu.memory_space<vmem>>) target(%dma_start3A_73 : memref<64x128xf32, #tpu.memory_space<vmem_shared>>) target_semaphore(%run_scoped3A_66 : memref<!tpu.dma_semaphore, #tpu.memory_space<semaphore_mem>>)
      %dma_wait3A = arith.constant 0 : i32
      %dma_wait3A_78 = arith.constant 0 : i32
      %dma_wait3A_79 = tpu.memref_slice %arg10[%run_scoped3A_34, %dma_wait3A, %dma_wait3A_78] : memref<4x64x128xf32, #tpu.memory_space<vmem>> -> memref<1x64x128xf32, #tpu.memory_space<vmem>>
      %dma_wait3A_80 = tpu.memref_squeeze %dma_wait3A_79 : memref<1x64x128xf32, #tpu.memory_space<vmem>> -> memref<64x128xf32, #tpu.memory_space<vmem>>
      %dma_wait3A_81 = arith.constant 0 : i32
      %dma_wait3A_82 = tpu.memref_slice %arg9[%add3A_33, %dma_wait3A_81] : memref<10240x128xf32, #tpu.memory_space<vmem_shared>> -> memref<64x128xf32, #tpu.memory_space<vmem_shared>>
      %dma_wait3A_83 = arith.constant 0 : i32
      %dma_wait3A_84 = tpu.memref_slice %arg9[%add3A_33, %dma_wait3A_83] : memref<10240x128xf32, #tpu.memory_space<vmem_shared>> -> memref<64x128xf32, #tpu.memory_space<vmem_shared>>
      %dma_wait3A_85 = arith.constant 0 : i32
      %dma_wait3A_86 = arith.constant 0 : i32
      %dma_wait3A_87 = tpu.memref_slice %arg10[%run_scoped3A_34, %dma_wait3A_85, %dma_wait3A_86] : memref<4x64x128xf32, #tpu.memory_space<vmem>> -> memref<1x64x128xf32, #tpu.memory_space<vmem>>
      %dma_wait3A_88 = tpu.memref_squeeze %dma_wait3A_87 : memref<1x64x128xf32, #tpu.memory_space<vmem>> -> memref<64x128xf32, #tpu.memory_space<vmem>>
      tpu.wait_dma2 semaphore(%run_scoped3A_66 : memref<!tpu.dma_semaphore, #tpu.memory_space<semaphore_mem>>) src(%dma_wait3A_88 : memref<64x128xf32, #tpu.memory_space<vmem>>) dst(%dma_wait3A_84 : memref<64x128xf32, #tpu.memory_space<vmem_shared>>)
      tpu.yield
    }) : () -> ()
    %barrier3A = arith.constant 0 : index
    tpu.barrier barrier_id(%barrier3A)
    %scan3A_35 = arith.constant 0 : i32
    %scan3A_36 = arith.constant 0 : i32
    %scan3A_37 = arith.constant 20 : i32
    %scan3A_38 = arith.addi %scan3A_36, %scan3A_37 : i32
    %scan3A_39 = arith.constant 1 : i32
    %scan3A_40 = scf.for %scan3A_66 = %scan3A_36 to %scan3A_38 step %scan3A_39 iter_args(%scan3A_67 = %scan3A_35) -> (i32)  : i32 {
      %mul3A_68 = arith.constant 16 : i32
      %mul3A_69 = arith.muli %scan3A_66, %mul3A_68 : i32
      "tpu.region"() ({
        %run_scoped3A_103 = tpu.sem_alloc : memref<!tpu.dma_semaphore, #tpu.memory_space<semaphore_mem>>
        %dma_start3A = arith.constant 0 : i32
        %dma_start3A_104 = tpu.memref_slice %arg4[%arg1, %mul3A_69, %dma_start3A] : memref<16x320x64xi32, #tpu.memory_space<hbm>> -> memref<1x16x64xi32, #tpu.memory_space<hbm>>
        %dma_start3A_105 = tpu.memref_squeeze %dma_start3A_104 : memref<1x16x64xi32, #tpu.memory_space<hbm>> -> memref<16x64xi32, #tpu.memory_space<hbm>>
        %dma_start3A_106 = arith.constant 0 : i32
        %dma_start3A_107 = tpu.memref_slice %arg4[%arg1, %mul3A_69, %dma_start3A_106] : memref<16x320x64xi32, #tpu.memory_space<hbm>> -> memref<1x16x64xi32, #tpu.memory_space<hbm>>
        %dma_start3A_108 = tpu.memref_squeeze %dma_start3A_107 : memref<1x16x64xi32, #tpu.memory_space<hbm>> -> memref<16x64xi32, #tpu.memory_space<hbm>>
        tpu.enqueue_dma source(%dma_start3A_108 : memref<16x64xi32, #tpu.memory_space<hbm>>) target(%arg16 : memref<16x64xi32, #tpu.memory_space<vmem>>) target_semaphore(%run_scoped3A_103 : memref<!tpu.dma_semaphore, #tpu.memory_space<semaphore_mem>>)
        %dma_wait3A = arith.constant 0 : i32
        %dma_wait3A_109 = tpu.memref_slice %arg4[%arg1, %mul3A_69, %dma_wait3A] : memref<16x320x64xi32, #tpu.memory_space<hbm>> -> memref<1x16x64xi32, #tpu.memory_space<hbm>>
        %dma_wait3A_110 = tpu.memref_squeeze %dma_wait3A_109 : memref<1x16x64xi32, #tpu.memory_space<hbm>> -> memref<16x64xi32, #tpu.memory_space<hbm>>
        %dma_wait3A_111 = arith.constant 0 : i32
        %dma_wait3A_112 = tpu.memref_slice %arg4[%arg1, %mul3A_69, %dma_wait3A_111] : memref<16x320x64xi32, #tpu.memory_space<hbm>> -> memref<1x16x64xi32, #tpu.memory_space<hbm>>
        %dma_wait3A_113 = tpu.memref_squeeze %dma_wait3A_112 : memref<1x16x64xi32, #tpu.memory_space<hbm>> -> memref<16x64xi32, #tpu.memory_space<hbm>>
        tpu.wait_dma2 semaphore(%run_scoped3A_103 : memref<!tpu.dma_semaphore, #tpu.memory_space<semaphore_mem>>) src(%dma_wait3A_113 : memref<16x64xi32, #tpu.memory_space<hbm>>) dst(%arg16 : memref<16x64xi32, #tpu.memory_space<vmem>>)
        tpu.yield
      }) : () -> ()
      %run_scoped3A_70 = arith.constant 0 : i32
      %run_scoped3A_71 = arith.constant 0 : i32
      "tpu.region"() ({
        %run_scoped3A_103 = tpu.sem_alloc : memref<!tpu.dma_semaphore, #tpu.memory_space<semaphore_mem>>
        %dma_start3A = arith.constant 0 : i32
        %dma_start3A_104 = arith.constant 0 : i32
        %dma_start3A_105 = tpu.memref_slice %arg10[%run_scoped3A_70, %dma_start3A, %dma_start3A_104] : memref<4x64x128xf32, #tpu.memory_space<vmem>> -> memref<1x64x128xf32, #tpu.memory_space<vmem>>
        %dma_start3A_106 = tpu.memref_squeeze %dma_start3A_105 : memref<1x64x128xf32, #tpu.memory_space<vmem>> -> memref<64x128xf32, #tpu.memory_space<vmem>>
        %dma_start3A_107 = arith.constant 0 : i32
        %dma_start3A_108 = tpu.memref_slice %arg16[%run_scoped3A_71, %dma_start3A_107] : memref<16x64xi32, #tpu.memory_space<vmem>> -> memref<1x64xi32, #tpu.memory_space<vmem>>
        %dma_start3A_109 = tpu.memref_squeeze %dma_start3A_108 : memref<1x64xi32, #tpu.memory_space<vmem>> -> memref<64xi32, #tpu.memory_space<vmem>>
        %dma_start3A_110 = arith.constant 0 : i32
        %dma_start3A_111 = arith.constant 0 : i32
        %dma_start3A_112 = tpu.memref_slice %arg9[%dma_start3A_110, %dma_start3A_111] : memref<10240x128xf32, #tpu.memory_space<vmem_shared>> -> memref<10240x128xf32, #tpu.memory_space<vmem_shared>>
        tpu.enqueue_indirect_dma source(%dma_start3A_106 : memref<64x128xf32, #tpu.memory_space<vmem>>) target(%dma_start3A_112 : memref<10240x128xf32, #tpu.memory_space<vmem_shared>>) offsets(%dma_start3A_109 : memref<64xi32, #tpu.memory_space<vmem>>) semaphore(%run_scoped3A_103 : memref<!tpu.dma_semaphore, #tpu.memory_space<semaphore_mem>>) {add = true}
        %dma_wait3A = arith.constant 0 : i32
        %dma_wait3A_113 = arith.constant 0 : i32
        %dma_wait3A_114 = tpu.memref_slice %arg10[%run_scoped3A_70, %dma_wait3A, %dma_wait3A_113] : memref<4x64x128xf32, #tpu.memory_space<vmem>> -> memref<1x64x128xf32, #tpu.memory_space<vmem>>
        %dma_wait3A_115 = tpu.memref_squeeze %dma_wait3A_114 : memref<1x64x128xf32, #tpu.memory_space<vmem>> -> memref<64x128xf32, #tpu.memory_space<vmem>>
        %dma_wait3A_116 = arith.constant 0 : i32
        %dma_wait3A_117 = tpu.memref_slice %arg16[%run_scoped3A_71, %dma_wait3A_116] : memref<16x64xi32, #tpu.memory_space<vmem>> -> memref<1x64xi32, #tpu.memory_space<vmem>>
        %dma_wait3A_118 = tpu.memref_squeeze %dma_wait3A_117 : memref<1x64xi32, #tpu.memory_space<vmem>> -> memref<64xi32, #tpu.memory_space<vmem>>
        %dma_wait3A_119 = arith.constant 0 : i32
        %dma_wait3A_120 = arith.constant 0 : i32
        %dma_wait3A_121 = tpu.memref_slice %arg9[%dma_wait3A_119, %dma_wait3A_120] : memref<10240x128xf32, #tpu.memory_space<vmem_shared>> -> memref<10240x128xf32, #tpu.memory_space<vmem_shared>>
        tpu.wait_indirect_dma semaphore(%run_scoped3A_103 : memref<!tpu.dma_semaphore, #tpu.memory_space<semaphore_mem>>) src(%dma_wait3A_115 : memref<64x128xf32, #tpu.memory_space<vmem>>) dst(%dma_wait3A_121 : memref<10240x128xf32, #tpu.memory_space<vmem_shared>>)
        tpu.yield
      }) : () -> ()
      %run_scoped3A_72 = arith.constant 0 : i32
      %run_scoped3A_73 = arith.constant 1 : i32
      "tpu.region"() ({
        %run_scoped3A_103 = tpu.sem_alloc : memref<!tpu.dma_semaphore, #tpu.memory_space<semaphore_mem>>
        %dma_start3A = arith.constant 0 : i32
        %dma_start3A_104 = arith.constant 0 : i32
        %dma_start3A_105 = tpu.memref_slice %arg10[%run_scoped3A_72, %dma_start3A, %dma_start3A_104] : memref<4x64x128xf32, #tpu.memory_space<vmem>> -> memref<1x64x128xf32, #tpu.memory_space<vmem>>
        %dma_start3A_106 = tpu.memref_squeeze %dma_start3A_105 : memref<1x64x128xf32, #tpu.memory_space<vmem>> -> memref<64x128xf32, #tpu.memory_space<vmem>>
        %dma_start3A_107 = arith.constant 0 : i32
        %dma_start3A_108 = tpu.memref_slice %arg16[%run_scoped3A_73, %dma_start3A_107] : memref<16x64xi32, #tpu.memory_space<vmem>> -> memref<1x64xi32, #tpu.memory_space<vmem>>
        %dma_start3A_109 = tpu.memref_squeeze %dma_start3A_108 : memref<1x64xi32, #tpu.memory_space<vmem>> -> memref<64xi32, #tpu.memory_space<vmem>>
        %dma_start3A_110 = arith.constant 0 : i32
        %dma_start3A_111 = arith.constant 0 : i32
        %dma_start3A_112 = tpu.memref_slice %arg9[%dma_start3A_110, %dma_start3A_111] : memref<10240x128xf32, #tpu.memory_space<vmem_shared>> -> memref<10240x128xf32, #tpu.memory_space<vmem_shared>>
        tpu.enqueue_indirect_dma source(%dma_start3A_106 : memref<64x128xf32, #tpu.memory_space<vmem>>) target(%dma_start3A_112 : memref<10240x128xf32, #tpu.memory_space<vmem_shared>>) offsets(%dma_start3A_109 : memref<64xi32, #tpu.memory_space<vmem>>) semaphore(%run_scoped3A_103 : memref<!tpu.dma_semaphore, #tpu.memory_space<semaphore_mem>>) {add = true}
        %dma_wait3A = arith.constant 0 : i32
        %dma_wait3A_113 = arith.constant 0 : i32
        %dma_wait3A_114 = tpu.memref_slice %arg10[%run_scoped3A_72, %dma_wait3A, %dma_wait3A_113] : memref<4x64x128xf32, #tpu.memory_space<vmem>> -> memref<1x64x128xf32, #tpu.memory_space<vmem>>
        %dma_wait3A_115 = tpu.memref_squeeze %dma_wait3A_114 : memref<1x64x128xf32, #tpu.memory_space<vmem>> -> memref<64x128xf32, #tpu.memory_space<vmem>>
        %dma_wait3A_116 = arith.constant 0 : i32
        %dma_wait3A_117 = tpu.memref_slice %arg16[%run_scoped3A_73, %dma_wait3A_116] : memref<16x64xi32, #tpu.memory_space<vmem>> -> memref<1x64xi32, #tpu.memory_space<vmem>>
        %dma_wait3A_118 = tpu.memref_squeeze %dma_wait3A_117 : memref<1x64xi32, #tpu.memory_space<vmem>> -> memref<64xi32, #tpu.memory_space<vmem>>
        %dma_wait3A_119 = arith.constant 0 : i32
        %dma_wait3A_120 = arith.constant 0 : i32
        %dma_wait3A_121 = tpu.memref_slice %arg9[%dma_wait3A_119, %dma_wait3A_120] : memref<10240x128xf32, #tpu.memory_space<vmem_shared>> -> memref<10240x128xf32, #tpu.memory_space<vmem_shared>>
        tpu.wait_indirect_dma semaphore(%run_scoped3A_103 : memref<!tpu.dma_semaphore, #tpu.memory_space<semaphore_mem>>) src(%dma_wait3A_115 : memref<64x128xf32, #tpu.memory_space<vmem>>) dst(%dma_wait3A_121 : memref<10240x128xf32, #tpu.memory_space<vmem_shared>>)
        tpu.yield
      }) : () -> ()
      %run_scoped3A_74 = arith.constant 0 : i32
      %run_scoped3A_75 = arith.constant 2 : i32
      "tpu.region"() ({
        %run_scoped3A_103 = tpu.sem_alloc : memref<!tpu.dma_semaphore, #tpu.memory_space<semaphore_mem>>
        %dma_start3A = arith.constant 0 : i32
        %dma_start3A_104 = arith.constant 0 : i32
        %dma_start3A_105 = tpu.memref_slice %arg10[%run_scoped3A_74, %dma_start3A, %dma_start3A_104] : memref<4x64x128xf32, #tpu.memory_space<vmem>> -> memref<1x64x128xf32, #tpu.memory_space<vmem>>
        %dma_start3A_106 = tpu.memref_squeeze %dma_start3A_105 : memref<1x64x128xf32, #tpu.memory_space<vmem>> -> memref<64x128xf32, #tpu.memory_space<vmem>>
        %dma_start3A_107 = arith.constant 0 : i32
        %dma_start3A_108 = tpu.memref_slice %arg16[%run_scoped3A_75, %dma_start3A_107] : memref<16x64xi32, #tpu.memory_space<vmem>> -> memref<1x64xi32, #tpu.memory_space<vmem>>
        %dma_start3A_109 = tpu.memref_squeeze %dma_start3A_108 : memref<1x64xi32, #tpu.memory_space<vmem>> -> memref<64xi32, #tpu.memory_space<vmem>>
        %dma_start3A_110 = arith.constant 0 : i32
        %dma_start3A_111 = arith.constant 0 : i32
        %dma_start3A_112 = tpu.memref_slice %arg9[%dma_start3A_110, %dma_start3A_111] : memref<10240x128xf32, #tpu.memory_space<vmem_shared>> -> memref<10240x128xf32, #tpu.memory_space<vmem_shared>>
        tpu.enqueue_indirect_dma source(%dma_start3A_106 : memref<64x128xf32, #tpu.memory_space<vmem>>) target(%dma_start3A_112 : memref<10240x128xf32, #tpu.memory_space<vmem_shared>>) offsets(%dma_start3A_109 : memref<64xi32, #tpu.memory_space<vmem>>) semaphore(%run_scoped3A_103 : memref<!tpu.dma_semaphore, #tpu.memory_space<semaphore_mem>>) {add = true}
        %dma_wait3A = arith.constant 0 : i32
        %dma_wait3A_113 = arith.constant 0 : i32
        %dma_wait3A_114 = tpu.memref_slice %arg10[%run_scoped3A_74, %dma_wait3A, %dma_wait3A_113] : memref<4x64x128xf32, #tpu.memory_space<vmem>> -> memref<1x64x128xf32, #tpu.memory_space<vmem>>
        %dma_wait3A_115 = tpu.memref_squeeze %dma_wait3A_114 : memref<1x64x128xf32, #tpu.memory_space<vmem>> -> memref<64x128xf32, #tpu.memory_space<vmem>>
        %dma_wait3A_116 = arith.constant 0 : i32
        %dma_wait3A_117 = tpu.memref_slice %arg16[%run_scoped3A_75, %dma_wait3A_116] : memref<16x64xi32, #tpu.memory_space<vmem>> -> memref<1x64xi32, #tpu.memory_space<vmem>>
        %dma_wait3A_118 = tpu.memref_squeeze %dma_wait3A_117 : memref<1x64xi32, #tpu.memory_space<vmem>> -> memref<64xi32, #tpu.memory_space<vmem>>
        %dma_wait3A_119 = arith.constant 0 : i32
        %dma_wait3A_120 = arith.constant 0 : i32
        %dma_wait3A_121 = tpu.memref_slice %arg9[%dma_wait3A_119, %dma_wait3A_120] : memref<10240x128xf32, #tpu.memory_space<vmem_shared>> -> memref<10240x128xf32, #tpu.memory_space<vmem_shared>>
        tpu.wait_indirect_dma semaphore(%run_scoped3A_103 : memref<!tpu.dma_semaphore, #tpu.memory_space<semaphore_mem>>) src(%dma_wait3A_115 : memref<64x128xf32, #tpu.memory_space<vmem>>) dst(%dma_wait3A_121 : memref<10240x128xf32, #tpu.memory_space<vmem_shared>>)
        tpu.yield
      }) : () -> ()
      %run_scoped3A_76 = arith.constant 0 : i32
      %run_scoped3A_77 = arith.constant 3 : i32
      "tpu.region"() ({
        %run_scoped3A_103 = tpu.sem_alloc : memref<!tpu.dma_semaphore, #tpu.memory_space<semaphore_mem>>
        %dma_start3A = arith.constant 0 : i32
        %dma_start3A_104 = arith.constant 0 : i32
        %dma_start3A_105 = tpu.memref_slice %arg10[%run_scoped3A_76, %dma_start3A, %dma_start3A_104] : memref<4x64x128xf32, #tpu.memory_space<vmem>> -> memref<1x64x128xf32, #tpu.memory_space<vmem>>
        %dma_start3A_106 = tpu.memref_squeeze %dma_start3A_105 : memref<1x64x128xf32, #tpu.memory_space<vmem>> -> memref<64x128xf32, #tpu.memory_space<vmem>>
        %dma_start3A_107 = arith.constant 0 : i32
        %dma_start3A_108 = tpu.memref_slice %arg16[%run_scoped3A_77, %dma_start3A_107] : memref<16x64xi32, #tpu.memory_space<vmem>> -> memref<1x64xi32, #tpu.memory_space<vmem>>
        %dma_start3A_109 = tpu.memref_squeeze %dma_start3A_108 : memref<1x64xi32, #tpu.memory_space<vmem>> -> memref<64xi32, #tpu.memory_space<vmem>>
        %dma_start3A_110 = arith.constant 0 : i32
        %dma_start3A_111 = arith.constant 0 : i32
        %dma_start3A_112 = tpu.memref_slice %arg9[%dma_start3A_110, %dma_start3A_111] : memref<10240x128xf32, #tpu.memory_space<vmem_shared>> -> memref<10240x128xf32, #tpu.memory_space<vmem_shared>>
        tpu.enqueue_indirect_dma source(%dma_start3A_106 : memref<64x128xf32, #tpu.memory_space<vmem>>) target(%dma_start3A_112 : memref<10240x128xf32, #tpu.memory_space<vmem_shared>>) offsets(%dma_start3A_109 : memref<64xi32, #tpu.memory_space<vmem>>) semaphore(%run_scoped3A_103 : memref<!tpu.dma_semaphore, #tpu.memory_space<semaphore_mem>>) {add = true}
        %dma_wait3A = arith.constant 0 : i32
        %dma_wait3A_113 = arith.constant 0 : i32
        %dma_wait3A_114 = tpu.memref_slice %arg10[%run_scoped3A_76, %dma_wait3A, %dma_wait3A_113] : memref<4x64x128xf32, #tpu.memory_space<vmem>> -> memref<1x64x128xf32, #tpu.memory_space<vmem>>
        %dma_wait3A_115 = tpu.memref_squeeze %dma_wait3A_114 : memref<1x64x128xf32, #tpu.memory_space<vmem>> -> memref<64x128xf32, #tpu.memory_space<vmem>>
        %dma_wait3A_116 = arith.constant 0 : i32
        %dma_wait3A_117 = tpu.memref_slice %arg16[%run_scoped3A_77, %dma_wait3A_116] : memref<16x64xi32, #tpu.memory_space<vmem>> -> memref<1x64xi32, #tpu.memory_space<vmem>>
        %dma_wait3A_118 = tpu.memref_squeeze %dma_wait3A_117 : memref<1x64xi32, #tpu.memory_space<vmem>> -> memref<64xi32, #tpu.memory_space<vmem>>
        %dma_wait3A_119 = arith.constant 0 : i32
        %dma_wait3A_120 = arith.constant 0 : i32
        %dma_wait3A_121 = tpu.memref_slice %arg9[%dma_wait3A_119, %dma_wait3A_120] : memref<10240x128xf32, #tpu.memory_space<vmem_shared>> -> memref<10240x128xf32, #tpu.memory_space<vmem_shared>>
        tpu.wait_indirect_dma semaphore(%run_scoped3A_103 : memref<!tpu.dma_semaphore, #tpu.memory_space<semaphore_mem>>) src(%dma_wait3A_115 : memref<64x128xf32, #tpu.memory_space<vmem>>) dst(%dma_wait3A_121 : memref<10240x128xf32, #tpu.memory_space<vmem_shared>>)
        tpu.yield
      }) : () -> ()
      %run_scoped3A_78 = arith.constant 0 : i32
      %run_scoped3A_79 = arith.constant 4 : i32
      "tpu.region"() ({
        %run_scoped3A_103 = tpu.sem_alloc : memref<!tpu.dma_semaphore, #tpu.memory_space<semaphore_mem>>
        %dma_start3A = arith.constant 0 : i32
        %dma_start3A_104 = arith.constant 0 : i32
        %dma_start3A_105 = tpu.memref_slice %arg10[%run_scoped3A_78, %dma_start3A, %dma_start3A_104] : memref<4x64x128xf32, #tpu.memory_space<vmem>> -> memref<1x64x128xf32, #tpu.memory_space<vmem>>
        %dma_start3A_106 = tpu.memref_squeeze %dma_start3A_105 : memref<1x64x128xf32, #tpu.memory_space<vmem>> -> memref<64x128xf32, #tpu.memory_space<vmem>>
        %dma_start3A_107 = arith.constant 0 : i32
        %dma_start3A_108 = tpu.memref_slice %arg16[%run_scoped3A_79, %dma_start3A_107] : memref<16x64xi32, #tpu.memory_space<vmem>> -> memref<1x64xi32, #tpu.memory_space<vmem>>
        %dma_start3A_109 = tpu.memref_squeeze %dma_start3A_108 : memref<1x64xi32, #tpu.memory_space<vmem>> -> memref<64xi32, #tpu.memory_space<vmem>>
        %dma_start3A_110 = arith.constant 0 : i32
        %dma_start3A_111 = arith.constant 0 : i32
        %dma_start3A_112 = tpu.memref_slice %arg9[%dma_start3A_110, %dma_start3A_111] : memref<10240x128xf32, #tpu.memory_space<vmem_shared>> -> memref<10240x128xf32, #tpu.memory_space<vmem_shared>>
        tpu.enqueue_indirect_dma source(%dma_start3A_106 : memref<64x128xf32, #tpu.memory_space<vmem>>) target(%dma_start3A_112 : memref<10240x128xf32, #tpu.memory_space<vmem_shared>>) offsets(%dma_start3A_109 : memref<64xi32, #tpu.memory_space<vmem>>) semaphore(%run_scoped3A_103 : memref<!tpu.dma_semaphore, #tpu.memory_space<semaphore_mem>>) {add = true}
        %dma_wait3A = arith.constant 0 : i32
        %dma_wait3A_113 = arith.constant 0 : i32
        %dma_wait3A_114 = tpu.memref_slice %arg10[%run_scoped3A_78, %dma_wait3A, %dma_wait3A_113] : memref<4x64x128xf32, #tpu.memory_space<vmem>> -> memref<1x64x128xf32, #tpu.memory_space<vmem>>
        %dma_wait3A_115 = tpu.memref_squeeze %dma_wait3A_114 : memref<1x64x128xf32, #tpu.memory_space<vmem>> -> memref<64x128xf32, #tpu.memory_space<vmem>>
        %dma_wait3A_116 = arith.constant 0 : i32
        %dma_wait3A_117 = tpu.memref_slice %arg16[%run_scoped3A_79, %dma_wait3A_116] : memref<16x64xi32, #tpu.memory_space<vmem>> -> memref<1x64xi32, #tpu.memory_space<vmem>>
        %dma_wait3A_118 = tpu.memref_squeeze %dma_wait3A_117 : memref<1x64xi32, #tpu.memory_space<vmem>> -> memref<64xi32, #tpu.memory_space<vmem>>
        %dma_wait3A_119 = arith.constant 0 : i32
        %dma_wait3A_120 = arith.constant 0 : i32
        %dma_wait3A_121 = tpu.memref_slice %arg9[%dma_wait3A_119, %dma_wait3A_120] : memref<10240x128xf32, #tpu.memory_space<vmem_shared>> -> memref<10240x128xf32, #tpu.memory_space<vmem_shared>>
        tpu.wait_indirect_dma semaphore(%run_scoped3A_103 : memref<!tpu.dma_semaphore, #tpu.memory_space<semaphore_mem>>) src(%dma_wait3A_115 : memref<64x128xf32, #tpu.memory_space<vmem>>) dst(%dma_wait3A_121 : memref<10240x128xf32, #tpu.memory_space<vmem_shared>>)
        tpu.yield
      }) : () -> ()
      %run_scoped3A_80 = arith.constant 0 : i32
      %run_scoped3A_81 = arith.constant 5 : i32
      "tpu.region"() ({
        %run_scoped3A_103 = tpu.sem_alloc : memref<!tpu.dma_semaphore, #tpu.memory_space<semaphore_mem>>
        %dma_start3A = arith.constant 0 : i32
        %dma_start3A_104 = arith.constant 0 : i32
        %dma_start3A_105 = tpu.memref_slice %arg10[%run_scoped3A_80, %dma_start3A, %dma_start3A_104] : memref<4x64x128xf32, #tpu.memory_space<vmem>> -> memref<1x64x128xf32, #tpu.memory_space<vmem>>
        %dma_start3A_106 = tpu.memref_squeeze %dma_start3A_105 : memref<1x64x128xf32, #tpu.memory_space<vmem>> -> memref<64x128xf32, #tpu.memory_space<vmem>>
        %dma_start3A_107 = arith.constant 0 : i32
        %dma_start3A_108 = tpu.memref_slice %arg16[%run_scoped3A_81, %dma_start3A_107] : memref<16x64xi32, #tpu.memory_space<vmem>> -> memref<1x64xi32, #tpu.memory_space<vmem>>
        %dma_start3A_109 = tpu.memref_squeeze %dma_start3A_108 : memref<1x64xi32, #tpu.memory_space<vmem>> -> memref<64xi32, #tpu.memory_space<vmem>>
        %dma_start3A_110 = arith.constant 0 : i32
        %dma_start3A_111 = arith.constant 0 : i32
        %dma_start3A_112 = tpu.memref_slice %arg9[%dma_start3A_110, %dma_start3A_111] : memref<10240x128xf32, #tpu.memory_space<vmem_shared>> -> memref<10240x128xf32, #tpu.memory_space<vmem_shared>>
        tpu.enqueue_indirect_dma source(%dma_start3A_106 : memref<64x128xf32, #tpu.memory_space<vmem>>) target(%dma_start3A_112 : memref<10240x128xf32, #tpu.memory_space<vmem_shared>>) offsets(%dma_start3A_109 : memref<64xi32, #tpu.memory_space<vmem>>) semaphore(%run_scoped3A_103 : memref<!tpu.dma_semaphore, #tpu.memory_space<semaphore_mem>>) {add = true}
        %dma_wait3A = arith.constant 0 : i32
        %dma_wait3A_113 = arith.constant 0 : i32
        %dma_wait3A_114 = tpu.memref_slice %arg10[%run_scoped3A_80, %dma_wait3A, %dma_wait3A_113] : memref<4x64x128xf32, #tpu.memory_space<vmem>> -> memref<1x64x128xf32, #tpu.memory_space<vmem>>
        %dma_wait3A_115 = tpu.memref_squeeze %dma_wait3A_114 : memref<1x64x128xf32, #tpu.memory_space<vmem>> -> memref<64x128xf32, #tpu.memory_space<vmem>>
        %dma_wait3A_116 = arith.constant 0 : i32
        %dma_wait3A_117 = tpu.memref_slice %arg16[%run_scoped3A_81, %dma_wait3A_116] : memref<16x64xi32, #tpu.memory_space<vmem>> -> memref<1x64xi32, #tpu.memory_space<vmem>>
        %dma_wait3A_118 = tpu.memref_squeeze %dma_wait3A_117 : memref<1x64xi32, #tpu.memory_space<vmem>> -> memref<64xi32, #tpu.memory_space<vmem>>
        %dma_wait3A_119 = arith.constant 0 : i32
        %dma_wait3A_120 = arith.constant 0 : i32
        %dma_wait3A_121 = tpu.memref_slice %arg9[%dma_wait3A_119, %dma_wait3A_120] : memref<10240x128xf32, #tpu.memory_space<vmem_shared>> -> memref<10240x128xf32, #tpu.memory_space<vmem_shared>>
        tpu.wait_indirect_dma semaphore(%run_scoped3A_103 : memref<!tpu.dma_semaphore, #tpu.memory_space<semaphore_mem>>) src(%dma_wait3A_115 : memref<64x128xf32, #tpu.memory_space<vmem>>) dst(%dma_wait3A_121 : memref<10240x128xf32, #tpu.memory_space<vmem_shared>>)
        tpu.yield
      }) : () -> ()
      %run_scoped3A_82 = arith.constant 0 : i32
      %run_scoped3A_83 = arith.constant 6 : i32
      "tpu.region"() ({
        %run_scoped3A_103 = tpu.sem_alloc : memref<!tpu.dma_semaphore, #tpu.memory_space<semaphore_mem>>
        %dma_start3A = arith.constant 0 : i32
        %dma_start3A_104 = arith.constant 0 : i32
        %dma_start3A_105 = tpu.memref_slice %arg10[%run_scoped3A_82, %dma_start3A, %dma_start3A_104] : memref<4x64x128xf32, #tpu.memory_space<vmem>> -> memref<1x64x128xf32, #tpu.memory_space<vmem>>
        %dma_start3A_106 = tpu.memref_squeeze %dma_start3A_105 : memref<1x64x128xf32, #tpu.memory_space<vmem>> -> memref<64x128xf32, #tpu.memory_space<vmem>>
        %dma_start3A_107 = arith.constant 0 : i32
        %dma_start3A_108 = tpu.memref_slice %arg16[%run_scoped3A_83, %dma_start3A_107] : memref<16x64xi32, #tpu.memory_space<vmem>> -> memref<1x64xi32, #tpu.memory_space<vmem>>
        %dma_start3A_109 = tpu.memref_squeeze %dma_start3A_108 : memref<1x64xi32, #tpu.memory_space<vmem>> -> memref<64xi32, #tpu.memory_space<vmem>>
        %dma_start3A_110 = arith.constant 0 : i32
        %dma_start3A_111 = arith.constant 0 : i32
        %dma_start3A_112 = tpu.memref_slice %arg9[%dma_start3A_110, %dma_start3A_111] : memref<10240x128xf32, #tpu.memory_space<vmem_shared>> -> memref<10240x128xf32, #tpu.memory_space<vmem_shared>>
        tpu.enqueue_indirect_dma source(%dma_start3A_106 : memref<64x128xf32, #tpu.memory_space<vmem>>) target(%dma_start3A_112 : memref<10240x128xf32, #tpu.memory_space<vmem_shared>>) offsets(%dma_start3A_109 : memref<64xi32, #tpu.memory_space<vmem>>) semaphore(%run_scoped3A_103 : memref<!tpu.dma_semaphore, #tpu.memory_space<semaphore_mem>>) {add = true}
        %dma_wait3A = arith.constant 0 : i32
        %dma_wait3A_113 = arith.constant 0 : i32
        %dma_wait3A_114 = tpu.memref_slice %arg10[%run_scoped3A_82, %dma_wait3A, %dma_wait3A_113] : memref<4x64x128xf32, #tpu.memory_space<vmem>> -> memref<1x64x128xf32, #tpu.memory_space<vmem>>
        %dma_wait3A_115 = tpu.memref_squeeze %dma_wait3A_114 : memref<1x64x128xf32, #tpu.memory_space<vmem>> -> memref<64x128xf32, #tpu.memory_space<vmem>>
        %dma_wait3A_116 = arith.constant 0 : i32
        %dma_wait3A_117 = tpu.memref_slice %arg16[%run_scoped3A_83, %dma_wait3A_116] : memref<16x64xi32, #tpu.memory_space<vmem>> -> memref<1x64xi32, #tpu.memory_space<vmem>>
        %dma_wait3A_118 = tpu.memref_squeeze %dma_wait3A_117 : memref<1x64xi32, #tpu.memory_space<vmem>> -> memref<64xi32, #tpu.memory_space<vmem>>
        %dma_wait3A_119 = arith.constant 0 : i32
        %dma_wait3A_120 = arith.constant 0 : i32
        %dma_wait3A_121 = tpu.memref_slice %arg9[%dma_wait3A_119, %dma_wait3A_120] : memref<10240x128xf32, #tpu.memory_space<vmem_shared>> -> memref<10240x128xf32, #tpu.memory_space<vmem_shared>>
        tpu.wait_indirect_dma semaphore(%run_scoped3A_103 : memref<!tpu.dma_semaphore, #tpu.memory_space<semaphore_mem>>) src(%dma_wait3A_115 : memref<64x128xf32, #tpu.memory_space<vmem>>) dst(%dma_wait3A_121 : memref<10240x128xf32, #tpu.memory_space<vmem_shared>>)
        tpu.yield
      }) : () -> ()
      %run_scoped3A_84 = arith.constant 0 : i32
      %run_scoped3A_85 = arith.constant 7 : i32
      "tpu.region"() ({
        %run_scoped3A_103 = tpu.sem_alloc : memref<!tpu.dma_semaphore, #tpu.memory_space<semaphore_mem>>
        %dma_start3A = arith.constant 0 : i32
        %dma_start3A_104 = arith.constant 0 : i32
        %dma_start3A_105 = tpu.memref_slice %arg10[%run_scoped3A_84, %dma_start3A, %dma_start3A_104] : memref<4x64x128xf32, #tpu.memory_space<vmem>> -> memref<1x64x128xf32, #tpu.memory_space<vmem>>
        %dma_start3A_106 = tpu.memref_squeeze %dma_start3A_105 : memref<1x64x128xf32, #tpu.memory_space<vmem>> -> memref<64x128xf32, #tpu.memory_space<vmem>>
        %dma_start3A_107 = arith.constant 0 : i32
        %dma_start3A_108 = tpu.memref_slice %arg16[%run_scoped3A_85, %dma_start3A_107] : memref<16x64xi32, #tpu.memory_space<vmem>> -> memref<1x64xi32, #tpu.memory_space<vmem>>
        %dma_start3A_109 = tpu.memref_squeeze %dma_start3A_108 : memref<1x64xi32, #tpu.memory_space<vmem>> -> memref<64xi32, #tpu.memory_space<vmem>>
        %dma_start3A_110 = arith.constant 0 : i32
        %dma_start3A_111 = arith.constant 0 : i32
        %dma_start3A_112 = tpu.memref_slice %arg9[%dma_start3A_110, %dma_start3A_111] : memref<10240x128xf32, #tpu.memory_space<vmem_shared>> -> memref<10240x128xf32, #tpu.memory_space<vmem_shared>>
        tpu.enqueue_indirect_dma source(%dma_start3A_106 : memref<64x128xf32, #tpu.memory_space<vmem>>) target(%dma_start3A_112 : memref<10240x128xf32, #tpu.memory_space<vmem_shared>>) offsets(%dma_start3A_109 : memref<64xi32, #tpu.memory_space<vmem>>) semaphore(%run_scoped3A_103 : memref<!tpu.dma_semaphore, #tpu.memory_space<semaphore_mem>>) {add = true}
        %dma_wait3A = arith.constant 0 : i32
        %dma_wait3A_113 = arith.constant 0 : i32
        %dma_wait3A_114 = tpu.memref_slice %arg10[%run_scoped3A_84, %dma_wait3A, %dma_wait3A_113] : memref<4x64x128xf32, #tpu.memory_space<vmem>> -> memref<1x64x128xf32, #tpu.memory_space<vmem>>
        %dma_wait3A_115 = tpu.memref_squeeze %dma_wait3A_114 : memref<1x64x128xf32, #tpu.memory_space<vmem>> -> memref<64x128xf32, #tpu.memory_space<vmem>>
        %dma_wait3A_116 = arith.constant 0 : i32
        %dma_wait3A_117 = tpu.memref_slice %arg16[%run_scoped3A_85, %dma_wait3A_116] : memref<16x64xi32, #tpu.memory_space<vmem>> -> memref<1x64xi32, #tpu.memory_space<vmem>>
        %dma_wait3A_118 = tpu.memref_squeeze %dma_wait3A_117 : memref<1x64xi32, #tpu.memory_space<vmem>> -> memref<64xi32, #tpu.memory_space<vmem>>
        %dma_wait3A_119 = arith.constant 0 : i32
        %dma_wait3A_120 = arith.constant 0 : i32
        %dma_wait3A_121 = tpu.memref_slice %arg9[%dma_wait3A_119, %dma_wait3A_120] : memref<10240x128xf32, #tpu.memory_space<vmem_shared>> -> memref<10240x128xf32, #tpu.memory_space<vmem_shared>>
        tpu.wait_indirect_dma semaphore(%run_scoped3A_103 : memref<!tpu.dma_semaphore, #tpu.memory_space<semaphore_mem>>) src(%dma_wait3A_115 : memref<64x128xf32, #tpu.memory_space<vmem>>) dst(%dma_wait3A_121 : memref<10240x128xf32, #tpu.memory_space<vmem_shared>>)
        tpu.yield
      }) : () -> ()
      %run_scoped3A_86 = arith.constant 0 : i32
      %run_scoped3A_87 = arith.constant 8 : i32
      "tpu.region"() ({
        %run_scoped3A_103 = tpu.sem_alloc : memref<!tpu.dma_semaphore, #tpu.memory_space<semaphore_mem>>
        %dma_start3A = arith.constant 0 : i32
        %dma_start3A_104 = arith.constant 0 : i32
        %dma_start3A_105 = tpu.memref_slice %arg10[%run_scoped3A_86, %dma_start3A, %dma_start3A_104] : memref<4x64x128xf32, #tpu.memory_space<vmem>> -> memref<1x64x128xf32, #tpu.memory_space<vmem>>
        %dma_start3A_106 = tpu.memref_squeeze %dma_start3A_105 : memref<1x64x128xf32, #tpu.memory_space<vmem>> -> memref<64x128xf32, #tpu.memory_space<vmem>>
        %dma_start3A_107 = arith.constant 0 : i32
        %dma_start3A_108 = tpu.memref_slice %arg16[%run_scoped3A_87, %dma_start3A_107] : memref<16x64xi32, #tpu.memory_space<vmem>> -> memref<1x64xi32, #tpu.memory_space<vmem>>
        %dma_start3A_109 = tpu.memref_squeeze %dma_start3A_108 : memref<1x64xi32, #tpu.memory_space<vmem>> -> memref<64xi32, #tpu.memory_space<vmem>>
        %dma_start3A_110 = arith.constant 0 : i32
        %dma_start3A_111 = arith.constant 0 : i32
        %dma_start3A_112 = tpu.memref_slice %arg9[%dma_start3A_110, %dma_start3A_111] : memref<10240x128xf32, #tpu.memory_space<vmem_shared>> -> memref<10240x128xf32, #tpu.memory_space<vmem_shared>>
        tpu.enqueue_indirect_dma source(%dma_start3A_106 : memref<64x128xf32, #tpu.memory_space<vmem>>) target(%dma_start3A_112 : memref<10240x128xf32, #tpu.memory_space<vmem_shared>>) offsets(%dma_start3A_109 : memref<64xi32, #tpu.memory_space<vmem>>) semaphore(%run_scoped3A_103 : memref<!tpu.dma_semaphore, #tpu.memory_space<semaphore_mem>>) {add = true}
        %dma_wait3A = arith.constant 0 : i32
        %dma_wait3A_113 = arith.constant 0 : i32
        %dma_wait3A_114 = tpu.memref_slice %arg10[%run_scoped3A_86, %dma_wait3A, %dma_wait3A_113] : memref<4x64x128xf32, #tpu.memory_space<vmem>> -> memref<1x64x128xf32, #tpu.memory_space<vmem>>
        %dma_wait3A_115 = tpu.memref_squeeze %dma_wait3A_114 : memref<1x64x128xf32, #tpu.memory_space<vmem>> -> memref<64x128xf32, #tpu.memory_space<vmem>>
        %dma_wait3A_116 = arith.constant 0 : i32
        %dma_wait3A_117 = tpu.memref_slice %arg16[%run_scoped3A_87, %dma_wait3A_116] : memref<16x64xi32, #tpu.memory_space<vmem>> -> memref<1x64xi32, #tpu.memory_space<vmem>>
        %dma_wait3A_118 = tpu.memref_squeeze %dma_wait3A_117 : memref<1x64xi32, #tpu.memory_space<vmem>> -> memref<64xi32, #tpu.memory_space<vmem>>
        %dma_wait3A_119 = arith.constant 0 : i32
        %dma_wait3A_120 = arith.constant 0 : i32
        %dma_wait3A_121 = tpu.memref_slice %arg9[%dma_wait3A_119, %dma_wait3A_120] : memref<10240x128xf32, #tpu.memory_space<vmem_shared>> -> memref<10240x128xf32, #tpu.memory_space<vmem_shared>>
        tpu.wait_indirect_dma semaphore(%run_scoped3A_103 : memref<!tpu.dma_semaphore, #tpu.memory_space<semaphore_mem>>) src(%dma_wait3A_115 : memref<64x128xf32, #tpu.memory_space<vmem>>) dst(%dma_wait3A_121 : memref<10240x128xf32, #tpu.memory_space<vmem_shared>>)
        tpu.yield
      }) : () -> ()
      %run_scoped3A_88 = arith.constant 0 : i32
      %run_scoped3A_89 = arith.constant 9 : i32
      "tpu.region"() ({
        %run_scoped3A_103 = tpu.sem_alloc : memref<!tpu.dma_semaphore, #tpu.memory_space<semaphore_mem>>
        %dma_start3A = arith.constant 0 : i32
        %dma_start3A_104 = arith.constant 0 : i32
        %dma_start3A_105 = tpu.memref_slice %arg10[%run_scoped3A_88, %dma_start3A, %dma_start3A_104] : memref<4x64x128xf32, #tpu.memory_space<vmem>> -> memref<1x64x128xf32, #tpu.memory_space<vmem>>
        %dma_start3A_106 = tpu.memref_squeeze %dma_start3A_105 : memref<1x64x128xf32, #tpu.memory_space<vmem>> -> memref<64x128xf32, #tpu.memory_space<vmem>>
        %dma_start3A_107 = arith.constant 0 : i32
        %dma_start3A_108 = tpu.memref_slice %arg16[%run_scoped3A_89, %dma_start3A_107] : memref<16x64xi32, #tpu.memory_space<vmem>> -> memref<1x64xi32, #tpu.memory_space<vmem>>
        %dma_start3A_109 = tpu.memref_squeeze %dma_start3A_108 : memref<1x64xi32, #tpu.memory_space<vmem>> -> memref<64xi32, #tpu.memory_space<vmem>>
        %dma_start3A_110 = arith.constant 0 : i32
        %dma_start3A_111 = arith.constant 0 : i32
        %dma_start3A_112 = tpu.memref_slice %arg9[%dma_start3A_110, %dma_start3A_111] : memref<10240x128xf32, #tpu.memory_space<vmem_shared>> -> memref<10240x128xf32, #tpu.memory_space<vmem_shared>>
        tpu.enqueue_indirect_dma source(%dma_start3A_106 : memref<64x128xf32, #tpu.memory_space<vmem>>) target(%dma_start3A_112 : memref<10240x128xf32, #tpu.memory_space<vmem_shared>>) offsets(%dma_start3A_109 : memref<64xi32, #tpu.memory_space<vmem>>) semaphore(%run_scoped3A_103 : memref<!tpu.dma_semaphore, #tpu.memory_space<semaphore_mem>>) {add = true}
        %dma_wait3A = arith.constant 0 : i32
        %dma_wait3A_113 = arith.constant 0 : i32
        %dma_wait3A_114 = tpu.memref_slice %arg10[%run_scoped3A_88, %dma_wait3A, %dma_wait3A_113] : memref<4x64x128xf32, #tpu.memory_space<vmem>> -> memref<1x64x128xf32, #tpu.memory_space<vmem>>
        %dma_wait3A_115 = tpu.memref_squeeze %dma_wait3A_114 : memref<1x64x128xf32, #tpu.memory_space<vmem>> -> memref<64x128xf32, #tpu.memory_space<vmem>>
        %dma_wait3A_116 = arith.constant 0 : i32
        %dma_wait3A_117 = tpu.memref_slice %arg16[%run_scoped3A_89, %dma_wait3A_116] : memref<16x64xi32, #tpu.memory_space<vmem>> -> memref<1x64xi32, #tpu.memory_space<vmem>>
        %dma_wait3A_118 = tpu.memref_squeeze %dma_wait3A_117 : memref<1x64xi32, #tpu.memory_space<vmem>> -> memref<64xi32, #tpu.memory_space<vmem>>
        %dma_wait3A_119 = arith.constant 0 : i32
        %dma_wait3A_120 = arith.constant 0 : i32
        %dma_wait3A_121 = tpu.memref_slice %arg9[%dma_wait3A_119, %dma_wait3A_120] : memref<10240x128xf32, #tpu.memory_space<vmem_shared>> -> memref<10240x128xf32, #tpu.memory_space<vmem_shared>>
        tpu.wait_indirect_dma semaphore(%run_scoped3A_103 : memref<!tpu.dma_semaphore, #tpu.memory_space<semaphore_mem>>) src(%dma_wait3A_115 : memref<64x128xf32, #tpu.memory_space<vmem>>) dst(%dma_wait3A_121 : memref<10240x128xf32, #tpu.memory_space<vmem_shared>>)
        tpu.yield
      }) : () -> ()
      %run_scoped3A_90 = arith.constant 0 : i32
      %run_scoped3A_91 = arith.constant 10 : i32
      "tpu.region"() ({
        %run_scoped3A_103 = tpu.sem_alloc : memref<!tpu.dma_semaphore, #tpu.memory_space<semaphore_mem>>
        %dma_start3A = arith.constant 0 : i32
        %dma_start3A_104 = arith.constant 0 : i32
        %dma_start3A_105 = tpu.memref_slice %arg10[%run_scoped3A_90, %dma_start3A, %dma_start3A_104] : memref<4x64x128xf32, #tpu.memory_space<vmem>> -> memref<1x64x128xf32, #tpu.memory_space<vmem>>
        %dma_start3A_106 = tpu.memref_squeeze %dma_start3A_105 : memref<1x64x128xf32, #tpu.memory_space<vmem>> -> memref<64x128xf32, #tpu.memory_space<vmem>>
        %dma_start3A_107 = arith.constant 0 : i32
        %dma_start3A_108 = tpu.memref_slice %arg16[%run_scoped3A_91, %dma_start3A_107] : memref<16x64xi32, #tpu.memory_space<vmem>> -> memref<1x64xi32, #tpu.memory_space<vmem>>
        %dma_start3A_109 = tpu.memref_squeeze %dma_start3A_108 : memref<1x64xi32, #tpu.memory_space<vmem>> -> memref<64xi32, #tpu.memory_space<vmem>>
        %dma_start3A_110 = arith.constant 0 : i32
        %dma_start3A_111 = arith.constant 0 : i32
        %dma_start3A_112 = tpu.memref_slice %arg9[%dma_start3A_110, %dma_start3A_111] : memref<10240x128xf32, #tpu.memory_space<vmem_shared>> -> memref<10240x128xf32, #tpu.memory_space<vmem_shared>>
        tpu.enqueue_indirect_dma source(%dma_start3A_106 : memref<64x128xf32, #tpu.memory_space<vmem>>) target(%dma_start3A_112 : memref<10240x128xf32, #tpu.memory_space<vmem_shared>>) offsets(%dma_start3A_109 : memref<64xi32, #tpu.memory_space<vmem>>) semaphore(%run_scoped3A_103 : memref<!tpu.dma_semaphore, #tpu.memory_space<semaphore_mem>>) {add = true}
        %dma_wait3A = arith.constant 0 : i32
        %dma_wait3A_113 = arith.constant 0 : i32
        %dma_wait3A_114 = tpu.memref_slice %arg10[%run_scoped3A_90, %dma_wait3A, %dma_wait3A_113] : memref<4x64x128xf32, #tpu.memory_space<vmem>> -> memref<1x64x128xf32, #tpu.memory_space<vmem>>
        %dma_wait3A_115 = tpu.memref_squeeze %dma_wait3A_114 : memref<1x64x128xf32, #tpu.memory_space<vmem>> -> memref<64x128xf32, #tpu.memory_space<vmem>>
        %dma_wait3A_116 = arith.constant 0 : i32
        %dma_wait3A_117 = tpu.memref_slice %arg16[%run_scoped3A_91, %dma_wait3A_116] : memref<16x64xi32, #tpu.memory_space<vmem>> -> memref<1x64xi32, #tpu.memory_space<vmem>>
        %dma_wait3A_118 = tpu.memref_squeeze %dma_wait3A_117 : memref<1x64xi32, #tpu.memory_space<vmem>> -> memref<64xi32, #tpu.memory_space<vmem>>
        %dma_wait3A_119 = arith.constant 0 : i32
        %dma_wait3A_120 = arith.constant 0 : i32
        %dma_wait3A_121 = tpu.memref_slice %arg9[%dma_wait3A_119, %dma_wait3A_120] : memref<10240x128xf32, #tpu.memory_space<vmem_shared>> -> memref<10240x128xf32, #tpu.memory_space<vmem_shared>>
        tpu.wait_indirect_dma semaphore(%run_scoped3A_103 : memref<!tpu.dma_semaphore, #tpu.memory_space<semaphore_mem>>) src(%dma_wait3A_115 : memref<64x128xf32, #tpu.memory_space<vmem>>) dst(%dma_wait3A_121 : memref<10240x128xf32, #tpu.memory_space<vmem_shared>>)
        tpu.yield
      }) : () -> ()
      %run_scoped3A_92 = arith.constant 0 : i32
      %run_scoped3A_93 = arith.constant 11 : i32
      "tpu.region"() ({
        %run_scoped3A_103 = tpu.sem_alloc : memref<!tpu.dma_semaphore, #tpu.memory_space<semaphore_mem>>
        %dma_start3A = arith.constant 0 : i32
        %dma_start3A_104 = arith.constant 0 : i32
        %dma_start3A_105 = tpu.memref_slice %arg10[%run_scoped3A_92, %dma_start3A, %dma_start3A_104] : memref<4x64x128xf32, #tpu.memory_space<vmem>> -> memref<1x64x128xf32, #tpu.memory_space<vmem>>
        %dma_start3A_106 = tpu.memref_squeeze %dma_start3A_105 : memref<1x64x128xf32, #tpu.memory_space<vmem>> -> memref<64x128xf32, #tpu.memory_space<vmem>>
        %dma_start3A_107 = arith.constant 0 : i32
        %dma_start3A_108 = tpu.memref_slice %arg16[%run_scoped3A_93, %dma_start3A_107] : memref<16x64xi32, #tpu.memory_space<vmem>> -> memref<1x64xi32, #tpu.memory_space<vmem>>
        %dma_start3A_109 = tpu.memref_squeeze %dma_start3A_108 : memref<1x64xi32, #tpu.memory_space<vmem>> -> memref<64xi32, #tpu.memory_space<vmem>>
        %dma_start3A_110 = arith.constant 0 : i32
        %dma_start3A_111 = arith.constant 0 : i32
        %dma_start3A_112 = tpu.memref_slice %arg9[%dma_start3A_110, %dma_start3A_111] : memref<10240x128xf32, #tpu.memory_space<vmem_shared>> -> memref<10240x128xf32, #tpu.memory_space<vmem_shared>>
        tpu.enqueue_indirect_dma source(%dma_start3A_106 : memref<64x128xf32, #tpu.memory_space<vmem>>) target(%dma_start3A_112 : memref<10240x128xf32, #tpu.memory_space<vmem_shared>>) offsets(%dma_start3A_109 : memref<64xi32, #tpu.memory_space<vmem>>) semaphore(%run_scoped3A_103 : memref<!tpu.dma_semaphore, #tpu.memory_space<semaphore_mem>>) {add = true}
        %dma_wait3A = arith.constant 0 : i32
        %dma_wait3A_113 = arith.constant 0 : i32
        %dma_wait3A_114 = tpu.memref_slice %arg10[%run_scoped3A_92, %dma_wait3A, %dma_wait3A_113] : memref<4x64x128xf32, #tpu.memory_space<vmem>> -> memref<1x64x128xf32, #tpu.memory_space<vmem>>
        %dma_wait3A_115 = tpu.memref_squeeze %dma_wait3A_114 : memref<1x64x128xf32, #tpu.memory_space<vmem>> -> memref<64x128xf32, #tpu.memory_space<vmem>>
        %dma_wait3A_116 = arith.constant 0 : i32
        %dma_wait3A_117 = tpu.memref_slice %arg16[%run_scoped3A_93, %dma_wait3A_116] : memref<16x64xi32, #tpu.memory_space<vmem>> -> memref<1x64xi32, #tpu.memory_space<vmem>>
        %dma_wait3A_118 = tpu.memref_squeeze %dma_wait3A_117 : memref<1x64xi32, #tpu.memory_space<vmem>> -> memref<64xi32, #tpu.memory_space<vmem>>
        %dma_wait3A_119 = arith.constant 0 : i32
        %dma_wait3A_120 = arith.constant 0 : i32
        %dma_wait3A_121 = tpu.memref_slice %arg9[%dma_wait3A_119, %dma_wait3A_120] : memref<10240x128xf32, #tpu.memory_space<vmem_shared>> -> memref<10240x128xf32, #tpu.memory_space<vmem_shared>>
        tpu.wait_indirect_dma semaphore(%run_scoped3A_103 : memref<!tpu.dma_semaphore, #tpu.memory_space<semaphore_mem>>) src(%dma_wait3A_115 : memref<64x128xf32, #tpu.memory_space<vmem>>) dst(%dma_wait3A_121 : memref<10240x128xf32, #tpu.memory_space<vmem_shared>>)
        tpu.yield
      }) : () -> ()
      %run_scoped3A_94 = arith.constant 0 : i32
      %run_scoped3A_95 = arith.constant 12 : i32
      "tpu.region"() ({
        %run_scoped3A_103 = tpu.sem_alloc : memref<!tpu.dma_semaphore, #tpu.memory_space<semaphore_mem>>
        %dma_start3A = arith.constant 0 : i32
        %dma_start3A_104 = arith.constant 0 : i32
        %dma_start3A_105 = tpu.memref_slice %arg10[%run_scoped3A_94, %dma_start3A, %dma_start3A_104] : memref<4x64x128xf32, #tpu.memory_space<vmem>> -> memref<1x64x128xf32, #tpu.memory_space<vmem>>
        %dma_start3A_106 = tpu.memref_squeeze %dma_start3A_105 : memref<1x64x128xf32, #tpu.memory_space<vmem>> -> memref<64x128xf32, #tpu.memory_space<vmem>>
        %dma_start3A_107 = arith.constant 0 : i32
        %dma_start3A_108 = tpu.memref_slice %arg16[%run_scoped3A_95, %dma_start3A_107] : memref<16x64xi32, #tpu.memory_space<vmem>> -> memref<1x64xi32, #tpu.memory_space<vmem>>
        %dma_start3A_109 = tpu.memref_squeeze %dma_start3A_108 : memref<1x64xi32, #tpu.memory_space<vmem>> -> memref<64xi32, #tpu.memory_space<vmem>>
        %dma_start3A_110 = arith.constant 0 : i32
        %dma_start3A_111 = arith.constant 0 : i32
        %dma_start3A_112 = tpu.memref_slice %arg9[%dma_start3A_110, %dma_start3A_111] : memref<10240x128xf32, #tpu.memory_space<vmem_shared>> -> memref<10240x128xf32, #tpu.memory_space<vmem_shared>>
        tpu.enqueue_indirect_dma source(%dma_start3A_106 : memref<64x128xf32, #tpu.memory_space<vmem>>) target(%dma_start3A_112 : memref<10240x128xf32, #tpu.memory_space<vmem_shared>>) offsets(%dma_start3A_109 : memref<64xi32, #tpu.memory_space<vmem>>) semaphore(%run_scoped3A_103 : memref<!tpu.dma_semaphore, #tpu.memory_space<semaphore_mem>>) {add = true}
        %dma_wait3A = arith.constant 0 : i32
        %dma_wait3A_113 = arith.constant 0 : i32
        %dma_wait3A_114 = tpu.memref_slice %arg10[%run_scoped3A_94, %dma_wait3A, %dma_wait3A_113] : memref<4x64x128xf32, #tpu.memory_space<vmem>> -> memref<1x64x128xf32, #tpu.memory_space<vmem>>
        %dma_wait3A_115 = tpu.memref_squeeze %dma_wait3A_114 : memref<1x64x128xf32, #tpu.memory_space<vmem>> -> memref<64x128xf32, #tpu.memory_space<vmem>>
        %dma_wait3A_116 = arith.constant 0 : i32
        %dma_wait3A_117 = tpu.memref_slice %arg16[%run_scoped3A_95, %dma_wait3A_116] : memref<16x64xi32, #tpu.memory_space<vmem>> -> memref<1x64xi32, #tpu.memory_space<vmem>>
        %dma_wait3A_118 = tpu.memref_squeeze %dma_wait3A_117 : memref<1x64xi32, #tpu.memory_space<vmem>> -> memref<64xi32, #tpu.memory_space<vmem>>
        %dma_wait3A_119 = arith.constant 0 : i32
        %dma_wait3A_120 = arith.constant 0 : i32
        %dma_wait3A_121 = tpu.memref_slice %arg9[%dma_wait3A_119, %dma_wait3A_120] : memref<10240x128xf32, #tpu.memory_space<vmem_shared>> -> memref<10240x128xf32, #tpu.memory_space<vmem_shared>>
        tpu.wait_indirect_dma semaphore(%run_scoped3A_103 : memref<!tpu.dma_semaphore, #tpu.memory_space<semaphore_mem>>) src(%dma_wait3A_115 : memref<64x128xf32, #tpu.memory_space<vmem>>) dst(%dma_wait3A_121 : memref<10240x128xf32, #tpu.memory_space<vmem_shared>>)
        tpu.yield
      }) : () -> ()
      %run_scoped3A_96 = arith.constant 0 : i32
      %run_scoped3A_97 = arith.constant 13 : i32
      "tpu.region"() ({
        %run_scoped3A_103 = tpu.sem_alloc : memref<!tpu.dma_semaphore, #tpu.memory_space<semaphore_mem>>
        %dma_start3A = arith.constant 0 : i32
        %dma_start3A_104 = arith.constant 0 : i32
        %dma_start3A_105 = tpu.memref_slice %arg10[%run_scoped3A_96, %dma_start3A, %dma_start3A_104] : memref<4x64x128xf32, #tpu.memory_space<vmem>> -> memref<1x64x128xf32, #tpu.memory_space<vmem>>
        %dma_start3A_106 = tpu.memref_squeeze %dma_start3A_105 : memref<1x64x128xf32, #tpu.memory_space<vmem>> -> memref<64x128xf32, #tpu.memory_space<vmem>>
        %dma_start3A_107 = arith.constant 0 : i32
        %dma_start3A_108 = tpu.memref_slice %arg16[%run_scoped3A_97, %dma_start3A_107] : memref<16x64xi32, #tpu.memory_space<vmem>> -> memref<1x64xi32, #tpu.memory_space<vmem>>
        %dma_start3A_109 = tpu.memref_squeeze %dma_start3A_108 : memref<1x64xi32, #tpu.memory_space<vmem>> -> memref<64xi32, #tpu.memory_space<vmem>>
        %dma_start3A_110 = arith.constant 0 : i32
        %dma_start3A_111 = arith.constant 0 : i32
        %dma_start3A_112 = tpu.memref_slice %arg9[%dma_start3A_110, %dma_start3A_111] : memref<10240x128xf32, #tpu.memory_space<vmem_shared>> -> memref<10240x128xf32, #tpu.memory_space<vmem_shared>>
        tpu.enqueue_indirect_dma source(%dma_start3A_106 : memref<64x128xf32, #tpu.memory_space<vmem>>) target(%dma_start3A_112 : memref<10240x128xf32, #tpu.memory_space<vmem_shared>>) offsets(%dma_start3A_109 : memref<64xi32, #tpu.memory_space<vmem>>) semaphore(%run_scoped3A_103 : memref<!tpu.dma_semaphore, #tpu.memory_space<semaphore_mem>>) {add = true}
        %dma_wait3A = arith.constant 0 : i32
        %dma_wait3A_113 = arith.constant 0 : i32
        %dma_wait3A_114 = tpu.memref_slice %arg10[%run_scoped3A_96, %dma_wait3A, %dma_wait3A_113] : memref<4x64x128xf32, #tpu.memory_space<vmem>> -> memref<1x64x128xf32, #tpu.memory_space<vmem>>
        %dma_wait3A_115 = tpu.memref_squeeze %dma_wait3A_114 : memref<1x64x128xf32, #tpu.memory_space<vmem>> -> memref<64x128xf32, #tpu.memory_space<vmem>>
        %dma_wait3A_116 = arith.constant 0 : i32
        %dma_wait3A_117 = tpu.memref_slice %arg16[%run_scoped3A_97, %dma_wait3A_116] : memref<16x64xi32, #tpu.memory_space<vmem>> -> memref<1x64xi32, #tpu.memory_space<vmem>>
        %dma_wait3A_118 = tpu.memref_squeeze %dma_wait3A_117 : memref<1x64xi32, #tpu.memory_space<vmem>> -> memref<64xi32, #tpu.memory_space<vmem>>
        %dma_wait3A_119 = arith.constant 0 : i32
        %dma_wait3A_120 = arith.constant 0 : i32
        %dma_wait3A_121 = tpu.memref_slice %arg9[%dma_wait3A_119, %dma_wait3A_120] : memref<10240x128xf32, #tpu.memory_space<vmem_shared>> -> memref<10240x128xf32, #tpu.memory_space<vmem_shared>>
        tpu.wait_indirect_dma semaphore(%run_scoped3A_103 : memref<!tpu.dma_semaphore, #tpu.memory_space<semaphore_mem>>) src(%dma_wait3A_115 : memref<64x128xf32, #tpu.memory_space<vmem>>) dst(%dma_wait3A_121 : memref<10240x128xf32, #tpu.memory_space<vmem_shared>>)
        tpu.yield
      }) : () -> ()
      %run_scoped3A_98 = arith.constant 0 : i32
      %run_scoped3A_99 = arith.constant 14 : i32
      "tpu.region"() ({
        %run_scoped3A_103 = tpu.sem_alloc : memref<!tpu.dma_semaphore, #tpu.memory_space<semaphore_mem>>
        %dma_start3A = arith.constant 0 : i32
        %dma_start3A_104 = arith.constant 0 : i32
        %dma_start3A_105 = tpu.memref_slice %arg10[%run_scoped3A_98, %dma_start3A, %dma_start3A_104] : memref<4x64x128xf32, #tpu.memory_space<vmem>> -> memref<1x64x128xf32, #tpu.memory_space<vmem>>
        %dma_start3A_106 = tpu.memref_squeeze %dma_start3A_105 : memref<1x64x128xf32, #tpu.memory_space<vmem>> -> memref<64x128xf32, #tpu.memory_space<vmem>>
        %dma_start3A_107 = arith.constant 0 : i32
        %dma_start3A_108 = tpu.memref_slice %arg16[%run_scoped3A_99, %dma_start3A_107] : memref<16x64xi32, #tpu.memory_space<vmem>> -> memref<1x64xi32, #tpu.memory_space<vmem>>
        %dma_start3A_109 = tpu.memref_squeeze %dma_start3A_108 : memref<1x64xi32, #tpu.memory_space<vmem>> -> memref<64xi32, #tpu.memory_space<vmem>>
        %dma_start3A_110 = arith.constant 0 : i32
        %dma_start3A_111 = arith.constant 0 : i32
        %dma_start3A_112 = tpu.memref_slice %arg9[%dma_start3A_110, %dma_start3A_111] : memref<10240x128xf32, #tpu.memory_space<vmem_shared>> -> memref<10240x128xf32, #tpu.memory_space<vmem_shared>>
        tpu.enqueue_indirect_dma source(%dma_start3A_106 : memref<64x128xf32, #tpu.memory_space<vmem>>) target(%dma_start3A_112 : memref<10240x128xf32, #tpu.memory_space<vmem_shared>>) offsets(%dma_start3A_109 : memref<64xi32, #tpu.memory_space<vmem>>) semaphore(%run_scoped3A_103 : memref<!tpu.dma_semaphore, #tpu.memory_space<semaphore_mem>>) {add = true}
        %dma_wait3A = arith.constant 0 : i32
        %dma_wait3A_113 = arith.constant 0 : i32
        %dma_wait3A_114 = tpu.memref_slice %arg10[%run_scoped3A_98, %dma_wait3A, %dma_wait3A_113] : memref<4x64x128xf32, #tpu.memory_space<vmem>> -> memref<1x64x128xf32, #tpu.memory_space<vmem>>
        %dma_wait3A_115 = tpu.memref_squeeze %dma_wait3A_114 : memref<1x64x128xf32, #tpu.memory_space<vmem>> -> memref<64x128xf32, #tpu.memory_space<vmem>>
        %dma_wait3A_116 = arith.constant 0 : i32
        %dma_wait3A_117 = tpu.memref_slice %arg16[%run_scoped3A_99, %dma_wait3A_116] : memref<16x64xi32, #tpu.memory_space<vmem>> -> memref<1x64xi32, #tpu.memory_space<vmem>>
        %dma_wait3A_118 = tpu.memref_squeeze %dma_wait3A_117 : memref<1x64xi32, #tpu.memory_space<vmem>> -> memref<64xi32, #tpu.memory_space<vmem>>
        %dma_wait3A_119 = arith.constant 0 : i32
        %dma_wait3A_120 = arith.constant 0 : i32
        %dma_wait3A_121 = tpu.memref_slice %arg9[%dma_wait3A_119, %dma_wait3A_120] : memref<10240x128xf32, #tpu.memory_space<vmem_shared>> -> memref<10240x128xf32, #tpu.memory_space<vmem_shared>>
        tpu.wait_indirect_dma semaphore(%run_scoped3A_103 : memref<!tpu.dma_semaphore, #tpu.memory_space<semaphore_mem>>) src(%dma_wait3A_115 : memref<64x128xf32, #tpu.memory_space<vmem>>) dst(%dma_wait3A_121 : memref<10240x128xf32, #tpu.memory_space<vmem_shared>>)
        tpu.yield
      }) : () -> ()
      %run_scoped3A_100 = arith.constant 0 : i32
      %run_scoped3A_101 = arith.constant 15 : i32
      "tpu.region"() ({
        %run_scoped3A_103 = tpu.sem_alloc : memref<!tpu.dma_semaphore, #tpu.memory_space<semaphore_mem>>
        %dma_start3A = arith.constant 0 : i32
        %dma_start3A_104 = arith.constant 0 : i32
        %dma_start3A_105 = tpu.memref_slice %arg10[%run_scoped3A_100, %dma_start3A, %dma_start3A_104] : memref<4x64x128xf32, #tpu.memory_space<vmem>> -> memref<1x64x128xf32, #tpu.memory_space<vmem>>
        %dma_start3A_106 = tpu.memref_squeeze %dma_start3A_105 : memref<1x64x128xf32, #tpu.memory_space<vmem>> -> memref<64x128xf32, #tpu.memory_space<vmem>>
        %dma_start3A_107 = arith.constant 0 : i32
        %dma_start3A_108 = tpu.memref_slice %arg16[%run_scoped3A_101, %dma_start3A_107] : memref<16x64xi32, #tpu.memory_space<vmem>> -> memref<1x64xi32, #tpu.memory_space<vmem>>
        %dma_start3A_109 = tpu.memref_squeeze %dma_start3A_108 : memref<1x64xi32, #tpu.memory_space<vmem>> -> memref<64xi32, #tpu.memory_space<vmem>>
        %dma_start3A_110 = arith.constant 0 : i32
        %dma_start3A_111 = arith.constant 0 : i32
        %dma_start3A_112 = tpu.memref_slice %arg9[%dma_start3A_110, %dma_start3A_111] : memref<10240x128xf32, #tpu.memory_space<vmem_shared>> -> memref<10240x128xf32, #tpu.memory_space<vmem_shared>>
        tpu.enqueue_indirect_dma source(%dma_start3A_106 : memref<64x128xf32, #tpu.memory_space<vmem>>) target(%dma_start3A_112 : memref<10240x128xf32, #tpu.memory_space<vmem_shared>>) offsets(%dma_start3A_109 : memref<64xi32, #tpu.memory_space<vmem>>) semaphore(%run_scoped3A_103 : memref<!tpu.dma_semaphore, #tpu.memory_space<semaphore_mem>>) {add = true}
        %dma_wait3A = arith.constant 0 : i32
        %dma_wait3A_113 = arith.constant 0 : i32
        %dma_wait3A_114 = tpu.memref_slice %arg10[%run_scoped3A_100, %dma_wait3A, %dma_wait3A_113] : memref<4x64x128xf32, #tpu.memory_space<vmem>> -> memref<1x64x128xf32, #tpu.memory_space<vmem>>
        %dma_wait3A_115 = tpu.memref_squeeze %dma_wait3A_114 : memref<1x64x128xf32, #tpu.memory_space<vmem>> -> memref<64x128xf32, #tpu.memory_space<vmem>>
        %dma_wait3A_116 = arith.constant 0 : i32
        %dma_wait3A_117 = tpu.memref_slice %arg16[%run_scoped3A_101, %dma_wait3A_116] : memref<16x64xi32, #tpu.memory_space<vmem>> -> memref<1x64xi32, #tpu.memory_space<vmem>>
        %dma_wait3A_118 = tpu.memref_squeeze %dma_wait3A_117 : memref<1x64xi32, #tpu.memory_space<vmem>> -> memref<64xi32, #tpu.memory_space<vmem>>
        %dma_wait3A_119 = arith.constant 0 : i32
        %dma_wait3A_120 = arith.constant 0 : i32
        %dma_wait3A_121 = tpu.memref_slice %arg9[%dma_wait3A_119, %dma_wait3A_120] : memref<10240x128xf32, #tpu.memory_space<vmem_shared>> -> memref<10240x128xf32, #tpu.memory_space<vmem_shared>>
        tpu.wait_indirect_dma semaphore(%run_scoped3A_103 : memref<!tpu.dma_semaphore, #tpu.memory_space<semaphore_mem>>) src(%dma_wait3A_115 : memref<64x128xf32, #tpu.memory_space<vmem>>) dst(%dma_wait3A_121 : memref<10240x128xf32, #tpu.memory_space<vmem_shared>>)
        tpu.yield
      }) : () -> ()
      %scan3A_102 = arith.constant 0 : i32
      scf.yield %scan3A_102 : i32
    }
    %scan3A_41 = arith.constant 20 : i32
    %barrier3A_42 = arith.constant 0 : index
    tpu.barrier barrier_id(%barrier3A_42)
    %scan3A_43 = arith.constant 0 : i32
    %scan3A_44 = arith.constant 0 : i32
    %scan3A_45 = arith.constant 40 : i32
    %scan3A_46 = arith.addi %scan3A_44, %scan3A_45 : i32
    %scan3A_47 = arith.constant 1 : i32
    %scan3A_48 = scf.for %scan3A_66 = %scan3A_44 to %scan3A_46 step %scan3A_47 iter_args(%scan3A_67 = %scan3A_43) -> (i32)  : i32 {
      %mul3A_68 = arith.constant 16 : i32
      %mul3A_69 = arith.muli %scan3A_66, %mul3A_68 : i32
      %add3A_70 = arith.addi %mul3A_0, %mul3A_69 : i32
      "tpu.region"() ({
        %run_scoped3A_280 = tpu.sem_alloc : memref<!tpu.dma_semaphore, #tpu.memory_space<semaphore_mem>>
        %dma_start3A = arith.constant 0 : i32
        %dma_start3A_281 = arith.constant 0 : i32
        %dma_start3A_282 = tpu.memref_slice %arg11[%dma_start3A, %dma_start3A_281] : memref<32x128xf32, #tpu.memory_space<vmem>> -> memref<16x128xf32, #tpu.memory_space<vmem>>
        %dma_start3A_283 = arith.constant 0 : i32
        %dma_start3A_284 = tpu.memref_slice %arg9[%add3A_70, %dma_start3A_283] : memref<10240x128xf32, #tpu.memory_space<vmem_shared>> -> memref<16x128xf32, #tpu.memory_space<vmem_shared>>
        %dma_start3A_285 = arith.constant 0 : i32
        %dma_start3A_286 = arith.constant 0 : i32
        %dma_start3A_287 = tpu.memref_slice %arg11[%dma_start3A_285, %dma_start3A_286] : memref<32x128xf32, #tpu.memory_space<vmem>> -> memref<16x128xf32, #tpu.memory_space<vmem>>
        %dma_start3A_288 = arith.constant 0 : i32
        %dma_start3A_289 = tpu.memref_slice %arg9[%add3A_70, %dma_start3A_288] : memref<10240x128xf32, #tpu.memory_space<vmem_shared>> -> memref<16x128xf32, #tpu.memory_space<vmem_shared>>
        tpu.enqueue_dma source(%dma_start3A_289 : memref<16x128xf32, #tpu.memory_space<vmem_shared>>) target(%dma_start3A_287 : memref<16x128xf32, #tpu.memory_space<vmem>>) target_semaphore(%run_scoped3A_280 : memref<!tpu.dma_semaphore, #tpu.memory_space<semaphore_mem>>)
        %dma_wait3A = arith.constant 0 : i32
        %dma_wait3A_290 = arith.constant 0 : i32
        %dma_wait3A_291 = tpu.memref_slice %arg11[%dma_wait3A, %dma_wait3A_290] : memref<32x128xf32, #tpu.memory_space<vmem>> -> memref<16x128xf32, #tpu.memory_space<vmem>>
        %dma_wait3A_292 = arith.constant 0 : i32
        %dma_wait3A_293 = tpu.memref_slice %arg9[%add3A_70, %dma_wait3A_292] : memref<10240x128xf32, #tpu.memory_space<vmem_shared>> -> memref<16x128xf32, #tpu.memory_space<vmem_shared>>
        %dma_wait3A_294 = arith.constant 0 : i32
        %dma_wait3A_295 = arith.constant 0 : i32
        %dma_wait3A_296 = tpu.memref_slice %arg11[%dma_wait3A_294, %dma_wait3A_295] : memref<32x128xf32, #tpu.memory_space<vmem>> -> memref<16x128xf32, #tpu.memory_space<vmem>>
        %dma_wait3A_297 = arith.constant 0 : i32
        %dma_wait3A_298 = tpu.memref_slice %arg9[%add3A_70, %dma_wait3A_297] : memref<10240x128xf32, #tpu.memory_space<vmem_shared>> -> memref<16x128xf32, #tpu.memory_space<vmem_shared>>
        tpu.wait_dma2 semaphore(%run_scoped3A_280 : memref<!tpu.dma_semaphore, #tpu.memory_space<semaphore_mem>>) src(%dma_wait3A_298 : memref<16x128xf32, #tpu.memory_space<vmem_shared>>) dst(%dma_wait3A_296 : memref<16x128xf32, #tpu.memory_space<vmem>>)
        tpu.yield
      }) : () -> ()
      %mul3A_71 = arith.constant 0 : i32
      %mul3A_72 = vector.broadcast %mul3A_71 : i32 to vector<16xi32>
      %mul3A_73 = arith.muli %iota3A, %mul3A_72 : vector<16xi32>
      %add3A_74 = arith.constant 1 : i32
      %add3A_75 = vector.broadcast %add3A_74 : i32 to vector<16xi32>
      %add3A_76 = arith.addi %mul3A_73, %add3A_75 : vector<16xi32>
      %gather3A = tpu.vector_load_idx %arg11[%iota3A, %add3A_76] : memref<32x128xf32, #tpu.memory_space<vmem>>[vector<16xi32>, vector<16xi32>], vector<16xf32>,
      %div3A = arith.constant 1.000000e+00 : f32
      %div3A_77 = vector.broadcast %div3A : f32 to vector<16xf32>
      %div3A_78 = arith.divf %div3A_77, %gather3A : vector<16xf32>
      %mul3A_79 = arith.constant 5.000000e-01 : f32
      %mul3A_80 = vector.broadcast %mul3A_79 : f32 to vector<16xf32>
      %mul3A_81 = arith.mulf %mul3A_80, %gather3A : vector<16xf32>
      %mul3A_82 = arith.mulf %mul3A_81, %div3A_78 : vector<16xf32>
      %mul3A_83 = arith.mulf %mul3A_82, %div3A_78 : vector<16xf32>
      %sub3A = arith.constant 1.500000e+00 : f32
      %sub3A_84 = vector.broadcast %sub3A : f32 to vector<16xf32>
      %sub3A_85 = arith.subf %sub3A_84, %mul3A_83 : vector<16xf32>
      %mul3A_86 = arith.mulf %div3A_78, %sub3A_85 : vector<16xf32>
      %mul3A_87 = arith.constant 5.000000e-01 : f32
      %mul3A_88 = vector.broadcast %mul3A_87 : f32 to vector<16xf32>
      %mul3A_89 = arith.mulf %mul3A_88, %gather3A : vector<16xf32>
      %mul3A_90 = arith.mulf %mul3A_89, %mul3A_86 : vector<16xf32>
      %mul3A_91 = arith.mulf %mul3A_90, %mul3A_86 : vector<16xf32>
      %sub3A_92 = arith.constant 1.500000e+00 : f32
      %sub3A_93 = vector.broadcast %sub3A_92 : f32 to vector<16xf32>
      %sub3A_94 = arith.subf %sub3A_93, %mul3A_91 : vector<16xf32>
      %mul3A_95 = arith.mulf %mul3A_86, %sub3A_94 : vector<16xf32>
      %mul3A_96 = arith.constant 5.000000e-01 : f32
      %mul3A_97 = vector.broadcast %mul3A_96 : f32 to vector<16xf32>
      %mul3A_98 = arith.mulf %mul3A_97, %gather3A : vector<16xf32>
      %mul3A_99 = arith.mulf %mul3A_98, %mul3A_95 : vector<16xf32>
      %mul3A_100 = arith.mulf %mul3A_99, %mul3A_95 : vector<16xf32>
      %sub3A_101 = arith.constant 1.500000e+00 : f32
      %sub3A_102 = vector.broadcast %sub3A_101 : f32 to vector<16xf32>
      %sub3A_103 = arith.subf %sub3A_102, %mul3A_100 : vector<16xf32>
      %mul3A_104 = arith.mulf %mul3A_95, %sub3A_103 : vector<16xf32>
      %mul3A_105 = arith.constant 5.000000e-01 : f32
      %mul3A_106 = vector.broadcast %mul3A_105 : f32 to vector<16xf32>
      %mul3A_107 = arith.mulf %mul3A_106, %gather3A : vector<16xf32>
      %mul3A_108 = arith.mulf %mul3A_107, %mul3A_104 : vector<16xf32>
      %mul3A_109 = arith.mulf %mul3A_108, %mul3A_104 : vector<16xf32>
      %sub3A_110 = arith.constant 1.500000e+00 : f32
      %sub3A_111 = vector.broadcast %sub3A_110 : f32 to vector<16xf32>
      %sub3A_112 = arith.subf %sub3A_111, %mul3A_109 : vector<16xf32>
      %mul3A_113 = arith.mulf %mul3A_104, %sub3A_112 : vector<16xf32>
      %mul3A_114 = arith.constant 5.000000e-01 : f32
      %mul3A_115 = vector.broadcast %mul3A_114 : f32 to vector<16xf32>
      %mul3A_116 = arith.mulf %mul3A_115, %gather3A : vector<16xf32>
      %mul3A_117 = arith.mulf %mul3A_116, %mul3A_113 : vector<16xf32>
      %mul3A_118 = arith.mulf %mul3A_117, %mul3A_113 : vector<16xf32>
      %sub3A_119 = arith.constant 1.500000e+00 : f32
      %sub3A_120 = vector.broadcast %sub3A_119 : f32 to vector<16xf32>
      %sub3A_121 = arith.subf %sub3A_120, %mul3A_118 : vector<16xf32>
      %mul3A_122 = arith.mulf %mul3A_113, %sub3A_121 : vector<16xf32>
      %mul3A_123 = arith.constant 5.000000e-01 : f32
      %mul3A_124 = vector.broadcast %mul3A_123 : f32 to vector<16xf32>
      %mul3A_125 = arith.mulf %mul3A_124, %gather3A : vector<16xf32>
      %mul3A_126 = arith.mulf %mul3A_125, %mul3A_122 : vector<16xf32>
      %mul3A_127 = arith.mulf %mul3A_126, %mul3A_122 : vector<16xf32>
      %sub3A_128 = arith.constant 1.500000e+00 : f32
      %sub3A_129 = vector.broadcast %sub3A_128 : f32 to vector<16xf32>
      %sub3A_130 = arith.subf %sub3A_129, %mul3A_127 : vector<16xf32>
      %mul3A_131 = arith.mulf %mul3A_122, %sub3A_130 : vector<16xf32>
      %mul3A_132 = arith.constant 5.000000e-01 : f32
      %mul3A_133 = vector.broadcast %mul3A_132 : f32 to vector<16xf32>
      %mul3A_134 = arith.mulf %mul3A_133, %gather3A : vector<16xf32>
      %mul3A_135 = arith.mulf %mul3A_134, %mul3A_131 : vector<16xf32>
      %mul3A_136 = arith.mulf %mul3A_135, %mul3A_131 : vector<16xf32>
      %sub3A_137 = arith.constant 1.500000e+00 : f32
      %sub3A_138 = vector.broadcast %sub3A_137 : f32 to vector<16xf32>
      %sub3A_139 = arith.subf %sub3A_138, %mul3A_136 : vector<16xf32>
      %mul3A_140 = arith.mulf %mul3A_131, %sub3A_139 : vector<16xf32>
      %mul3A_141 = arith.constant 5.000000e-01 : f32
      %mul3A_142 = vector.broadcast %mul3A_141 : f32 to vector<16xf32>
      %mul3A_143 = arith.mulf %mul3A_142, %gather3A : vector<16xf32>
      %mul3A_144 = arith.mulf %mul3A_143, %mul3A_140 : vector<16xf32>
      %mul3A_145 = arith.mulf %mul3A_144, %mul3A_140 : vector<16xf32>
      %sub3A_146 = arith.constant 1.500000e+00 : f32
      %sub3A_147 = vector.broadcast %sub3A_146 : f32 to vector<16xf32>
      %sub3A_148 = arith.subf %sub3A_147, %mul3A_145 : vector<16xf32>
      %mul3A_149 = arith.mulf %mul3A_140, %sub3A_148 : vector<16xf32>
      %mul3A_150 = arith.constant 5.000000e-01 : f32
      %mul3A_151 = vector.broadcast %mul3A_150 : f32 to vector<16xf32>
      %mul3A_152 = arith.mulf %mul3A_151, %gather3A : vector<16xf32>
      %mul3A_153 = arith.mulf %mul3A_152, %mul3A_149 : vector<16xf32>
      %mul3A_154 = arith.mulf %mul3A_153, %mul3A_149 : vector<16xf32>
      %sub3A_155 = arith.constant 1.500000e+00 : f32
      %sub3A_156 = vector.broadcast %sub3A_155 : f32 to vector<16xf32>
      %sub3A_157 = arith.subf %sub3A_156, %mul3A_154 : vector<16xf32>
      %mul3A_158 = arith.mulf %mul3A_149, %sub3A_157 : vector<16xf32>
      %mul3A_159 = arith.constant 5.000000e-01 : f32
      %mul3A_160 = vector.broadcast %mul3A_159 : f32 to vector<16xf32>
      %mul3A_161 = arith.mulf %mul3A_160, %gather3A : vector<16xf32>
      %mul3A_162 = arith.mulf %mul3A_161, %mul3A_158 : vector<16xf32>
      %mul3A_163 = arith.mulf %mul3A_162, %mul3A_158 : vector<16xf32>
      %sub3A_164 = arith.constant 1.500000e+00 : f32
      %sub3A_165 = vector.broadcast %sub3A_164 : f32 to vector<16xf32>
      %sub3A_166 = arith.subf %sub3A_165, %mul3A_163 : vector<16xf32>
      %mul3A_167 = arith.mulf %mul3A_158, %sub3A_166 : vector<16xf32>
      %mul3A_168 = arith.constant 5.000000e-01 : f32
      %mul3A_169 = vector.broadcast %mul3A_168 : f32 to vector<16xf32>
      %mul3A_170 = arith.mulf %mul3A_169, %gather3A : vector<16xf32>
      %mul3A_171 = arith.mulf %mul3A_170, %mul3A_167 : vector<16xf32>
      %mul3A_172 = arith.mulf %mul3A_171, %mul3A_167 : vector<16xf32>
      %sub3A_173 = arith.constant 1.500000e+00 : f32
      %sub3A_174 = vector.broadcast %sub3A_173 : f32 to vector<16xf32>
      %sub3A_175 = arith.subf %sub3A_174, %mul3A_172 : vector<16xf32>
      %mul3A_176 = arith.mulf %mul3A_167, %sub3A_175 : vector<16xf32>
      %mul3A_177 = arith.constant 5.000000e-01 : f32
      %mul3A_178 = vector.broadcast %mul3A_177 : f32 to vector<16xf32>
      %mul3A_179 = arith.mulf %mul3A_178, %gather3A : vector<16xf32>
      %mul3A_180 = arith.mulf %mul3A_179, %mul3A_176 : vector<16xf32>
      %mul3A_181 = arith.mulf %mul3A_180, %mul3A_176 : vector<16xf32>
      %sub3A_182 = arith.constant 1.500000e+00 : f32
      %sub3A_183 = vector.broadcast %sub3A_182 : f32 to vector<16xf32>
      %sub3A_184 = arith.subf %sub3A_183, %mul3A_181 : vector<16xf32>
      %mul3A_185 = arith.mulf %mul3A_176, %sub3A_184 : vector<16xf32>
      %mul3A_186 = arith.constant 5.000000e-01 : f32
      %mul3A_187 = vector.broadcast %mul3A_186 : f32 to vector<16xf32>
      %mul3A_188 = arith.mulf %mul3A_187, %gather3A : vector<16xf32>
      %mul3A_189 = arith.mulf %mul3A_188, %mul3A_185 : vector<16xf32>
      %mul3A_190 = arith.mulf %mul3A_189, %mul3A_185 : vector<16xf32>
      %sub3A_191 = arith.constant 1.500000e+00 : f32
      %sub3A_192 = vector.broadcast %sub3A_191 : f32 to vector<16xf32>
      %sub3A_193 = arith.subf %sub3A_192, %mul3A_190 : vector<16xf32>
      %mul3A_194 = arith.mulf %mul3A_185, %sub3A_193 : vector<16xf32>
      %mul3A_195 = arith.constant 5.000000e-01 : f32
      %mul3A_196 = vector.broadcast %mul3A_195 : f32 to vector<16xf32>
      %mul3A_197 = arith.mulf %mul3A_196, %gather3A : vector<16xf32>
      %mul3A_198 = arith.mulf %mul3A_197, %mul3A_194 : vector<16xf32>
      %mul3A_199 = arith.mulf %mul3A_198, %mul3A_194 : vector<16xf32>
      %sub3A_200 = arith.constant 1.500000e+00 : f32
      %sub3A_201 = vector.broadcast %sub3A_200 : f32 to vector<16xf32>
      %sub3A_202 = arith.subf %sub3A_201, %mul3A_199 : vector<16xf32>
      %mul3A_203 = arith.mulf %mul3A_194, %sub3A_202 : vector<16xf32>
      %mul3A_204 = arith.constant 5.000000e-01 : f32
      %mul3A_205 = vector.broadcast %mul3A_204 : f32 to vector<16xf32>
      %mul3A_206 = arith.mulf %mul3A_205, %gather3A : vector<16xf32>
      %mul3A_207 = arith.mulf %mul3A_206, %mul3A_203 : vector<16xf32>
      %mul3A_208 = arith.mulf %mul3A_207, %mul3A_203 : vector<16xf32>
      %sub3A_209 = arith.constant 1.500000e+00 : f32
      %sub3A_210 = vector.broadcast %sub3A_209 : f32 to vector<16xf32>
      %sub3A_211 = arith.subf %sub3A_210, %mul3A_208 : vector<16xf32>
      %mul3A_212 = arith.mulf %mul3A_203, %sub3A_211 : vector<16xf32>
      %mul3A_213 = arith.constant 5.000000e-01 : f32
      %mul3A_214 = vector.broadcast %mul3A_213 : f32 to vector<16xf32>
      %mul3A_215 = arith.mulf %mul3A_214, %gather3A : vector<16xf32>
      %mul3A_216 = arith.mulf %mul3A_215, %mul3A_212 : vector<16xf32>
      %mul3A_217 = arith.mulf %mul3A_216, %mul3A_212 : vector<16xf32>
      %sub3A_218 = arith.constant 1.500000e+00 : f32
      %sub3A_219 = vector.broadcast %sub3A_218 : f32 to vector<16xf32>
      %sub3A_220 = arith.subf %sub3A_219, %mul3A_217 : vector<16xf32>
      %mul3A_221 = arith.mulf %mul3A_212, %sub3A_220 : vector<16xf32>
      %mul3A_222 = arith.constant 5.000000e-01 : f32
      %mul3A_223 = vector.broadcast %mul3A_222 : f32 to vector<16xf32>
      %mul3A_224 = arith.mulf %mul3A_223, %gather3A : vector<16xf32>
      %mul3A_225 = arith.mulf %mul3A_224, %mul3A_221 : vector<16xf32>
      %mul3A_226 = arith.mulf %mul3A_225, %mul3A_221 : vector<16xf32>
      %sub3A_227 = arith.constant 1.500000e+00 : f32
      %sub3A_228 = vector.broadcast %sub3A_227 : f32 to vector<16xf32>
      %sub3A_229 = arith.subf %sub3A_228, %mul3A_226 : vector<16xf32>
      %mul3A_230 = arith.mulf %mul3A_221, %sub3A_229 : vector<16xf32>
      %mul3A_231 = arith.constant 5.000000e-01 : f32
      %mul3A_232 = vector.broadcast %mul3A_231 : f32 to vector<16xf32>
      %mul3A_233 = arith.mulf %mul3A_232, %gather3A : vector<16xf32>
      %mul3A_234 = arith.mulf %mul3A_233, %mul3A_230 : vector<16xf32>
      %mul3A_235 = arith.mulf %mul3A_234, %mul3A_230 : vector<16xf32>
      %sub3A_236 = arith.constant 1.500000e+00 : f32
      %sub3A_237 = vector.broadcast %sub3A_236 : f32 to vector<16xf32>
      %sub3A_238 = arith.subf %sub3A_237, %mul3A_235 : vector<16xf32>
      %mul3A_239 = arith.mulf %mul3A_230, %sub3A_238 : vector<16xf32>
      %mul3A_240 = arith.constant 5.000000e-01 : f32
      %mul3A_241 = vector.broadcast %mul3A_240 : f32 to vector<16xf32>
      %mul3A_242 = arith.mulf %mul3A_241, %gather3A : vector<16xf32>
      %mul3A_243 = arith.mulf %mul3A_242, %mul3A_239 : vector<16xf32>
      %mul3A_244 = arith.mulf %mul3A_243, %mul3A_239 : vector<16xf32>
      %sub3A_245 = arith.constant 1.500000e+00 : f32
      %sub3A_246 = vector.broadcast %sub3A_245 : f32 to vector<16xf32>
      %sub3A_247 = arith.subf %sub3A_246, %mul3A_244 : vector<16xf32>
      %mul3A_248 = arith.mulf %mul3A_239, %sub3A_247 : vector<16xf32>
      %mul3A_249 = arith.constant 5.000000e-01 : f32
      %mul3A_250 = vector.broadcast %mul3A_249 : f32 to vector<16xf32>
      %mul3A_251 = arith.mulf %mul3A_250, %gather3A : vector<16xf32>
      %mul3A_252 = arith.mulf %mul3A_251, %mul3A_248 : vector<16xf32>
      %mul3A_253 = arith.mulf %mul3A_252, %mul3A_248 : vector<16xf32>
      %sub3A_254 = arith.constant 1.500000e+00 : f32
      %sub3A_255 = vector.broadcast %sub3A_254 : f32 to vector<16xf32>
      %sub3A_256 = arith.subf %sub3A_255, %mul3A_253 : vector<16xf32>
      %mul3A_257 = arith.mulf %mul3A_248, %sub3A_256 : vector<16xf32>
      %mul3A_258 = arith.constant 5.000000e-01 : f32
      %mul3A_259 = vector.broadcast %mul3A_258 : f32 to vector<16xf32>
      %mul3A_260 = arith.mulf %mul3A_259, %gather3A : vector<16xf32>
      %mul3A_261 = arith.mulf %mul3A_260, %mul3A_257 : vector<16xf32>
      %mul3A_262 = arith.mulf %mul3A_261, %mul3A_257 : vector<16xf32>
      %sub3A_263 = arith.constant 1.500000e+00 : f32
      %sub3A_264 = vector.broadcast %sub3A_263 : f32 to vector<16xf32>
      %sub3A_265 = arith.subf %sub3A_264, %mul3A_262 : vector<16xf32>
      %mul3A_266 = arith.mulf %mul3A_257, %sub3A_265 : vector<16xf32>
      %mul3A_267 = arith.constant 5.000000e-01 : f32
      %mul3A_268 = vector.broadcast %mul3A_267 : f32 to vector<16xf32>
      %mul3A_269 = arith.mulf %mul3A_268, %gather3A : vector<16xf32>
      %mul3A_270 = arith.mulf %mul3A_269, %mul3A_266 : vector<16xf32>
      %mul3A_271 = arith.mulf %mul3A_270, %mul3A_266 : vector<16xf32>
      %sub3A_272 = arith.constant 1.500000e+00 : f32
      %sub3A_273 = vector.broadcast %sub3A_272 : f32 to vector<16xf32>
      %sub3A_274 = arith.subf %sub3A_273, %mul3A_271 : vector<16xf32>
      %mul3A_275 = arith.mulf %mul3A_266, %sub3A_274 : vector<16xf32>
      %mul3A_276 = arith.constant 16 : i32
      %mul3A_277 = arith.muli %scan3A_66, %mul3A_276 : i32
      %swap3A = arith.index_cast %mul3A_277 : i32 to index
      %swap3A_278 = tpu.vector_load %arg14[%swap3A] {strides = array<i32>} : memref<640xf32, #tpu.memory_space<vmem>>, vector<16xf32>,
      tpu.vector_store %arg14[%swap3A], %mul3A_275 {strides = array<i32>} : memref<640xf32, #tpu.memory_space<vmem>>, vector<16xf32>,
      %scan3A_279 = arith.constant 0 : i32
      scf.yield %scan3A_279 : i32
    }
    %scan3A_49 = arith.constant 40 : i32
    %get3A = arith.constant 0 : index
    %get3A_50 = tpu.vector_load %arg18[%get3A] {strides = array<i32>} : memref<16xf32, #tpu.memory_space<vmem>>, vector<16xf32>,
    %scan3A_51 = arith.constant 0 : i32
    %scan3A_52 = arith.constant 0 : i32
    %scan3A_53 = arith.constant 20 : i32
    %scan3A_54 = arith.addi %scan3A_52, %scan3A_53 : i32
    %scan3A_55 = arith.constant 1 : i32
    %scan3A_56 = scf.for %scan3A_66 = %scan3A_52 to %scan3A_54 step %scan3A_55 iter_args(%scan3A_67 = %scan3A_51) -> (i32)  : i32 {
      %mul3A_68 = arith.constant 32 : i32
      %mul3A_69 = arith.muli %scan3A_66, %mul3A_68 : i32
      %add3A_70 = arith.addi %mul3A_0, %mul3A_69 : i32
      "tpu.region"() ({
        %run_scoped3A_79 = tpu.sem_alloc : memref<!tpu.dma_semaphore, #tpu.memory_space<semaphore_mem>>
        %dma_start3A = arith.constant 0 : i32
        %dma_start3A_80 = tpu.memref_slice %arg2[%add3A_70, %dma_start3A] : memref<10240x128xf32, #tpu.memory_space<hbm>> -> memref<32x128xf32, #tpu.memory_space<hbm>>
        %dma_start3A_81 = arith.constant 0 : i32
        %dma_start3A_82 = tpu.memref_slice %arg2[%add3A_70, %dma_start3A_81] : memref<10240x128xf32, #tpu.memory_space<hbm>> -> memref<32x128xf32, #tpu.memory_space<hbm>>
        tpu.enqueue_dma source(%dma_start3A_82 : memref<32x128xf32, #tpu.memory_space<hbm>>) target(%arg11 : memref<32x128xf32, #tpu.memory_space<vmem>>) target_semaphore(%run_scoped3A_79 : memref<!tpu.dma_semaphore, #tpu.memory_space<semaphore_mem>>)
        %dma_wait3A = arith.constant 0 : i32
        %dma_wait3A_83 = tpu.memref_slice %arg2[%add3A_70, %dma_wait3A] : memref<10240x128xf32, #tpu.memory_space<hbm>> -> memref<32x128xf32, #tpu.memory_space<hbm>>
        %dma_wait3A_84 = arith.constant 0 : i32
        %dma_wait3A_85 = tpu.memref_slice %arg2[%add3A_70, %dma_wait3A_84] : memref<10240x128xf32, #tpu.memory_space<hbm>> -> memref<32x128xf32, #tpu.memory_space<hbm>>
        tpu.wait_dma2 semaphore(%run_scoped3A_79 : memref<!tpu.dma_semaphore, #tpu.memory_space<semaphore_mem>>) src(%dma_wait3A_85 : memref<32x128xf32, #tpu.memory_space<hbm>>) dst(%arg11 : memref<32x128xf32, #tpu.memory_space<vmem>>)
        tpu.yield
      }) : () -> ()
      %scan3A_71 = arith.constant 0 : i32
      %scan3A_72 = arith.constant 0 : i32
      %scan3A_73 = arith.constant 32 : i32
      %scan3A_74 = arith.addi %scan3A_72, %scan3A_73 : i32
      %scan3A_75 = arith.constant 1 : i32
      %scan3A_76 = scf.for %scan3A_79 = %scan3A_72 to %scan3A_74 step %scan3A_75 iter_args(%scan3A_80 = %scan3A_71) -> (i32)  : i32 {
        %mul3A_81 = arith.constant 0 : i32
        %mul3A_82 = vector.broadcast %mul3A_81 : i32 to vector<16xi32>
        %mul3A_83 = arith.muli %iota3A, %mul3A_82 : vector<16xi32>
        %mul3A_84 = arith.constant 32 : i32
        %mul3A_85 = arith.muli %scan3A_66, %mul3A_84 : i32
        %add3A_86 = arith.addi %mul3A_85, %scan3A_79 : i32
        %add3A_87 = vector.broadcast %add3A_86 : i32 to vector<16xi32>
        %add3A_88 = arith.addi %mul3A_83, %add3A_87 : vector<16xi32>
        %gather3A = tpu.vector_load_idx %arg14[%add3A_88] : memref<640xf32, #tpu.memory_space<vmem>>[vector<16xi32>], vector<16xf32>,
        %get3A_89 = arith.index_cast %scan3A_79 : i32 to index
        %get3A_90 = arith.constant 0 : index
        %get3A_91 = tpu.vector_load %arg11[%get3A_89, %get3A_90] {strides = array<i32>} : memref<32x128xf32, #tpu.memory_space<vmem>>, vector<16xf32>,
        %mul3A_92 = arith.mulf %gather3A, %get3A_91 : vector<16xf32>
        %swap3A = arith.index_cast %scan3A_79 : i32 to index
        %swap3A_93 = arith.constant 0 : index
        %swap3A_94 = tpu.vector_load %arg12[%swap3A, %swap3A_93] {strides = array<i32>} : memref<32x128xf32, #tpu.memory_space<vmem>>, vector<16xf32>,
        tpu.vector_store %arg12[%swap3A, %swap3A_93], %mul3A_92 {strides = array<i32>} : memref<32x128xf32, #tpu.memory_space<vmem>>, vector<16xf32>,
        %mul3A_95 = arith.mulf %get3A_50, %get3A_91 : vector<16xf32>
        %swap3A_96 = arith.index_cast %scan3A_79 : i32 to index
        %swap3A_97 = arith.constant 0 : index
        %swap3A_98 = tpu.vector_load %arg13[%swap3A_96, %swap3A_97] {strides = array<i32>} : memref<32x128xf32, #tpu.memory_space<vmem>>, vector<16xf32>,
        tpu.vector_store %arg13[%swap3A_96, %swap3A_97], %mul3A_95 {strides = array<i32>} : memref<32x128xf32, #tpu.memory_space<vmem>>, vector<16xf32>,
        %get3A_99 = arith.index_cast %scan3A_79 : i32 to index
        %get3A_100 = arith.constant 16 : index
        %get3A_101 = tpu.vector_load %arg11[%get3A_99, %get3A_100] {strides = array<i32>} : memref<32x128xf32, #tpu.memory_space<vmem>>, vector<16xf32>,
        %mul3A_102 = arith.mulf %gather3A, %get3A_101 : vector<16xf32>
        %swap3A_103 = arith.index_cast %scan3A_79 : i32 to index
        %swap3A_104 = arith.constant 16 : index
        %swap3A_105 = tpu.vector_load %arg12[%swap3A_103, %swap3A_104] {strides = array<i32>} : memref<32x128xf32, #tpu.memory_space<vmem>>, vector<16xf32>,
        tpu.vector_store %arg12[%swap3A_103, %swap3A_104], %mul3A_102 {strides = array<i32>} : memref<32x128xf32, #tpu.memory_space<vmem>>, vector<16xf32>,
        %mul3A_106 = arith.mulf %get3A_50, %get3A_101 : vector<16xf32>
        %swap3A_107 = arith.index_cast %scan3A_79 : i32 to index
        %swap3A_108 = arith.constant 16 : index
        %swap3A_109 = tpu.vector_load %arg13[%swap3A_107, %swap3A_108] {strides = array<i32>} : memref<32x128xf32, #tpu.memory_space<vmem>>, vector<16xf32>,
        tpu.vector_store %arg13[%swap3A_107, %swap3A_108], %mul3A_106 {strides = array<i32>} : memref<32x128xf32, #tpu.memory_space<vmem>>, vector<16xf32>,
        %get3A_110 = arith.index_cast %scan3A_79 : i32 to index
        %get3A_111 = arith.constant 32 : index
        %get3A_112 = tpu.vector_load %arg11[%get3A_110, %get3A_111] {strides = array<i32>} : memref<32x128xf32, #tpu.memory_space<vmem>>, vector<16xf32>,
        %mul3A_113 = arith.mulf %gather3A, %get3A_112 : vector<16xf32>
        %swap3A_114 = arith.index_cast %scan3A_79 : i32 to index
        %swap3A_115 = arith.constant 32 : index
        %swap3A_116 = tpu.vector_load %arg12[%swap3A_114, %swap3A_115] {strides = array<i32>} : memref<32x128xf32, #tpu.memory_space<vmem>>, vector<16xf32>,
        tpu.vector_store %arg12[%swap3A_114, %swap3A_115], %mul3A_113 {strides = array<i32>} : memref<32x128xf32, #tpu.memory_space<vmem>>, vector<16xf32>,
        %mul3A_117 = arith.mulf %get3A_50, %get3A_112 : vector<16xf32>
        %swap3A_118 = arith.index_cast %scan3A_79 : i32 to index
        %swap3A_119 = arith.constant 32 : index
        %swap3A_120 = tpu.vector_load %arg13[%swap3A_118, %swap3A_119] {strides = array<i32>} : memref<32x128xf32, #tpu.memory_space<vmem>>, vector<16xf32>,
        tpu.vector_store %arg13[%swap3A_118, %swap3A_119], %mul3A_117 {strides = array<i32>} : memref<32x128xf32, #tpu.memory_space<vmem>>, vector<16xf32>,
        %get3A_121 = arith.index_cast %scan3A_79 : i32 to index
        %get3A_122 = arith.constant 48 : index
        %get3A_123 = tpu.vector_load %arg11[%get3A_121, %get3A_122] {strides = array<i32>} : memref<32x128xf32, #tpu.memory_space<vmem>>, vector<16xf32>,
        %mul3A_124 = arith.mulf %gather3A, %get3A_123 : vector<16xf32>
        %swap3A_125 = arith.index_cast %scan3A_79 : i32 to index
        %swap3A_126 = arith.constant 48 : index
        %swap3A_127 = tpu.vector_load %arg12[%swap3A_125, %swap3A_126] {strides = array<i32>} : memref<32x128xf32, #tpu.memory_space<vmem>>, vector<16xf32>,
        tpu.vector_store %arg12[%swap3A_125, %swap3A_126], %mul3A_124 {strides = array<i32>} : memref<32x128xf32, #tpu.memory_space<vmem>>, vector<16xf32>,
        %mul3A_128 = arith.mulf %get3A_50, %get3A_123 : vector<16xf32>
        %swap3A_129 = arith.index_cast %scan3A_79 : i32 to index
        %swap3A_130 = arith.constant 48 : index
        %swap3A_131 = tpu.vector_load %arg13[%swap3A_129, %swap3A_130] {strides = array<i32>} : memref<32x128xf32, #tpu.memory_space<vmem>>, vector<16xf32>,
        tpu.vector_store %arg13[%swap3A_129, %swap3A_130], %mul3A_128 {strides = array<i32>} : memref<32x128xf32, #tpu.memory_space<vmem>>, vector<16xf32>,
        %get3A_132 = arith.index_cast %scan3A_79 : i32 to index
        %get3A_133 = arith.constant 64 : index
        %get3A_134 = tpu.vector_load %arg11[%get3A_132, %get3A_133] {strides = array<i32>} : memref<32x128xf32, #tpu.memory_space<vmem>>, vector<16xf32>,
        %mul3A_135 = arith.mulf %gather3A, %get3A_134 : vector<16xf32>
        %swap3A_136 = arith.index_cast %scan3A_79 : i32 to index
        %swap3A_137 = arith.constant 64 : index
        %swap3A_138 = tpu.vector_load %arg12[%swap3A_136, %swap3A_137] {strides = array<i32>} : memref<32x128xf32, #tpu.memory_space<vmem>>, vector<16xf32>,
        tpu.vector_store %arg12[%swap3A_136, %swap3A_137], %mul3A_135 {strides = array<i32>} : memref<32x128xf32, #tpu.memory_space<vmem>>, vector<16xf32>,
        %mul3A_139 = arith.mulf %get3A_50, %get3A_134 : vector<16xf32>
        %swap3A_140 = arith.index_cast %scan3A_79 : i32 to index
        %swap3A_141 = arith.constant 64 : index
        %swap3A_142 = tpu.vector_load %arg13[%swap3A_140, %swap3A_141] {strides = array<i32>} : memref<32x128xf32, #tpu.memory_space<vmem>>, vector<16xf32>,
        tpu.vector_store %arg13[%swap3A_140, %swap3A_141], %mul3A_139 {strides = array<i32>} : memref<32x128xf32, #tpu.memory_space<vmem>>, vector<16xf32>,
        %get3A_143 = arith.index_cast %scan3A_79 : i32 to index
        %get3A_144 = arith.constant 80 : index
        %get3A_145 = tpu.vector_load %arg11[%get3A_143, %get3A_144] {strides = array<i32>} : memref<32x128xf32, #tpu.memory_space<vmem>>, vector<16xf32>,
        %mul3A_146 = arith.mulf %gather3A, %get3A_145 : vector<16xf32>
        %swap3A_147 = arith.index_cast %scan3A_79 : i32 to index
        %swap3A_148 = arith.constant 80 : index
        %swap3A_149 = tpu.vector_load %arg12[%swap3A_147, %swap3A_148] {strides = array<i32>} : memref<32x128xf32, #tpu.memory_space<vmem>>, vector<16xf32>,
        tpu.vector_store %arg12[%swap3A_147, %swap3A_148], %mul3A_146 {strides = array<i32>} : memref<32x128xf32, #tpu.memory_space<vmem>>, vector<16xf32>,
        %mul3A_150 = arith.mulf %get3A_50, %get3A_145 : vector<16xf32>
        %swap3A_151 = arith.index_cast %scan3A_79 : i32 to index
        %swap3A_152 = arith.constant 80 : index
        %swap3A_153 = tpu.vector_load %arg13[%swap3A_151, %swap3A_152] {strides = array<i32>} : memref<32x128xf32, #tpu.memory_space<vmem>>, vector<16xf32>,
        tpu.vector_store %arg13[%swap3A_151, %swap3A_152], %mul3A_150 {strides = array<i32>} : memref<32x128xf32, #tpu.memory_space<vmem>>, vector<16xf32>,
        %get3A_154 = arith.index_cast %scan3A_79 : i32 to index
        %get3A_155 = arith.constant 96 : index
        %get3A_156 = tpu.vector_load %arg11[%get3A_154, %get3A_155] {strides = array<i32>} : memref<32x128xf32, #tpu.memory_space<vmem>>, vector<16xf32>,
        %mul3A_157 = arith.mulf %gather3A, %get3A_156 : vector<16xf32>
        %swap3A_158 = arith.index_cast %scan3A_79 : i32 to index
        %swap3A_159 = arith.constant 96 : index
        %swap3A_160 = tpu.vector_load %arg12[%swap3A_158, %swap3A_159] {strides = array<i32>} : memref<32x128xf32, #tpu.memory_space<vmem>>, vector<16xf32>,
        tpu.vector_store %arg12[%swap3A_158, %swap3A_159], %mul3A_157 {strides = array<i32>} : memref<32x128xf32, #tpu.memory_space<vmem>>, vector<16xf32>,
        %mul3A_161 = arith.mulf %get3A_50, %get3A_156 : vector<16xf32>
        %swap3A_162 = arith.index_cast %scan3A_79 : i32 to index
        %swap3A_163 = arith.constant 96 : index
        %swap3A_164 = tpu.vector_load %arg13[%swap3A_162, %swap3A_163] {strides = array<i32>} : memref<32x128xf32, #tpu.memory_space<vmem>>, vector<16xf32>,
        tpu.vector_store %arg13[%swap3A_162, %swap3A_163], %mul3A_161 {strides = array<i32>} : memref<32x128xf32, #tpu.memory_space<vmem>>, vector<16xf32>,
        %get3A_165 = arith.index_cast %scan3A_79 : i32 to index
        %get3A_166 = arith.constant 112 : index
        %get3A_167 = tpu.vector_load %arg11[%get3A_165, %get3A_166] {strides = array<i32>} : memref<32x128xf32, #tpu.memory_space<vmem>>, vector<16xf32>,
        %mul3A_168 = arith.mulf %gather3A, %get3A_167 : vector<16xf32>
        %swap3A_169 = arith.index_cast %scan3A_79 : i32 to index
        %swap3A_170 = arith.constant 112 : index
        %swap3A_171 = tpu.vector_load %arg12[%swap3A_169, %swap3A_170] {strides = array<i32>} : memref<32x128xf32, #tpu.memory_space<vmem>>, vector<16xf32>,
        tpu.vector_store %arg12[%swap3A_169, %swap3A_170], %mul3A_168 {strides = array<i32>} : memref<32x128xf32, #tpu.memory_space<vmem>>, vector<16xf32>,
        %mul3A_172 = arith.mulf %get3A_50, %get3A_167 : vector<16xf32>
        %swap3A_173 = arith.index_cast %scan3A_79 : i32 to index
        %swap3A_174 = arith.constant 112 : index
        %swap3A_175 = tpu.vector_load %arg13[%swap3A_173, %swap3A_174] {strides = array<i32>} : memref<32x128xf32, #tpu.memory_space<vmem>>, vector<16xf32>,
        tpu.vector_store %arg13[%swap3A_173, %swap3A_174], %mul3A_172 {strides = array<i32>} : memref<32x128xf32, #tpu.memory_space<vmem>>, vector<16xf32>,
        %scan3A_176 = arith.constant 0 : i32
        scf.yield %scan3A_176 : i32
      }
      %scan3A_77 = arith.constant 32 : i32
      "tpu.region"() ({
        %run_scoped3A_79 = tpu.sem_alloc : memref<!tpu.dma_semaphore, #tpu.memory_space<semaphore_mem>>
        %dma_start3A = arith.constant 0 : i32
        %dma_start3A_80 = tpu.memref_slice %arg8[%add3A_70, %dma_start3A] : memref<10240x128xf32, #tpu.memory_space<hbm>> -> memref<32x128xf32, #tpu.memory_space<hbm>>
        %dma_start3A_81 = arith.constant 0 : i32
        %dma_start3A_82 = tpu.memref_slice %arg8[%add3A_70, %dma_start3A_81] : memref<10240x128xf32, #tpu.memory_space<hbm>> -> memref<32x128xf32, #tpu.memory_space<hbm>>
        tpu.enqueue_dma source(%arg12 : memref<32x128xf32, #tpu.memory_space<vmem>>) target(%dma_start3A_82 : memref<32x128xf32, #tpu.memory_space<hbm>>) target_semaphore(%run_scoped3A_79 : memref<!tpu.dma_semaphore, #tpu.memory_space<semaphore_mem>>)
        %dma_wait3A = arith.constant 0 : i32
        %dma_wait3A_83 = tpu.memref_slice %arg8[%add3A_70, %dma_wait3A] : memref<10240x128xf32, #tpu.memory_space<hbm>> -> memref<32x128xf32, #tpu.memory_space<hbm>>
        %dma_wait3A_84 = arith.constant 0 : i32
        %dma_wait3A_85 = tpu.memref_slice %arg8[%add3A_70, %dma_wait3A_84] : memref<10240x128xf32, #tpu.memory_space<hbm>> -> memref<32x128xf32, #tpu.memory_space<hbm>>
        tpu.wait_dma2 semaphore(%run_scoped3A_79 : memref<!tpu.dma_semaphore, #tpu.memory_space<semaphore_mem>>) src(%arg12 : memref<32x128xf32, #tpu.memory_space<vmem>>) dst(%dma_wait3A_85 : memref<32x128xf32, #tpu.memory_space<hbm>>)
        tpu.yield
      }) : () -> ()
      "tpu.region"() ({
        %run_scoped3A_79 = tpu.sem_alloc : memref<!tpu.dma_semaphore, #tpu.memory_space<semaphore_mem>>
        %dma_start3A = arith.constant 0 : i32
        %dma_start3A_80 = tpu.memref_slice %arg7[%add3A_70, %dma_start3A] : memref<10240x128xf32, #tpu.memory_space<hbm>> -> memref<32x128xf32, #tpu.memory_space<hbm>>
        %dma_start3A_81 = arith.constant 0 : i32
        %dma_start3A_82 = tpu.memref_slice %arg7[%add3A_70, %dma_start3A_81] : memref<10240x128xf32, #tpu.memory_space<hbm>> -> memref<32x128xf32, #tpu.memory_space<hbm>>
        tpu.enqueue_dma source(%arg13 : memref<32x128xf32, #tpu.memory_space<vmem>>) target(%dma_start3A_82 : memref<32x128xf32, #tpu.memory_space<hbm>>) target_semaphore(%run_scoped3A_79 : memref<!tpu.dma_semaphore, #tpu.memory_space<semaphore_mem>>)
        %dma_wait3A = arith.constant 0 : i32
        %dma_wait3A_83 = tpu.memref_slice %arg7[%add3A_70, %dma_wait3A] : memref<10240x128xf32, #tpu.memory_space<hbm>> -> memref<32x128xf32, #tpu.memory_space<hbm>>
        %dma_wait3A_84 = arith.constant 0 : i32
        %dma_wait3A_85 = tpu.memref_slice %arg7[%add3A_70, %dma_wait3A_84] : memref<10240x128xf32, #tpu.memory_space<hbm>> -> memref<32x128xf32, #tpu.memory_space<hbm>>
        tpu.wait_dma2 semaphore(%run_scoped3A_79 : memref<!tpu.dma_semaphore, #tpu.memory_space<semaphore_mem>>) src(%arg13 : memref<32x128xf32, #tpu.memory_space<vmem>>) dst(%dma_wait3A_85 : memref<32x128xf32, #tpu.memory_space<hbm>>)
        tpu.yield
      }) : () -> ()
      %scan3A_78 = arith.constant 0 : i32
      scf.yield %scan3A_78 : i32
    }
    %scan3A_57 = arith.constant 20 : i32
    %barrier3A_58 = arith.constant 0 : index
    tpu.barrier barrier_id(%barrier3A_58)
    %scan3A_59 = arith.constant 0 : i32
    %scan3A_60 = arith.constant 1 : i32
    %scan3A_61 = arith.constant 9 : i32
    %scan3A_62 = arith.addi %scan3A_60, %scan3A_61 : i32
    %scan3A_63 = arith.constant 1 : i32
    %scan3A_64 = scf.for %scan3A_66 = %scan3A_60 to %scan3A_62 step %scan3A_63 iter_args(%scan3A_67 = %scan3A_59) -> (i32)  : i32 {
      %scan3A_68 = arith.constant 0 : i32
      %scan3A_69 = arith.constant 0 : i32
      %scan3A_70 = arith.constant 32 : i32
      %scan3A_71 = arith.addi %scan3A_69, %scan3A_70 : i32
      %scan3A_72 = arith.constant 1 : i32
      %scan3A_73 = scf.for %scan3A_105 = %scan3A_69 to %scan3A_71 step %scan3A_72 iter_args(%scan3A_106 = %scan3A_68) -> (i32)  : i32 {
        %broadcast_in_dim3A = arith.constant 0.000000e+00 : f32
        %broadcast_in_dim3A_107 = vector.broadcast %broadcast_in_dim3A : f32 to vector<16xf32>
        %swap3A = arith.index_cast %scan3A_105 : i32 to index
        %swap3A_108 = arith.constant 0 : index
        %swap3A_109 = tpu.vector_load %arg11[%swap3A, %swap3A_108] {strides = array<i32>} : memref<32x128xf32, #tpu.memory_space<vmem>>, vector<16xf32>,
        tpu.vector_store %arg11[%swap3A, %swap3A_108], %broadcast_in_dim3A_107 {strides = array<i32>} : memref<32x128xf32, #tpu.memory_space<vmem>>, vector<16xf32>,
        %swap3A_110 = arith.index_cast %scan3A_105 : i32 to index
        %swap3A_111 = arith.constant 16 : index
        %swap3A_112 = tpu.vector_load %arg11[%swap3A_110, %swap3A_111] {strides = array<i32>} : memref<32x128xf32, #tpu.memory_space<vmem>>, vector<16xf32>,
        tpu.vector_store %arg11[%swap3A_110, %swap3A_111], %broadcast_in_dim3A_107 {strides = array<i32>} : memref<32x128xf32, #tpu.memory_space<vmem>>, vector<16xf32>,
        %swap3A_113 = arith.index_cast %scan3A_105 : i32 to index
        %swap3A_114 = arith.constant 32 : index
        %swap3A_115 = tpu.vector_load %arg11[%swap3A_113, %swap3A_114] {strides = array<i32>} : memref<32x128xf32, #tpu.memory_space<vmem>>, vector<16xf32>,
        tpu.vector_store %arg11[%swap3A_113, %swap3A_114], %broadcast_in_dim3A_107 {strides = array<i32>} : memref<32x128xf32, #tpu.memory_space<vmem>>, vector<16xf32>,
        %swap3A_116 = arith.index_cast %scan3A_105 : i32 to index
        %swap3A_117 = arith.constant 48 : index
        %swap3A_118 = tpu.vector_load %arg11[%swap3A_116, %swap3A_117] {strides = array<i32>} : memref<32x128xf32, #tpu.memory_space<vmem>>, vector<16xf32>,
        tpu.vector_store %arg11[%swap3A_116, %swap3A_117], %broadcast_in_dim3A_107 {strides = array<i32>} : memref<32x128xf32, #tpu.memory_space<vmem>>, vector<16xf32>,
        %swap3A_119 = arith.index_cast %scan3A_105 : i32 to index
        %swap3A_120 = arith.constant 64 : index
        %swap3A_121 = tpu.vector_load %arg11[%swap3A_119, %swap3A_120] {strides = array<i32>} : memref<32x128xf32, #tpu.memory_space<vmem>>, vector<16xf32>,
        tpu.vector_store %arg11[%swap3A_119, %swap3A_120], %broadcast_in_dim3A_107 {strides = array<i32>} : memref<32x128xf32, #tpu.memory_space<vmem>>, vector<16xf32>,
        %swap3A_122 = arith.index_cast %scan3A_105 : i32 to index
        %swap3A_123 = arith.constant 80 : index
        %swap3A_124 = tpu.vector_load %arg11[%swap3A_122, %swap3A_123] {strides = array<i32>} : memref<32x128xf32, #tpu.memory_space<vmem>>, vector<16xf32>,
        tpu.vector_store %arg11[%swap3A_122, %swap3A_123], %broadcast_in_dim3A_107 {strides = array<i32>} : memref<32x128xf32, #tpu.memory_space<vmem>>, vector<16xf32>,
        %swap3A_125 = arith.index_cast %scan3A_105 : i32 to index
        %swap3A_126 = arith.constant 96 : index
        %swap3A_127 = tpu.vector_load %arg11[%swap3A_125, %swap3A_126] {strides = array<i32>} : memref<32x128xf32, #tpu.memory_space<vmem>>, vector<16xf32>,
        tpu.vector_store %arg11[%swap3A_125, %swap3A_126], %broadcast_in_dim3A_107 {strides = array<i32>} : memref<32x128xf32, #tpu.memory_space<vmem>>, vector<16xf32>,
        %swap3A_128 = arith.index_cast %scan3A_105 : i32 to index
        %swap3A_129 = arith.constant 112 : index
        %swap3A_130 = tpu.vector_load %arg11[%swap3A_128, %swap3A_129] {strides = array<i32>} : memref<32x128xf32, #tpu.memory_space<vmem>>, vector<16xf32>,
        tpu.vector_store %arg11[%swap3A_128, %swap3A_129], %broadcast_in_dim3A_107 {strides = array<i32>} : memref<32x128xf32, #tpu.memory_space<vmem>>, vector<16xf32>,
        %scan3A_131 = arith.constant 0 : i32
        scf.yield %scan3A_131 : i32
      }
      %scan3A_74 = arith.constant 32 : i32
      %scan3A_75 = arith.constant 0 : i32
      %scan3A_76 = arith.constant 0 : i32
      %scan3A_77 = arith.constant 20 : i32
      %scan3A_78 = arith.addi %scan3A_76, %scan3A_77 : i32
      %scan3A_79 = arith.constant 1 : i32
      %scan3A_80 = scf.for %scan3A_105 = %scan3A_76 to %scan3A_78 step %scan3A_79 iter_args(%scan3A_106 = %scan3A_75) -> (i32)  : i32 {
        %mul3A_107 = arith.constant 32 : i32
        %mul3A_108 = arith.muli %scan3A_105, %mul3A_107 : i32
        %add3A_109 = arith.addi %mul3A_0, %mul3A_108 : i32
        "tpu.region"() ({
          %run_scoped3A_111 = tpu.sem_alloc : memref<!tpu.dma_semaphore, #tpu.memory_space<semaphore_mem>>
          %dma_start3A = arith.constant 0 : i32
          %dma_start3A_112 = tpu.memref_slice %arg9[%add3A_109, %dma_start3A] : memref<10240x128xf32, #tpu.memory_space<vmem_shared>> -> memref<32x128xf32, #tpu.memory_space<vmem_shared>>
          %dma_start3A_113 = arith.constant 0 : i32
          %dma_start3A_114 = tpu.memref_slice %arg9[%add3A_109, %dma_start3A_113] : memref<10240x128xf32, #tpu.memory_space<vmem_shared>> -> memref<32x128xf32, #tpu.memory_space<vmem_shared>>
          tpu.enqueue_dma source(%arg11 : memref<32x128xf32, #tpu.memory_space<vmem>>) target(%dma_start3A_114 : memref<32x128xf32, #tpu.memory_space<vmem_shared>>) target_semaphore(%run_scoped3A_111 : memref<!tpu.dma_semaphore, #tpu.memory_space<semaphore_mem>>)
          %dma_wait3A = arith.constant 0 : i32
          %dma_wait3A_115 = tpu.memref_slice %arg9[%add3A_109, %dma_wait3A] : memref<10240x128xf32, #tpu.memory_space<vmem_shared>> -> memref<32x128xf32, #tpu.memory_space<vmem_shared>>
          %dma_wait3A_116 = arith.constant 0 : i32
          %dma_wait3A_117 = tpu.memref_slice %arg9[%add3A_109, %dma_wait3A_116] : memref<10240x128xf32, #tpu.memory_space<vmem_shared>> -> memref<32x128xf32, #tpu.memory_space<vmem_shared>>
          tpu.wait_dma2 semaphore(%run_scoped3A_111 : memref<!tpu.dma_semaphore, #tpu.memory_space<semaphore_mem>>) src(%arg11 : memref<32x128xf32, #tpu.memory_space<vmem>>) dst(%dma_wait3A_117 : memref<32x128xf32, #tpu.memory_space<vmem_shared>>)
          tpu.yield
        }) : () -> ()
        %scan3A_110 = arith.constant 0 : i32
        scf.yield %scan3A_110 : i32
      }
      %scan3A_81 = arith.constant 20 : i32
      %barrier3A_82 = arith.constant 0 : index
      tpu.barrier barrier_id(%barrier3A_82)
      %scan3A_83 = arith.constant 0 : i32
      %scan3A_84 = arith.constant 0 : i32
      %scan3A_85 = arith.constant 20 : i32
      %scan3A_86 = arith.addi %scan3A_84, %scan3A_85 : i32
      %scan3A_87 = arith.constant 1 : i32
      %scan3A_88 = scf.for %scan3A_105 = %scan3A_84 to %scan3A_86 step %scan3A_87 iter_args(%scan3A_106 = %scan3A_83) -> (i32)  : i32 {
        %mul3A_107 = arith.constant 16 : i32
        %mul3A_108 = arith.muli %scan3A_105, %mul3A_107 : i32
        "tpu.region"() ({
          %run_scoped3A_878 = tpu.sem_alloc : memref<!tpu.dma_semaphore, #tpu.memory_space<semaphore_mem>>
          %dma_start3A_879 = arith.constant 0 : i32
          %dma_start3A_880 = tpu.memref_slice %arg3[%arg1, %mul3A_108, %dma_start3A_879] : memref<16x320x64xi32, #tpu.memory_space<hbm>> -> memref<1x16x64xi32, #tpu.memory_space<hbm>>
          %dma_start3A_881 = tpu.memref_squeeze %dma_start3A_880 : memref<1x16x64xi32, #tpu.memory_space<hbm>> -> memref<16x64xi32, #tpu.memory_space<hbm>>
          %dma_start3A_882 = arith.constant 0 : i32
          %dma_start3A_883 = tpu.memref_slice %arg3[%arg1, %mul3A_108, %dma_start3A_882] : memref<16x320x64xi32, #tpu.memory_space<hbm>> -> memref<1x16x64xi32, #tpu.memory_space<hbm>>
          %dma_start3A_884 = tpu.memref_squeeze %dma_start3A_883 : memref<1x16x64xi32, #tpu.memory_space<hbm>> -> memref<16x64xi32, #tpu.memory_space<hbm>>
          tpu.enqueue_dma source(%dma_start3A_884 : memref<16x64xi32, #tpu.memory_space<hbm>>) target(%arg15 : memref<16x64xi32, #tpu.memory_space<vmem>>) target_semaphore(%run_scoped3A_878 : memref<!tpu.dma_semaphore, #tpu.memory_space<semaphore_mem>>)
          %dma_wait3A_885 = arith.constant 0 : i32
          %dma_wait3A_886 = tpu.memref_slice %arg3[%arg1, %mul3A_108, %dma_wait3A_885] : memref<16x320x64xi32, #tpu.memory_space<hbm>> -> memref<1x16x64xi32, #tpu.memory_space<hbm>>
          %dma_wait3A_887 = tpu.memref_squeeze %dma_wait3A_886 : memref<1x16x64xi32, #tpu.memory_space<hbm>> -> memref<16x64xi32, #tpu.memory_space<hbm>>
          %dma_wait3A_888 = arith.constant 0 : i32
          %dma_wait3A_889 = tpu.memref_slice %arg3[%arg1, %mul3A_108, %dma_wait3A_888] : memref<16x320x64xi32, #tpu.memory_space<hbm>> -> memref<1x16x64xi32, #tpu.memory_space<hbm>>
          %dma_wait3A_890 = tpu.memref_squeeze %dma_wait3A_889 : memref<1x16x64xi32, #tpu.memory_space<hbm>> -> memref<16x64xi32, #tpu.memory_space<hbm>>
          tpu.wait_dma2 semaphore(%run_scoped3A_878 : memref<!tpu.dma_semaphore, #tpu.memory_space<semaphore_mem>>) src(%dma_wait3A_890 : memref<16x64xi32, #tpu.memory_space<hbm>>) dst(%arg15 : memref<16x64xi32, #tpu.memory_space<vmem>>)
          tpu.yield
        }) : () -> ()
        %mul3A_109 = arith.constant 16 : i32
        %mul3A_110 = arith.muli %scan3A_105, %mul3A_109 : i32
        "tpu.region"() ({
          %run_scoped3A_878 = tpu.sem_alloc : memref<!tpu.dma_semaphore, #tpu.memory_space<semaphore_mem>>
          %dma_start3A_879 = arith.constant 0 : i32
          %dma_start3A_880 = tpu.memref_slice %arg4[%arg1, %mul3A_110, %dma_start3A_879] : memref<16x320x64xi32, #tpu.memory_space<hbm>> -> memref<1x16x64xi32, #tpu.memory_space<hbm>>
          %dma_start3A_881 = tpu.memref_squeeze %dma_start3A_880 : memref<1x16x64xi32, #tpu.memory_space<hbm>> -> memref<16x64xi32, #tpu.memory_space<hbm>>
          %dma_start3A_882 = arith.constant 0 : i32
          %dma_start3A_883 = tpu.memref_slice %arg4[%arg1, %mul3A_110, %dma_start3A_882] : memref<16x320x64xi32, #tpu.memory_space<hbm>> -> memref<1x16x64xi32, #tpu.memory_space<hbm>>
          %dma_start3A_884 = tpu.memref_squeeze %dma_start3A_883 : memref<1x16x64xi32, #tpu.memory_space<hbm>> -> memref<16x64xi32, #tpu.memory_space<hbm>>
          tpu.enqueue_dma source(%dma_start3A_884 : memref<16x64xi32, #tpu.memory_space<hbm>>) target(%arg16 : memref<16x64xi32, #tpu.memory_space<vmem>>) target_semaphore(%run_scoped3A_878 : memref<!tpu.dma_semaphore, #tpu.memory_space<semaphore_mem>>)
          %dma_wait3A_885 = arith.constant 0 : i32
          %dma_wait3A_886 = tpu.memref_slice %arg4[%arg1, %mul3A_110, %dma_wait3A_885] : memref<16x320x64xi32, #tpu.memory_space<hbm>> -> memref<1x16x64xi32, #tpu.memory_space<hbm>>
          %dma_wait3A_887 = tpu.memref_squeeze %dma_wait3A_886 : memref<1x16x64xi32, #tpu.memory_space<hbm>> -> memref<16x64xi32, #tpu.memory_space<hbm>>
          %dma_wait3A_888 = arith.constant 0 : i32
          %dma_wait3A_889 = tpu.memref_slice %arg4[%arg1, %mul3A_110, %dma_wait3A_888] : memref<16x320x64xi32, #tpu.memory_space<hbm>> -> memref<1x16x64xi32, #tpu.memory_space<hbm>>
          %dma_wait3A_890 = tpu.memref_squeeze %dma_wait3A_889 : memref<1x16x64xi32, #tpu.memory_space<hbm>> -> memref<16x64xi32, #tpu.memory_space<hbm>>
          tpu.wait_dma2 semaphore(%run_scoped3A_878 : memref<!tpu.dma_semaphore, #tpu.memory_space<semaphore_mem>>) src(%dma_wait3A_890 : memref<16x64xi32, #tpu.memory_space<hbm>>) dst(%arg16 : memref<16x64xi32, #tpu.memory_space<vmem>>)
          tpu.yield
        }) : () -> ()
        %dma_start3A = arith.constant 0 : i32
        %dma_start3A_111 = arith.constant 0 : i32
        %dma_start3A_112 = arith.constant 0 : i32
        %dma_start3A_113 = arith.constant 0 : i32
        %dma_start3A_114 = tpu.memref_slice %arg10[%dma_start3A_111, %dma_start3A_112, %dma_start3A_113] : memref<4x64x128xf32, #tpu.memory_space<vmem>> -> memref<1x64x128xf32, #tpu.memory_space<vmem>>
        %dma_start3A_115 = tpu.memref_squeeze %dma_start3A_114 : memref<1x64x128xf32, #tpu.memory_space<vmem>> -> memref<64x128xf32, #tpu.memory_space<vmem>>
        %dma_start3A_116 = arith.constant 0 : i32
        %dma_start3A_117 = tpu.memref_slice %arg15[%dma_start3A, %dma_start3A_116] : memref<16x64xi32, #tpu.memory_space<vmem>> -> memref<1x64xi32, #tpu.memory_space<vmem>>
        %dma_start3A_118 = tpu.memref_squeeze %dma_start3A_117 : memref<1x64xi32, #tpu.memory_space<vmem>> -> memref<64xi32, #tpu.memory_space<vmem>>
        %dma_start3A_119 = arith.constant 0 : i32
        %dma_start3A_120 = arith.constant 0 : i32
        %dma_start3A_121 = tpu.memref_slice %arg8[%dma_start3A_119, %dma_start3A_120] : memref<10240x128xf32, #tpu.memory_space<hbm>> -> memref<10240x128xf32, #tpu.memory_space<hbm>>
        tpu.enqueue_indirect_dma source(%dma_start3A_121 : memref<10240x128xf32, #tpu.memory_space<hbm>>) target(%dma_start3A_115 : memref<64x128xf32, #tpu.memory_space<vmem>>) offsets(%dma_start3A_118 : memref<64xi32, #tpu.memory_space<vmem>>) semaphore(%arg19 : memref<!tpu.dma_semaphore, #tpu.memory_space<semaphore_mem>>)
        %dma_start3A_122 = arith.constant 1 : i32
        %dma_start3A_123 = arith.constant 1 : i32
        %dma_start3A_124 = arith.constant 0 : i32
        %dma_start3A_125 = arith.constant 0 : i32
        %dma_start3A_126 = tpu.memref_slice %arg10[%dma_start3A_123, %dma_start3A_124, %dma_start3A_125] : memref<4x64x128xf32, #tpu.memory_space<vmem>> -> memref<1x64x128xf32, #tpu.memory_space<vmem>>
        %dma_start3A_127 = tpu.memref_squeeze %dma_start3A_126 : memref<1x64x128xf32, #tpu.memory_space<vmem>> -> memref<64x128xf32, #tpu.memory_space<vmem>>
        %dma_start3A_128 = arith.constant 0 : i32
        %dma_start3A_129 = tpu.memref_slice %arg15[%dma_start3A_122, %dma_start3A_128] : memref<16x64xi32, #tpu.memory_space<vmem>> -> memref<1x64xi32, #tpu.memory_space<vmem>>
        %dma_start3A_130 = tpu.memref_squeeze %dma_start3A_129 : memref<1x64xi32, #tpu.memory_space<vmem>> -> memref<64xi32, #tpu.memory_space<vmem>>
        %dma_start3A_131 = arith.constant 0 : i32
        %dma_start3A_132 = arith.constant 0 : i32
        %dma_start3A_133 = tpu.memref_slice %arg8[%dma_start3A_131, %dma_start3A_132] : memref<10240x128xf32, #tpu.memory_space<hbm>> -> memref<10240x128xf32, #tpu.memory_space<hbm>>
        tpu.enqueue_indirect_dma source(%dma_start3A_133 : memref<10240x128xf32, #tpu.memory_space<hbm>>) target(%dma_start3A_127 : memref<64x128xf32, #tpu.memory_space<vmem>>) offsets(%dma_start3A_130 : memref<64xi32, #tpu.memory_space<vmem>>) semaphore(%arg20 : memref<!tpu.dma_semaphore, #tpu.memory_space<semaphore_mem>>)
        %dma_start3A_134 = arith.constant 2 : i32
        %dma_start3A_135 = arith.constant 2 : i32
        %dma_start3A_136 = arith.constant 0 : i32
        %dma_start3A_137 = arith.constant 0 : i32
        %dma_start3A_138 = tpu.memref_slice %arg10[%dma_start3A_135, %dma_start3A_136, %dma_start3A_137] : memref<4x64x128xf32, #tpu.memory_space<vmem>> -> memref<1x64x128xf32, #tpu.memory_space<vmem>>
        %dma_start3A_139 = tpu.memref_squeeze %dma_start3A_138 : memref<1x64x128xf32, #tpu.memory_space<vmem>> -> memref<64x128xf32, #tpu.memory_space<vmem>>
        %dma_start3A_140 = arith.constant 0 : i32
        %dma_start3A_141 = tpu.memref_slice %arg15[%dma_start3A_134, %dma_start3A_140] : memref<16x64xi32, #tpu.memory_space<vmem>> -> memref<1x64xi32, #tpu.memory_space<vmem>>
        %dma_start3A_142 = tpu.memref_squeeze %dma_start3A_141 : memref<1x64xi32, #tpu.memory_space<vmem>> -> memref<64xi32, #tpu.memory_space<vmem>>
        %dma_start3A_143 = arith.constant 0 : i32
        %dma_start3A_144 = arith.constant 0 : i32
        %dma_start3A_145 = tpu.memref_slice %arg8[%dma_start3A_143, %dma_start3A_144] : memref<10240x128xf32, #tpu.memory_space<hbm>> -> memref<10240x128xf32, #tpu.memory_space<hbm>>
        tpu.enqueue_indirect_dma source(%dma_start3A_145 : memref<10240x128xf32, #tpu.memory_space<hbm>>) target(%dma_start3A_139 : memref<64x128xf32, #tpu.memory_space<vmem>>) offsets(%dma_start3A_142 : memref<64xi32, #tpu.memory_space<vmem>>) semaphore(%arg21 : memref<!tpu.dma_semaphore, #tpu.memory_space<semaphore_mem>>)
        %dma_start3A_146 = arith.constant 3 : i32
        %dma_start3A_147 = arith.constant 3 : i32
        %dma_start3A_148 = arith.constant 0 : i32
        %dma_start3A_149 = arith.constant 0 : i32
        %dma_start3A_150 = tpu.memref_slice %arg10[%dma_start3A_147, %dma_start3A_148, %dma_start3A_149] : memref<4x64x128xf32, #tpu.memory_space<vmem>> -> memref<1x64x128xf32, #tpu.memory_space<vmem>>
        %dma_start3A_151 = tpu.memref_squeeze %dma_start3A_150 : memref<1x64x128xf32, #tpu.memory_space<vmem>> -> memref<64x128xf32, #tpu.memory_space<vmem>>
        %dma_start3A_152 = arith.constant 0 : i32
        %dma_start3A_153 = tpu.memref_slice %arg15[%dma_start3A_146, %dma_start3A_152] : memref<16x64xi32, #tpu.memory_space<vmem>> -> memref<1x64xi32, #tpu.memory_space<vmem>>
        %dma_start3A_154 = tpu.memref_squeeze %dma_start3A_153 : memref<1x64xi32, #tpu.memory_space<vmem>> -> memref<64xi32, #tpu.memory_space<vmem>>
        %dma_start3A_155 = arith.constant 0 : i32
        %dma_start3A_156 = arith.constant 0 : i32
        %dma_start3A_157 = tpu.memref_slice %arg8[%dma_start3A_155, %dma_start3A_156] : memref<10240x128xf32, #tpu.memory_space<hbm>> -> memref<10240x128xf32, #tpu.memory_space<hbm>>
        tpu.enqueue_indirect_dma source(%dma_start3A_157 : memref<10240x128xf32, #tpu.memory_space<hbm>>) target(%dma_start3A_151 : memref<64x128xf32, #tpu.memory_space<vmem>>) offsets(%dma_start3A_154 : memref<64xi32, #tpu.memory_space<vmem>>) semaphore(%arg22 : memref<!tpu.dma_semaphore, #tpu.memory_space<semaphore_mem>>)
        %dma_wait3A = arith.constant 0 : i32
        %dma_wait3A_158 = arith.constant 0 : i32
        %dma_wait3A_159 = arith.constant 0 : i32
        %dma_wait3A_160 = arith.constant 0 : i32
        %dma_wait3A_161 = tpu.memref_slice %arg10[%dma_wait3A_158, %dma_wait3A_159, %dma_wait3A_160] : memref<4x64x128xf32, #tpu.memory_space<vmem>> -> memref<1x64x128xf32, #tpu.memory_space<vmem>>
        %dma_wait3A_162 = tpu.memref_squeeze %dma_wait3A_161 : memref<1x64x128xf32, #tpu.memory_space<vmem>> -> memref<64x128xf32, #tpu.memory_space<vmem>>
        %dma_wait3A_163 = arith.constant 0 : i32
        %dma_wait3A_164 = tpu.memref_slice %arg15[%dma_wait3A, %dma_wait3A_163] : memref<16x64xi32, #tpu.memory_space<vmem>> -> memref<1x64xi32, #tpu.memory_space<vmem>>
        %dma_wait3A_165 = tpu.memref_squeeze %dma_wait3A_164 : memref<1x64xi32, #tpu.memory_space<vmem>> -> memref<64xi32, #tpu.memory_space<vmem>>
        %dma_wait3A_166 = arith.constant 0 : i32
        %dma_wait3A_167 = arith.constant 0 : i32
        %dma_wait3A_168 = tpu.memref_slice %arg8[%dma_wait3A_166, %dma_wait3A_167] : memref<10240x128xf32, #tpu.memory_space<hbm>> -> memref<10240x128xf32, #tpu.memory_space<hbm>>
        tpu.wait_indirect_dma semaphore(%arg19 : memref<!tpu.dma_semaphore, #tpu.memory_space<semaphore_mem>>) src(%dma_wait3A_168 : memref<10240x128xf32, #tpu.memory_space<hbm>>) dst(%dma_wait3A_162 : memref<64x128xf32, #tpu.memory_space<vmem>>)
        %dma_start3A_169 = arith.constant 0 : i32
        %dma_start3A_170 = arith.constant 0 : i32
        %dma_start3A_171 = arith.constant 0 : i32
        %dma_start3A_172 = arith.constant 0 : i32
        %dma_start3A_173 = tpu.memref_slice %arg10[%dma_start3A_169, %dma_start3A_171, %dma_start3A_172] : memref<4x64x128xf32, #tpu.memory_space<vmem>> -> memref<1x64x128xf32, #tpu.memory_space<vmem>>
        %dma_start3A_174 = tpu.memref_squeeze %dma_start3A_173 : memref<1x64x128xf32, #tpu.memory_space<vmem>> -> memref<64x128xf32, #tpu.memory_space<vmem>>
        %dma_start3A_175 = arith.constant 0 : i32
        %dma_start3A_176 = tpu.memref_slice %arg16[%dma_start3A_170, %dma_start3A_175] : memref<16x64xi32, #tpu.memory_space<vmem>> -> memref<1x64xi32, #tpu.memory_space<vmem>>
        %dma_start3A_177 = tpu.memref_squeeze %dma_start3A_176 : memref<1x64xi32, #tpu.memory_space<vmem>> -> memref<64xi32, #tpu.memory_space<vmem>>
        %dma_start3A_178 = arith.constant 0 : i32
        %dma_start3A_179 = arith.constant 0 : i32
        %dma_start3A_180 = tpu.memref_slice %arg9[%dma_start3A_178, %dma_start3A_179] : memref<10240x128xf32, #tpu.memory_space<vmem_shared>> -> memref<10240x128xf32, #tpu.memory_space<vmem_shared>>
        tpu.enqueue_indirect_dma source(%dma_start3A_174 : memref<64x128xf32, #tpu.memory_space<vmem>>) target(%dma_start3A_180 : memref<10240x128xf32, #tpu.memory_space<vmem_shared>>) offsets(%dma_start3A_177 : memref<64xi32, #tpu.memory_space<vmem>>) semaphore(%arg23 : memref<!tpu.dma_semaphore, #tpu.memory_space<semaphore_mem>>) {add = true}
        %dma_wait3A_181 = arith.constant 0 : i32
        %dma_wait3A_182 = arith.constant 0 : i32
        %dma_wait3A_183 = arith.constant 0 : i32
        %dma_wait3A_184 = arith.constant 0 : i32
        %dma_wait3A_185 = tpu.memref_slice %arg10[%dma_wait3A_181, %dma_wait3A_183, %dma_wait3A_184] : memref<4x64x128xf32, #tpu.memory_space<vmem>> -> memref<1x64x128xf32, #tpu.memory_space<vmem>>
        %dma_wait3A_186 = tpu.memref_squeeze %dma_wait3A_185 : memref<1x64x128xf32, #tpu.memory_space<vmem>> -> memref<64x128xf32, #tpu.memory_space<vmem>>
        %dma_wait3A_187 = arith.constant 0 : i32
        %dma_wait3A_188 = tpu.memref_slice %arg16[%dma_wait3A_182, %dma_wait3A_187] : memref<16x64xi32, #tpu.memory_space<vmem>> -> memref<1x64xi32, #tpu.memory_space<vmem>>
        %dma_wait3A_189 = tpu.memref_squeeze %dma_wait3A_188 : memref<1x64xi32, #tpu.memory_space<vmem>> -> memref<64xi32, #tpu.memory_space<vmem>>
        %dma_wait3A_190 = arith.constant 0 : i32
        %dma_wait3A_191 = arith.constant 0 : i32
        %dma_wait3A_192 = tpu.memref_slice %arg9[%dma_wait3A_190, %dma_wait3A_191] : memref<10240x128xf32, #tpu.memory_space<vmem_shared>> -> memref<10240x128xf32, #tpu.memory_space<vmem_shared>>
        tpu.wait_indirect_dma semaphore(%arg23 : memref<!tpu.dma_semaphore, #tpu.memory_space<semaphore_mem>>) src(%dma_wait3A_186 : memref<64x128xf32, #tpu.memory_space<vmem>>) dst(%dma_wait3A_192 : memref<10240x128xf32, #tpu.memory_space<vmem_shared>>)
        %dma_start3A_193 = arith.constant 4 : i32
        %dma_start3A_194 = arith.constant 0 : i32
        %dma_start3A_195 = arith.constant 0 : i32
        %dma_start3A_196 = arith.constant 0 : i32
        %dma_start3A_197 = tpu.memref_slice %arg10[%dma_start3A_194, %dma_start3A_195, %dma_start3A_196] : memref<4x64x128xf32, #tpu.memory_space<vmem>> -> memref<1x64x128xf32, #tpu.memory_space<vmem>>
        %dma_start3A_198 = tpu.memref_squeeze %dma_start3A_197 : memref<1x64x128xf32, #tpu.memory_space<vmem>> -> memref<64x128xf32, #tpu.memory_space<vmem>>
        %dma_start3A_199 = arith.constant 0 : i32
        %dma_start3A_200 = tpu.memref_slice %arg15[%dma_start3A_193, %dma_start3A_199] : memref<16x64xi32, #tpu.memory_space<vmem>> -> memref<1x64xi32, #tpu.memory_space<vmem>>
        %dma_start3A_201 = tpu.memref_squeeze %dma_start3A_200 : memref<1x64xi32, #tpu.memory_space<vmem>> -> memref<64xi32, #tpu.memory_space<vmem>>
        %dma_start3A_202 = arith.constant 0 : i32
        %dma_start3A_203 = arith.constant 0 : i32
        %dma_start3A_204 = tpu.memref_slice %arg8[%dma_start3A_202, %dma_start3A_203] : memref<10240x128xf32, #tpu.memory_space<hbm>> -> memref<10240x128xf32, #tpu.memory_space<hbm>>
        tpu.enqueue_indirect_dma source(%dma_start3A_204 : memref<10240x128xf32, #tpu.memory_space<hbm>>) target(%dma_start3A_198 : memref<64x128xf32, #tpu.memory_space<vmem>>) offsets(%dma_start3A_201 : memref<64xi32, #tpu.memory_space<vmem>>) semaphore(%arg19 : memref<!tpu.dma_semaphore, #tpu.memory_space<semaphore_mem>>)
        %dma_wait3A_205 = arith.constant 1 : i32
        %dma_wait3A_206 = arith.constant 1 : i32
        %dma_wait3A_207 = arith.constant 0 : i32
        %dma_wait3A_208 = arith.constant 0 : i32
        %dma_wait3A_209 = tpu.memref_slice %arg10[%dma_wait3A_206, %dma_wait3A_207, %dma_wait3A_208] : memref<4x64x128xf32, #tpu.memory_space<vmem>> -> memref<1x64x128xf32, #tpu.memory_space<vmem>>
        %dma_wait3A_210 = tpu.memref_squeeze %dma_wait3A_209 : memref<1x64x128xf32, #tpu.memory_space<vmem>> -> memref<64x128xf32, #tpu.memory_space<vmem>>
        %dma_wait3A_211 = arith.constant 0 : i32
        %dma_wait3A_212 = tpu.memref_slice %arg15[%dma_wait3A_205, %dma_wait3A_211] : memref<16x64xi32, #tpu.memory_space<vmem>> -> memref<1x64xi32, #tpu.memory_space<vmem>>
        %dma_wait3A_213 = tpu.memref_squeeze %dma_wait3A_212 : memref<1x64xi32, #tpu.memory_space<vmem>> -> memref<64xi32, #tpu.memory_space<vmem>>
        %dma_wait3A_214 = arith.constant 0 : i32
        %dma_wait3A_215 = arith.constant 0 : i32
        %dma_wait3A_216 = tpu.memref_slice %arg8[%dma_wait3A_214, %dma_wait3A_215] : memref<10240x128xf32, #tpu.memory_space<hbm>> -> memref<10240x128xf32, #tpu.memory_space<hbm>>
        tpu.wait_indirect_dma semaphore(%arg20 : memref<!tpu.dma_semaphore, #tpu.memory_space<semaphore_mem>>) src(%dma_wait3A_216 : memref<10240x128xf32, #tpu.memory_space<hbm>>) dst(%dma_wait3A_210 : memref<64x128xf32, #tpu.memory_space<vmem>>)
        %dma_start3A_217 = arith.constant 1 : i32
        %dma_start3A_218 = arith.constant 1 : i32
        %dma_start3A_219 = arith.constant 0 : i32
        %dma_start3A_220 = arith.constant 0 : i32
        %dma_start3A_221 = tpu.memref_slice %arg10[%dma_start3A_217, %dma_start3A_219, %dma_start3A_220] : memref<4x64x128xf32, #tpu.memory_space<vmem>> -> memref<1x64x128xf32, #tpu.memory_space<vmem>>
        %dma_start3A_222 = tpu.memref_squeeze %dma_start3A_221 : memref<1x64x128xf32, #tpu.memory_space<vmem>> -> memref<64x128xf32, #tpu.memory_space<vmem>>
        %dma_start3A_223 = arith.constant 0 : i32
        %dma_start3A_224 = tpu.memref_slice %arg16[%dma_start3A_218, %dma_start3A_223] : memref<16x64xi32, #tpu.memory_space<vmem>> -> memref<1x64xi32, #tpu.memory_space<vmem>>
        %dma_start3A_225 = tpu.memref_squeeze %dma_start3A_224 : memref<1x64xi32, #tpu.memory_space<vmem>> -> memref<64xi32, #tpu.memory_space<vmem>>
        %dma_start3A_226 = arith.constant 0 : i32
        %dma_start3A_227 = arith.constant 0 : i32
        %dma_start3A_228 = tpu.memref_slice %arg9[%dma_start3A_226, %dma_start3A_227] : memref<10240x128xf32, #tpu.memory_space<vmem_shared>> -> memref<10240x128xf32, #tpu.memory_space<vmem_shared>>
        tpu.enqueue_indirect_dma source(%dma_start3A_222 : memref<64x128xf32, #tpu.memory_space<vmem>>) target(%dma_start3A_228 : memref<10240x128xf32, #tpu.memory_space<vmem_shared>>) offsets(%dma_start3A_225 : memref<64xi32, #tpu.memory_space<vmem>>) semaphore(%arg24 : memref<!tpu.dma_semaphore, #tpu.memory_space<semaphore_mem>>) {add = true}
        %dma_wait3A_229 = arith.constant 1 : i32
        %dma_wait3A_230 = arith.constant 1 : i32
        %dma_wait3A_231 = arith.constant 0 : i32
        %dma_wait3A_232 = arith.constant 0 : i32
        %dma_wait3A_233 = tpu.memref_slice %arg10[%dma_wait3A_229, %dma_wait3A_231, %dma_wait3A_232] : memref<4x64x128xf32, #tpu.memory_space<vmem>> -> memref<1x64x128xf32, #tpu.memory_space<vmem>>
        %dma_wait3A_234 = tpu.memref_squeeze %dma_wait3A_233 : memref<1x64x128xf32, #tpu.memory_space<vmem>> -> memref<64x128xf32, #tpu.memory_space<vmem>>
        %dma_wait3A_235 = arith.constant 0 : i32
        %dma_wait3A_236 = tpu.memref_slice %arg16[%dma_wait3A_230, %dma_wait3A_235] : memref<16x64xi32, #tpu.memory_space<vmem>> -> memref<1x64xi32, #tpu.memory_space<vmem>>
        %dma_wait3A_237 = tpu.memref_squeeze %dma_wait3A_236 : memref<1x64xi32, #tpu.memory_space<vmem>> -> memref<64xi32, #tpu.memory_space<vmem>>
        %dma_wait3A_238 = arith.constant 0 : i32
        %dma_wait3A_239 = arith.constant 0 : i32
        %dma_wait3A_240 = tpu.memref_slice %arg9[%dma_wait3A_238, %dma_wait3A_239] : memref<10240x128xf32, #tpu.memory_space<vmem_shared>> -> memref<10240x128xf32, #tpu.memory_space<vmem_shared>>
        tpu.wait_indirect_dma semaphore(%arg24 : memref<!tpu.dma_semaphore, #tpu.memory_space<semaphore_mem>>) src(%dma_wait3A_234 : memref<64x128xf32, #tpu.memory_space<vmem>>) dst(%dma_wait3A_240 : memref<10240x128xf32, #tpu.memory_space<vmem_shared>>)
        %dma_start3A_241 = arith.constant 5 : i32
        %dma_start3A_242 = arith.constant 1 : i32
        %dma_start3A_243 = arith.constant 0 : i32
        %dma_start3A_244 = arith.constant 0 : i32
        %dma_start3A_245 = tpu.memref_slice %arg10[%dma_start3A_242, %dma_start3A_243, %dma_start3A_244] : memref<4x64x128xf32, #tpu.memory_space<vmem>> -> memref<1x64x128xf32, #tpu.memory_space<vmem>>
        %dma_start3A_246 = tpu.memref_squeeze %dma_start3A_245 : memref<1x64x128xf32, #tpu.memory_space<vmem>> -> memref<64x128xf32, #tpu.memory_space<vmem>>
        %dma_start3A_247 = arith.constant 0 : i32
        %dma_start3A_248 = tpu.memref_slice %arg15[%dma_start3A_241, %dma_start3A_247] : memref<16x64xi32, #tpu.memory_space<vmem>> -> memref<1x64xi32, #tpu.memory_space<vmem>>
        %dma_start3A_249 = tpu.memref_squeeze %dma_start3A_248 : memref<1x64xi32, #tpu.memory_space<vmem>> -> memref<64xi32, #tpu.memory_space<vmem>>
        %dma_start3A_250 = arith.constant 0 : i32
        %dma_start3A_251 = arith.constant 0 : i32
        %dma_start3A_252 = tpu.memref_slice %arg8[%dma_start3A_250, %dma_start3A_251] : memref<10240x128xf32, #tpu.memory_space<hbm>> -> memref<10240x128xf32, #tpu.memory_space<hbm>>
        tpu.enqueue_indirect_dma source(%dma_start3A_252 : memref<10240x128xf32, #tpu.memory_space<hbm>>) target(%dma_start3A_246 : memref<64x128xf32, #tpu.memory_space<vmem>>) offsets(%dma_start3A_249 : memref<64xi32, #tpu.memory_space<vmem>>) semaphore(%arg20 : memref<!tpu.dma_semaphore, #tpu.memory_space<semaphore_mem>>)
        %dma_wait3A_253 = arith.constant 2 : i32
        %dma_wait3A_254 = arith.constant 2 : i32
        %dma_wait3A_255 = arith.constant 0 : i32
        %dma_wait3A_256 = arith.constant 0 : i32
        %dma_wait3A_257 = tpu.memref_slice %arg10[%dma_wait3A_254, %dma_wait3A_255, %dma_wait3A_256] : memref<4x64x128xf32, #tpu.memory_space<vmem>> -> memref<1x64x128xf32, #tpu.memory_space<vmem>>
        %dma_wait3A_258 = tpu.memref_squeeze %dma_wait3A_257 : memref<1x64x128xf32, #tpu.memory_space<vmem>> -> memref<64x128xf32, #tpu.memory_space<vmem>>
        %dma_wait3A_259 = arith.constant 0 : i32
        %dma_wait3A_260 = tpu.memref_slice %arg15[%dma_wait3A_253, %dma_wait3A_259] : memref<16x64xi32, #tpu.memory_space<vmem>> -> memref<1x64xi32, #tpu.memory_space<vmem>>
        %dma_wait3A_261 = tpu.memref_squeeze %dma_wait3A_260 : memref<1x64xi32, #tpu.memory_space<vmem>> -> memref<64xi32, #tpu.memory_space<vmem>>
        %dma_wait3A_262 = arith.constant 0 : i32
        %dma_wait3A_263 = arith.constant 0 : i32
        %dma_wait3A_264 = tpu.memref_slice %arg8[%dma_wait3A_262, %dma_wait3A_263] : memref<10240x128xf32, #tpu.memory_space<hbm>> -> memref<10240x128xf32, #tpu.memory_space<hbm>>
        tpu.wait_indirect_dma semaphore(%arg21 : memref<!tpu.dma_semaphore, #tpu.memory_space<semaphore_mem>>) src(%dma_wait3A_264 : memref<10240x128xf32, #tpu.memory_space<hbm>>) dst(%dma_wait3A_258 : memref<64x128xf32, #tpu.memory_space<vmem>>)
        %dma_start3A_265 = arith.constant 2 : i32
        %dma_start3A_266 = arith.constant 2 : i32
        %dma_start3A_267 = arith.constant 0 : i32
        %dma_start3A_268 = arith.constant 0 : i32
        %dma_start3A_269 = tpu.memref_slice %arg10[%dma_start3A_265, %dma_start3A_267, %dma_start3A_268] : memref<4x64x128xf32, #tpu.memory_space<vmem>> -> memref<1x64x128xf32, #tpu.memory_space<vmem>>
        %dma_start3A_270 = tpu.memref_squeeze %dma_start3A_269 : memref<1x64x128xf32, #tpu.memory_space<vmem>> -> memref<64x128xf32, #tpu.memory_space<vmem>>
        %dma_start3A_271 = arith.constant 0 : i32
        %dma_start3A_272 = tpu.memref_slice %arg16[%dma_start3A_266, %dma_start3A_271] : memref<16x64xi32, #tpu.memory_space<vmem>> -> memref<1x64xi32, #tpu.memory_space<vmem>>
        %dma_start3A_273 = tpu.memref_squeeze %dma_start3A_272 : memref<1x64xi32, #tpu.memory_space<vmem>> -> memref<64xi32, #tpu.memory_space<vmem>>
        %dma_start3A_274 = arith.constant 0 : i32
        %dma_start3A_275 = arith.constant 0 : i32
        %dma_start3A_276 = tpu.memref_slice %arg9[%dma_start3A_274, %dma_start3A_275] : memref<10240x128xf32, #tpu.memory_space<vmem_shared>> -> memref<10240x128xf32, #tpu.memory_space<vmem_shared>>
        tpu.enqueue_indirect_dma source(%dma_start3A_270 : memref<64x128xf32, #tpu.memory_space<vmem>>) target(%dma_start3A_276 : memref<10240x128xf32, #tpu.memory_space<vmem_shared>>) offsets(%dma_start3A_273 : memref<64xi32, #tpu.memory_space<vmem>>) semaphore(%arg25 : memref<!tpu.dma_semaphore, #tpu.memory_space<semaphore_mem>>) {add = true}
        %dma_wait3A_277 = arith.constant 2 : i32
        %dma_wait3A_278 = arith.constant 2 : i32
        %dma_wait3A_279 = arith.constant 0 : i32
        %dma_wait3A_280 = arith.constant 0 : i32
        %dma_wait3A_281 = tpu.memref_slice %arg10[%dma_wait3A_277, %dma_wait3A_279, %dma_wait3A_280] : memref<4x64x128xf32, #tpu.memory_space<vmem>> -> memref<1x64x128xf32, #tpu.memory_space<vmem>>
        %dma_wait3A_282 = tpu.memref_squeeze %dma_wait3A_281 : memref<1x64x128xf32, #tpu.memory_space<vmem>> -> memref<64x128xf32, #tpu.memory_space<vmem>>
        %dma_wait3A_283 = arith.constant 0 : i32
        %dma_wait3A_284 = tpu.memref_slice %arg16[%dma_wait3A_278, %dma_wait3A_283] : memref<16x64xi32, #tpu.memory_space<vmem>> -> memref<1x64xi32, #tpu.memory_space<vmem>>
        %dma_wait3A_285 = tpu.memref_squeeze %dma_wait3A_284 : memref<1x64xi32, #tpu.memory_space<vmem>> -> memref<64xi32, #tpu.memory_space<vmem>>
        %dma_wait3A_286 = arith.constant 0 : i32
        %dma_wait3A_287 = arith.constant 0 : i32
        %dma_wait3A_288 = tpu.memref_slice %arg9[%dma_wait3A_286, %dma_wait3A_287] : memref<10240x128xf32, #tpu.memory_space<vmem_shared>> -> memref<10240x128xf32, #tpu.memory_space<vmem_shared>>
        tpu.wait_indirect_dma semaphore(%arg25 : memref<!tpu.dma_semaphore, #tpu.memory_space<semaphore_mem>>) src(%dma_wait3A_282 : memref<64x128xf32, #tpu.memory_space<vmem>>) dst(%dma_wait3A_288 : memref<10240x128xf32, #tpu.memory_space<vmem_shared>>)
        %dma_start3A_289 = arith.constant 6 : i32
        %dma_start3A_290 = arith.constant 2 : i32
        %dma_start3A_291 = arith.constant 0 : i32
        %dma_start3A_292 = arith.constant 0 : i32
        %dma_start3A_293 = tpu.memref_slice %arg10[%dma_start3A_290, %dma_start3A_291, %dma_start3A_292] : memref<4x64x128xf32, #tpu.memory_space<vmem>> -> memref<1x64x128xf32, #tpu.memory_space<vmem>>
        %dma_start3A_294 = tpu.memref_squeeze %dma_start3A_293 : memref<1x64x128xf32, #tpu.memory_space<vmem>> -> memref<64x128xf32, #tpu.memory_space<vmem>>
        %dma_start3A_295 = arith.constant 0 : i32
        %dma_start3A_296 = tpu.memref_slice %arg15[%dma_start3A_289, %dma_start3A_295] : memref<16x64xi32, #tpu.memory_space<vmem>> -> memref<1x64xi32, #tpu.memory_space<vmem>>
        %dma_start3A_297 = tpu.memref_squeeze %dma_start3A_296 : memref<1x64xi32, #tpu.memory_space<vmem>> -> memref<64xi32, #tpu.memory_space<vmem>>
        %dma_start3A_298 = arith.constant 0 : i32
        %dma_start3A_299 = arith.constant 0 : i32
        %dma_start3A_300 = tpu.memref_slice %arg8[%dma_start3A_298, %dma_start3A_299] : memref<10240x128xf32, #tpu.memory_space<hbm>> -> memref<10240x128xf32, #tpu.memory_space<hbm>>
        tpu.enqueue_indirect_dma source(%dma_start3A_300 : memref<10240x128xf32, #tpu.memory_space<hbm>>) target(%dma_start3A_294 : memref<64x128xf32, #tpu.memory_space<vmem>>) offsets(%dma_start3A_297 : memref<64xi32, #tpu.memory_space<vmem>>) semaphore(%arg21 : memref<!tpu.dma_semaphore, #tpu.memory_space<semaphore_mem>>)
        %dma_wait3A_301 = arith.constant 3 : i32
        %dma_wait3A_302 = arith.constant 3 : i32
        %dma_wait3A_303 = arith.constant 0 : i32
        %dma_wait3A_304 = arith.constant 0 : i32
        %dma_wait3A_305 = tpu.memref_slice %arg10[%dma_wait3A_302, %dma_wait3A_303, %dma_wait3A_304] : memref<4x64x128xf32, #tpu.memory_space<vmem>> -> memref<1x64x128xf32, #tpu.memory_space<vmem>>
        %dma_wait3A_306 = tpu.memref_squeeze %dma_wait3A_305 : memref<1x64x128xf32, #tpu.memory_space<vmem>> -> memref<64x128xf32, #tpu.memory_space<vmem>>
        %dma_wait3A_307 = arith.constant 0 : i32
        %dma_wait3A_308 = tpu.memref_slice %arg15[%dma_wait3A_301, %dma_wait3A_307] : memref<16x64xi32, #tpu.memory_space<vmem>> -> memref<1x64xi32, #tpu.memory_space<vmem>>
        %dma_wait3A_309 = tpu.memref_squeeze %dma_wait3A_308 : memref<1x64xi32, #tpu.memory_space<vmem>> -> memref<64xi32, #tpu.memory_space<vmem>>
        %dma_wait3A_310 = arith.constant 0 : i32
        %dma_wait3A_311 = arith.constant 0 : i32
        %dma_wait3A_312 = tpu.memref_slice %arg8[%dma_wait3A_310, %dma_wait3A_311] : memref<10240x128xf32, #tpu.memory_space<hbm>> -> memref<10240x128xf32, #tpu.memory_space<hbm>>
        tpu.wait_indirect_dma semaphore(%arg22 : memref<!tpu.dma_semaphore, #tpu.memory_space<semaphore_mem>>) src(%dma_wait3A_312 : memref<10240x128xf32, #tpu.memory_space<hbm>>) dst(%dma_wait3A_306 : memref<64x128xf32, #tpu.memory_space<vmem>>)
        %dma_start3A_313 = arith.constant 3 : i32
        %dma_start3A_314 = arith.constant 3 : i32
        %dma_start3A_315 = arith.constant 0 : i32
        %dma_start3A_316 = arith.constant 0 : i32
        %dma_start3A_317 = tpu.memref_slice %arg10[%dma_start3A_313, %dma_start3A_315, %dma_start3A_316] : memref<4x64x128xf32, #tpu.memory_space<vmem>> -> memref<1x64x128xf32, #tpu.memory_space<vmem>>
        %dma_start3A_318 = tpu.memref_squeeze %dma_start3A_317 : memref<1x64x128xf32, #tpu.memory_space<vmem>> -> memref<64x128xf32, #tpu.memory_space<vmem>>
        %dma_start3A_319 = arith.constant 0 : i32
        %dma_start3A_320 = tpu.memref_slice %arg16[%dma_start3A_314, %dma_start3A_319] : memref<16x64xi32, #tpu.memory_space<vmem>> -> memref<1x64xi32, #tpu.memory_space<vmem>>
        %dma_start3A_321 = tpu.memref_squeeze %dma_start3A_320 : memref<1x64xi32, #tpu.memory_space<vmem>> -> memref<64xi32, #tpu.memory_space<vmem>>
        %dma_start3A_322 = arith.constant 0 : i32
        %dma_start3A_323 = arith.constant 0 : i32
        %dma_start3A_324 = tpu.memref_slice %arg9[%dma_start3A_322, %dma_start3A_323] : memref<10240x128xf32, #tpu.memory_space<vmem_shared>> -> memref<10240x128xf32, #tpu.memory_space<vmem_shared>>
        tpu.enqueue_indirect_dma source(%dma_start3A_318 : memref<64x128xf32, #tpu.memory_space<vmem>>) target(%dma_start3A_324 : memref<10240x128xf32, #tpu.memory_space<vmem_shared>>) offsets(%dma_start3A_321 : memref<64xi32, #tpu.memory_space<vmem>>) semaphore(%arg26 : memref<!tpu.dma_semaphore, #tpu.memory_space<semaphore_mem>>) {add = true}
        %dma_wait3A_325 = arith.constant 3 : i32
        %dma_wait3A_326 = arith.constant 3 : i32
        %dma_wait3A_327 = arith.constant 0 : i32
        %dma_wait3A_328 = arith.constant 0 : i32
        %dma_wait3A_329 = tpu.memref_slice %arg10[%dma_wait3A_325, %dma_wait3A_327, %dma_wait3A_328] : memref<4x64x128xf32, #tpu.memory_space<vmem>> -> memref<1x64x128xf32, #tpu.memory_space<vmem>>
        %dma_wait3A_330 = tpu.memref_squeeze %dma_wait3A_329 : memref<1x64x128xf32, #tpu.memory_space<vmem>> -> memref<64x128xf32, #tpu.memory_space<vmem>>
        %dma_wait3A_331 = arith.constant 0 : i32
        %dma_wait3A_332 = tpu.memref_slice %arg16[%dma_wait3A_326, %dma_wait3A_331] : memref<16x64xi32, #tpu.memory_space<vmem>> -> memref<1x64xi32, #tpu.memory_space<vmem>>
        %dma_wait3A_333 = tpu.memref_squeeze %dma_wait3A_332 : memref<1x64xi32, #tpu.memory_space<vmem>> -> memref<64xi32, #tpu.memory_space<vmem>>
        %dma_wait3A_334 = arith.constant 0 : i32
        %dma_wait3A_335 = arith.constant 0 : i32
        %dma_wait3A_336 = tpu.memref_slice %arg9[%dma_wait3A_334, %dma_wait3A_335] : memref<10240x128xf32, #tpu.memory_space<vmem_shared>> -> memref<10240x128xf32, #tpu.memory_space<vmem_shared>>
        tpu.wait_indirect_dma semaphore(%arg26 : memref<!tpu.dma_semaphore, #tpu.memory_space<semaphore_mem>>) src(%dma_wait3A_330 : memref<64x128xf32, #tpu.memory_space<vmem>>) dst(%dma_wait3A_336 : memref<10240x128xf32, #tpu.memory_space<vmem_shared>>)
        %dma_start3A_337 = arith.constant 7 : i32
        %dma_start3A_338 = arith.constant 3 : i32
        %dma_start3A_339 = arith.constant 0 : i32
        %dma_start3A_340 = arith.constant 0 : i32
        %dma_start3A_341 = tpu.memref_slice %arg10[%dma_start3A_338, %dma_start3A_339, %dma_start3A_340] : memref<4x64x128xf32, #tpu.memory_space<vmem>> -> memref<1x64x128xf32, #tpu.memory_space<vmem>>
        %dma_start3A_342 = tpu.memref_squeeze %dma_start3A_341 : memref<1x64x128xf32, #tpu.memory_space<vmem>> -> memref<64x128xf32, #tpu.memory_space<vmem>>
        %dma_start3A_343 = arith.constant 0 : i32
        %dma_start3A_344 = tpu.memref_slice %arg15[%dma_start3A_337, %dma_start3A_343] : memref<16x64xi32, #tpu.memory_space<vmem>> -> memref<1x64xi32, #tpu.memory_space<vmem>>
        %dma_start3A_345 = tpu.memref_squeeze %dma_start3A_344 : memref<1x64xi32, #tpu.memory_space<vmem>> -> memref<64xi32, #tpu.memory_space<vmem>>
        %dma_start3A_346 = arith.constant 0 : i32
        %dma_start3A_347 = arith.constant 0 : i32
        %dma_start3A_348 = tpu.memref_slice %arg8[%dma_start3A_346, %dma_start3A_347] : memref<10240x128xf32, #tpu.memory_space<hbm>> -> memref<10240x128xf32, #tpu.memory_space<hbm>>
        tpu.enqueue_indirect_dma source(%dma_start3A_348 : memref<10240x128xf32, #tpu.memory_space<hbm>>) target(%dma_start3A_342 : memref<64x128xf32, #tpu.memory_space<vmem>>) offsets(%dma_start3A_345 : memref<64xi32, #tpu.memory_space<vmem>>) semaphore(%arg22 : memref<!tpu.dma_semaphore, #tpu.memory_space<semaphore_mem>>)
        %dma_wait3A_349 = arith.constant 4 : i32
        %dma_wait3A_350 = arith.constant 0 : i32
        %dma_wait3A_351 = arith.constant 0 : i32
        %dma_wait3A_352 = arith.constant 0 : i32
        %dma_wait3A_353 = tpu.memref_slice %arg10[%dma_wait3A_350, %dma_wait3A_351, %dma_wait3A_352] : memref<4x64x128xf32, #tpu.memory_space<vmem>> -> memref<1x64x128xf32, #tpu.memory_space<vmem>>
        %dma_wait3A_354 = tpu.memref_squeeze %dma_wait3A_353 : memref<1x64x128xf32, #tpu.memory_space<vmem>> -> memref<64x128xf32, #tpu.memory_space<vmem>>
        %dma_wait3A_355 = arith.constant 0 : i32
        %dma_wait3A_356 = tpu.memref_slice %arg15[%dma_wait3A_349, %dma_wait3A_355] : memref<16x64xi32, #tpu.memory_space<vmem>> -> memref<1x64xi32, #tpu.memory_space<vmem>>
        %dma_wait3A_357 = tpu.memref_squeeze %dma_wait3A_356 : memref<1x64xi32, #tpu.memory_space<vmem>> -> memref<64xi32, #tpu.memory_space<vmem>>
        %dma_wait3A_358 = arith.constant 0 : i32
        %dma_wait3A_359 = arith.constant 0 : i32
        %dma_wait3A_360 = tpu.memref_slice %arg8[%dma_wait3A_358, %dma_wait3A_359] : memref<10240x128xf32, #tpu.memory_space<hbm>> -> memref<10240x128xf32, #tpu.memory_space<hbm>>
        tpu.wait_indirect_dma semaphore(%arg19 : memref<!tpu.dma_semaphore, #tpu.memory_space<semaphore_mem>>) src(%dma_wait3A_360 : memref<10240x128xf32, #tpu.memory_space<hbm>>) dst(%dma_wait3A_354 : memref<64x128xf32, #tpu.memory_space<vmem>>)
        %dma_start3A_361 = arith.constant 0 : i32
        %dma_start3A_362 = arith.constant 4 : i32
        %dma_start3A_363 = arith.constant 0 : i32
        %dma_start3A_364 = arith.constant 0 : i32
        %dma_start3A_365 = tpu.memref_slice %arg10[%dma_start3A_361, %dma_start3A_363, %dma_start3A_364] : memref<4x64x128xf32, #tpu.memory_space<vmem>> -> memref<1x64x128xf32, #tpu.memory_space<vmem>>
        %dma_start3A_366 = tpu.memref_squeeze %dma_start3A_365 : memref<1x64x128xf32, #tpu.memory_space<vmem>> -> memref<64x128xf32, #tpu.memory_space<vmem>>
        %dma_start3A_367 = arith.constant 0 : i32
        %dma_start3A_368 = tpu.memref_slice %arg16[%dma_start3A_362, %dma_start3A_367] : memref<16x64xi32, #tpu.memory_space<vmem>> -> memref<1x64xi32, #tpu.memory_space<vmem>>
        %dma_start3A_369 = tpu.memref_squeeze %dma_start3A_368 : memref<1x64xi32, #tpu.memory_space<vmem>> -> memref<64xi32, #tpu.memory_space<vmem>>
        %dma_start3A_370 = arith.constant 0 : i32
        %dma_start3A_371 = arith.constant 0 : i32
        %dma_start3A_372 = tpu.memref_slice %arg9[%dma_start3A_370, %dma_start3A_371] : memref<10240x128xf32, #tpu.memory_space<vmem_shared>> -> memref<10240x128xf32, #tpu.memory_space<vmem_shared>>
        tpu.enqueue_indirect_dma source(%dma_start3A_366 : memref<64x128xf32, #tpu.memory_space<vmem>>) target(%dma_start3A_372 : memref<10240x128xf32, #tpu.memory_space<vmem_shared>>) offsets(%dma_start3A_369 : memref<64xi32, #tpu.memory_space<vmem>>) semaphore(%arg23 : memref<!tpu.dma_semaphore, #tpu.memory_space<semaphore_mem>>) {add = true}
        %dma_wait3A_373 = arith.constant 0 : i32
        %dma_wait3A_374 = arith.constant 4 : i32
        %dma_wait3A_375 = arith.constant 0 : i32
        %dma_wait3A_376 = arith.constant 0 : i32
        %dma_wait3A_377 = tpu.memref_slice %arg10[%dma_wait3A_373, %dma_wait3A_375, %dma_wait3A_376] : memref<4x64x128xf32, #tpu.memory_space<vmem>> -> memref<1x64x128xf32, #tpu.memory_space<vmem>>
        %dma_wait3A_378 = tpu.memref_squeeze %dma_wait3A_377 : memref<1x64x128xf32, #tpu.memory_space<vmem>> -> memref<64x128xf32, #tpu.memory_space<vmem>>
        %dma_wait3A_379 = arith.constant 0 : i32
        %dma_wait3A_380 = tpu.memref_slice %arg16[%dma_wait3A_374, %dma_wait3A_379] : memref<16x64xi32, #tpu.memory_space<vmem>> -> memref<1x64xi32, #tpu.memory_space<vmem>>
        %dma_wait3A_381 = tpu.memref_squeeze %dma_wait3A_380 : memref<1x64xi32, #tpu.memory_space<vmem>> -> memref<64xi32, #tpu.memory_space<vmem>>
        %dma_wait3A_382 = arith.constant 0 : i32
        %dma_wait3A_383 = arith.constant 0 : i32
        %dma_wait3A_384 = tpu.memref_slice %arg9[%dma_wait3A_382, %dma_wait3A_383] : memref<10240x128xf32, #tpu.memory_space<vmem_shared>> -> memref<10240x128xf32, #tpu.memory_space<vmem_shared>>
        tpu.wait_indirect_dma semaphore(%arg23 : memref<!tpu.dma_semaphore, #tpu.memory_space<semaphore_mem>>) src(%dma_wait3A_378 : memref<64x128xf32, #tpu.memory_space<vmem>>) dst(%dma_wait3A_384 : memref<10240x128xf32, #tpu.memory_space<vmem_shared>>)
        %dma_start3A_385 = arith.constant 8 : i32
        %dma_start3A_386 = arith.constant 0 : i32
        %dma_start3A_387 = arith.constant 0 : i32
        %dma_start3A_388 = arith.constant 0 : i32
        %dma_start3A_389 = tpu.memref_slice %arg10[%dma_start3A_386, %dma_start3A_387, %dma_start3A_388] : memref<4x64x128xf32, #tpu.memory_space<vmem>> -> memref<1x64x128xf32, #tpu.memory_space<vmem>>
        %dma_start3A_390 = tpu.memref_squeeze %dma_start3A_389 : memref<1x64x128xf32, #tpu.memory_space<vmem>> -> memref<64x128xf32, #tpu.memory_space<vmem>>
        %dma_start3A_391 = arith.constant 0 : i32
        %dma_start3A_392 = tpu.memref_slice %arg15[%dma_start3A_385, %dma_start3A_391] : memref<16x64xi32, #tpu.memory_space<vmem>> -> memref<1x64xi32, #tpu.memory_space<vmem>>
        %dma_start3A_393 = tpu.memref_squeeze %dma_start3A_392 : memref<1x64xi32, #tpu.memory_space<vmem>> -> memref<64xi32, #tpu.memory_space<vmem>>
        %dma_start3A_394 = arith.constant 0 : i32
        %dma_start3A_395 = arith.constant 0 : i32
        %dma_start3A_396 = tpu.memref_slice %arg8[%dma_start3A_394, %dma_start3A_395] : memref<10240x128xf32, #tpu.memory_space<hbm>> -> memref<10240x128xf32, #tpu.memory_space<hbm>>
        tpu.enqueue_indirect_dma source(%dma_start3A_396 : memref<10240x128xf32, #tpu.memory_space<hbm>>) target(%dma_start3A_390 : memref<64x128xf32, #tpu.memory_space<vmem>>) offsets(%dma_start3A_393 : memref<64xi32, #tpu.memory_space<vmem>>) semaphore(%arg19 : memref<!tpu.dma_semaphore, #tpu.memory_space<semaphore_mem>>)
        %dma_wait3A_397 = arith.constant 5 : i32
        %dma_wait3A_398 = arith.constant 1 : i32
        %dma_wait3A_399 = arith.constant 0 : i32
        %dma_wait3A_400 = arith.constant 0 : i32
        %dma_wait3A_401 = tpu.memref_slice %arg10[%dma_wait3A_398, %dma_wait3A_399, %dma_wait3A_400] : memref<4x64x128xf32, #tpu.memory_space<vmem>> -> memref<1x64x128xf32, #tpu.memory_space<vmem>>
        %dma_wait3A_402 = tpu.memref_squeeze %dma_wait3A_401 : memref<1x64x128xf32, #tpu.memory_space<vmem>> -> memref<64x128xf32, #tpu.memory_space<vmem>>
        %dma_wait3A_403 = arith.constant 0 : i32
        %dma_wait3A_404 = tpu.memref_slice %arg15[%dma_wait3A_397, %dma_wait3A_403] : memref<16x64xi32, #tpu.memory_space<vmem>> -> memref<1x64xi32, #tpu.memory_space<vmem>>
        %dma_wait3A_405 = tpu.memref_squeeze %dma_wait3A_404 : memref<1x64xi32, #tpu.memory_space<vmem>> -> memref<64xi32, #tpu.memory_space<vmem>>
        %dma_wait3A_406 = arith.constant 0 : i32
        %dma_wait3A_407 = arith.constant 0 : i32
        %dma_wait3A_408 = tpu.memref_slice %arg8[%dma_wait3A_406, %dma_wait3A_407] : memref<10240x128xf32, #tpu.memory_space<hbm>> -> memref<10240x128xf32, #tpu.memory_space<hbm>>
        tpu.wait_indirect_dma semaphore(%arg20 : memref<!tpu.dma_semaphore, #tpu.memory_space<semaphore_mem>>) src(%dma_wait3A_408 : memref<10240x128xf32, #tpu.memory_space<hbm>>) dst(%dma_wait3A_402 : memref<64x128xf32, #tpu.memory_space<vmem>>)
        %dma_start3A_409 = arith.constant 1 : i32
        %dma_start3A_410 = arith.constant 5 : i32
        %dma_start3A_411 = arith.constant 0 : i32
        %dma_start3A_412 = arith.constant 0 : i32
        %dma_start3A_413 = tpu.memref_slice %arg10[%dma_start3A_409, %dma_start3A_411, %dma_start3A_412] : memref<4x64x128xf32, #tpu.memory_space<vmem>> -> memref<1x64x128xf32, #tpu.memory_space<vmem>>
        %dma_start3A_414 = tpu.memref_squeeze %dma_start3A_413 : memref<1x64x128xf32, #tpu.memory_space<vmem>> -> memref<64x128xf32, #tpu.memory_space<vmem>>
        %dma_start3A_415 = arith.constant 0 : i32
        %dma_start3A_416 = tpu.memref_slice %arg16[%dma_start3A_410, %dma_start3A_415] : memref<16x64xi32, #tpu.memory_space<vmem>> -> memref<1x64xi32, #tpu.memory_space<vmem>>
        %dma_start3A_417 = tpu.memref_squeeze %dma_start3A_416 : memref<1x64xi32, #tpu.memory_space<vmem>> -> memref<64xi32, #tpu.memory_space<vmem>>
        %dma_start3A_418 = arith.constant 0 : i32
        %dma_start3A_419 = arith.constant 0 : i32
        %dma_start3A_420 = tpu.memref_slice %arg9[%dma_start3A_418, %dma_start3A_419] : memref<10240x128xf32, #tpu.memory_space<vmem_shared>> -> memref<10240x128xf32, #tpu.memory_space<vmem_shared>>
        tpu.enqueue_indirect_dma source(%dma_start3A_414 : memref<64x128xf32, #tpu.memory_space<vmem>>) target(%dma_start3A_420 : memref<10240x128xf32, #tpu.memory_space<vmem_shared>>) offsets(%dma_start3A_417 : memref<64xi32, #tpu.memory_space<vmem>>) semaphore(%arg24 : memref<!tpu.dma_semaphore, #tpu.memory_space<semaphore_mem>>) {add = true}
        %dma_wait3A_421 = arith.constant 1 : i32
        %dma_wait3A_422 = arith.constant 5 : i32
        %dma_wait3A_423 = arith.constant 0 : i32
        %dma_wait3A_424 = arith.constant 0 : i32
        %dma_wait3A_425 = tpu.memref_slice %arg10[%dma_wait3A_421, %dma_wait3A_423, %dma_wait3A_424] : memref<4x64x128xf32, #tpu.memory_space<vmem>> -> memref<1x64x128xf32, #tpu.memory_space<vmem>>
        %dma_wait3A_426 = tpu.memref_squeeze %dma_wait3A_425 : memref<1x64x128xf32, #tpu.memory_space<vmem>> -> memref<64x128xf32, #tpu.memory_space<vmem>>
        %dma_wait3A_427 = arith.constant 0 : i32
        %dma_wait3A_428 = tpu.memref_slice %arg16[%dma_wait3A_422, %dma_wait3A_427] : memref<16x64xi32, #tpu.memory_space<vmem>> -> memref<1x64xi32, #tpu.memory_space<vmem>>
        %dma_wait3A_429 = tpu.memref_squeeze %dma_wait3A_428 : memref<1x64xi32, #tpu.memory_space<vmem>> -> memref<64xi32, #tpu.memory_space<vmem>>
        %dma_wait3A_430 = arith.constant 0 : i32
        %dma_wait3A_431 = arith.constant 0 : i32
        %dma_wait3A_432 = tpu.memref_slice %arg9[%dma_wait3A_430, %dma_wait3A_431] : memref<10240x128xf32, #tpu.memory_space<vmem_shared>> -> memref<10240x128xf32, #tpu.memory_space<vmem_shared>>
        tpu.wait_indirect_dma semaphore(%arg24 : memref<!tpu.dma_semaphore, #tpu.memory_space<semaphore_mem>>) src(%dma_wait3A_426 : memref<64x128xf32, #tpu.memory_space<vmem>>) dst(%dma_wait3A_432 : memref<10240x128xf32, #tpu.memory_space<vmem_shared>>)
        %dma_start3A_433 = arith.constant 9 : i32
        %dma_start3A_434 = arith.constant 1 : i32
        %dma_start3A_435 = arith.constant 0 : i32
        %dma_start3A_436 = arith.constant 0 : i32
        %dma_start3A_437 = tpu.memref_slice %arg10[%dma_start3A_434, %dma_start3A_435, %dma_start3A_436] : memref<4x64x128xf32, #tpu.memory_space<vmem>> -> memref<1x64x128xf32, #tpu.memory_space<vmem>>
        %dma_start3A_438 = tpu.memref_squeeze %dma_start3A_437 : memref<1x64x128xf32, #tpu.memory_space<vmem>> -> memref<64x128xf32, #tpu.memory_space<vmem>>
        %dma_start3A_439 = arith.constant 0 : i32
        %dma_start3A_440 = tpu.memref_slice %arg15[%dma_start3A_433, %dma_start3A_439] : memref<16x64xi32, #tpu.memory_space<vmem>> -> memref<1x64xi32, #tpu.memory_space<vmem>>
        %dma_start3A_441 = tpu.memref_squeeze %dma_start3A_440 : memref<1x64xi32, #tpu.memory_space<vmem>> -> memref<64xi32, #tpu.memory_space<vmem>>
        %dma_start3A_442 = arith.constant 0 : i32
        %dma_start3A_443 = arith.constant 0 : i32
        %dma_start3A_444 = tpu.memref_slice %arg8[%dma_start3A_442, %dma_start3A_443] : memref<10240x128xf32, #tpu.memory_space<hbm>> -> memref<10240x128xf32, #tpu.memory_space<hbm>>
        tpu.enqueue_indirect_dma source(%dma_start3A_444 : memref<10240x128xf32, #tpu.memory_space<hbm>>) target(%dma_start3A_438 : memref<64x128xf32, #tpu.memory_space<vmem>>) offsets(%dma_start3A_441 : memref<64xi32, #tpu.memory_space<vmem>>) semaphore(%arg20 : memref<!tpu.dma_semaphore, #tpu.memory_space<semaphore_mem>>)
        %dma_wait3A_445 = arith.constant 6 : i32
        %dma_wait3A_446 = arith.constant 2 : i32
        %dma_wait3A_447 = arith.constant 0 : i32
        %dma_wait3A_448 = arith.constant 0 : i32
        %dma_wait3A_449 = tpu.memref_slice %arg10[%dma_wait3A_446, %dma_wait3A_447, %dma_wait3A_448] : memref<4x64x128xf32, #tpu.memory_space<vmem>> -> memref<1x64x128xf32, #tpu.memory_space<vmem>>
        %dma_wait3A_450 = tpu.memref_squeeze %dma_wait3A_449 : memref<1x64x128xf32, #tpu.memory_space<vmem>> -> memref<64x128xf32, #tpu.memory_space<vmem>>
        %dma_wait3A_451 = arith.constant 0 : i32
        %dma_wait3A_452 = tpu.memref_slice %arg15[%dma_wait3A_445, %dma_wait3A_451] : memref<16x64xi32, #tpu.memory_space<vmem>> -> memref<1x64xi32, #tpu.memory_space<vmem>>
        %dma_wait3A_453 = tpu.memref_squeeze %dma_wait3A_452 : memref<1x64xi32, #tpu.memory_space<vmem>> -> memref<64xi32, #tpu.memory_space<vmem>>
        %dma_wait3A_454 = arith.constant 0 : i32
        %dma_wait3A_455 = arith.constant 0 : i32
        %dma_wait3A_456 = tpu.memref_slice %arg8[%dma_wait3A_454, %dma_wait3A_455] : memref<10240x128xf32, #tpu.memory_space<hbm>> -> memref<10240x128xf32, #tpu.memory_space<hbm>>
        tpu.wait_indirect_dma semaphore(%arg21 : memref<!tpu.dma_semaphore, #tpu.memory_space<semaphore_mem>>) src(%dma_wait3A_456 : memref<10240x128xf32, #tpu.memory_space<hbm>>) dst(%dma_wait3A_450 : memref<64x128xf32, #tpu.memory_space<vmem>>)
        %dma_start3A_457 = arith.constant 2 : i32
        %dma_start3A_458 = arith.constant 6 : i32
        %dma_start3A_459 = arith.constant 0 : i32
        %dma_start3A_460 = arith.constant 0 : i32
        %dma_start3A_461 = tpu.memref_slice %arg10[%dma_start3A_457, %dma_start3A_459, %dma_start3A_460] : memref<4x64x128xf32, #tpu.memory_space<vmem>> -> memref<1x64x128xf32, #tpu.memory_space<vmem>>
        %dma_start3A_462 = tpu.memref_squeeze %dma_start3A_461 : memref<1x64x128xf32, #tpu.memory_space<vmem>> -> memref<64x128xf32, #tpu.memory_space<vmem>>
        %dma_start3A_463 = arith.constant 0 : i32
        %dma_start3A_464 = tpu.memref_slice %arg16[%dma_start3A_458, %dma_start3A_463] : memref<16x64xi32, #tpu.memory_space<vmem>> -> memref<1x64xi32, #tpu.memory_space<vmem>>
        %dma_start3A_465 = tpu.memref_squeeze %dma_start3A_464 : memref<1x64xi32, #tpu.memory_space<vmem>> -> memref<64xi32, #tpu.memory_space<vmem>>
        %dma_start3A_466 = arith.constant 0 : i32
        %dma_start3A_467 = arith.constant 0 : i32
        %dma_start3A_468 = tpu.memref_slice %arg9[%dma_start3A_466, %dma_start3A_467] : memref<10240x128xf32, #tpu.memory_space<vmem_shared>> -> memref<10240x128xf32, #tpu.memory_space<vmem_shared>>
        tpu.enqueue_indirect_dma source(%dma_start3A_462 : memref<64x128xf32, #tpu.memory_space<vmem>>) target(%dma_start3A_468 : memref<10240x128xf32, #tpu.memory_space<vmem_shared>>) offsets(%dma_start3A_465 : memref<64xi32, #tpu.memory_space<vmem>>) semaphore(%arg25 : memref<!tpu.dma_semaphore, #tpu.memory_space<semaphore_mem>>) {add = true}
        %dma_wait3A_469 = arith.constant 2 : i32
        %dma_wait3A_470 = arith.constant 6 : i32
        %dma_wait3A_471 = arith.constant 0 : i32
        %dma_wait3A_472 = arith.constant 0 : i32
        %dma_wait3A_473 = tpu.memref_slice %arg10[%dma_wait3A_469, %dma_wait3A_471, %dma_wait3A_472] : memref<4x64x128xf32, #tpu.memory_space<vmem>> -> memref<1x64x128xf32, #tpu.memory_space<vmem>>
        %dma_wait3A_474 = tpu.memref_squeeze %dma_wait3A_473 : memref<1x64x128xf32, #tpu.memory_space<vmem>> -> memref<64x128xf32, #tpu.memory_space<vmem>>
        %dma_wait3A_475 = arith.constant 0 : i32
        %dma_wait3A_476 = tpu.memref_slice %arg16[%dma_wait3A_470, %dma_wait3A_475] : memref<16x64xi32, #tpu.memory_space<vmem>> -> memref<1x64xi32, #tpu.memory_space<vmem>>
        %dma_wait3A_477 = tpu.memref_squeeze %dma_wait3A_476 : memref<1x64xi32, #tpu.memory_space<vmem>> -> memref<64xi32, #tpu.memory_space<vmem>>
        %dma_wait3A_478 = arith.constant 0 : i32
        %dma_wait3A_479 = arith.constant 0 : i32
        %dma_wait3A_480 = tpu.memref_slice %arg9[%dma_wait3A_478, %dma_wait3A_479] : memref<10240x128xf32, #tpu.memory_space<vmem_shared>> -> memref<10240x128xf32, #tpu.memory_space<vmem_shared>>
        tpu.wait_indirect_dma semaphore(%arg25 : memref<!tpu.dma_semaphore, #tpu.memory_space<semaphore_mem>>) src(%dma_wait3A_474 : memref<64x128xf32, #tpu.memory_space<vmem>>) dst(%dma_wait3A_480 : memref<10240x128xf32, #tpu.memory_space<vmem_shared>>)
        %dma_start3A_481 = arith.constant 10 : i32
        %dma_start3A_482 = arith.constant 2 : i32
        %dma_start3A_483 = arith.constant 0 : i32
        %dma_start3A_484 = arith.constant 0 : i32
        %dma_start3A_485 = tpu.memref_slice %arg10[%dma_start3A_482, %dma_start3A_483, %dma_start3A_484] : memref<4x64x128xf32, #tpu.memory_space<vmem>> -> memref<1x64x128xf32, #tpu.memory_space<vmem>>
        %dma_start3A_486 = tpu.memref_squeeze %dma_start3A_485 : memref<1x64x128xf32, #tpu.memory_space<vmem>> -> memref<64x128xf32, #tpu.memory_space<vmem>>
        %dma_start3A_487 = arith.constant 0 : i32
        %dma_start3A_488 = tpu.memref_slice %arg15[%dma_start3A_481, %dma_start3A_487] : memref<16x64xi32, #tpu.memory_space<vmem>> -> memref<1x64xi32, #tpu.memory_space<vmem>>
        %dma_start3A_489 = tpu.memref_squeeze %dma_start3A_488 : memref<1x64xi32, #tpu.memory_space<vmem>> -> memref<64xi32, #tpu.memory_space<vmem>>
        %dma_start3A_490 = arith.constant 0 : i32
        %dma_start3A_491 = arith.constant 0 : i32
        %dma_start3A_492 = tpu.memref_slice %arg8[%dma_start3A_490, %dma_start3A_491] : memref<10240x128xf32, #tpu.memory_space<hbm>> -> memref<10240x128xf32, #tpu.memory_space<hbm>>
        tpu.enqueue_indirect_dma source(%dma_start3A_492 : memref<10240x128xf32, #tpu.memory_space<hbm>>) target(%dma_start3A_486 : memref<64x128xf32, #tpu.memory_space<vmem>>) offsets(%dma_start3A_489 : memref<64xi32, #tpu.memory_space<vmem>>) semaphore(%arg21 : memref<!tpu.dma_semaphore, #tpu.memory_space<semaphore_mem>>)
        %dma_wait3A_493 = arith.constant 7 : i32
        %dma_wait3A_494 = arith.constant 3 : i32
        %dma_wait3A_495 = arith.constant 0 : i32
        %dma_wait3A_496 = arith.constant 0 : i32
        %dma_wait3A_497 = tpu.memref_slice %arg10[%dma_wait3A_494, %dma_wait3A_495, %dma_wait3A_496] : memref<4x64x128xf32, #tpu.memory_space<vmem>> -> memref<1x64x128xf32, #tpu.memory_space<vmem>>
        %dma_wait3A_498 = tpu.memref_squeeze %dma_wait3A_497 : memref<1x64x128xf32, #tpu.memory_space<vmem>> -> memref<64x128xf32, #tpu.memory_space<vmem>>
        %dma_wait3A_499 = arith.constant 0 : i32
        %dma_wait3A_500 = tpu.memref_slice %arg15[%dma_wait3A_493, %dma_wait3A_499] : memref<16x64xi32, #tpu.memory_space<vmem>> -> memref<1x64xi32, #tpu.memory_space<vmem>>
        %dma_wait3A_501 = tpu.memref_squeeze %dma_wait3A_500 : memref<1x64xi32, #tpu.memory_space<vmem>> -> memref<64xi32, #tpu.memory_space<vmem>>
        %dma_wait3A_502 = arith.constant 0 : i32
        %dma_wait3A_503 = arith.constant 0 : i32
        %dma_wait3A_504 = tpu.memref_slice %arg8[%dma_wait3A_502, %dma_wait3A_503] : memref<10240x128xf32, #tpu.memory_space<hbm>> -> memref<10240x128xf32, #tpu.memory_space<hbm>>
        tpu.wait_indirect_dma semaphore(%arg22 : memref<!tpu.dma_semaphore, #tpu.memory_space<semaphore_mem>>) src(%dma_wait3A_504 : memref<10240x128xf32, #tpu.memory_space<hbm>>) dst(%dma_wait3A_498 : memref<64x128xf32, #tpu.memory_space<vmem>>)
        %dma_start3A_505 = arith.constant 3 : i32
        %dma_start3A_506 = arith.constant 7 : i32
        %dma_start3A_507 = arith.constant 0 : i32
        %dma_start3A_508 = arith.constant 0 : i32
        %dma_start3A_509 = tpu.memref_slice %arg10[%dma_start3A_505, %dma_start3A_507, %dma_start3A_508] : memref<4x64x128xf32, #tpu.memory_space<vmem>> -> memref<1x64x128xf32, #tpu.memory_space<vmem>>
        %dma_start3A_510 = tpu.memref_squeeze %dma_start3A_509 : memref<1x64x128xf32, #tpu.memory_space<vmem>> -> memref<64x128xf32, #tpu.memory_space<vmem>>
        %dma_start3A_511 = arith.constant 0 : i32
        %dma_start3A_512 = tpu.memref_slice %arg16[%dma_start3A_506, %dma_start3A_511] : memref<16x64xi32, #tpu.memory_space<vmem>> -> memref<1x64xi32, #tpu.memory_space<vmem>>
        %dma_start3A_513 = tpu.memref_squeeze %dma_start3A_512 : memref<1x64xi32, #tpu.memory_space<vmem>> -> memref<64xi32, #tpu.memory_space<vmem>>
        %dma_start3A_514 = arith.constant 0 : i32
        %dma_start3A_515 = arith.constant 0 : i32
        %dma_start3A_516 = tpu.memref_slice %arg9[%dma_start3A_514, %dma_start3A_515] : memref<10240x128xf32, #tpu.memory_space<vmem_shared>> -> memref<10240x128xf32, #tpu.memory_space<vmem_shared>>
        tpu.enqueue_indirect_dma source(%dma_start3A_510 : memref<64x128xf32, #tpu.memory_space<vmem>>) target(%dma_start3A_516 : memref<10240x128xf32, #tpu.memory_space<vmem_shared>>) offsets(%dma_start3A_513 : memref<64xi32, #tpu.memory_space<vmem>>) semaphore(%arg26 : memref<!tpu.dma_semaphore, #tpu.memory_space<semaphore_mem>>) {add = true}
        %dma_wait3A_517 = arith.constant 3 : i32
        %dma_wait3A_518 = arith.constant 7 : i32
        %dma_wait3A_519 = arith.constant 0 : i32
        %dma_wait3A_520 = arith.constant 0 : i32
        %dma_wait3A_521 = tpu.memref_slice %arg10[%dma_wait3A_517, %dma_wait3A_519, %dma_wait3A_520] : memref<4x64x128xf32, #tpu.memory_space<vmem>> -> memref<1x64x128xf32, #tpu.memory_space<vmem>>
        %dma_wait3A_522 = tpu.memref_squeeze %dma_wait3A_521 : memref<1x64x128xf32, #tpu.memory_space<vmem>> -> memref<64x128xf32, #tpu.memory_space<vmem>>
        %dma_wait3A_523 = arith.constant 0 : i32
        %dma_wait3A_524 = tpu.memref_slice %arg16[%dma_wait3A_518, %dma_wait3A_523] : memref<16x64xi32, #tpu.memory_space<vmem>> -> memref<1x64xi32, #tpu.memory_space<vmem>>
        %dma_wait3A_525 = tpu.memref_squeeze %dma_wait3A_524 : memref<1x64xi32, #tpu.memory_space<vmem>> -> memref<64xi32, #tpu.memory_space<vmem>>
        %dma_wait3A_526 = arith.constant 0 : i32
        %dma_wait3A_527 = arith.constant 0 : i32
        %dma_wait3A_528 = tpu.memref_slice %arg9[%dma_wait3A_526, %dma_wait3A_527] : memref<10240x128xf32, #tpu.memory_space<vmem_shared>> -> memref<10240x128xf32, #tpu.memory_space<vmem_shared>>
        tpu.wait_indirect_dma semaphore(%arg26 : memref<!tpu.dma_semaphore, #tpu.memory_space<semaphore_mem>>) src(%dma_wait3A_522 : memref<64x128xf32, #tpu.memory_space<vmem>>) dst(%dma_wait3A_528 : memref<10240x128xf32, #tpu.memory_space<vmem_shared>>)
        %dma_start3A_529 = arith.constant 11 : i32
        %dma_start3A_530 = arith.constant 3 : i32
        %dma_start3A_531 = arith.constant 0 : i32
        %dma_start3A_532 = arith.constant 0 : i32
        %dma_start3A_533 = tpu.memref_slice %arg10[%dma_start3A_530, %dma_start3A_531, %dma_start3A_532] : memref<4x64x128xf32, #tpu.memory_space<vmem>> -> memref<1x64x128xf32, #tpu.memory_space<vmem>>
        %dma_start3A_534 = tpu.memref_squeeze %dma_start3A_533 : memref<1x64x128xf32, #tpu.memory_space<vmem>> -> memref<64x128xf32, #tpu.memory_space<vmem>>
        %dma_start3A_535 = arith.constant 0 : i32
        %dma_start3A_536 = tpu.memref_slice %arg15[%dma_start3A_529, %dma_start3A_535] : memref<16x64xi32, #tpu.memory_space<vmem>> -> memref<1x64xi32, #tpu.memory_space<vmem>>
        %dma_start3A_537 = tpu.memref_squeeze %dma_start3A_536 : memref<1x64xi32, #tpu.memory_space<vmem>> -> memref<64xi32, #tpu.memory_space<vmem>>
        %dma_start3A_538 = arith.constant 0 : i32
        %dma_start3A_539 = arith.constant 0 : i32
        %dma_start3A_540 = tpu.memref_slice %arg8[%dma_start3A_538, %dma_start3A_539] : memref<10240x128xf32, #tpu.memory_space<hbm>> -> memref<10240x128xf32, #tpu.memory_space<hbm>>
        tpu.enqueue_indirect_dma source(%dma_start3A_540 : memref<10240x128xf32, #tpu.memory_space<hbm>>) target(%dma_start3A_534 : memref<64x128xf32, #tpu.memory_space<vmem>>) offsets(%dma_start3A_537 : memref<64xi32, #tpu.memory_space<vmem>>) semaphore(%arg22 : memref<!tpu.dma_semaphore, #tpu.memory_space<semaphore_mem>>)
        %dma_wait3A_541 = arith.constant 8 : i32
        %dma_wait3A_542 = arith.constant 0 : i32
        %dma_wait3A_543 = arith.constant 0 : i32
        %dma_wait3A_544 = arith.constant 0 : i32
        %dma_wait3A_545 = tpu.memref_slice %arg10[%dma_wait3A_542, %dma_wait3A_543, %dma_wait3A_544] : memref<4x64x128xf32, #tpu.memory_space<vmem>> -> memref<1x64x128xf32, #tpu.memory_space<vmem>>
        %dma_wait3A_546 = tpu.memref_squeeze %dma_wait3A_545 : memref<1x64x128xf32, #tpu.memory_space<vmem>> -> memref<64x128xf32, #tpu.memory_space<vmem>>
        %dma_wait3A_547 = arith.constant 0 : i32
        %dma_wait3A_548 = tpu.memref_slice %arg15[%dma_wait3A_541, %dma_wait3A_547] : memref<16x64xi32, #tpu.memory_space<vmem>> -> memref<1x64xi32, #tpu.memory_space<vmem>>
        %dma_wait3A_549 = tpu.memref_squeeze %dma_wait3A_548 : memref<1x64xi32, #tpu.memory_space<vmem>> -> memref<64xi32, #tpu.memory_space<vmem>>
        %dma_wait3A_550 = arith.constant 0 : i32
        %dma_wait3A_551 = arith.constant 0 : i32
        %dma_wait3A_552 = tpu.memref_slice %arg8[%dma_wait3A_550, %dma_wait3A_551] : memref<10240x128xf32, #tpu.memory_space<hbm>> -> memref<10240x128xf32, #tpu.memory_space<hbm>>
        tpu.wait_indirect_dma semaphore(%arg19 : memref<!tpu.dma_semaphore, #tpu.memory_space<semaphore_mem>>) src(%dma_wait3A_552 : memref<10240x128xf32, #tpu.memory_space<hbm>>) dst(%dma_wait3A_546 : memref<64x128xf32, #tpu.memory_space<vmem>>)
        %dma_start3A_553 = arith.constant 0 : i32
        %dma_start3A_554 = arith.constant 8 : i32
        %dma_start3A_555 = arith.constant 0 : i32
        %dma_start3A_556 = arith.constant 0 : i32
        %dma_start3A_557 = tpu.memref_slice %arg10[%dma_start3A_553, %dma_start3A_555, %dma_start3A_556] : memref<4x64x128xf32, #tpu.memory_space<vmem>> -> memref<1x64x128xf32, #tpu.memory_space<vmem>>
        %dma_start3A_558 = tpu.memref_squeeze %dma_start3A_557 : memref<1x64x128xf32, #tpu.memory_space<vmem>> -> memref<64x128xf32, #tpu.memory_space<vmem>>
        %dma_start3A_559 = arith.constant 0 : i32
        %dma_start3A_560 = tpu.memref_slice %arg16[%dma_start3A_554, %dma_start3A_559] : memref<16x64xi32, #tpu.memory_space<vmem>> -> memref<1x64xi32, #tpu.memory_space<vmem>>
        %dma_start3A_561 = tpu.memref_squeeze %dma_start3A_560 : memref<1x64xi32, #tpu.memory_space<vmem>> -> memref<64xi32, #tpu.memory_space<vmem>>
        %dma_start3A_562 = arith.constant 0 : i32
        %dma_start3A_563 = arith.constant 0 : i32
        %dma_start3A_564 = tpu.memref_slice %arg9[%dma_start3A_562, %dma_start3A_563] : memref<10240x128xf32, #tpu.memory_space<vmem_shared>> -> memref<10240x128xf32, #tpu.memory_space<vmem_shared>>
        tpu.enqueue_indirect_dma source(%dma_start3A_558 : memref<64x128xf32, #tpu.memory_space<vmem>>) target(%dma_start3A_564 : memref<10240x128xf32, #tpu.memory_space<vmem_shared>>) offsets(%dma_start3A_561 : memref<64xi32, #tpu.memory_space<vmem>>) semaphore(%arg23 : memref<!tpu.dma_semaphore, #tpu.memory_space<semaphore_mem>>) {add = true}
        %dma_wait3A_565 = arith.constant 0 : i32
        %dma_wait3A_566 = arith.constant 8 : i32
        %dma_wait3A_567 = arith.constant 0 : i32
        %dma_wait3A_568 = arith.constant 0 : i32
        %dma_wait3A_569 = tpu.memref_slice %arg10[%dma_wait3A_565, %dma_wait3A_567, %dma_wait3A_568] : memref<4x64x128xf32, #tpu.memory_space<vmem>> -> memref<1x64x128xf32, #tpu.memory_space<vmem>>
        %dma_wait3A_570 = tpu.memref_squeeze %dma_wait3A_569 : memref<1x64x128xf32, #tpu.memory_space<vmem>> -> memref<64x128xf32, #tpu.memory_space<vmem>>
        %dma_wait3A_571 = arith.constant 0 : i32
        %dma_wait3A_572 = tpu.memref_slice %arg16[%dma_wait3A_566, %dma_wait3A_571] : memref<16x64xi32, #tpu.memory_space<vmem>> -> memref<1x64xi32, #tpu.memory_space<vmem>>
        %dma_wait3A_573 = tpu.memref_squeeze %dma_wait3A_572 : memref<1x64xi32, #tpu.memory_space<vmem>> -> memref<64xi32, #tpu.memory_space<vmem>>
        %dma_wait3A_574 = arith.constant 0 : i32
        %dma_wait3A_575 = arith.constant 0 : i32
        %dma_wait3A_576 = tpu.memref_slice %arg9[%dma_wait3A_574, %dma_wait3A_575] : memref<10240x128xf32, #tpu.memory_space<vmem_shared>> -> memref<10240x128xf32, #tpu.memory_space<vmem_shared>>
        tpu.wait_indirect_dma semaphore(%arg23 : memref<!tpu.dma_semaphore, #tpu.memory_space<semaphore_mem>>) src(%dma_wait3A_570 : memref<64x128xf32, #tpu.memory_space<vmem>>) dst(%dma_wait3A_576 : memref<10240x128xf32, #tpu.memory_space<vmem_shared>>)
        %dma_start3A_577 = arith.constant 12 : i32
        %dma_start3A_578 = arith.constant 0 : i32
        %dma_start3A_579 = arith.constant 0 : i32
        %dma_start3A_580 = arith.constant 0 : i32
        %dma_start3A_581 = tpu.memref_slice %arg10[%dma_start3A_578, %dma_start3A_579, %dma_start3A_580] : memref<4x64x128xf32, #tpu.memory_space<vmem>> -> memref<1x64x128xf32, #tpu.memory_space<vmem>>
        %dma_start3A_582 = tpu.memref_squeeze %dma_start3A_581 : memref<1x64x128xf32, #tpu.memory_space<vmem>> -> memref<64x128xf32, #tpu.memory_space<vmem>>
        %dma_start3A_583 = arith.constant 0 : i32
        %dma_start3A_584 = tpu.memref_slice %arg15[%dma_start3A_577, %dma_start3A_583] : memref<16x64xi32, #tpu.memory_space<vmem>> -> memref<1x64xi32, #tpu.memory_space<vmem>>
        %dma_start3A_585 = tpu.memref_squeeze %dma_start3A_584 : memref<1x64xi32, #tpu.memory_space<vmem>> -> memref<64xi32, #tpu.memory_space<vmem>>
        %dma_start3A_586 = arith.constant 0 : i32
        %dma_start3A_587 = arith.constant 0 : i32
        %dma_start3A_588 = tpu.memref_slice %arg8[%dma_start3A_586, %dma_start3A_587] : memref<10240x128xf32, #tpu.memory_space<hbm>> -> memref<10240x128xf32, #tpu.memory_space<hbm>>
        tpu.enqueue_indirect_dma source(%dma_start3A_588 : memref<10240x128xf32, #tpu.memory_space<hbm>>) target(%dma_start3A_582 : memref<64x128xf32, #tpu.memory_space<vmem>>) offsets(%dma_start3A_585 : memref<64xi32, #tpu.memory_space<vmem>>) semaphore(%arg19 : memref<!tpu.dma_semaphore, #tpu.memory_space<semaphore_mem>>)
        %dma_wait3A_589 = arith.constant 9 : i32
        %dma_wait3A_590 = arith.constant 1 : i32
        %dma_wait3A_591 = arith.constant 0 : i32
        %dma_wait3A_592 = arith.constant 0 : i32
        %dma_wait3A_593 = tpu.memref_slice %arg10[%dma_wait3A_590, %dma_wait3A_591, %dma_wait3A_592] : memref<4x64x128xf32, #tpu.memory_space<vmem>> -> memref<1x64x128xf32, #tpu.memory_space<vmem>>
        %dma_wait3A_594 = tpu.memref_squeeze %dma_wait3A_593 : memref<1x64x128xf32, #tpu.memory_space<vmem>> -> memref<64x128xf32, #tpu.memory_space<vmem>>
        %dma_wait3A_595 = arith.constant 0 : i32
        %dma_wait3A_596 = tpu.memref_slice %arg15[%dma_wait3A_589, %dma_wait3A_595] : memref<16x64xi32, #tpu.memory_space<vmem>> -> memref<1x64xi32, #tpu.memory_space<vmem>>
        %dma_wait3A_597 = tpu.memref_squeeze %dma_wait3A_596 : memref<1x64xi32, #tpu.memory_space<vmem>> -> memref<64xi32, #tpu.memory_space<vmem>>
        %dma_wait3A_598 = arith.constant 0 : i32
        %dma_wait3A_599 = arith.constant 0 : i32
        %dma_wait3A_600 = tpu.memref_slice %arg8[%dma_wait3A_598, %dma_wait3A_599] : memref<10240x128xf32, #tpu.memory_space<hbm>> -> memref<10240x128xf32, #tpu.memory_space<hbm>>
        tpu.wait_indirect_dma semaphore(%arg20 : memref<!tpu.dma_semaphore, #tpu.memory_space<semaphore_mem>>) src(%dma_wait3A_600 : memref<10240x128xf32, #tpu.memory_space<hbm>>) dst(%dma_wait3A_594 : memref<64x128xf32, #tpu.memory_space<vmem>>)
        %dma_start3A_601 = arith.constant 1 : i32
        %dma_start3A_602 = arith.constant 9 : i32
        %dma_start3A_603 = arith.constant 0 : i32
        %dma_start3A_604 = arith.constant 0 : i32
        %dma_start3A_605 = tpu.memref_slice %arg10[%dma_start3A_601, %dma_start3A_603, %dma_start3A_604] : memref<4x64x128xf32, #tpu.memory_space<vmem>> -> memref<1x64x128xf32, #tpu.memory_space<vmem>>
        %dma_start3A_606 = tpu.memref_squeeze %dma_start3A_605 : memref<1x64x128xf32, #tpu.memory_space<vmem>> -> memref<64x128xf32, #tpu.memory_space<vmem>>
        %dma_start3A_607 = arith.constant 0 : i32
        %dma_start3A_608 = tpu.memref_slice %arg16[%dma_start3A_602, %dma_start3A_607] : memref<16x64xi32, #tpu.memory_space<vmem>> -> memref<1x64xi32, #tpu.memory_space<vmem>>
        %dma_start3A_609 = tpu.memref_squeeze %dma_start3A_608 : memref<1x64xi32, #tpu.memory_space<vmem>> -> memref<64xi32, #tpu.memory_space<vmem>>
        %dma_start3A_610 = arith.constant 0 : i32
        %dma_start3A_611 = arith.constant 0 : i32
        %dma_start3A_612 = tpu.memref_slice %arg9[%dma_start3A_610, %dma_start3A_611] : memref<10240x128xf32, #tpu.memory_space<vmem_shared>> -> memref<10240x128xf32, #tpu.memory_space<vmem_shared>>
        tpu.enqueue_indirect_dma source(%dma_start3A_606 : memref<64x128xf32, #tpu.memory_space<vmem>>) target(%dma_start3A_612 : memref<10240x128xf32, #tpu.memory_space<vmem_shared>>) offsets(%dma_start3A_609 : memref<64xi32, #tpu.memory_space<vmem>>) semaphore(%arg24 : memref<!tpu.dma_semaphore, #tpu.memory_space<semaphore_mem>>) {add = true}
        %dma_wait3A_613 = arith.constant 1 : i32
        %dma_wait3A_614 = arith.constant 9 : i32
        %dma_wait3A_615 = arith.constant 0 : i32
        %dma_wait3A_616 = arith.constant 0 : i32
        %dma_wait3A_617 = tpu.memref_slice %arg10[%dma_wait3A_613, %dma_wait3A_615, %dma_wait3A_616] : memref<4x64x128xf32, #tpu.memory_space<vmem>> -> memref<1x64x128xf32, #tpu.memory_space<vmem>>
        %dma_wait3A_618 = tpu.memref_squeeze %dma_wait3A_617 : memref<1x64x128xf32, #tpu.memory_space<vmem>> -> memref<64x128xf32, #tpu.memory_space<vmem>>
        %dma_wait3A_619 = arith.constant 0 : i32
        %dma_wait3A_620 = tpu.memref_slice %arg16[%dma_wait3A_614, %dma_wait3A_619] : memref<16x64xi32, #tpu.memory_space<vmem>> -> memref<1x64xi32, #tpu.memory_space<vmem>>
        %dma_wait3A_621 = tpu.memref_squeeze %dma_wait3A_620 : memref<1x64xi32, #tpu.memory_space<vmem>> -> memref<64xi32, #tpu.memory_space<vmem>>
        %dma_wait3A_622 = arith.constant 0 : i32
        %dma_wait3A_623 = arith.constant 0 : i32
        %dma_wait3A_624 = tpu.memref_slice %arg9[%dma_wait3A_622, %dma_wait3A_623] : memref<10240x128xf32, #tpu.memory_space<vmem_shared>> -> memref<10240x128xf32, #tpu.memory_space<vmem_shared>>
        tpu.wait_indirect_dma semaphore(%arg24 : memref<!tpu.dma_semaphore, #tpu.memory_space<semaphore_mem>>) src(%dma_wait3A_618 : memref<64x128xf32, #tpu.memory_space<vmem>>) dst(%dma_wait3A_624 : memref<10240x128xf32, #tpu.memory_space<vmem_shared>>)
        %dma_start3A_625 = arith.constant 13 : i32
        %dma_start3A_626 = arith.constant 1 : i32
        %dma_start3A_627 = arith.constant 0 : i32
        %dma_start3A_628 = arith.constant 0 : i32
        %dma_start3A_629 = tpu.memref_slice %arg10[%dma_start3A_626, %dma_start3A_627, %dma_start3A_628] : memref<4x64x128xf32, #tpu.memory_space<vmem>> -> memref<1x64x128xf32, #tpu.memory_space<vmem>>
        %dma_start3A_630 = tpu.memref_squeeze %dma_start3A_629 : memref<1x64x128xf32, #tpu.memory_space<vmem>> -> memref<64x128xf32, #tpu.memory_space<vmem>>
        %dma_start3A_631 = arith.constant 0 : i32
        %dma_start3A_632 = tpu.memref_slice %arg15[%dma_start3A_625, %dma_start3A_631] : memref<16x64xi32, #tpu.memory_space<vmem>> -> memref<1x64xi32, #tpu.memory_space<vmem>>
        %dma_start3A_633 = tpu.memref_squeeze %dma_start3A_632 : memref<1x64xi32, #tpu.memory_space<vmem>> -> memref<64xi32, #tpu.memory_space<vmem>>
        %dma_start3A_634 = arith.constant 0 : i32
        %dma_start3A_635 = arith.constant 0 : i32
        %dma_start3A_636 = tpu.memref_slice %arg8[%dma_start3A_634, %dma_start3A_635] : memref<10240x128xf32, #tpu.memory_space<hbm>> -> memref<10240x128xf32, #tpu.memory_space<hbm>>
        tpu.enqueue_indirect_dma source(%dma_start3A_636 : memref<10240x128xf32, #tpu.memory_space<hbm>>) target(%dma_start3A_630 : memref<64x128xf32, #tpu.memory_space<vmem>>) offsets(%dma_start3A_633 : memref<64xi32, #tpu.memory_space<vmem>>) semaphore(%arg20 : memref<!tpu.dma_semaphore, #tpu.memory_space<semaphore_mem>>)
        %dma_wait3A_637 = arith.constant 10 : i32
        %dma_wait3A_638 = arith.constant 2 : i32
        %dma_wait3A_639 = arith.constant 0 : i32
        %dma_wait3A_640 = arith.constant 0 : i32
        %dma_wait3A_641 = tpu.memref_slice %arg10[%dma_wait3A_638, %dma_wait3A_639, %dma_wait3A_640] : memref<4x64x128xf32, #tpu.memory_space<vmem>> -> memref<1x64x128xf32, #tpu.memory_space<vmem>>
        %dma_wait3A_642 = tpu.memref_squeeze %dma_wait3A_641 : memref<1x64x128xf32, #tpu.memory_space<vmem>> -> memref<64x128xf32, #tpu.memory_space<vmem>>
        %dma_wait3A_643 = arith.constant 0 : i32
        %dma_wait3A_644 = tpu.memref_slice %arg15[%dma_wait3A_637, %dma_wait3A_643] : memref<16x64xi32, #tpu.memory_space<vmem>> -> memref<1x64xi32, #tpu.memory_space<vmem>>
        %dma_wait3A_645 = tpu.memref_squeeze %dma_wait3A_644 : memref<1x64xi32, #tpu.memory_space<vmem>> -> memref<64xi32, #tpu.memory_space<vmem>>
        %dma_wait3A_646 = arith.constant 0 : i32
        %dma_wait3A_647 = arith.constant 0 : i32
        %dma_wait3A_648 = tpu.memref_slice %arg8[%dma_wait3A_646, %dma_wait3A_647] : memref<10240x128xf32, #tpu.memory_space<hbm>> -> memref<10240x128xf32, #tpu.memory_space<hbm>>
        tpu.wait_indirect_dma semaphore(%arg21 : memref<!tpu.dma_semaphore, #tpu.memory_space<semaphore_mem>>) src(%dma_wait3A_648 : memref<10240x128xf32, #tpu.memory_space<hbm>>) dst(%dma_wait3A_642 : memref<64x128xf32, #tpu.memory_space<vmem>>)
        %dma_start3A_649 = arith.constant 2 : i32
        %dma_start3A_650 = arith.constant 10 : i32
        %dma_start3A_651 = arith.constant 0 : i32
        %dma_start3A_652 = arith.constant 0 : i32
        %dma_start3A_653 = tpu.memref_slice %arg10[%dma_start3A_649, %dma_start3A_651, %dma_start3A_652] : memref<4x64x128xf32, #tpu.memory_space<vmem>> -> memref<1x64x128xf32, #tpu.memory_space<vmem>>
        %dma_start3A_654 = tpu.memref_squeeze %dma_start3A_653 : memref<1x64x128xf32, #tpu.memory_space<vmem>> -> memref<64x128xf32, #tpu.memory_space<vmem>>
        %dma_start3A_655 = arith.constant 0 : i32
        %dma_start3A_656 = tpu.memref_slice %arg16[%dma_start3A_650, %dma_start3A_655] : memref<16x64xi32, #tpu.memory_space<vmem>> -> memref<1x64xi32, #tpu.memory_space<vmem>>
        %dma_start3A_657 = tpu.memref_squeeze %dma_start3A_656 : memref<1x64xi32, #tpu.memory_space<vmem>> -> memref<64xi32, #tpu.memory_space<vmem>>
        %dma_start3A_658 = arith.constant 0 : i32
        %dma_start3A_659 = arith.constant 0 : i32
        %dma_start3A_660 = tpu.memref_slice %arg9[%dma_start3A_658, %dma_start3A_659] : memref<10240x128xf32, #tpu.memory_space<vmem_shared>> -> memref<10240x128xf32, #tpu.memory_space<vmem_shared>>
        tpu.enqueue_indirect_dma source(%dma_start3A_654 : memref<64x128xf32, #tpu.memory_space<vmem>>) target(%dma_start3A_660 : memref<10240x128xf32, #tpu.memory_space<vmem_shared>>) offsets(%dma_start3A_657 : memref<64xi32, #tpu.memory_space<vmem>>) semaphore(%arg25 : memref<!tpu.dma_semaphore, #tpu.memory_space<semaphore_mem>>) {add = true}
        %dma_wait3A_661 = arith.constant 2 : i32
        %dma_wait3A_662 = arith.constant 10 : i32
        %dma_wait3A_663 = arith.constant 0 : i32
        %dma_wait3A_664 = arith.constant 0 : i32
        %dma_wait3A_665 = tpu.memref_slice %arg10[%dma_wait3A_661, %dma_wait3A_663, %dma_wait3A_664] : memref<4x64x128xf32, #tpu.memory_space<vmem>> -> memref<1x64x128xf32, #tpu.memory_space<vmem>>
        %dma_wait3A_666 = tpu.memref_squeeze %dma_wait3A_665 : memref<1x64x128xf32, #tpu.memory_space<vmem>> -> memref<64x128xf32, #tpu.memory_space<vmem>>
        %dma_wait3A_667 = arith.constant 0 : i32
        %dma_wait3A_668 = tpu.memref_slice %arg16[%dma_wait3A_662, %dma_wait3A_667] : memref<16x64xi32, #tpu.memory_space<vmem>> -> memref<1x64xi32, #tpu.memory_space<vmem>>
        %dma_wait3A_669 = tpu.memref_squeeze %dma_wait3A_668 : memref<1x64xi32, #tpu.memory_space<vmem>> -> memref<64xi32, #tpu.memory_space<vmem>>
        %dma_wait3A_670 = arith.constant 0 : i32
        %dma_wait3A_671 = arith.constant 0 : i32
        %dma_wait3A_672 = tpu.memref_slice %arg9[%dma_wait3A_670, %dma_wait3A_671] : memref<10240x128xf32, #tpu.memory_space<vmem_shared>> -> memref<10240x128xf32, #tpu.memory_space<vmem_shared>>
        tpu.wait_indirect_dma semaphore(%arg25 : memref<!tpu.dma_semaphore, #tpu.memory_space<semaphore_mem>>) src(%dma_wait3A_666 : memref<64x128xf32, #tpu.memory_space<vmem>>) dst(%dma_wait3A_672 : memref<10240x128xf32, #tpu.memory_space<vmem_shared>>)
        %dma_start3A_673 = arith.constant 14 : i32
        %dma_start3A_674 = arith.constant 2 : i32
        %dma_start3A_675 = arith.constant 0 : i32
        %dma_start3A_676 = arith.constant 0 : i32
        %dma_start3A_677 = tpu.memref_slice %arg10[%dma_start3A_674, %dma_start3A_675, %dma_start3A_676] : memref<4x64x128xf32, #tpu.memory_space<vmem>> -> memref<1x64x128xf32, #tpu.memory_space<vmem>>
        %dma_start3A_678 = tpu.memref_squeeze %dma_start3A_677 : memref<1x64x128xf32, #tpu.memory_space<vmem>> -> memref<64x128xf32, #tpu.memory_space<vmem>>
        %dma_start3A_679 = arith.constant 0 : i32
        %dma_start3A_680 = tpu.memref_slice %arg15[%dma_start3A_673, %dma_start3A_679] : memref<16x64xi32, #tpu.memory_space<vmem>> -> memref<1x64xi32, #tpu.memory_space<vmem>>
        %dma_start3A_681 = tpu.memref_squeeze %dma_start3A_680 : memref<1x64xi32, #tpu.memory_space<vmem>> -> memref<64xi32, #tpu.memory_space<vmem>>
        %dma_start3A_682 = arith.constant 0 : i32
        %dma_start3A_683 = arith.constant 0 : i32
        %dma_start3A_684 = tpu.memref_slice %arg8[%dma_start3A_682, %dma_start3A_683] : memref<10240x128xf32, #tpu.memory_space<hbm>> -> memref<10240x128xf32, #tpu.memory_space<hbm>>
        tpu.enqueue_indirect_dma source(%dma_start3A_684 : memref<10240x128xf32, #tpu.memory_space<hbm>>) target(%dma_start3A_678 : memref<64x128xf32, #tpu.memory_space<vmem>>) offsets(%dma_start3A_681 : memref<64xi32, #tpu.memory_space<vmem>>) semaphore(%arg21 : memref<!tpu.dma_semaphore, #tpu.memory_space<semaphore_mem>>)
        %dma_wait3A_685 = arith.constant 11 : i32
        %dma_wait3A_686 = arith.constant 3 : i32
        %dma_wait3A_687 = arith.constant 0 : i32
        %dma_wait3A_688 = arith.constant 0 : i32
        %dma_wait3A_689 = tpu.memref_slice %arg10[%dma_wait3A_686, %dma_wait3A_687, %dma_wait3A_688] : memref<4x64x128xf32, #tpu.memory_space<vmem>> -> memref<1x64x128xf32, #tpu.memory_space<vmem>>
        %dma_wait3A_690 = tpu.memref_squeeze %dma_wait3A_689 : memref<1x64x128xf32, #tpu.memory_space<vmem>> -> memref<64x128xf32, #tpu.memory_space<vmem>>
        %dma_wait3A_691 = arith.constant 0 : i32
        %dma_wait3A_692 = tpu.memref_slice %arg15[%dma_wait3A_685, %dma_wait3A_691] : memref<16x64xi32, #tpu.memory_space<vmem>> -> memref<1x64xi32, #tpu.memory_space<vmem>>
        %dma_wait3A_693 = tpu.memref_squeeze %dma_wait3A_692 : memref<1x64xi32, #tpu.memory_space<vmem>> -> memref<64xi32, #tpu.memory_space<vmem>>
        %dma_wait3A_694 = arith.constant 0 : i32
        %dma_wait3A_695 = arith.constant 0 : i32
        %dma_wait3A_696 = tpu.memref_slice %arg8[%dma_wait3A_694, %dma_wait3A_695] : memref<10240x128xf32, #tpu.memory_space<hbm>> -> memref<10240x128xf32, #tpu.memory_space<hbm>>
        tpu.wait_indirect_dma semaphore(%arg22 : memref<!tpu.dma_semaphore, #tpu.memory_space<semaphore_mem>>) src(%dma_wait3A_696 : memref<10240x128xf32, #tpu.memory_space<hbm>>) dst(%dma_wait3A_690 : memref<64x128xf32, #tpu.memory_space<vmem>>)
        %dma_start3A_697 = arith.constant 3 : i32
        %dma_start3A_698 = arith.constant 11 : i32
        %dma_start3A_699 = arith.constant 0 : i32
        %dma_start3A_700 = arith.constant 0 : i32
        %dma_start3A_701 = tpu.memref_slice %arg10[%dma_start3A_697, %dma_start3A_699, %dma_start3A_700] : memref<4x64x128xf32, #tpu.memory_space<vmem>> -> memref<1x64x128xf32, #tpu.memory_space<vmem>>
        %dma_start3A_702 = tpu.memref_squeeze %dma_start3A_701 : memref<1x64x128xf32, #tpu.memory_space<vmem>> -> memref<64x128xf32, #tpu.memory_space<vmem>>
        %dma_start3A_703 = arith.constant 0 : i32
        %dma_start3A_704 = tpu.memref_slice %arg16[%dma_start3A_698, %dma_start3A_703] : memref<16x64xi32, #tpu.memory_space<vmem>> -> memref<1x64xi32, #tpu.memory_space<vmem>>
        %dma_start3A_705 = tpu.memref_squeeze %dma_start3A_704 : memref<1x64xi32, #tpu.memory_space<vmem>> -> memref<64xi32, #tpu.memory_space<vmem>>
        %dma_start3A_706 = arith.constant 0 : i32
        %dma_start3A_707 = arith.constant 0 : i32
        %dma_start3A_708 = tpu.memref_slice %arg9[%dma_start3A_706, %dma_start3A_707] : memref<10240x128xf32, #tpu.memory_space<vmem_shared>> -> memref<10240x128xf32, #tpu.memory_space<vmem_shared>>
        tpu.enqueue_indirect_dma source(%dma_start3A_702 : memref<64x128xf32, #tpu.memory_space<vmem>>) target(%dma_start3A_708 : memref<10240x128xf32, #tpu.memory_space<vmem_shared>>) offsets(%dma_start3A_705 : memref<64xi32, #tpu.memory_space<vmem>>) semaphore(%arg26 : memref<!tpu.dma_semaphore, #tpu.memory_space<semaphore_mem>>) {add = true}
        %dma_wait3A_709 = arith.constant 3 : i32
        %dma_wait3A_710 = arith.constant 11 : i32
        %dma_wait3A_711 = arith.constant 0 : i32
        %dma_wait3A_712 = arith.constant 0 : i32
        %dma_wait3A_713 = tpu.memref_slice %arg10[%dma_wait3A_709, %dma_wait3A_711, %dma_wait3A_712] : memref<4x64x128xf32, #tpu.memory_space<vmem>> -> memref<1x64x128xf32, #tpu.memory_space<vmem>>
        %dma_wait3A_714 = tpu.memref_squeeze %dma_wait3A_713 : memref<1x64x128xf32, #tpu.memory_space<vmem>> -> memref<64x128xf32, #tpu.memory_space<vmem>>
        %dma_wait3A_715 = arith.constant 0 : i32
        %dma_wait3A_716 = tpu.memref_slice %arg16[%dma_wait3A_710, %dma_wait3A_715] : memref<16x64xi32, #tpu.memory_space<vmem>> -> memref<1x64xi32, #tpu.memory_space<vmem>>
        %dma_wait3A_717 = tpu.memref_squeeze %dma_wait3A_716 : memref<1x64xi32, #tpu.memory_space<vmem>> -> memref<64xi32, #tpu.memory_space<vmem>>
        %dma_wait3A_718 = arith.constant 0 : i32
        %dma_wait3A_719 = arith.constant 0 : i32
        %dma_wait3A_720 = tpu.memref_slice %arg9[%dma_wait3A_718, %dma_wait3A_719] : memref<10240x128xf32, #tpu.memory_space<vmem_shared>> -> memref<10240x128xf32, #tpu.memory_space<vmem_shared>>
        tpu.wait_indirect_dma semaphore(%arg26 : memref<!tpu.dma_semaphore, #tpu.memory_space<semaphore_mem>>) src(%dma_wait3A_714 : memref<64x128xf32, #tpu.memory_space<vmem>>) dst(%dma_wait3A_720 : memref<10240x128xf32, #tpu.memory_space<vmem_shared>>)
        %dma_start3A_721 = arith.constant 15 : i32
        %dma_start3A_722 = arith.constant 3 : i32
        %dma_start3A_723 = arith.constant 0 : i32
        %dma_start3A_724 = arith.constant 0 : i32
        %dma_start3A_725 = tpu.memref_slice %arg10[%dma_start3A_722, %dma_start3A_723, %dma_start3A_724] : memref<4x64x128xf32, #tpu.memory_space<vmem>> -> memref<1x64x128xf32, #tpu.memory_space<vmem>>
        %dma_start3A_726 = tpu.memref_squeeze %dma_start3A_725 : memref<1x64x128xf32, #tpu.memory_space<vmem>> -> memref<64x128xf32, #tpu.memory_space<vmem>>
        %dma_start3A_727 = arith.constant 0 : i32
        %dma_start3A_728 = tpu.memref_slice %arg15[%dma_start3A_721, %dma_start3A_727] : memref<16x64xi32, #tpu.memory_space<vmem>> -> memref<1x64xi32, #tpu.memory_space<vmem>>
        %dma_start3A_729 = tpu.memref_squeeze %dma_start3A_728 : memref<1x64xi32, #tpu.memory_space<vmem>> -> memref<64xi32, #tpu.memory_space<vmem>>
        %dma_start3A_730 = arith.constant 0 : i32
        %dma_start3A_731 = arith.constant 0 : i32
        %dma_start3A_732 = tpu.memref_slice %arg8[%dma_start3A_730, %dma_start3A_731] : memref<10240x128xf32, #tpu.memory_space<hbm>> -> memref<10240x128xf32, #tpu.memory_space<hbm>>
        tpu.enqueue_indirect_dma source(%dma_start3A_732 : memref<10240x128xf32, #tpu.memory_space<hbm>>) target(%dma_start3A_726 : memref<64x128xf32, #tpu.memory_space<vmem>>) offsets(%dma_start3A_729 : memref<64xi32, #tpu.memory_space<vmem>>) semaphore(%arg22 : memref<!tpu.dma_semaphore, #tpu.memory_space<semaphore_mem>>)
        %dma_wait3A_733 = arith.constant 12 : i32
        %dma_wait3A_734 = arith.constant 0 : i32
        %dma_wait3A_735 = arith.constant 0 : i32
        %dma_wait3A_736 = arith.constant 0 : i32
        %dma_wait3A_737 = tpu.memref_slice %arg10[%dma_wait3A_734, %dma_wait3A_735, %dma_wait3A_736] : memref<4x64x128xf32, #tpu.memory_space<vmem>> -> memref<1x64x128xf32, #tpu.memory_space<vmem>>
        %dma_wait3A_738 = tpu.memref_squeeze %dma_wait3A_737 : memref<1x64x128xf32, #tpu.memory_space<vmem>> -> memref<64x128xf32, #tpu.memory_space<vmem>>
        %dma_wait3A_739 = arith.constant 0 : i32
        %dma_wait3A_740 = tpu.memref_slice %arg15[%dma_wait3A_733, %dma_wait3A_739] : memref<16x64xi32, #tpu.memory_space<vmem>> -> memref<1x64xi32, #tpu.memory_space<vmem>>
        %dma_wait3A_741 = tpu.memref_squeeze %dma_wait3A_740 : memref<1x64xi32, #tpu.memory_space<vmem>> -> memref<64xi32, #tpu.memory_space<vmem>>
        %dma_wait3A_742 = arith.constant 0 : i32
        %dma_wait3A_743 = arith.constant 0 : i32
        %dma_wait3A_744 = tpu.memref_slice %arg8[%dma_wait3A_742, %dma_wait3A_743] : memref<10240x128xf32, #tpu.memory_space<hbm>> -> memref<10240x128xf32, #tpu.memory_space<hbm>>
        tpu.wait_indirect_dma semaphore(%arg19 : memref<!tpu.dma_semaphore, #tpu.memory_space<semaphore_mem>>) src(%dma_wait3A_744 : memref<10240x128xf32, #tpu.memory_space<hbm>>) dst(%dma_wait3A_738 : memref<64x128xf32, #tpu.memory_space<vmem>>)
        %dma_start3A_745 = arith.constant 0 : i32
        %dma_start3A_746 = arith.constant 12 : i32
        %dma_start3A_747 = arith.constant 0 : i32
        %dma_start3A_748 = arith.constant 0 : i32
        %dma_start3A_749 = tpu.memref_slice %arg10[%dma_start3A_745, %dma_start3A_747, %dma_start3A_748] : memref<4x64x128xf32, #tpu.memory_space<vmem>> -> memref<1x64x128xf32, #tpu.memory_space<vmem>>
        %dma_start3A_750 = tpu.memref_squeeze %dma_start3A_749 : memref<1x64x128xf32, #tpu.memory_space<vmem>> -> memref<64x128xf32, #tpu.memory_space<vmem>>
        %dma_start3A_751 = arith.constant 0 : i32
        %dma_start3A_752 = tpu.memref_slice %arg16[%dma_start3A_746, %dma_start3A_751] : memref<16x64xi32, #tpu.memory_space<vmem>> -> memref<1x64xi32, #tpu.memory_space<vmem>>
        %dma_start3A_753 = tpu.memref_squeeze %dma_start3A_752 : memref<1x64xi32, #tpu.memory_space<vmem>> -> memref<64xi32, #tpu.memory_space<vmem>>
        %dma_start3A_754 = arith.constant 0 : i32
        %dma_start3A_755 = arith.constant 0 : i32
        %dma_start3A_756 = tpu.memref_slice %arg9[%dma_start3A_754, %dma_start3A_755] : memref<10240x128xf32, #tpu.memory_space<vmem_shared>> -> memref<10240x128xf32, #tpu.memory_space<vmem_shared>>
        tpu.enqueue_indirect_dma source(%dma_start3A_750 : memref<64x128xf32, #tpu.memory_space<vmem>>) target(%dma_start3A_756 : memref<10240x128xf32, #tpu.memory_space<vmem_shared>>) offsets(%dma_start3A_753 : memref<64xi32, #tpu.memory_space<vmem>>) semaphore(%arg23 : memref<!tpu.dma_semaphore, #tpu.memory_space<semaphore_mem>>) {add = true}
        %dma_wait3A_757 = arith.constant 13 : i32
        %dma_wait3A_758 = arith.constant 1 : i32
        %dma_wait3A_759 = arith.constant 0 : i32
        %dma_wait3A_760 = arith.constant 0 : i32
        %dma_wait3A_761 = tpu.memref_slice %arg10[%dma_wait3A_758, %dma_wait3A_759, %dma_wait3A_760] : memref<4x64x128xf32, #tpu.memory_space<vmem>> -> memref<1x64x128xf32, #tpu.memory_space<vmem>>
        %dma_wait3A_762 = tpu.memref_squeeze %dma_wait3A_761 : memref<1x64x128xf32, #tpu.memory_space<vmem>> -> memref<64x128xf32, #tpu.memory_space<vmem>>
        %dma_wait3A_763 = arith.constant 0 : i32
        %dma_wait3A_764 = tpu.memref_slice %arg15[%dma_wait3A_757, %dma_wait3A_763] : memref<16x64xi32, #tpu.memory_space<vmem>> -> memref<1x64xi32, #tpu.memory_space<vmem>>
        %dma_wait3A_765 = tpu.memref_squeeze %dma_wait3A_764 : memref<1x64xi32, #tpu.memory_space<vmem>> -> memref<64xi32, #tpu.memory_space<vmem>>
        %dma_wait3A_766 = arith.constant 0 : i32
        %dma_wait3A_767 = arith.constant 0 : i32
        %dma_wait3A_768 = tpu.memref_slice %arg8[%dma_wait3A_766, %dma_wait3A_767] : memref<10240x128xf32, #tpu.memory_space<hbm>> -> memref<10240x128xf32, #tpu.memory_space<hbm>>
        tpu.wait_indirect_dma semaphore(%arg20 : memref<!tpu.dma_semaphore, #tpu.memory_space<semaphore_mem>>) src(%dma_wait3A_768 : memref<10240x128xf32, #tpu.memory_space<hbm>>) dst(%dma_wait3A_762 : memref<64x128xf32, #tpu.memory_space<vmem>>)
        %dma_start3A_769 = arith.constant 1 : i32
        %dma_start3A_770 = arith.constant 13 : i32
        %dma_start3A_771 = arith.constant 0 : i32
        %dma_start3A_772 = arith.constant 0 : i32
        %dma_start3A_773 = tpu.memref_slice %arg10[%dma_start3A_769, %dma_start3A_771, %dma_start3A_772] : memref<4x64x128xf32, #tpu.memory_space<vmem>> -> memref<1x64x128xf32, #tpu.memory_space<vmem>>
        %dma_start3A_774 = tpu.memref_squeeze %dma_start3A_773 : memref<1x64x128xf32, #tpu.memory_space<vmem>> -> memref<64x128xf32, #tpu.memory_space<vmem>>
        %dma_start3A_775 = arith.constant 0 : i32
        %dma_start3A_776 = tpu.memref_slice %arg16[%dma_start3A_770, %dma_start3A_775] : memref<16x64xi32, #tpu.memory_space<vmem>> -> memref<1x64xi32, #tpu.memory_space<vmem>>
        %dma_start3A_777 = tpu.memref_squeeze %dma_start3A_776 : memref<1x64xi32, #tpu.memory_space<vmem>> -> memref<64xi32, #tpu.memory_space<vmem>>
        %dma_start3A_778 = arith.constant 0 : i32
        %dma_start3A_779 = arith.constant 0 : i32
        %dma_start3A_780 = tpu.memref_slice %arg9[%dma_start3A_778, %dma_start3A_779] : memref<10240x128xf32, #tpu.memory_space<vmem_shared>> -> memref<10240x128xf32, #tpu.memory_space<vmem_shared>>
        tpu.enqueue_indirect_dma source(%dma_start3A_774 : memref<64x128xf32, #tpu.memory_space<vmem>>) target(%dma_start3A_780 : memref<10240x128xf32, #tpu.memory_space<vmem_shared>>) offsets(%dma_start3A_777 : memref<64xi32, #tpu.memory_space<vmem>>) semaphore(%arg24 : memref<!tpu.dma_semaphore, #tpu.memory_space<semaphore_mem>>) {add = true}
        %dma_wait3A_781 = arith.constant 14 : i32
        %dma_wait3A_782 = arith.constant 2 : i32
        %dma_wait3A_783 = arith.constant 0 : i32
        %dma_wait3A_784 = arith.constant 0 : i32
        %dma_wait3A_785 = tpu.memref_slice %arg10[%dma_wait3A_782, %dma_wait3A_783, %dma_wait3A_784] : memref<4x64x128xf32, #tpu.memory_space<vmem>> -> memref<1x64x128xf32, #tpu.memory_space<vmem>>
        %dma_wait3A_786 = tpu.memref_squeeze %dma_wait3A_785 : memref<1x64x128xf32, #tpu.memory_space<vmem>> -> memref<64x128xf32, #tpu.memory_space<vmem>>
        %dma_wait3A_787 = arith.constant 0 : i32
        %dma_wait3A_788 = tpu.memref_slice %arg15[%dma_wait3A_781, %dma_wait3A_787] : memref<16x64xi32, #tpu.memory_space<vmem>> -> memref<1x64xi32, #tpu.memory_space<vmem>>
        %dma_wait3A_789 = tpu.memref_squeeze %dma_wait3A_788 : memref<1x64xi32, #tpu.memory_space<vmem>> -> memref<64xi32, #tpu.memory_space<vmem>>
        %dma_wait3A_790 = arith.constant 0 : i32
        %dma_wait3A_791 = arith.constant 0 : i32
        %dma_wait3A_792 = tpu.memref_slice %arg8[%dma_wait3A_790, %dma_wait3A_791] : memref<10240x128xf32, #tpu.memory_space<hbm>> -> memref<10240x128xf32, #tpu.memory_space<hbm>>
        tpu.wait_indirect_dma semaphore(%arg21 : memref<!tpu.dma_semaphore, #tpu.memory_space<semaphore_mem>>) src(%dma_wait3A_792 : memref<10240x128xf32, #tpu.memory_space<hbm>>) dst(%dma_wait3A_786 : memref<64x128xf32, #tpu.memory_space<vmem>>)
        %dma_start3A_793 = arith.constant 2 : i32
        %dma_start3A_794 = arith.constant 14 : i32
        %dma_start3A_795 = arith.constant 0 : i32
        %dma_start3A_796 = arith.constant 0 : i32
        %dma_start3A_797 = tpu.memref_slice %arg10[%dma_start3A_793, %dma_start3A_795, %dma_start3A_796] : memref<4x64x128xf32, #tpu.memory_space<vmem>> -> memref<1x64x128xf32, #tpu.memory_space<vmem>>
        %dma_start3A_798 = tpu.memref_squeeze %dma_start3A_797 : memref<1x64x128xf32, #tpu.memory_space<vmem>> -> memref<64x128xf32, #tpu.memory_space<vmem>>
        %dma_start3A_799 = arith.constant 0 : i32
        %dma_start3A_800 = tpu.memref_slice %arg16[%dma_start3A_794, %dma_start3A_799] : memref<16x64xi32, #tpu.memory_space<vmem>> -> memref<1x64xi32, #tpu.memory_space<vmem>>
        %dma_start3A_801 = tpu.memref_squeeze %dma_start3A_800 : memref<1x64xi32, #tpu.memory_space<vmem>> -> memref<64xi32, #tpu.memory_space<vmem>>
        %dma_start3A_802 = arith.constant 0 : i32
        %dma_start3A_803 = arith.constant 0 : i32
        %dma_start3A_804 = tpu.memref_slice %arg9[%dma_start3A_802, %dma_start3A_803] : memref<10240x128xf32, #tpu.memory_space<vmem_shared>> -> memref<10240x128xf32, #tpu.memory_space<vmem_shared>>
        tpu.enqueue_indirect_dma source(%dma_start3A_798 : memref<64x128xf32, #tpu.memory_space<vmem>>) target(%dma_start3A_804 : memref<10240x128xf32, #tpu.memory_space<vmem_shared>>) offsets(%dma_start3A_801 : memref<64xi32, #tpu.memory_space<vmem>>) semaphore(%arg25 : memref<!tpu.dma_semaphore, #tpu.memory_space<semaphore_mem>>) {add = true}
        %dma_wait3A_805 = arith.constant 15 : i32
        %dma_wait3A_806 = arith.constant 3 : i32
        %dma_wait3A_807 = arith.constant 0 : i32
        %dma_wait3A_808 = arith.constant 0 : i32
        %dma_wait3A_809 = tpu.memref_slice %arg10[%dma_wait3A_806, %dma_wait3A_807, %dma_wait3A_808] : memref<4x64x128xf32, #tpu.memory_space<vmem>> -> memref<1x64x128xf32, #tpu.memory_space<vmem>>
        %dma_wait3A_810 = tpu.memref_squeeze %dma_wait3A_809 : memref<1x64x128xf32, #tpu.memory_space<vmem>> -> memref<64x128xf32, #tpu.memory_space<vmem>>
        %dma_wait3A_811 = arith.constant 0 : i32
        %dma_wait3A_812 = tpu.memref_slice %arg15[%dma_wait3A_805, %dma_wait3A_811] : memref<16x64xi32, #tpu.memory_space<vmem>> -> memref<1x64xi32, #tpu.memory_space<vmem>>
        %dma_wait3A_813 = tpu.memref_squeeze %dma_wait3A_812 : memref<1x64xi32, #tpu.memory_space<vmem>> -> memref<64xi32, #tpu.memory_space<vmem>>
        %dma_wait3A_814 = arith.constant 0 : i32
        %dma_wait3A_815 = arith.constant 0 : i32
        %dma_wait3A_816 = tpu.memref_slice %arg8[%dma_wait3A_814, %dma_wait3A_815] : memref<10240x128xf32, #tpu.memory_space<hbm>> -> memref<10240x128xf32, #tpu.memory_space<hbm>>
        tpu.wait_indirect_dma semaphore(%arg22 : memref<!tpu.dma_semaphore, #tpu.memory_space<semaphore_mem>>) src(%dma_wait3A_816 : memref<10240x128xf32, #tpu.memory_space<hbm>>) dst(%dma_wait3A_810 : memref<64x128xf32, #tpu.memory_space<vmem>>)
        %dma_start3A_817 = arith.constant 3 : i32
        %dma_start3A_818 = arith.constant 15 : i32
        %dma_start3A_819 = arith.constant 0 : i32
        %dma_start3A_820 = arith.constant 0 : i32
        %dma_start3A_821 = tpu.memref_slice %arg10[%dma_start3A_817, %dma_start3A_819, %dma_start3A_820] : memref<4x64x128xf32, #tpu.memory_space<vmem>> -> memref<1x64x128xf32, #tpu.memory_space<vmem>>
        %dma_start3A_822 = tpu.memref_squeeze %dma_start3A_821 : memref<1x64x128xf32, #tpu.memory_space<vmem>> -> memref<64x128xf32, #tpu.memory_space<vmem>>
        %dma_start3A_823 = arith.constant 0 : i32
        %dma_start3A_824 = tpu.memref_slice %arg16[%dma_start3A_818, %dma_start3A_823] : memref<16x64xi32, #tpu.memory_space<vmem>> -> memref<1x64xi32, #tpu.memory_space<vmem>>
        %dma_start3A_825 = tpu.memref_squeeze %dma_start3A_824 : memref<1x64xi32, #tpu.memory_space<vmem>> -> memref<64xi32, #tpu.memory_space<vmem>>
        %dma_start3A_826 = arith.constant 0 : i32
        %dma_start3A_827 = arith.constant 0 : i32
        %dma_start3A_828 = tpu.memref_slice %arg9[%dma_start3A_826, %dma_start3A_827] : memref<10240x128xf32, #tpu.memory_space<vmem_shared>> -> memref<10240x128xf32, #tpu.memory_space<vmem_shared>>
        tpu.enqueue_indirect_dma source(%dma_start3A_822 : memref<64x128xf32, #tpu.memory_space<vmem>>) target(%dma_start3A_828 : memref<10240x128xf32, #tpu.memory_space<vmem_shared>>) offsets(%dma_start3A_825 : memref<64xi32, #tpu.memory_space<vmem>>) semaphore(%arg26 : memref<!tpu.dma_semaphore, #tpu.memory_space<semaphore_mem>>) {add = true}
        %dma_wait3A_829 = arith.constant 0 : i32
        %dma_wait3A_830 = arith.constant 12 : i32
        %dma_wait3A_831 = arith.constant 0 : i32
        %dma_wait3A_832 = arith.constant 0 : i32
        %dma_wait3A_833 = tpu.memref_slice %arg10[%dma_wait3A_829, %dma_wait3A_831, %dma_wait3A_832] : memref<4x64x128xf32, #tpu.memory_space<vmem>> -> memref<1x64x128xf32, #tpu.memory_space<vmem>>
        %dma_wait3A_834 = tpu.memref_squeeze %dma_wait3A_833 : memref<1x64x128xf32, #tpu.memory_space<vmem>> -> memref<64x128xf32, #tpu.memory_space<vmem>>
        %dma_wait3A_835 = arith.constant 0 : i32
        %dma_wait3A_836 = tpu.memref_slice %arg16[%dma_wait3A_830, %dma_wait3A_835] : memref<16x64xi32, #tpu.memory_space<vmem>> -> memref<1x64xi32, #tpu.memory_space<vmem>>
        %dma_wait3A_837 = tpu.memref_squeeze %dma_wait3A_836 : memref<1x64xi32, #tpu.memory_space<vmem>> -> memref<64xi32, #tpu.memory_space<vmem>>
        %dma_wait3A_838 = arith.constant 0 : i32
        %dma_wait3A_839 = arith.constant 0 : i32
        %dma_wait3A_840 = tpu.memref_slice %arg9[%dma_wait3A_838, %dma_wait3A_839] : memref<10240x128xf32, #tpu.memory_space<vmem_shared>> -> memref<10240x128xf32, #tpu.memory_space<vmem_shared>>
        tpu.wait_indirect_dma semaphore(%arg23 : memref<!tpu.dma_semaphore, #tpu.memory_space<semaphore_mem>>) src(%dma_wait3A_834 : memref<64x128xf32, #tpu.memory_space<vmem>>) dst(%dma_wait3A_840 : memref<10240x128xf32, #tpu.memory_space<vmem_shared>>)
        %dma_wait3A_841 = arith.constant 1 : i32
        %dma_wait3A_842 = arith.constant 13 : i32
        %dma_wait3A_843 = arith.constant 0 : i32
        %dma_wait3A_844 = arith.constant 0 : i32
        %dma_wait3A_845 = tpu.memref_slice %arg10[%dma_wait3A_841, %dma_wait3A_843, %dma_wait3A_844] : memref<4x64x128xf32, #tpu.memory_space<vmem>> -> memref<1x64x128xf32, #tpu.memory_space<vmem>>
        %dma_wait3A_846 = tpu.memref_squeeze %dma_wait3A_845 : memref<1x64x128xf32, #tpu.memory_space<vmem>> -> memref<64x128xf32, #tpu.memory_space<vmem>>
        %dma_wait3A_847 = arith.constant 0 : i32
        %dma_wait3A_848 = tpu.memref_slice %arg16[%dma_wait3A_842, %dma_wait3A_847] : memref<16x64xi32, #tpu.memory_space<vmem>> -> memref<1x64xi32, #tpu.memory_space<vmem>>
        %dma_wait3A_849 = tpu.memref_squeeze %dma_wait3A_848 : memref<1x64xi32, #tpu.memory_space<vmem>> -> memref<64xi32, #tpu.memory_space<vmem>>
        %dma_wait3A_850 = arith.constant 0 : i32
        %dma_wait3A_851 = arith.constant 0 : i32
        %dma_wait3A_852 = tpu.memref_slice %arg9[%dma_wait3A_850, %dma_wait3A_851] : memref<10240x128xf32, #tpu.memory_space<vmem_shared>> -> memref<10240x128xf32, #tpu.memory_space<vmem_shared>>
        tpu.wait_indirect_dma semaphore(%arg24 : memref<!tpu.dma_semaphore, #tpu.memory_space<semaphore_mem>>) src(%dma_wait3A_846 : memref<64x128xf32, #tpu.memory_space<vmem>>) dst(%dma_wait3A_852 : memref<10240x128xf32, #tpu.memory_space<vmem_shared>>)
        %dma_wait3A_853 = arith.constant 2 : i32
        %dma_wait3A_854 = arith.constant 14 : i32
        %dma_wait3A_855 = arith.constant 0 : i32
        %dma_wait3A_856 = arith.constant 0 : i32
        %dma_wait3A_857 = tpu.memref_slice %arg10[%dma_wait3A_853, %dma_wait3A_855, %dma_wait3A_856] : memref<4x64x128xf32, #tpu.memory_space<vmem>> -> memref<1x64x128xf32, #tpu.memory_space<vmem>>
        %dma_wait3A_858 = tpu.memref_squeeze %dma_wait3A_857 : memref<1x64x128xf32, #tpu.memory_space<vmem>> -> memref<64x128xf32, #tpu.memory_space<vmem>>
        %dma_wait3A_859 = arith.constant 0 : i32
        %dma_wait3A_860 = tpu.memref_slice %arg16[%dma_wait3A_854, %dma_wait3A_859] : memref<16x64xi32, #tpu.memory_space<vmem>> -> memref<1x64xi32, #tpu.memory_space<vmem>>
        %dma_wait3A_861 = tpu.memref_squeeze %dma_wait3A_860 : memref<1x64xi32, #tpu.memory_space<vmem>> -> memref<64xi32, #tpu.memory_space<vmem>>
        %dma_wait3A_862 = arith.constant 0 : i32
        %dma_wait3A_863 = arith.constant 0 : i32
        %dma_wait3A_864 = tpu.memref_slice %arg9[%dma_wait3A_862, %dma_wait3A_863] : memref<10240x128xf32, #tpu.memory_space<vmem_shared>> -> memref<10240x128xf32, #tpu.memory_space<vmem_shared>>
        tpu.wait_indirect_dma semaphore(%arg25 : memref<!tpu.dma_semaphore, #tpu.memory_space<semaphore_mem>>) src(%dma_wait3A_858 : memref<64x128xf32, #tpu.memory_space<vmem>>) dst(%dma_wait3A_864 : memref<10240x128xf32, #tpu.memory_space<vmem_shared>>)
        %dma_wait3A_865 = arith.constant 3 : i32
        %dma_wait3A_866 = arith.constant 15 : i32
        %dma_wait3A_867 = arith.constant 0 : i32
        %dma_wait3A_868 = arith.constant 0 : i32
        %dma_wait3A_869 = tpu.memref_slice %arg10[%dma_wait3A_865, %dma_wait3A_867, %dma_wait3A_868] : memref<4x64x128xf32, #tpu.memory_space<vmem>> -> memref<1x64x128xf32, #tpu.memory_space<vmem>>
        %dma_wait3A_870 = tpu.memref_squeeze %dma_wait3A_869 : memref<1x64x128xf32, #tpu.memory_space<vmem>> -> memref<64x128xf32, #tpu.memory_space<vmem>>
        %dma_wait3A_871 = arith.constant 0 : i32
        %dma_wait3A_872 = tpu.memref_slice %arg16[%dma_wait3A_866, %dma_wait3A_871] : memref<16x64xi32, #tpu.memory_space<vmem>> -> memref<1x64xi32, #tpu.memory_space<vmem>>
        %dma_wait3A_873 = tpu.memref_squeeze %dma_wait3A_872 : memref<1x64xi32, #tpu.memory_space<vmem>> -> memref<64xi32, #tpu.memory_space<vmem>>
        %dma_wait3A_874 = arith.constant 0 : i32
        %dma_wait3A_875 = arith.constant 0 : i32
        %dma_wait3A_876 = tpu.memref_slice %arg9[%dma_wait3A_874, %dma_wait3A_875] : memref<10240x128xf32, #tpu.memory_space<vmem_shared>> -> memref<10240x128xf32, #tpu.memory_space<vmem_shared>>
        tpu.wait_indirect_dma semaphore(%arg26 : memref<!tpu.dma_semaphore, #tpu.memory_space<semaphore_mem>>) src(%dma_wait3A_870 : memref<64x128xf32, #tpu.memory_space<vmem>>) dst(%dma_wait3A_876 : memref<10240x128xf32, #tpu.memory_space<vmem_shared>>)
        %scan3A_877 = arith.constant 0 : i32
        scf.yield %scan3A_877 : i32
      }
      %scan3A_89 = arith.constant 20 : i32
      %barrier3A_90 = arith.constant 0 : index
      tpu.barrier barrier_id(%barrier3A_90)
      %mul3A_91 = arith.constant 0 : i32
      %mul3A_92 = vector.broadcast %mul3A_91 : i32 to vector<16xi32>
      %mul3A_93 = arith.muli %iota3A, %mul3A_92 : vector<16xi32>
      %add3A_94 = vector.broadcast %scan3A_66 : i32 to vector<16xi32>
      %add3A_95 = arith.addi %mul3A_93, %add3A_94 : vector<16xi32>
      %gather3A = tpu.vector_load_idx %arg17[%add3A_95] : memref<16xf32, #tpu.memory_space<vmem>>[vector<16xi32>], vector<16xf32>,
      %scan3A_96 = arith.constant 0 : i32
      %scan3A_97 = arith.constant 0 : i32
      %scan3A_98 = arith.constant 20 : i32
      %scan3A_99 = arith.addi %scan3A_97, %scan3A_98 : i32
      %scan3A_100 = arith.constant 1 : i32
      %scan3A_101 = scf.for %scan3A_105 = %scan3A_97 to %scan3A_99 step %scan3A_100 iter_args(%scan3A_106 = %scan3A_96) -> (i32)  : i32 {
        %mul3A_107 = arith.constant 32 : i32
        %mul3A_108 = arith.muli %scan3A_105, %mul3A_107 : i32
        %add3A_109 = arith.addi %mul3A_0, %mul3A_108 : i32
        "tpu.region"() ({
          %run_scoped3A_118 = tpu.sem_alloc : memref<!tpu.dma_semaphore, #tpu.memory_space<semaphore_mem>>
          %dma_start3A = arith.constant 0 : i32
          %dma_start3A_119 = tpu.memref_slice %arg9[%add3A_109, %dma_start3A] : memref<10240x128xf32, #tpu.memory_space<vmem_shared>> -> memref<32x128xf32, #tpu.memory_space<vmem_shared>>
          %dma_start3A_120 = arith.constant 0 : i32
          %dma_start3A_121 = tpu.memref_slice %arg9[%add3A_109, %dma_start3A_120] : memref<10240x128xf32, #tpu.memory_space<vmem_shared>> -> memref<32x128xf32, #tpu.memory_space<vmem_shared>>
          tpu.enqueue_dma source(%dma_start3A_121 : memref<32x128xf32, #tpu.memory_space<vmem_shared>>) target(%arg11 : memref<32x128xf32, #tpu.memory_space<vmem>>) target_semaphore(%run_scoped3A_118 : memref<!tpu.dma_semaphore, #tpu.memory_space<semaphore_mem>>)
          %dma_wait3A = arith.constant 0 : i32
          %dma_wait3A_122 = tpu.memref_slice %arg9[%add3A_109, %dma_wait3A] : memref<10240x128xf32, #tpu.memory_space<vmem_shared>> -> memref<32x128xf32, #tpu.memory_space<vmem_shared>>
          %dma_wait3A_123 = arith.constant 0 : i32
          %dma_wait3A_124 = tpu.memref_slice %arg9[%add3A_109, %dma_wait3A_123] : memref<10240x128xf32, #tpu.memory_space<vmem_shared>> -> memref<32x128xf32, #tpu.memory_space<vmem_shared>>
          tpu.wait_dma2 semaphore(%run_scoped3A_118 : memref<!tpu.dma_semaphore, #tpu.memory_space<semaphore_mem>>) src(%dma_wait3A_124 : memref<32x128xf32, #tpu.memory_space<vmem_shared>>) dst(%arg11 : memref<32x128xf32, #tpu.memory_space<vmem>>)
          tpu.yield
        }) : () -> ()
        "tpu.region"() ({
          %run_scoped3A_118 = tpu.sem_alloc : memref<!tpu.dma_semaphore, #tpu.memory_space<semaphore_mem>>
          %dma_start3A = arith.constant 0 : i32
          %dma_start3A_119 = tpu.memref_slice %arg8[%add3A_109, %dma_start3A] : memref<10240x128xf32, #tpu.memory_space<hbm>> -> memref<32x128xf32, #tpu.memory_space<hbm>>
          %dma_start3A_120 = arith.constant 0 : i32
          %dma_start3A_121 = tpu.memref_slice %arg8[%add3A_109, %dma_start3A_120] : memref<10240x128xf32, #tpu.memory_space<hbm>> -> memref<32x128xf32, #tpu.memory_space<hbm>>
          tpu.enqueue_dma source(%dma_start3A_121 : memref<32x128xf32, #tpu.memory_space<hbm>>) target(%arg12 : memref<32x128xf32, #tpu.memory_space<vmem>>) target_semaphore(%run_scoped3A_118 : memref<!tpu.dma_semaphore, #tpu.memory_space<semaphore_mem>>)
          %dma_wait3A = arith.constant 0 : i32
          %dma_wait3A_122 = tpu.memref_slice %arg8[%add3A_109, %dma_wait3A] : memref<10240x128xf32, #tpu.memory_space<hbm>> -> memref<32x128xf32, #tpu.memory_space<hbm>>
          %dma_wait3A_123 = arith.constant 0 : i32
          %dma_wait3A_124 = tpu.memref_slice %arg8[%add3A_109, %dma_wait3A_123] : memref<10240x128xf32, #tpu.memory_space<hbm>> -> memref<32x128xf32, #tpu.memory_space<hbm>>
          tpu.wait_dma2 semaphore(%run_scoped3A_118 : memref<!tpu.dma_semaphore, #tpu.memory_space<semaphore_mem>>) src(%dma_wait3A_124 : memref<32x128xf32, #tpu.memory_space<hbm>>) dst(%arg12 : memref<32x128xf32, #tpu.memory_space<vmem>>)
          tpu.yield
        }) : () -> ()
        "tpu.region"() ({
          %run_scoped3A_118 = tpu.sem_alloc : memref<!tpu.dma_semaphore, #tpu.memory_space<semaphore_mem>>
          %dma_start3A = arith.constant 0 : i32
          %dma_start3A_119 = tpu.memref_slice %arg7[%add3A_109, %dma_start3A] : memref<10240x128xf32, #tpu.memory_space<hbm>> -> memref<32x128xf32, #tpu.memory_space<hbm>>
          %dma_start3A_120 = arith.constant 0 : i32
          %dma_start3A_121 = tpu.memref_slice %arg7[%add3A_109, %dma_start3A_120] : memref<10240x128xf32, #tpu.memory_space<hbm>> -> memref<32x128xf32, #tpu.memory_space<hbm>>
          tpu.enqueue_dma source(%dma_start3A_121 : memref<32x128xf32, #tpu.memory_space<hbm>>) target(%arg13 : memref<32x128xf32, #tpu.memory_space<vmem>>) target_semaphore(%run_scoped3A_118 : memref<!tpu.dma_semaphore, #tpu.memory_space<semaphore_mem>>)
          %dma_wait3A = arith.constant 0 : i32
          %dma_wait3A_122 = tpu.memref_slice %arg7[%add3A_109, %dma_wait3A] : memref<10240x128xf32, #tpu.memory_space<hbm>> -> memref<32x128xf32, #tpu.memory_space<hbm>>
          %dma_wait3A_123 = arith.constant 0 : i32
          %dma_wait3A_124 = tpu.memref_slice %arg7[%add3A_109, %dma_wait3A_123] : memref<10240x128xf32, #tpu.memory_space<hbm>> -> memref<32x128xf32, #tpu.memory_space<hbm>>
          tpu.wait_dma2 semaphore(%run_scoped3A_118 : memref<!tpu.dma_semaphore, #tpu.memory_space<semaphore_mem>>) src(%dma_wait3A_124 : memref<32x128xf32, #tpu.memory_space<hbm>>) dst(%arg13 : memref<32x128xf32, #tpu.memory_space<vmem>>)
          tpu.yield
        }) : () -> ()
        %scan3A_110 = arith.constant 0 : i32
        %scan3A_111 = arith.constant 0 : i32
        %scan3A_112 = arith.constant 32 : i32
        %scan3A_113 = arith.addi %scan3A_111, %scan3A_112 : i32
        %scan3A_114 = arith.constant 1 : i32
        %scan3A_115 = scf.for %scan3A_118 = %scan3A_111 to %scan3A_113 step %scan3A_114 iter_args(%scan3A_119 = %scan3A_110) -> (i32)  : i32 {
          %mul3A_120 = arith.constant 0 : i32
          %mul3A_121 = vector.broadcast %mul3A_120 : i32 to vector<16xi32>
          %mul3A_122 = arith.muli %iota3A, %mul3A_121 : vector<16xi32>
          %mul3A_123 = arith.constant 32 : i32
          %mul3A_124 = arith.muli %scan3A_105, %mul3A_123 : i32
          %add3A_125 = arith.addi %mul3A_124, %scan3A_118 : i32
          %add3A_126 = vector.broadcast %add3A_125 : i32 to vector<16xi32>
          %add3A_127 = arith.addi %mul3A_122, %add3A_126 : vector<16xi32>
          %gather3A_128 = tpu.vector_load_idx %arg14[%add3A_127] : memref<640xf32, #tpu.memory_space<vmem>>[vector<16xi32>], vector<16xf32>,
          %mul3A_129 = arith.mulf %gather3A_128, %gather3A_128 : vector<16xf32>
          %mul3A_130 = arith.mulf %gather3A, %gather3A_128 : vector<16xf32>
          %get3A_131 = arith.index_cast %scan3A_118 : i32 to index
          %get3A_132 = arith.constant 0 : index
          %get3A_133 = tpu.vector_load %arg11[%get3A_131, %get3A_132] {strides = array<i32>} : memref<32x128xf32, #tpu.memory_space<vmem>>, vector<16xf32>,
          %get3A_134 = arith.index_cast %scan3A_118 : i32 to index
          %get3A_135 = arith.constant 0 : index
          %get3A_136 = tpu.vector_load %arg12[%get3A_134, %get3A_135] {strides = array<i32>} : memref<32x128xf32, #tpu.memory_space<vmem>>, vector<16xf32>,
          %add3A_137 = arith.addf %get3A_133, %get3A_136 : vector<16xf32>
          %get3A_138 = arith.index_cast %scan3A_118 : i32 to index
          %get3A_139 = arith.constant 0 : index
          %get3A_140 = tpu.vector_load %arg13[%get3A_138, %get3A_139] {strides = array<i32>} : memref<32x128xf32, #tpu.memory_space<vmem>>, vector<16xf32>,
          %mul3A_141 = arith.mulf %mul3A_130, %add3A_137 : vector<16xf32>
          %add3A_142 = arith.addf %get3A_140, %mul3A_141 : vector<16xf32>
          %swap3A = arith.index_cast %scan3A_118 : i32 to index
          %swap3A_143 = arith.constant 0 : index
          %swap3A_144 = tpu.vector_load %arg13[%swap3A, %swap3A_143] {strides = array<i32>} : memref<32x128xf32, #tpu.memory_space<vmem>>, vector<16xf32>,
          tpu.vector_store %arg13[%swap3A, %swap3A_143], %add3A_142 {strides = array<i32>} : memref<32x128xf32, #tpu.memory_space<vmem>>, vector<16xf32>,
          %mul3A_145 = arith.mulf %mul3A_129, %add3A_137 : vector<16xf32>
          %swap3A_146 = arith.index_cast %scan3A_118 : i32 to index
          %swap3A_147 = arith.constant 0 : index
          %swap3A_148 = tpu.vector_load %arg12[%swap3A_146, %swap3A_147] {strides = array<i32>} : memref<32x128xf32, #tpu.memory_space<vmem>>, vector<16xf32>,
          tpu.vector_store %arg12[%swap3A_146, %swap3A_147], %mul3A_145 {strides = array<i32>} : memref<32x128xf32, #tpu.memory_space<vmem>>, vector<16xf32>,
          %get3A_149 = arith.index_cast %scan3A_118 : i32 to index
          %get3A_150 = arith.constant 16 : index
          %get3A_151 = tpu.vector_load %arg11[%get3A_149, %get3A_150] {strides = array<i32>} : memref<32x128xf32, #tpu.memory_space<vmem>>, vector<16xf32>,
          %get3A_152 = arith.index_cast %scan3A_118 : i32 to index
          %get3A_153 = arith.constant 16 : index
          %get3A_154 = tpu.vector_load %arg12[%get3A_152, %get3A_153] {strides = array<i32>} : memref<32x128xf32, #tpu.memory_space<vmem>>, vector<16xf32>,
          %add3A_155 = arith.addf %get3A_151, %get3A_154 : vector<16xf32>
          %get3A_156 = arith.index_cast %scan3A_118 : i32 to index
          %get3A_157 = arith.constant 16 : index
          %get3A_158 = tpu.vector_load %arg13[%get3A_156, %get3A_157] {strides = array<i32>} : memref<32x128xf32, #tpu.memory_space<vmem>>, vector<16xf32>,
          %mul3A_159 = arith.mulf %mul3A_130, %add3A_155 : vector<16xf32>
          %add3A_160 = arith.addf %get3A_158, %mul3A_159 : vector<16xf32>
          %swap3A_161 = arith.index_cast %scan3A_118 : i32 to index
          %swap3A_162 = arith.constant 16 : index
          %swap3A_163 = tpu.vector_load %arg13[%swap3A_161, %swap3A_162] {strides = array<i32>} : memref<32x128xf32, #tpu.memory_space<vmem>>, vector<16xf32>,
          tpu.vector_store %arg13[%swap3A_161, %swap3A_162], %add3A_160 {strides = array<i32>} : memref<32x128xf32, #tpu.memory_space<vmem>>, vector<16xf32>,
          %mul3A_164 = arith.mulf %mul3A_129, %add3A_155 : vector<16xf32>
          %swap3A_165 = arith.index_cast %scan3A_118 : i32 to index
          %swap3A_166 = arith.constant 16 : index
          %swap3A_167 = tpu.vector_load %arg12[%swap3A_165, %swap3A_166] {strides = array<i32>} : memref<32x128xf32, #tpu.memory_space<vmem>>, vector<16xf32>,
          tpu.vector_store %arg12[%swap3A_165, %swap3A_166], %mul3A_164 {strides = array<i32>} : memref<32x128xf32, #tpu.memory_space<vmem>>, vector<16xf32>,
          %get3A_168 = arith.index_cast %scan3A_118 : i32 to index
          %get3A_169 = arith.constant 32 : index
          %get3A_170 = tpu.vector_load %arg11[%get3A_168, %get3A_169] {strides = array<i32>} : memref<32x128xf32, #tpu.memory_space<vmem>>, vector<16xf32>,
          %get3A_171 = arith.index_cast %scan3A_118 : i32 to index
          %get3A_172 = arith.constant 32 : index
          %get3A_173 = tpu.vector_load %arg12[%get3A_171, %get3A_172] {strides = array<i32>} : memref<32x128xf32, #tpu.memory_space<vmem>>, vector<16xf32>,
          %add3A_174 = arith.addf %get3A_170, %get3A_173 : vector<16xf32>
          %get3A_175 = arith.index_cast %scan3A_118 : i32 to index
          %get3A_176 = arith.constant 32 : index
          %get3A_177 = tpu.vector_load %arg13[%get3A_175, %get3A_176] {strides = array<i32>} : memref<32x128xf32, #tpu.memory_space<vmem>>, vector<16xf32>,
          %mul3A_178 = arith.mulf %mul3A_130, %add3A_174 : vector<16xf32>
          %add3A_179 = arith.addf %get3A_177, %mul3A_178 : vector<16xf32>
          %swap3A_180 = arith.index_cast %scan3A_118 : i32 to index
          %swap3A_181 = arith.constant 32 : index
          %swap3A_182 = tpu.vector_load %arg13[%swap3A_180, %swap3A_181] {strides = array<i32>} : memref<32x128xf32, #tpu.memory_space<vmem>>, vector<16xf32>,
          tpu.vector_store %arg13[%swap3A_180, %swap3A_181], %add3A_179 {strides = array<i32>} : memref<32x128xf32, #tpu.memory_space<vmem>>, vector<16xf32>,
          %mul3A_183 = arith.mulf %mul3A_129, %add3A_174 : vector<16xf32>
          %swap3A_184 = arith.index_cast %scan3A_118 : i32 to index
          %swap3A_185 = arith.constant 32 : index
          %swap3A_186 = tpu.vector_load %arg12[%swap3A_184, %swap3A_185] {strides = array<i32>} : memref<32x128xf32, #tpu.memory_space<vmem>>, vector<16xf32>,
          tpu.vector_store %arg12[%swap3A_184, %swap3A_185], %mul3A_183 {strides = array<i32>} : memref<32x128xf32, #tpu.memory_space<vmem>>, vector<16xf32>,
          %get3A_187 = arith.index_cast %scan3A_118 : i32 to index
          %get3A_188 = arith.constant 48 : index
          %get3A_189 = tpu.vector_load %arg11[%get3A_187, %get3A_188] {strides = array<i32>} : memref<32x128xf32, #tpu.memory_space<vmem>>, vector<16xf32>,
          %get3A_190 = arith.index_cast %scan3A_118 : i32 to index
          %get3A_191 = arith.constant 48 : index
          %get3A_192 = tpu.vector_load %arg12[%get3A_190, %get3A_191] {strides = array<i32>} : memref<32x128xf32, #tpu.memory_space<vmem>>, vector<16xf32>,
          %add3A_193 = arith.addf %get3A_189, %get3A_192 : vector<16xf32>
          %get3A_194 = arith.index_cast %scan3A_118 : i32 to index
          %get3A_195 = arith.constant 48 : index
          %get3A_196 = tpu.vector_load %arg13[%get3A_194, %get3A_195] {strides = array<i32>} : memref<32x128xf32, #tpu.memory_space<vmem>>, vector<16xf32>,
          %mul3A_197 = arith.mulf %mul3A_130, %add3A_193 : vector<16xf32>
          %add3A_198 = arith.addf %get3A_196, %mul3A_197 : vector<16xf32>
          %swap3A_199 = arith.index_cast %scan3A_118 : i32 to index
          %swap3A_200 = arith.constant 48 : index
          %swap3A_201 = tpu.vector_load %arg13[%swap3A_199, %swap3A_200] {strides = array<i32>} : memref<32x128xf32, #tpu.memory_space<vmem>>, vector<16xf32>,
          tpu.vector_store %arg13[%swap3A_199, %swap3A_200], %add3A_198 {strides = array<i32>} : memref<32x128xf32, #tpu.memory_space<vmem>>, vector<16xf32>,
          %mul3A_202 = arith.mulf %mul3A_129, %add3A_193 : vector<16xf32>
          %swap3A_203 = arith.index_cast %scan3A_118 : i32 to index
          %swap3A_204 = arith.constant 48 : index
          %swap3A_205 = tpu.vector_load %arg12[%swap3A_203, %swap3A_204] {strides = array<i32>} : memref<32x128xf32, #tpu.memory_space<vmem>>, vector<16xf32>,
          tpu.vector_store %arg12[%swap3A_203, %swap3A_204], %mul3A_202 {strides = array<i32>} : memref<32x128xf32, #tpu.memory_space<vmem>>, vector<16xf32>,
          %get3A_206 = arith.index_cast %scan3A_118 : i32 to index
          %get3A_207 = arith.constant 64 : index
          %get3A_208 = tpu.vector_load %arg11[%get3A_206, %get3A_207] {strides = array<i32>} : memref<32x128xf32, #tpu.memory_space<vmem>>, vector<16xf32>,
          %get3A_209 = arith.index_cast %scan3A_118 : i32 to index
          %get3A_210 = arith.constant 64 : index
          %get3A_211 = tpu.vector_load %arg12[%get3A_209, %get3A_210] {strides = array<i32>} : memref<32x128xf32, #tpu.memory_space<vmem>>, vector<16xf32>,
          %add3A_212 = arith.addf %get3A_208, %get3A_211 : vector<16xf32>
          %get3A_213 = arith.index_cast %scan3A_118 : i32 to index
          %get3A_214 = arith.constant 64 : index
          %get3A_215 = tpu.vector_load %arg13[%get3A_213, %get3A_214] {strides = array<i32>} : memref<32x128xf32, #tpu.memory_space<vmem>>, vector<16xf32>,
          %mul3A_216 = arith.mulf %mul3A_130, %add3A_212 : vector<16xf32>
          %add3A_217 = arith.addf %get3A_215, %mul3A_216 : vector<16xf32>
          %swap3A_218 = arith.index_cast %scan3A_118 : i32 to index
          %swap3A_219 = arith.constant 64 : index
          %swap3A_220 = tpu.vector_load %arg13[%swap3A_218, %swap3A_219] {strides = array<i32>} : memref<32x128xf32, #tpu.memory_space<vmem>>, vector<16xf32>,
          tpu.vector_store %arg13[%swap3A_218, %swap3A_219], %add3A_217 {strides = array<i32>} : memref<32x128xf32, #tpu.memory_space<vmem>>, vector<16xf32>,
          %mul3A_221 = arith.mulf %mul3A_129, %add3A_212 : vector<16xf32>
          %swap3A_222 = arith.index_cast %scan3A_118 : i32 to index
          %swap3A_223 = arith.constant 64 : index
          %swap3A_224 = tpu.vector_load %arg12[%swap3A_222, %swap3A_223] {strides = array<i32>} : memref<32x128xf32, #tpu.memory_space<vmem>>, vector<16xf32>,
          tpu.vector_store %arg12[%swap3A_222, %swap3A_223], %mul3A_221 {strides = array<i32>} : memref<32x128xf32, #tpu.memory_space<vmem>>, vector<16xf32>,
          %get3A_225 = arith.index_cast %scan3A_118 : i32 to index
          %get3A_226 = arith.constant 80 : index
          %get3A_227 = tpu.vector_load %arg11[%get3A_225, %get3A_226] {strides = array<i32>} : memref<32x128xf32, #tpu.memory_space<vmem>>, vector<16xf32>,
          %get3A_228 = arith.index_cast %scan3A_118 : i32 to index
          %get3A_229 = arith.constant 80 : index
          %get3A_230 = tpu.vector_load %arg12[%get3A_228, %get3A_229] {strides = array<i32>} : memref<32x128xf32, #tpu.memory_space<vmem>>, vector<16xf32>,
          %add3A_231 = arith.addf %get3A_227, %get3A_230 : vector<16xf32>
          %get3A_232 = arith.index_cast %scan3A_118 : i32 to index
          %get3A_233 = arith.constant 80 : index
          %get3A_234 = tpu.vector_load %arg13[%get3A_232, %get3A_233] {strides = array<i32>} : memref<32x128xf32, #tpu.memory_space<vmem>>, vector<16xf32>,
          %mul3A_235 = arith.mulf %mul3A_130, %add3A_231 : vector<16xf32>
          %add3A_236 = arith.addf %get3A_234, %mul3A_235 : vector<16xf32>
          %swap3A_237 = arith.index_cast %scan3A_118 : i32 to index
          %swap3A_238 = arith.constant 80 : index
          %swap3A_239 = tpu.vector_load %arg13[%swap3A_237, %swap3A_238] {strides = array<i32>} : memref<32x128xf32, #tpu.memory_space<vmem>>, vector<16xf32>,
          tpu.vector_store %arg13[%swap3A_237, %swap3A_238], %add3A_236 {strides = array<i32>} : memref<32x128xf32, #tpu.memory_space<vmem>>, vector<16xf32>,
          %mul3A_240 = arith.mulf %mul3A_129, %add3A_231 : vector<16xf32>
          %swap3A_241 = arith.index_cast %scan3A_118 : i32 to index
          %swap3A_242 = arith.constant 80 : index
          %swap3A_243 = tpu.vector_load %arg12[%swap3A_241, %swap3A_242] {strides = array<i32>} : memref<32x128xf32, #tpu.memory_space<vmem>>, vector<16xf32>,
          tpu.vector_store %arg12[%swap3A_241, %swap3A_242], %mul3A_240 {strides = array<i32>} : memref<32x128xf32, #tpu.memory_space<vmem>>, vector<16xf32>,
          %get3A_244 = arith.index_cast %scan3A_118 : i32 to index
          %get3A_245 = arith.constant 96 : index
          %get3A_246 = tpu.vector_load %arg11[%get3A_244, %get3A_245] {strides = array<i32>} : memref<32x128xf32, #tpu.memory_space<vmem>>, vector<16xf32>,
          %get3A_247 = arith.index_cast %scan3A_118 : i32 to index
          %get3A_248 = arith.constant 96 : index
          %get3A_249 = tpu.vector_load %arg12[%get3A_247, %get3A_248] {strides = array<i32>} : memref<32x128xf32, #tpu.memory_space<vmem>>, vector<16xf32>,
          %add3A_250 = arith.addf %get3A_246, %get3A_249 : vector<16xf32>
          %get3A_251 = arith.index_cast %scan3A_118 : i32 to index
          %get3A_252 = arith.constant 96 : index
          %get3A_253 = tpu.vector_load %arg13[%get3A_251, %get3A_252] {strides = array<i32>} : memref<32x128xf32, #tpu.memory_space<vmem>>, vector<16xf32>,
          %mul3A_254 = arith.mulf %mul3A_130, %add3A_250 : vector<16xf32>
          %add3A_255 = arith.addf %get3A_253, %mul3A_254 : vector<16xf32>
          %swap3A_256 = arith.index_cast %scan3A_118 : i32 to index
          %swap3A_257 = arith.constant 96 : index
          %swap3A_258 = tpu.vector_load %arg13[%swap3A_256, %swap3A_257] {strides = array<i32>} : memref<32x128xf32, #tpu.memory_space<vmem>>, vector<16xf32>,
          tpu.vector_store %arg13[%swap3A_256, %swap3A_257], %add3A_255 {strides = array<i32>} : memref<32x128xf32, #tpu.memory_space<vmem>>, vector<16xf32>,
          %mul3A_259 = arith.mulf %mul3A_129, %add3A_250 : vector<16xf32>
          %swap3A_260 = arith.index_cast %scan3A_118 : i32 to index
          %swap3A_261 = arith.constant 96 : index
          %swap3A_262 = tpu.vector_load %arg12[%swap3A_260, %swap3A_261] {strides = array<i32>} : memref<32x128xf32, #tpu.memory_space<vmem>>, vector<16xf32>,
          tpu.vector_store %arg12[%swap3A_260, %swap3A_261], %mul3A_259 {strides = array<i32>} : memref<32x128xf32, #tpu.memory_space<vmem>>, vector<16xf32>,
          %get3A_263 = arith.index_cast %scan3A_118 : i32 to index
          %get3A_264 = arith.constant 112 : index
          %get3A_265 = tpu.vector_load %arg11[%get3A_263, %get3A_264] {strides = array<i32>} : memref<32x128xf32, #tpu.memory_space<vmem>>, vector<16xf32>,
          %get3A_266 = arith.index_cast %scan3A_118 : i32 to index
          %get3A_267 = arith.constant 112 : index
          %get3A_268 = tpu.vector_load %arg12[%get3A_266, %get3A_267] {strides = array<i32>} : memref<32x128xf32, #tpu.memory_space<vmem>>, vector<16xf32>,
          %add3A_269 = arith.addf %get3A_265, %get3A_268 : vector<16xf32>
          %get3A_270 = arith.index_cast %scan3A_118 : i32 to index
          %get3A_271 = arith.constant 112 : index
          %get3A_272 = tpu.vector_load %arg13[%get3A_270, %get3A_271] {strides = array<i32>} : memref<32x128xf32, #tpu.memory_space<vmem>>, vector<16xf32>,
          %mul3A_273 = arith.mulf %mul3A_130, %add3A_269 : vector<16xf32>
          %add3A_274 = arith.addf %get3A_272, %mul3A_273 : vector<16xf32>
          %swap3A_275 = arith.index_cast %scan3A_118 : i32 to index
          %swap3A_276 = arith.constant 112 : index
          %swap3A_277 = tpu.vector_load %arg13[%swap3A_275, %swap3A_276] {strides = array<i32>} : memref<32x128xf32, #tpu.memory_space<vmem>>, vector<16xf32>,
          tpu.vector_store %arg13[%swap3A_275, %swap3A_276], %add3A_274 {strides = array<i32>} : memref<32x128xf32, #tpu.memory_space<vmem>>, vector<16xf32>,
          %mul3A_278 = arith.mulf %mul3A_129, %add3A_269 : vector<16xf32>
          %swap3A_279 = arith.index_cast %scan3A_118 : i32 to index
          %swap3A_280 = arith.constant 112 : index
          %swap3A_281 = tpu.vector_load %arg12[%swap3A_279, %swap3A_280] {strides = array<i32>} : memref<32x128xf32, #tpu.memory_space<vmem>>, vector<16xf32>,
          tpu.vector_store %arg12[%swap3A_279, %swap3A_280], %mul3A_278 {strides = array<i32>} : memref<32x128xf32, #tpu.memory_space<vmem>>, vector<16xf32>,
          %scan3A_282 = arith.constant 0 : i32
          scf.yield %scan3A_282 : i32
        }
        %scan3A_116 = arith.constant 32 : i32
        "tpu.region"() ({
          %run_scoped3A_118 = tpu.sem_alloc : memref<!tpu.dma_semaphore, #tpu.memory_space<semaphore_mem>>
          %dma_start3A = arith.constant 0 : i32
          %dma_start3A_119 = tpu.memref_slice %arg8[%add3A_109, %dma_start3A] : memref<10240x128xf32, #tpu.memory_space<hbm>> -> memref<32x128xf32, #tpu.memory_space<hbm>>
          %dma_start3A_120 = arith.constant 0 : i32
          %dma_start3A_121 = tpu.memref_slice %arg8[%add3A_109, %dma_start3A_120] : memref<10240x128xf32, #tpu.memory_space<hbm>> -> memref<32x128xf32, #tpu.memory_space<hbm>>
          tpu.enqueue_dma source(%arg12 : memref<32x128xf32, #tpu.memory_space<vmem>>) target(%dma_start3A_121 : memref<32x128xf32, #tpu.memory_space<hbm>>) target_semaphore(%run_scoped3A_118 : memref<!tpu.dma_semaphore, #tpu.memory_space<semaphore_mem>>)
          %dma_wait3A = arith.constant 0 : i32
          %dma_wait3A_122 = tpu.memref_slice %arg8[%add3A_109, %dma_wait3A] : memref<10240x128xf32, #tpu.memory_space<hbm>> -> memref<32x128xf32, #tpu.memory_space<hbm>>
          %dma_wait3A_123 = arith.constant 0 : i32
          %dma_wait3A_124 = tpu.memref_slice %arg8[%add3A_109, %dma_wait3A_123] : memref<10240x128xf32, #tpu.memory_space<hbm>> -> memref<32x128xf32, #tpu.memory_space<hbm>>
          tpu.wait_dma2 semaphore(%run_scoped3A_118 : memref<!tpu.dma_semaphore, #tpu.memory_space<semaphore_mem>>) src(%arg12 : memref<32x128xf32, #tpu.memory_space<vmem>>) dst(%dma_wait3A_124 : memref<32x128xf32, #tpu.memory_space<hbm>>)
          tpu.yield
        }) : () -> ()
        "tpu.region"() ({
          %run_scoped3A_118 = tpu.sem_alloc : memref<!tpu.dma_semaphore, #tpu.memory_space<semaphore_mem>>
          %dma_start3A = arith.constant 0 : i32
          %dma_start3A_119 = tpu.memref_slice %arg7[%add3A_109, %dma_start3A] : memref<10240x128xf32, #tpu.memory_space<hbm>> -> memref<32x128xf32, #tpu.memory_space<hbm>>
          %dma_start3A_120 = arith.constant 0 : i32
          %dma_start3A_121 = tpu.memref_slice %arg7[%add3A_109, %dma_start3A_120] : memref<10240x128xf32, #tpu.memory_space<hbm>> -> memref<32x128xf32, #tpu.memory_space<hbm>>
          tpu.enqueue_dma source(%arg13 : memref<32x128xf32, #tpu.memory_space<vmem>>) target(%dma_start3A_121 : memref<32x128xf32, #tpu.memory_space<hbm>>) target_semaphore(%run_scoped3A_118 : memref<!tpu.dma_semaphore, #tpu.memory_space<semaphore_mem>>)
          %dma_wait3A = arith.constant 0 : i32
          %dma_wait3A_122 = tpu.memref_slice %arg7[%add3A_109, %dma_wait3A] : memref<10240x128xf32, #tpu.memory_space<hbm>> -> memref<32x128xf32, #tpu.memory_space<hbm>>
          %dma_wait3A_123 = arith.constant 0 : i32
          %dma_wait3A_124 = tpu.memref_slice %arg7[%add3A_109, %dma_wait3A_123] : memref<10240x128xf32, #tpu.memory_space<hbm>> -> memref<32x128xf32, #tpu.memory_space<hbm>>
          tpu.wait_dma2 semaphore(%run_scoped3A_118 : memref<!tpu.dma_semaphore, #tpu.memory_space<semaphore_mem>>) src(%arg13 : memref<32x128xf32, #tpu.memory_space<vmem>>) dst(%dma_wait3A_124 : memref<32x128xf32, #tpu.memory_space<hbm>>)
          tpu.yield
        }) : () -> ()
        %scan3A_117 = arith.constant 0 : i32
        scf.yield %scan3A_117 : i32
      }
      %scan3A_102 = arith.constant 20 : i32
      %barrier3A_103 = arith.constant 0 : index
      tpu.barrier barrier_id(%barrier3A_103)
      %scan3A_104 = arith.constant 0 : i32
      scf.yield %scan3A_104 : i32
    }
    %scan3A_65 = arith.constant 9 : i32
    return
  }
}

module attributes {stable_mosaic.version = 14 : i64} {
  func.func @_tnorm_body(%arg0: memref<1x128xf32, #tpu.memory_space<vmem>>, %arg1: memref<2x128xf32, #tpu.memory_space<vmem>>) attributes {dimension_semantics = [], scalar_prefetch = 0 : i64, scratch_operands = 0 : i64, tpu.core_type = #tpu.core_type<tc>} {
    %get3A = arith.constant 0 : index
    %get3A_0 = arith.constant 0 : index
    %get3A_1 = vector.load %arg0[%get3A, %get3A_0] : memref<1x128xf32, #tpu.memory_space<vmem>>, vector<1x128xf32>
    %reduce_max3A = vector.shape_cast %get3A_1 : vector<1x128xf32> to vector<1x1x128xf32>
    %reduce_max3A_2 = arith.constant dense<0xFF800000> : vector<1xf32>
    %reduce_max3A_3 = vector.multi_reduction <maximumf>, %reduce_max3A, %reduce_max3A_2 [1, 2] : vector<1x1x128xf32> to vector<1xf32>
    %reduce_max3A_4 = vector.shape_cast %reduce_max3A_3 : vector<1xf32> to vector<1x1x1xf32>
    %reduce_max3A_5 = vector.extract %reduce_max3A_4[0, 0, 0] : f32 from vector<1x1x1xf32>
    %sub3A = vector.broadcast %reduce_max3A_5 : f32 to vector<1x128xf32>
    %sub3A_6 = arith.subf %get3A_1, %sub3A : vector<1x128xf32>
    %exp3A = math.exp %sub3A_6 : vector<1x128xf32>
    %reduce_sum3A = vector.shape_cast %exp3A : vector<1x128xf32> to vector<1x1x128xf32>
    %reduce_sum3A_7 = arith.constant dense<0.000000e+00> : vector<1xf32>
    %reduce_sum3A_8 = vector.multi_reduction <add>, %reduce_sum3A, %reduce_sum3A_7 [1, 2] : vector<1x1x128xf32> to vector<1xf32>
    %reduce_sum3A_9 = vector.shape_cast %reduce_sum3A_8 : vector<1xf32> to vector<1x1x1xf32>
    %reduce_sum3A_10 = vector.extract %reduce_sum3A_9[0, 0, 0] : f32 from vector<1x1x1xf32>
    %div3A = vector.broadcast %reduce_sum3A_10 : f32 to vector<1x128xf32>
    %div3A_11 = arith.divf %exp3A, %div3A : vector<1x128xf32>
    %swap3A = arith.constant 0 : index
    %swap3A_12 = arith.constant 0 : index
    %swap3A_13 = vector.load %arg1[%swap3A, %swap3A_12] : memref<2x128xf32, #tpu.memory_space<vmem>>, vector<1x128xf32>
    tpu.vector_store %arg1[%swap3A, %swap3A_12], %div3A_11 {strides = array<i32>} : memref<2x128xf32, #tpu.memory_space<vmem>>, vector<1x128xf32>,
    %slice3A = vector.extract_strided_slice %div3A_11 {offsets = [0, 0], sizes = [1, 1], strides = [1, 1]} : vector<1x128xf32> to vector<1x1xf32>
    %squeeze3A = vector.extract %slice3A[0, 0] : f32 from vector<1x1xf32>
    %broadcast_in_dim3A = vector.broadcast %squeeze3A : f32 to vector<1x128xf32>
    %swap3A_14 = arith.constant 1 : index
    %swap3A_15 = arith.constant 0 : index
    %swap3A_16 = vector.load %arg1[%swap3A_14, %swap3A_15] : memref<2x128xf32, #tpu.memory_space<vmem>>, vector<1x128xf32>
    tpu.vector_store %arg1[%swap3A_14, %swap3A_15], %broadcast_in_dim3A {strides = array<i32>} : memref<2x128xf32, #tpu.memory_space<vmem>>, vector<1x128xf32>,
    return
  }
}

module attributes {stable_mosaic.version = 14 : i64} {
  func.func @_head_body(%arg0: i32, %arg1: memref<1000x128xf32, #tpu.memory_space<vmem>>, %arg2: memref<1x128x128xf32, #tpu.memory_space<vmem>>, %arg3: memref<1x1x128x128xf32, #tpu.memory_space<vmem>>, %arg4: memref<1x1x1x128xf32, #tpu.memory_space<vmem>>, %arg5: memref<1000x128xf32, #tpu.memory_space<vmem>>) attributes {dimension_semantics = [#tpu.dimension_semantics<arbitrary>], iteration_bounds = array<i64: 10>, scalar_prefetch = 0 : i64, scratch_operands = 0 : i64, tpu.core_type = #tpu.core_type<tc>, window_params = [{transform_indices = @transform_0, window_bounds = array<i64: 1000, 128>}, {pipeline_mode = #tpu.pipeline_mode<synchronous>, transform_indices = @transform_1, window_bounds = array<i64: 1, 128, 128>}, {pipeline_mode = #tpu.pipeline_mode<synchronous>, transform_indices = @transform_2, window_bounds = array<i64: 1, 1, 128, 128>}, {pipeline_mode = #tpu.pipeline_mode<synchronous>, transform_indices = @transform_3, window_bounds = array<i64: 1, 1, 1, 128>}, {transform_indices = @transform_4, window_bounds = array<i64: 1000, 128>}]} {
    %get3A = arith.constant 0 : index
    %get3A_0 = arith.constant 0 : index
    %get3A_1 = arith.constant 0 : index
    %get3A_2 = vector.load %arg2[%get3A, %get3A_0, %get3A_1] : memref<1x128x128xf32, #tpu.memory_space<vmem>>, vector<1x128x128xf32>
    %get3A_3 = vector.shape_cast %get3A_2 : vector<1x128x128xf32> to vector<128x128xf32>
    %get3A_4 = arith.constant 0 : index
    %get3A_5 = arith.constant 0 : index
    %get3A_6 = arith.constant 0 : index
    %get3A_7 = arith.constant 0 : index
    %get3A_8 = vector.load %arg3[%get3A_4, %get3A_5, %get3A_6, %get3A_7] : memref<1x1x128x128xf32, #tpu.memory_space<vmem>>, vector<1x1x128x128xf32>
    %get3A_9 = vector.shape_cast %get3A_8 : vector<1x1x128x128xf32> to vector<128x128xf32>
    %add3A = arith.addf %get3A_3, %get3A_9 : vector<128x128xf32>
    %get3A_10 = arith.constant 0 : index
    %get3A_11 = arith.constant 0 : index
    %get3A_12 = vector.load %arg1[%get3A_10, %get3A_11] : memref<1000x128xf32, #tpu.memory_space<vmem>>, vector<1000x128xf32>
    %dot_general3A = arith.constant dense<0.000000e+00> : vector<1000x128xf32>
    %dot_general3A_13 = tpu.matmul %get3A_12, %add3A, %dot_general3A {dimension_numbers = #tpu.dot_dimension_numbers<[1], [0], [0], [1], [0, 0, 1, 1], [], []>, transpose_lhs_hint = false} : vector<1000x128xf32>, vector<128x128xf32>, vector<1000x128xf32> -> vector<1000x128xf32>
    %get3A_14 = arith.constant 0 : index
    %get3A_15 = arith.constant 0 : index
    %get3A_16 = arith.constant 0 : index
    %get3A_17 = arith.constant 0 : index
    %get3A_18 = vector.load %arg4[%get3A_14, %get3A_15, %get3A_16, %get3A_17] : memref<1x1x1x128xf32, #tpu.memory_space<vmem>>, vector<1x1x1x128xf32>
    %get3A_19 = vector.shape_cast %get3A_18 : vector<1x1x1x128xf32> to vector<1x128xf32>
    %add3A_20 = vector.broadcast %get3A_19 : vector<1x128xf32> to vector<1000x128xf32>
    %add3A_21 = arith.addf %dot_general3A_13, %add3A_20 : vector<1000x128xf32>
    %max3A = arith.constant 0.000000e+00 : f32
    %max3A_22 = vector.broadcast %max3A : f32 to vector<1000x128xf32>
    %max3A_23 = arith.maximumf %add3A_21, %max3A_22 : vector<1000x128xf32>
    %swap3A = arith.constant 0 : index
    %swap3A_24 = arith.constant 0 : index
    %swap3A_25 = vector.load %arg5[%swap3A, %swap3A_24] : memref<1000x128xf32, #tpu.memory_space<vmem>>, vector<1000x128xf32>
    tpu.vector_store %arg5[%swap3A, %swap3A_24], %max3A_23 {strides = array<i32>} : memref<1000x128xf32, #tpu.memory_space<vmem>>, vector<1000x128xf32>,
    return
  }
  func.func @transform_0(%arg0: i32) -> (i32, i32) {
    %c0_i32 = arith.constant 0 : i32
    %c0_i32_0 = arith.constant 0 : i32
    return %arg0, %c0_i32 : i32, i32
  }
  func.func @transform_1(%arg0: i32) -> (i32, i32, i32) {
    %c0_i32 = arith.constant 0 : i32
    %c0_i32_0 = arith.constant 0 : i32
    %c0_i32_1 = arith.constant 0 : i32
    %c0_i32_2 = arith.constant 0 : i32
    return %c0_i32, %c0_i32_0, %c0_i32_1 : i32, i32, i32
  }
  func.func @transform_2(%arg0: i32) -> (i32, i32, i32, i32) {
    %c0_i32 = arith.constant 0 : i32
    %c0_i32_0 = arith.constant 0 : i32
    %c0_i32_1 = arith.constant 0 : i32
    %c0_i32_2 = arith.constant 0 : i32
    %c0_i32_3 = arith.constant 0 : i32
    return %c0_i32, %c0_i32_0, %c0_i32_1, %c0_i32_2 : i32, i32, i32, i32
  }
  func.func @transform_3(%arg0: i32) -> (i32, i32, i32, i32) {
    %c0_i32 = arith.constant 0 : i32
    %c0_i32_0 = arith.constant 0 : i32
    %c0_i32_1 = arith.constant 0 : i32
    %c0_i32_2 = arith.constant 0 : i32
    %c0_i32_3 = arith.constant 0 : i32
    return %c0_i32, %c0_i32_0, %c0_i32_1, %c0_i32_2 : i32, i32, i32, i32
  }
  func.func @transform_4(%arg0: i32) -> (i32, i32) {
    %c0_i32 = arith.constant 0 : i32
    %c0_i32_0 = arith.constant 0 : i32
    return %arg0, %c0_i32 : i32, i32
  }
}

</mosaic_0001>

<sc_bundles>
// kernel: kernel.5.cloned.1.call-start
scs
__scs_entry_jumppad:
0x0: {  	(pc) =	sbr.rel $0x88, $3  }
0x1: {  	(tag) =	ssettag $0x0;
	lr =	simm.s32 $0x1  }
0x2: {  	[smem:$0x3F9B] =	sst lr;
	_ =	strace $0xD0000000  }
0x3: {  	_ = 	snop  }
0x4: {  	_ = 	snop  }
0x5: {  	_ = 	snop  }
0x6: {  	_ = 	snop  }
0x7: {  	_ = 	snop  }
__scs_overlays_trampoline_lowered:
0x8: {  	[smem:$0x3FAA] =	sst s0  }
0x9: {  	[smem:$0x3FAB] =	sst s1  }
0xa: {  	[smem:$0x3FAC] =	sst s2  }
0xb: {  	[smem:$0x3FAD] =	sst s3  }
0xc: {  	[smem:$0x3FAE] =	sst s4  }
0xd: {  	[smem:$0x3FAF] =	sst s5  }
0xe: {  	[smem:$0x3FB0] =	sst s6  }
0xf: {  	[smem:$0x3FB1] =	sst s7  }
0x10: {  	[smem:$0x3FB2] =	sst s8  }
0x11: {  	[smem:$0x3FB3] =	sst s9;
	s0 =	simm.s32 @!p0 $0x0  }
0x12: {  	s1 =	sld [smem:$0x3F99];
	s0 =	simm.s32 @p0 $0x1  }
0x13: {  	[smem:$0x3FB4] =	sst s0;
	s0 =	simm.s32 @!p1 $0x0  }
0x14: {  	s2 =	sld [smem:$0x3F98];
	s0 =	simm.s32 @p1 $0x1  }
0x15: {  	[smem:$0x3FB5] =	sst s0;
	s0 =	simm.s32 @!p2 $0x0  }
0x16: {  	s3 =	sld [smem:$0x3FDB];
	s0 =	simm.s32 @p2 $0x1  }
0x17: {  	s4 =	simm.s32 $0x1BF5;
	[smem:$0x3FB7] =	sst s0  }
0x18: {  	s0 =	sld [smem:$0x3F9A];
	_ =	swait.ge [sflag:s4], $0x0  }
0x19: {  	s7 =	sld [smem:$0x3F9B]  }
0x1a: {  	s8 =	sadd.s32 $0xFFFFE003, lr  }
0x1b: {  	s9 =	sadd.s32 $0xFFFFFEF7, lr;
	s5 =	simm.s32 $0xFFFFFFFF;
	p2 =	slt.u32 s8, $0xFFFFF086  }
0x1c: {  	p1 =	slt.u32 s9, $0xF7A;
	s5 =	simm.s32 @!p2 $0x0  }
0x1d: {  	s5 =	simm.s32 @p1 $0x1;
	p0 =	seq.s32 s7, s2  }
0x1e: {  	s7 =	smul.u32 @!p0 $0xF7A, s2;
	p2 =	seq.s32 @!p0 s5, $0x0  }
0x1f: {  	s9 =	smul.u32 $0xF7A, s1;
	s8 =	simm.s32 @!p0 $0x1BF5;
	p2 =	por !p2, p0  }
0x20: {  	[sflag:s8] =	ssyncset.s32 @!p0 $0xFFFFF086;
	s6 =	sadd.s32 @!p0 s3, s7;
	s7 =	simm.s32 @!p0 $0x108  }
0x21: {  	s3 =	sadd.s32 s3, s9;
	s6 =	sadd.s32 @!p0 $0x88, s6;
	s7 =	simm.s32 @p2 $0x1082  }
0x22: {  	[simem:s7], [sflag:s8] =	dma.local @!p0 [hbm:s6], $0xF7A  }
0x23: {  	s9 =	sor.u32 $0xD0000000, s2;
	s6 =	simm.s32 $0x108;
	_ =	swait.ge @!p0 [sflag:s8], $0x0  }
0x24: {  	s3 =	sadd.s32 $0x88, s3;
	s6 =	simm.s32 @!p1 $0x1082;
	[sflag:s4] =	ssyncset.s32 $0xFFFFF086  }
0x25: {  	[simem:s6], [sflag:s4] =	dma.local [hbm:s3], $0xF7A  }
0x26: {  	[smem:$0x3F9B] =	sst s1;
	(tag) =	ssettag s2;
	_ =	strace s9  }
0x27: {  	s1 =	sld [smem:$0x3FAB]  }
0x28: {  	s2 =	sld [smem:$0x3FAC]  }
0x29: {  	s4 =	sld [smem:$0x3FAE]  }
0x2a: {  	p0 =	seq.s32 s5, $0x0;
	s5 =	sld [smem:$0x3FAF]  }
0x2b: {  	s6 =	sld [smem:$0x3FB0]  }
0x2c: {  	s7 =	sld [smem:$0x3FB1]  }
0x2d: {  	s3 =	simm.s32 $0x108;
	s8 =	sld [smem:$0x3FB2]  }
0x2e: {  	s3 =	simm.s32 @!p0 $0x1082;
	s9 =	sld [smem:$0x3FB3]  }
0x2f: {  	lr =	sadd.s32 s0, s3;
	s0 =	sld [smem:$0x3FAA]  }
0x30: {  	s3 =	sld [smem:$0x3FAD]  }
0x31: {  	[smem:$0x3FB6] =	sst s10  }
0x32: {  	s10 =	sld [smem:$0x3FB4];
	_ =	sdelay $0x3  }
0x33: {  	p0 =	seq.s32 s10, $0x1;
	s10 =	sld [smem:$0x3FB6];
	_ =	sdelay $0x3  }
0x34: {  	[smem:$0x3FB6] =	sst s10  }
0x35: {  	s10 =	sld [smem:$0x3FB5];
	_ =	sdelay $0x3  }
0x36: {  	p1 =	seq.s32 s10, $0x1;
	s10 =	sld [smem:$0x3FB6];
	_ =	sdelay $0x3  }
0x37: {  	[smem:$0x3FB6] =	sst s10  }
0x38: {  	s10 =	sld [smem:$0x3FB7]  }
0x39: {  	_ = 	snop;
	(pc) =	sbr.ind lr, $3  }
0x3a: {  	_ = 	snop  }
0x3b: {  	_ = 	snop  }
0x3c: {  	p2 =	seq.s32 s10, $0x1;
	s10 =	sld [smem:$0x3FB6]  }
0x3d: {  	_ =	shalt  }
0x3e: {  	_ =	shalt  }
0x3f: {  	_ =	shalt  }
0x40: {  	_ =	shalt  }
0x41: {  	_ =	shalt  }
0x42: {  	_ =	shalt  }
0x43: {  	_ =	shalt  }
0x44: {  	_ =	shalt  }
0x45: {  	_ =	shalt  }
0x46: {  	_ =	shalt  }
0x47: {  	_ =	shalt  }
0x48: {  	_ =	shalt  }
0x49: {  	_ =	shalt  }
0x4a: {  	_ =	shalt  }
0x4b: {  	_ =	shalt  }
0x4c: {  	_ =	shalt  }
0x4d: {  	_ =	shalt  }
0x4e: {  	_ =	shalt  }
0x4f: {  	_ =	shalt  }
0x50: {  	_ =	shalt  }
0x51: {  	_ =	shalt  }
0x52: {  	_ =	shalt  }
0x53: {  	_ =	shalt  }
0x54: {  	_ =	shalt  }
0x55: {  	_ =	shalt  }
0x56: {  	_ =	shalt  }
0x57: {  	_ =	shalt  }
0x58: {  	_ =	shalt  }
0x59: {  	_ =	shalt  }
0x5a: {  	_ =	shalt  }
0x5b: {  	_ =	shalt  }
0x5c: {  	_ =	shalt  }
0x5d: {  	_ =	shalt  }
0x5e: {  	_ =	shalt  }
0x5f: {  	_ =	shalt  }
0x60: {  	_ =	shalt  }
0x61: {  	_ =	shalt  }
0x62: {  	_ =	shalt  }
0x63: {  	_ =	shalt  }
0x64: {  	_ =	shalt  }
0x65: {  	_ =	shalt  }
0x66: {  	_ =	shalt  }
0x67: {  	_ =	shalt  }
0x68: {  	_ =	shalt  }
0x69: {  	_ =	shalt  }
0x6a: {  	_ =	shalt  }
0x6b: {  	_ =	shalt  }
0x6c: {  	_ =	shalt  }
0x6d: {  	_ =	shalt  }
0x6e: {  	_ =	shalt  }
0x6f: {  	_ =	shalt  }
0x70: {  	_ =	shalt  }
0x71: {  	_ =	shalt  }
0x72: {  	_ =	shalt  }
0x73: {  	_ =	shalt  }
0x74: {  	_ =	shalt  }
0x75: {  	_ =	shalt  }
0x76: {  	_ =	shalt  }
0x77: {  	_ =	shalt  }
0x78: {  	_ =	shalt  }
0x79: {  	_ =	shalt  }
0x7a: {  	_ =	shalt  }
0x7b: {  	_ =	shalt  }
0x7c: {  	_ =	shalt  }
0x7d: {  	_ =	shalt  }
0x7e: {  	_ =	shalt  }
0x7f: {  	_ =	shalt  }
0x80: {  	_ =	shalt  }
0x81: {  	_ =	shalt  }
0x82: {  	_ =	shalt  }
0x83: {  	_ =	shalt  }
0x84: {  	_ =	shalt  }
0x85: {  	_ =	shalt  }
0x86: {  	_ =	shalt  }
0x87: {  	_ =	shalt  }
.Lfunc_end0:
.L_simem_size_0:
called_computation_lowered:
.L_overlay_start_0:
0x88: {  	s0 =	sld [smem:$0x3FD9]  }
0x89: {  	s1 =	sld [smem:$0x3FFE];
	_ =	sdelay $0x3  }
0x8a: {  	s0 =	sadd.s32 s1, s0  }
0x8b: {  	[smem:$0x3FC2] =	sst s0  }
0x8c: {  	_ = 	snop  }
0x8d: {  	s0 =	sld [smem:$0x3FD0];
	(tm) =	ssettm $0x1  }
0x8e: {  	s16 =	sld [smem:$0x3FFB];
	_ =	sdelay $0x3  }
0x8f: {  	_ =	strace s16  }
0x90: {  	s1 =	sld [smem:$0x3FFC];
	_ =	sdelay $0x3  }
0x91: {  	_ =	strace s1  }
0x92: {  	s1 =	sld [smem:$0x3FFD];
	_ =	sdelay $0x3  }
0x93: {  	_ =	strace s1  }
0x94: {  	_ =	strace $0x8FFFFFFF  }
0x95: {  	s17 =	sld [smem:$0x3FDB];
	_ =	sdelay $0x1  }
0x96: {  	s2 =	simm.s32 $_scs_section_size  }
0x97: {  	s3 =	simm.s32 $_size__tile_overlayer_lowered;
	s4 =	simm.s32 $_tile_overlayer_lowered  }
0x98: {  	s20 =	simm.s32 $0x1BFF;
	s19 =	sshll.u32 s4, $0x1;
	s1 =	sadd.s32 s2, s17  }
0x99: {  	s5 =	simm.s32 $0x0;
	s18 =	sshll.u32 s3, $0x1;
	s3 =	sadd.s32 s19, s1  }
0x9a: {  	[timem:s5], [sflag:s20] =	dma.local [hbm:s3], s18  }
0x9b: {  	_ =	swait.ge [sflag:s20], s18  }
0x9c: {  	s2 =	ssub.s32 $0x0, s18;
	[sflag:s20] =	ssyncset.done $0x0  }
0x9d: {  	[sflag:s20] =	ssyncadd.s32 s2;
	_ =	sdelay $0x1  }
0x9e: {  	s21 =	simm.s32 $0x1B8B  }
0x9f: {  	_ =	swait.ge [sflag:s21], $0x1  }
0xa0: {  	[sflag:s21] =	ssyncset.done $0x0  }
0xa1: {  	s23 =	simm.s32 $0x1B8E;
	s22 =	sld [smem:$0x3FFE];
	[sflag:s21] =	ssyncadd.s32 $0xFFFFFFFF  }
0xa2: {  	s24 =	simm.s32 $execute0_lowered;
	[smem:$0x3FD2] =	sst s23  }
0xa3: {  	s3 =	sshll.u32 s24, $0x1;
	_ =	strace $0x80000046;
	[dreg:$0x1] =	wrdreg $0xFFFFFFFF  }
0xa4: {  	s25 =	simm.s32 $_size_execute0_lowered;
	s1 =	sadd.s32 s1, s3;
	[dreg:$0x0] =	wrdreg $0x0  }
0xa5: {  	s3 =	sshll.u32 s25, $0x1;
	[dreg:$0x2] =	wrdreg s1  }
0xa6: {  	[dreg:$0x3] =	wrdreg s3  }
0xa7: {  	[dreg:$0x4] =	wrdreg $0xC0  }
0xa8: {  	_ =	task [dreg:s5], $0x5FFFF  }
0xa9: {  	[dreg:$0x1] =	wrdreg $0xFFFFFFFF  }
0xaa: {  	[dreg:$0x0] =	wrdreg $0x60  }
0xab: {  	[dreg:$0x2] =	wrdreg s22  }
0xac: {  	[dreg:$0x3] =	wrdreg s0  }
0xad: {  	[dreg:$0x4] =	wrdreg $0x0  }
0xae: {  	[dreg:$0x5] =	wrdreg $0x9  }
0xaf: {  	_ =	task.clear_ibuf [dreg:s5], $0x6FFFF;
	_ =	strace $0x90000046  }
0xb0: {  	s26 =	simm.s32 $0x9;
	_ =	strace $0x80000048  }
0xb1: {  	_ =	swait.ge [sflag:s26], $0x1  }
0xb2: {  	[sflag:s26] =	ssyncadd.s32 $0xFFFFFFFF  }
0xb3: {  	_ =	strace $0x90000048  }
0xb4: {  	_ =	sfence  }
0xb5: {  	s28 =	sld [smem:$0x0];
	_ =	sdelay $0x1  }
0xb6: {  	s29 =	srdreg.scid  }
0xb7: {  	s30 =	sshll.u32 s29, $0xD;
	s31 =	sshrl.u32 s29, $0x2  }
0xb8: {  	s2 =	sand.u32 $0x4000, s30;
	s1 =	sand.u32 $0x1, s29;
	s0 =	sadd.s32 s31, s28  }
0xb9: {  	s1 =	sor.u32 s2, s1;
	s0 =	sshll.u32 s0, $0x11  }
0xba: {  	s0 =	sor.u32 s0, s1  }
0xbb: {  	s0 =	sadd.s32 $0x8F2B, s0  }
0xbc: {  	[sflag:s0] =	ssyncadd.remote.s32 $0x1  }
0xbd: {  	_ =	sfence.sel $0xFFFF  }
0xbe: {  	[dreg:$0x0] =	wrdreg $0xFFFFFFFF;
	(pc) =	sbr.abs _section_cstart, $3  }
0xbf: {  	[dreg:$0x1] =	wrdreg $0xFFFFFFFF  }
0xc0: {  	_ =	task.clear_ibuf [dreg:s5], $0x2FFFF;
	_ =	strace $0x9FFFFFFF  }
0xc1: {  	(tm) =	ssettm $0x7FFFFFFF  }
tec
execute0_lowered:
.L_overlay_start_1:
0x0: {  	(tag) =	ssettag $0x1  }
0x1: {  	s3 =	rddreg [dreg:$0x0]  }
0x2: {  	s0 =	rddreg [dreg:$0x1]  }
0x3: {  	s1 =	rddreg [dreg:$0x2];
	s4 =	simm.s32 $0x0  }
0x4: {  	s5 =	simm.s32 $0x1FA80;
	[smem:$0x7FF] =	sst s4  }
0x5: {  	s29 =	simm.s32 $0x9;
	s2 =	sadd.s32 $0x600, s3;
	_ =	strace $0x80000047  }
0x6: {  	[tilespmem:s5], [sflag:$0x9] =	stream.linear.gather [hbm4b:s2+s4], $0x10, $0x38;
	[tilespmem:$0x1FAA0] =	vst v63  }
0x7: {  	_ =	swait.ge [sflag:s29], $0x10  }
0x8: {  	s7 =	simm.s32 $0x1FA90;
	s30 =	sadd.s32 $0x5A800, s3;
	[sflag:s29] =	ssyncset.done $0x0  }
0x9: {  	s6 =	sadd.s32 $0x400, s3;
	[dreg:$0x1c] =	wrdreg s30;
	[sflag:s29] =	ssyncadd.s32 $0xFFFFFFF0  }
0xa: {  	[tilespmem:s7], [sflag:$0x9] =	stream.linear.gather [hbm4b:s6+s4], $0x10, $0x38;
	[tilespmem:$0x1FAA0] =	vst v63  }
0xb: {  	s31 =	stileid.u32;
	s2 =	sadd.s32 $0xA800, s3;
	_ =	swait.ge [sflag:s29], $0x10  }
0xc: {  	s5 =	simm.s32 $0x200;
	s7 =	sadd.s32 $0x800, s3;
	[sflag:s29] =	ssyncset.done $0x0  }
0xd: {  	v0 =	vimm.f32 $1.000000000e+00;
	s4 =	sadd.s32 $0x32800, s3;
	s3 =	simm.s32 $0x0;
	[sflag:s29] =	ssyncadd.s32 $0xFFFFFFF0  }
.LBB2_1:
0xe: {  	p0 =	sne.s32 s5, $0x7E00;
	[tilespmem:s3+$0x14070] =	vst v0  }
0xf: {  	[tilespmem:s3+$0x14000] =	vst v0  }
0x10: {  	[tilespmem:s3+$0x14010] =	vst v0  }
.Ltmp0:
0x11: {  	[tilespmem:s3+$0x14020] =	vst v0;
	(pc) =	sbr.rel @p0 .LBB2_1-.Ltmp0, $4  }
0x12: {  	[tilespmem:s3+$0x14030] =	vst v0  }
0x13: {  	[tilespmem:s3+$0x14040] =	vst v0  }
0x14: {  	[tilespmem:s3+$0x14050] =	vst v0  }
0x15: {  	[tilespmem:s3+$0x14060] =	vst v0;
	s3 =	sshra.s32 s5, $0x2;
	s5 =	sadd.s32 $0x200, s5  }
0x16: {  	[tilespmem:s3+$0x14070] =	vst v0  }
0x17: {  	[tilespmem:s3+$0x14000] =	vst v0  }
0x18: {  	[tilespmem:s3+$0x14010] =	vst v0  }
0x19: {  	[tilespmem:s3+$0x14020] =	vst v0  }
0x1a: {  	[tilespmem:s3+$0x14030] =	vst v0;
	s5 =	smul.u32 $0x50000, s31  }
0x1b: {  	[tilespmem:s3+$0x14040] =	vst v0  }
0x1c: {  	[tilespmem:s3+$0x14050] =	vst v0;
	s5 =	sshrl.u32 s5, $0x2  }
0x1d: {  	[tilespmem:s3+$0x14060] =	vst v0;
	s6 =	simm.s32 $0x14000;
	s21 =	sadd.s32 s5, s1;
	s5 =	simm.s32 $0x9  }
0x1e: {  	[spmem:s21] =	stream.linear.scatter [tilespmem:s6], [sflag:$0x9], $0x2000, $0x38;
	[tilespmem:$0x1FAA0] =	vst v63  }
0x1f: {  	_ =	swait.ge [sflag:s5], $0x2000  }
0x20: {  	s8 =	sadd.s32 $0x2000, s21;
	[sflag:s5] =	ssyncset.done $0x0  }
0x21: {  	[dreg:$0x1e] =	wrdreg s8;
	[sflag:s5] =	ssyncadd.s32 $0xFFFFE000  }
0x22: {  	[spmem:s8] =	stream.linear.scatter [tilespmem:s6], [sflag:$0x9], $0x2000, $0x38;
	[tilespmem:$0x1FAA0] =	vst v63  }
0x23: {  	_ =	swait.ge [sflag:s5], $0x2000  }
0x24: {  	s22 =	sadd.s32 $0x4000, s21;
	[sflag:s5] =	ssyncset.done $0x0  }
0x25: {  	[dreg:$0x1f] =	wrdreg s22;
	[sflag:s5] =	ssyncadd.s32 $0xFFFFE000  }
0x26: {  	[spmem:s22] =	stream.linear.scatter [tilespmem:s6], [sflag:$0x9], $0x2000, $0x38;
	[tilespmem:$0x1FAA0] =	vst v63  }
0x27: {  	_ =	swait.ge [sflag:s5], $0x2000  }
0x28: {  	s23 =	sadd.s32 $0x6000, s21;
	[sflag:s5] =	ssyncset.done $0x0  }
0x29: {  	[smem:$0x7F7] =	sst s23;
	[sflag:s5] =	ssyncadd.s32 $0xFFFFE000  }
0x2a: {  	[spmem:s23] =	stream.linear.scatter [tilespmem:s6], [sflag:$0x9], $0x2000, $0x38;
	[tilespmem:$0x1FAA0] =	vst v63  }
0x2b: {  	_ =	swait.ge [sflag:s5], $0x2000  }
0x2c: {  	s24 =	sadd.s32 $0x8000, s21;
	[sflag:s5] =	ssyncset.done $0x0  }
0x2d: {  	[smem:$0x7F8] =	sst s24;
	[sflag:s5] =	ssyncadd.s32 $0xFFFFE000  }
0x2e: {  	[spmem:s24] =	stream.linear.scatter [tilespmem:s6], [sflag:$0x9], $0x2000, $0x38;
	[tilespmem:$0x1FAA0] =	vst v63  }
0x2f: {  	_ =	swait.ge [sflag:s5], $0x2000  }
0x30: {  	s25 =	sadd.s32 $0xA000, s21;
	[sflag:s5] =	ssyncset.done $0x0  }
0x31: {  	[smem:$0x7F9] =	sst s25;
	[sflag:s5] =	ssyncadd.s32 $0xFFFFE000  }
0x32: {  	[spmem:s25] =	stream.linear.scatter [tilespmem:s6], [sflag:$0x9], $0x2000, $0x38;
	[tilespmem:$0x1FAA0] =	vst v63  }
0x33: {  	_ =	swait.ge [sflag:s5], $0x2000  }
0x34: {  	s26 =	sadd.s32 $0xC000, s21;
	[sflag:s5] =	ssyncset.done $0x0  }
0x35: {  	[smem:$0x7FA] =	sst s26;
	[sflag:s5] =	ssyncadd.s32 $0xFFFFE000  }
0x36: {  	[spmem:s26] =	stream.linear.scatter [tilespmem:s6], [sflag:$0x9], $0x2000, $0x38;
	[tilespmem:$0x1FAA0] =	vst v63  }
0x37: {  	_ =	swait.ge [sflag:s5], $0x2000  }
0x38: {  	s28 =	sadd.s32 $0xE000, s21;
	[sflag:s5] =	ssyncset.done $0x0  }
0x39: {  	[smem:$0x7FB] =	sst s28;
	[sflag:s5] =	ssyncadd.s32 $0xFFFFE000  }
0x3a: {  	[spmem:s28] =	stream.linear.scatter [tilespmem:s6], [sflag:$0x9], $0x2000, $0x38;
	[tilespmem:$0x1FAA0] =	vst v63  }
0x3b: {  	_ =	swait.ge [sflag:s5], $0x2000  }
0x3c: {  	s30 =	sadd.s32 $0x10000, s21;
	[sflag:s5] =	ssyncset.done $0x0  }
0x3d: {  	[smem:$0x7FC] =	sst s30;
	[sflag:s5] =	ssyncadd.s32 $0xFFFFE000  }
0x3e: {  	[spmem:s30] =	stream.linear.scatter [tilespmem:s6], [sflag:$0x9], $0x2000, $0x38;
	[tilespmem:$0x1FAA0] =	vst v63  }
0x3f: {  	_ =	swait.ge [sflag:s5], $0x2000  }
0x40: {  	s3 =	sadd.s32 $0x12000, s21;
	[dreg:$0x1d] =	wrdreg s21;
	[sflag:s5] =	ssyncset.done $0x0  }
0x41: {  	[smem:$0x7FD] =	sst s3;
	[sflag:s5] =	ssyncadd.s32 $0xFFFFE000  }
0x42: {  	[spmem:s3] =	stream.linear.scatter [tilespmem:s6], [sflag:$0x9], $0x2000, $0x38;
	[tilespmem:$0x1FAA0] =	vst v63  }
0x43: {  	s3 =	smul.u32 $0xA00, s31;
	_ =	swait.ge [sflag:s5], $0x2000  }
0x44: {  	[sflag:s5] =	ssyncset.done $0x0  }
0x45: {  	s9 =	simm.s32 $0x0;
	s15 =	sadd.s32 s3, s7;
	[sflag:s5] =	ssyncadd.s32 $0xFFFFE000  }
0x46: {  	s8 =	simm.s32 $0x1F680;
	s7 =	sadd.s32 $0x0, s15;
	[bflag:$0x0] =	sbarrier.arrive $0xFFFF  }
0x47: {  	[tilespmem:s8], [sflag:$0x9] =	stream.linear.gather [hbm4b:s7+s9], $0x400, $0x38;
	[tilespmem:$0x1FAA0] =	vst v63  }
0x48: {  	_ =	swait.ge [sflag:s5], $0x400  }
0x49: {  	[sflag:s5] =	ssyncset.done $0x0  }
0x4a: {  	s7 =	simm.s32 $0x40;
	[sflag:s5] =	ssyncadd.s32 $0xFFFFFC00  }
0x4b: {  	[spmem:s1] =	stream.indirect.scatter.add.f32 [tilespmem:s6], [sflag:$0x9], $0x80, s8, s7, $0xb8;
	[tilespmem:$0x1FAA0] =	vst v63  }
0x4c: {  	_ =	swait.ge [sflag:s5], $0x2000  }
0x4d: {  	[sflag:s5] =	ssyncset.done $0x0  }
0x4e: {  	s10 =	simm.s32 $0x1F6C0;
	[sflag:s5] =	ssyncadd.s32 $0xFFFFE000  }
0x4f: {  	[spmem:s1] =	stream.indirect.scatter.add.f32 [tilespmem:s6], [sflag:$0x9], $0x80, s10, s7, $0xb8;
	[tilespmem:$0x1FAA0] =	vst v63  }
0x50: {  	_ =	swait.ge [sflag:s5], $0x2000  }
0x51: {  	[sflag:s5] =	ssyncset.done $0x0  }
0x52: {  	s11 =	simm.s32 $0x1F700;
	[sflag:s5] =	ssyncadd.s32 $0xFFFFE000  }
0x53: {  	[spmem:s1] =	stream.indirect.scatter.add.f32 [tilespmem:s6], [sflag:$0x9], $0x80, s11, s7, $0xb8;
	[tilespmem:$0x1FAA0] =	vst v63  }
0x54: {  	_ =	swait.ge [sflag:s5], $0x2000  }
0x55: {  	[sflag:s5] =	ssyncset.done $0x0  }
0x56: {  	s12 =	simm.s32 $0x1F740;
	[sflag:s5] =	ssyncadd.s32 $0xFFFFE000  }
0x57: {  	[spmem:s1] =	stream.indirect.scatter.add.f32 [tilespmem:s6], [sflag:$0x9], $0x80, s12, s7, $0xb8;
	[tilespmem:$0x1FAA0] =	vst v63  }
0x58: {  	_ =	swait.ge [sflag:s5], $0x2000  }
0x59: {  	[sflag:s5] =	ssyncset.done $0x0  }
0x5a: {  	s13 =	simm.s32 $0x1F780;
	[sflag:s5] =	ssyncadd.s32 $0xFFFFE000  }
0x5b: {  	[spmem:s1] =	stream.indirect.scatter.add.f32 [tilespmem:s6], [sflag:$0x9], $0x80, s13, s7, $0xb8;
	[tilespmem:$0x1FAA0] =	vst v63  }
0x5c: {  	_ =	swait.ge [sflag:s5], $0x2000  }
0x5d: {  	[sflag:s5] =	ssyncset.done $0x0  }
0x5e: {  	s14 =	simm.s32 $0x1F7C0;
	[sflag:s5] =	ssyncadd.s32 $0xFFFFE000  }
0x5f: {  	[spmem:s1] =	stream.indirect.scatter.add.f32 [tilespmem:s6], [sflag:$0x9], $0x80, s14, s7, $0xb8;
	[tilespmem:$0x1FAA0] =	vst v63  }
0x60: {  	_ =	swait.ge [sflag:s5], $0x2000  }
0x61: {  	[sflag:s5] =	ssyncset.done $0x0  }
0x62: {  	s16 =	simm.s32 $0x1F800;
	[sflag:s5] =	ssyncadd.s32 $0xFFFFE000  }
0x63: {  	[spmem:s1] =	stream.indirect.scatter.add.f32 [tilespmem:s6], [sflag:$0x9], $0x80, s16, s7, $0xb8;
	[tilespmem:$0x1FAA0] =	vst v63  }
0x64: {  	_ =	swait.ge [sflag:s5], $0x2000  }
0x65: {  	[sflag:s5] =	ssyncset.done $0x0  }
0x66: {  	s17 =	simm.s32 $0x1F840;
	[sflag:s5] =	ssyncadd.s32 $0xFFFFE000  }
0x67: {  	[spmem:s1] =	stream.indirect.scatter.add.f32 [tilespmem:s6], [sflag:$0x9], $0x80, s17, s7, $0xb8;
	[tilespmem:$0x1FAA0] =	vst v63  }
0x68: {  	_ =	swait.ge [sflag:s5], $0x2000  }
0x69: {  	[sflag:s5] =	ssyncset.done $0x0  }
0x6a: {  	s18 =	simm.s32 $0x1F880;
	[sflag:s5] =	ssyncadd.s32 $0xFFFFE000  }
0x6b: {  	[spmem:s1] =	stream.indirect.scatter.add.f32 [tilespmem:s6], [sflag:$0x9], $0x80, s18, s7, $0xb8;
	[tilespmem:$0x1FAA0] =	vst v63  }
0x6c: {  	_ =	swait.ge [sflag:s5], $0x2000  }
0x6d: {  	[sflag:s5] =	ssyncset.done $0x0  }
0x6e: {  	s19 =	simm.s32 $0x1F8C0;
	[sflag:s5] =	ssyncadd.s32 $0xFFFFE000  }
0x6f: {  	[spmem:s1] =	stream.indirect.scatter.add.f32 [tilespmem:s6], [sflag:$0x9], $0x80, s19, s7, $0xb8;
	[tilespmem:$0x1FAA0] =	vst v63  }
0x70: {  	_ =	swait.ge [sflag:s5], $0x2000  }
0x71: {  	[sflag:s5] =	ssyncset.done $0x0  }
0x72: {  	s20 =	simm.s32 $0x1F900;
	[sflag:s5] =	ssyncadd.s32 $0xFFFFE000  }
0x73: {  	[spmem:s1] =	stream.indirect.scatter.add.f32 [tilespmem:s6], [sflag:$0x9], $0x80, s20, s7, $0xb8;
	[tilespmem:$0x1FAA0] =	vst v63  }
0x74: {  	_ =	swait.ge [sflag:s5], $0x2000  }
0x75: {  	[sflag:s5] =	ssyncset.done $0x0  }
0x76: {  	s21 =	simm.s32 $0x1F940;
	[sflag:s5] =	ssyncadd.s32 $0xFFFFE000  }
0x77: {  	[spmem:s1] =	stream.indirect.scatter.add.f32 [tilespmem:s6], [sflag:$0x9], $0x80, s21, s7, $0xb8;
	[tilespmem:$0x1FAA0] =	vst v63  }
0x78: {  	_ =	swait.ge [sflag:s5], $0x2000  }
0x79: {  	[sflag:s5] =	ssyncset.done $0x0  }
0x7a: {  	s22 =	simm.s32 $0x1F980;
	[sflag:s5] =	ssyncadd.s32 $0xFFFFE000  }
0x7b: {  	[spmem:s1] =	stream.indirect.scatter.add.f32 [tilespmem:s6], [sflag:$0x9], $0x80, s22, s7, $0xb8;
	[tilespmem:$0x1FAA0] =	vst v63  }
0x7c: {  	_ =	swait.ge [sflag:s5], $0x2000  }
0x7d: {  	[sflag:s5] =	ssyncset.done $0x0  }
0x7e: {  	s23 =	simm.s32 $0x1F9C0;
	[sflag:s5] =	ssyncadd.s32 $0xFFFFE000  }
0x7f: {  	[spmem:s1] =	stream.indirect.scatter.add.f32 [tilespmem:s6], [sflag:$0x9], $0x80, s23, s7, $0xb8;
	[tilespmem:$0x1FAA0] =	vst v63  }
0x80: {  	_ =	swait.ge [sflag:s5], $0x2000  }
0x81: {  	[sflag:s5] =	ssyncset.done $0x0  }
0x82: {  	s24 =	simm.s32 $0x1FA00;
	[sflag:s5] =	ssyncadd.s32 $0xFFFFE000  }
0x83: {  	[spmem:s1] =	stream.indirect.scatter.add.f32 [tilespmem:s6], [sflag:$0x9], $0x80, s24, s7, $0xb8;
	[tilespmem:$0x1FAA0] =	vst v63  }
0x84: {  	_ =	swait.ge [sflag:s5], $0x2000  }
0x85: {  	[sflag:s5] =	ssyncset.done $0x0  }
0x86: {  	s25 =	simm.s32 $0x1FA40;
	[sflag:s5] =	ssyncadd.s32 $0xFFFFE000  }
0x87: {  	[spmem:s1] =	stream.indirect.scatter.add.f32 [tilespmem:s6], [sflag:$0x9], $0x80, s25, s7, $0xb8;
	[tilespmem:$0x1FAA0] =	vst v63  }
0x88: {  	_ =	swait.ge [sflag:s5], $0x2000  }
0x89: {  	s29 =	simm.s32 $0x100;
	s26 =	simm.s32 $0x80;
	[sflag:s5] =	ssyncset.done $0x0  }
.LBB2_3:
0x8a: {  	s30 =	sadd.s32 s26, s15  }
0x8b: {  	[sflag:s5] =	ssyncadd.s32 $0xFFFFE000;
	s26 =	smov.u32 s29;
	s28 =	sadd.s32 $0x80, s29  }
0x8c: {  	[tilespmem:s8], [sflag:$0x9] =	stream.linear.gather [hbm4b:s30+s9], $0x400, $0x38;
	[tilespmem:$0x1FAA0] =	vst v63  }
0x8d: {  	p0 =	sne.s32 s29, $0x980;
	_ =	swait.ge [sflag:s5], $0x400  }
0x8e: {  	[sflag:s5] =	ssyncset.done $0x0  }
0x8f: {  	[sflag:s5] =	ssyncadd.s32 $0xFFFFFC00  }
0x90: {  	[spmem:s1] =	stream.indirect.scatter.add.f32 [tilespmem:s6], [sflag:$0x9], $0x80, s8, s7, $0xb8;
	[tilespmem:$0x1FAA0] =	vst v63  }
0x91: {  	_ =	swait.ge [sflag:s5], $0x2000  }
0x92: {  	[sflag:s5] =	ssyncset.done $0x0  }
0x93: {  	[sflag:s5] =	ssyncadd.s32 $0xFFFFE000  }
0x94: {  	[spmem:s1] =	stream.indirect.scatter.add.f32 [tilespmem:s6], [sflag:$0x9], $0x80, s10, s7, $0xb8;
	[tilespmem:$0x1FAA0] =	vst v63  }
0x95: {  	_ =	swait.ge [sflag:s5], $0x2000  }
0x96: {  	[sflag:s5] =	ssyncset.done $0x0  }
0x97: {  	[sflag:s5] =	ssyncadd.s32 $0xFFFFE000  }
0x98: {  	[spmem:s1] =	stream.indirect.scatter.add.f32 [tilespmem:s6], [sflag:$0x9], $0x80, s11, s7, $0xb8;
	[tilespmem:$0x1FAA0] =	vst v63  }
0x99: {  	_ =	swait.ge [sflag:s5], $0x2000  }
0x9a: {  	[sflag:s5] =	ssyncset.done $0x0  }
0x9b: {  	[sflag:s5] =	ssyncadd.s32 $0xFFFFE000  }
0x9c: {  	[spmem:s1] =	stream.indirect.scatter.add.f32 [tilespmem:s6], [sflag:$0x9], $0x80, s12, s7, $0xb8;
	[tilespmem:$0x1FAA0] =	vst v63  }
0x9d: {  	_ =	swait.ge [sflag:s5], $0x2000  }
0x9e: {  	[sflag:s5] =	ssyncset.done $0x0  }
0x9f: {  	[sflag:s5] =	ssyncadd.s32 $0xFFFFE000  }
0xa0: {  	[spmem:s1] =	stream.indirect.scatter.add.f32 [tilespmem:s6], [sflag:$0x9], $0x80, s13, s7, $0xb8;
	[tilespmem:$0x1FAA0] =	vst v63  }
0xa1: {  	_ =	swait.ge [sflag:s5], $0x2000  }
0xa2: {  	[sflag:s5] =	ssyncset.done $0x0  }
0xa3: {  	[sflag:s5] =	ssyncadd.s32 $0xFFFFE000  }
0xa4: {  	[spmem:s1] =	stream.indirect.scatter.add.f32 [tilespmem:s6], [sflag:$0x9], $0x80, s14, s7, $0xb8;
	[tilespmem:$0x1FAA0] =	vst v63  }
0xa5: {  	_ =	swait.ge [sflag:s5], $0x2000  }
0xa6: {  	[sflag:s5] =	ssyncset.done $0x0  }
0xa7: {  	[sflag:s5] =	ssyncadd.s32 $0xFFFFE000  }
0xa8: {  	[spmem:s1] =	stream.indirect.scatter.add.f32 [tilespmem:s6], [sflag:$0x9], $0x80, s16, s7, $0xb8;
	[tilespmem:$0x1FAA0] =	vst v63  }
0xa9: {  	_ =	swait.ge [sflag:s5], $0x2000  }
0xaa: {  	[sflag:s5] =	ssyncset.done $0x0  }
0xab: {  	[sflag:s5] =	ssyncadd.s32 $0xFFFFE000  }
0xac: {  	[spmem:s1] =	stream.indirect.scatter.add.f32 [tilespmem:s6], [sflag:$0x9], $0x80, s17, s7, $0xb8;
	[tilespmem:$0x1FAA0] =	vst v63  }
0xad: {  	_ =	swait.ge [sflag:s5], $0x2000  }
0xae: {  	[sflag:s5] =	ssyncset.done $0x0  }
0xaf: {  	[sflag:s5] =	ssyncadd.s32 $0xFFFFE000  }
0xb0: {  	[spmem:s1] =	stream.indirect.scatter.add.f32 [tilespmem:s6], [sflag:$0x9], $0x80, s18, s7, $0xb8;
	[tilespmem:$0x1FAA0] =	vst v63  }
0xb1: {  	_ =	swait.ge [sflag:s5], $0x2000  }
0xb2: {  	[sflag:s5] =	ssyncset.done $0x0  }
0xb3: {  	[sflag:s5] =	ssyncadd.s32 $0xFFFFE000  }
0xb4: {  	[spmem:s1] =	stream.indirect.scatter.add.f32 [tilespmem:s6], [sflag:$0x9], $0x80, s19, s7, $0xb8;
	[tilespmem:$0x1FAA0] =	vst v63  }
0xb5: {  	_ =	swait.ge [sflag:s5], $0x2000  }
0xb6: {  	[sflag:s5] =	ssyncset.done $0x0  }
0xb7: {  	[sflag:s5] =	ssyncadd.s32 $0xFFFFE000  }
0xb8: {  	[spmem:s1] =	stream.indirect.scatter.add.f32 [tilespmem:s6], [sflag:$0x9], $0x80, s20, s7, $0xb8;
	[tilespmem:$0x1FAA0] =	vst v63  }
0xb9: {  	_ =	swait.ge [sflag:s5], $0x2000  }
0xba: {  	[sflag:s5] =	ssyncset.done $0x0  }
0xbb: {  	[sflag:s5] =	ssyncadd.s32 $0xFFFFE000  }
0xbc: {  	[spmem:s1] =	stream.indirect.scatter.add.f32 [tilespmem:s6], [sflag:$0x9], $0x80, s21, s7, $0xb8;
	[tilespmem:$0x1FAA0] =	vst v63  }
0xbd: {  	_ =	swait.ge [sflag:s5], $0x2000  }
0xbe: {  	[sflag:s5] =	ssyncset.done $0x0  }
0xbf: {  	[sflag:s5] =	ssyncadd.s32 $0xFFFFE000  }
0xc0: {  	[spmem:s1] =	stream.indirect.scatter.add.f32 [tilespmem:s6], [sflag:$0x9], $0x80, s22, s7, $0xb8;
	[tilespmem:$0x1FAA0] =	vst v63  }
0xc1: {  	_ =	swait.ge [sflag:s5], $0x2000  }
0xc2: {  	[sflag:s5] =	ssyncset.done $0x0  }
0xc3: {  	[sflag:s5] =	ssyncadd.s32 $0xFFFFE000  }
0xc4: {  	[spmem:s1] =	stream.indirect.scatter.add.f32 [tilespmem:s6], [sflag:$0x9], $0x80, s23, s7, $0xb8;
	[tilespmem:$0x1FAA0] =	vst v63  }
0xc5: {  	_ =	swait.ge [sflag:s5], $0x2000  }
0xc6: {  	[sflag:s5] =	ssyncset.done $0x0  }
0xc7: {  	[sflag:s5] =	ssyncadd.s32 $0xFFFFE000  }
0xc8: {  	[spmem:s1] =	stream.indirect.scatter.add.f32 [tilespmem:s6], [sflag:$0x9], $0x80, s24, s7, $0xb8;
	[tilespmem:$0x1FAA0] =	vst v63  }
0xc9: {  	_ =	swait.ge [sflag:s5], $0x2000  }
.Ltmp1:
0xca: {  	[sflag:s5] =	ssyncset.done $0x0;
	(pc) =	sbr.rel @p0 .LBB2_3-.Ltmp1, $4  }
0xcb: {  	[sflag:s5] =	ssyncadd.s32 $0xFFFFE000  }
0xcc: {  	[spmem:s1] =	stream.indirect.scatter.add.f32 [tilespmem:s6], [sflag:$0x9], $0x80, s25, s7, $0xb8;
	[tilespmem:$0x1FAA0] =	vst v63  }
0xcd: {  	_ =	swait.ge [sflag:s5], $0x2000  }
0xce: {  	s29 =	smov.u32 s28;
	[sflag:s5] =	ssyncset.done $0x0  }
0xcf: {  	s26 =	sadd.s32 s26, s15;
	[sflag:s5] =	ssyncadd.s32 $0xFFFFE000  }
0xd0: {  	[tilespmem:s8], [sflag:$0x9] =	stream.linear.gather [hbm4b:s26+s9], $0x400, $0x38;
	[tilespmem:$0x1FAA0] =	vst v63  }
0xd1: {  	_ =	swait.ge [sflag:s5], $0x400  }
0xd2: {  	[sflag:s5] =	ssyncset.done $0x0  }
0xd3: {  	[sflag:s5] =	ssyncadd.s32 $0xFFFFFC00  }
0xd4: {  	[spmem:s1] =	stream.indirect.scatter.add.f32 [tilespmem:s6], [sflag:$0x9], $0x80, s8, s7, $0xb8;
	[tilespmem:$0x1FAA0] =	vst v63  }
0xd5: {  	_ =	swait.ge [sflag:s5], $0x2000  }
0xd6: {  	[sflag:s5] =	ssyncset.done $0x0  }
0xd7: {  	[sflag:s5] =	ssyncadd.s32 $0xFFFFE000  }
0xd8: {  	[spmem:s1] =	stream.indirect.scatter.add.f32 [tilespmem:s6], [sflag:$0x9], $0x80, s10, s7, $0xb8;
	[tilespmem:$0x1FAA0] =	vst v63  }
0xd9: {  	_ =	swait.ge [sflag:s5], $0x2000  }
0xda: {  	[sflag:s5] =	ssyncset.done $0x0  }
0xdb: {  	[sflag:s5] =	ssyncadd.s32 $0xFFFFE000  }
0xdc: {  	[spmem:s1] =	stream.indirect.scatter.add.f32 [tilespmem:s6], [sflag:$0x9], $0x80, s11, s7, $0xb8;
	[tilespmem:$0x1FAA0] =	vst v63  }
0xdd: {  	_ =	swait.ge [sflag:s5], $0x2000  }
0xde: {  	[sflag:s5] =	ssyncset.done $0x0  }
0xdf: {  	[sflag:s5] =	ssyncadd.s32 $0xFFFFE000  }
0xe0: {  	[spmem:s1] =	stream.indirect.scatter.add.f32 [tilespmem:s6], [sflag:$0x9], $0x80, s12, s7, $0xb8;
	[tilespmem:$0x1FAA0] =	vst v63  }
0xe1: {  	_ =	swait.ge [sflag:s5], $0x2000  }
0xe2: {  	[sflag:s5] =	ssyncset.done $0x0  }
0xe3: {  	[sflag:s5] =	ssyncadd.s32 $0xFFFFE000  }
0xe4: {  	[spmem:s1] =	stream.indirect.scatter.add.f32 [tilespmem:s6], [sflag:$0x9], $0x80, s13, s7, $0xb8;
	[tilespmem:$0x1FAA0] =	vst v63  }
0xe5: {  	_ =	swait.ge [sflag:s5], $0x2000  }
0xe6: {  	[sflag:s5] =	ssyncset.done $0x0  }
0xe7: {  	[sflag:s5] =	ssyncadd.s32 $0xFFFFE000  }
0xe8: {  	[spmem:s1] =	stream.indirect.scatter.add.f32 [tilespmem:s6], [sflag:$0x9], $0x80, s14, s7, $0xb8;
	[tilespmem:$0x1FAA0] =	vst v63  }
0xe9: {  	_ =	swait.ge [sflag:s5], $0x2000  }
0xea: {  	[sflag:s5] =	ssyncset.done $0x0  }
0xeb: {  	[sflag:s5] =	ssyncadd.s32 $0xFFFFE000  }
0xec: {  	[spmem:s1] =	stream.indirect.scatter.add.f32 [tilespmem:s6], [sflag:$0x9], $0x80, s16, s7, $0xb8;
	[tilespmem:$0x1FAA0] =	vst v63  }
0xed: {  	_ =	swait.ge [sflag:s5], $0x2000  }
0xee: {  	[sflag:s5] =	ssyncset.done $0x0  }
0xef: {  	[sflag:s5] =	ssyncadd.s32 $0xFFFFE000  }
0xf0: {  	[spmem:s1] =	stream.indirect.scatter.add.f32 [tilespmem:s6], [sflag:$0x9], $0x80, s17, s7, $0xb8;
	[tilespmem:$0x1FAA0] =	vst v63  }
0xf1: {  	_ =	swait.ge [sflag:s5], $0x2000  }
0xf2: {  	[sflag:s5] =	ssyncset.done $0x0  }
0xf3: {  	[sflag:s5] =	ssyncadd.s32 $0xFFFFE000  }
0xf4: {  	[spmem:s1] =	stream.indirect.scatter.add.f32 [tilespmem:s6], [sflag:$0x9], $0x80, s18, s7, $0xb8;
	[tilespmem:$0x1FAA0] =	vst v63  }
0xf5: {  	_ =	swait.ge [sflag:s5], $0x2000  }
0xf6: {  	[sflag:s5] =	ssyncset.done $0x0  }
0xf7: {  	[sflag:s5] =	ssyncadd.s32 $0xFFFFE000  }
0xf8: {  	[spmem:s1] =	stream.indirect.scatter.add.f32 [tilespmem:s6], [sflag:$0x9], $0x80, s19, s7, $0xb8;
	[tilespmem:$0x1FAA0] =	vst v63  }
0xf9: {  	_ =	swait.ge [sflag:s5], $0x2000  }
0xfa: {  	[sflag:s5] =	ssyncset.done $0x0  }
0xfb: {  	[sflag:s5] =	ssyncadd.s32 $0xFFFFE000  }
0xfc: {  	[spmem:s1] =	stream.indirect.scatter.add.f32 [tilespmem:s6], [sflag:$0x9], $0x80, s20, s7, $0xb8;
	[tilespmem:$0x1FAA0] =	vst v63  }
0xfd: {  	_ =	swait.ge [sflag:s5], $0x2000  }
0xfe: {  	[sflag:s5] =	ssyncset.done $0x0  }
0xff: {  	[sflag:s5] =	ssyncadd.s32 $0xFFFFE000  }
0x100: {  	[spmem:s1] =	stream.indirect.scatter.add.f32 [tilespmem:s6], [sflag:$0x9], $0x80, s21, s7, $0xb8;
	[tilespmem:$0x1FAA0] =	vst v63  }
0x101: {  	_ =	swait.ge [sflag:s5], $0x2000  }
0x102: {  	[sflag:s5] =	ssyncset.done $0x0  }
0x103: {  	[sflag:s5] =	ssyncadd.s32 $0xFFFFE000  }
0x104: {  	[spmem:s1] =	stream.indirect.scatter.add.f32 [tilespmem:s6], [sflag:$0x9], $0x80, s22, s7, $0xb8;
	[tilespmem:$0x1FAA0] =	vst v63  }
0x105: {  	_ =	swait.ge [sflag:s5], $0x2000  }
0x106: {  	[sflag:s5] =	ssyncset.done $0x0  }
0x107: {  	[sflag:s5] =	ssyncadd.s32 $0xFFFFE000  }
0x108: {  	[spmem:s1] =	stream.indirect.scatter.add.f32 [tilespmem:s6], [sflag:$0x9], $0x80, s23, s7, $0xb8;
	[tilespmem:$0x1FAA0] =	vst v63  }
0x109: {  	_ =	swait.ge [sflag:s5], $0x2000  }
0x10a: {  	[sflag:s5] =	ssyncset.done $0x0  }
0x10b: {  	[sflag:s5] =	ssyncadd.s32 $0xFFFFE000  }
0x10c: {  	[spmem:s1] =	stream.indirect.scatter.add.f32 [tilespmem:s6], [sflag:$0x9], $0x80, s24, s7, $0xb8;
	[tilespmem:$0x1FAA0] =	vst v63  }
0x10d: {  	_ =	swait.ge [sflag:s5], $0x2000  }
0x10e: {  	[sflag:s5] =	ssyncset.done $0x0  }
0x10f: {  	[sflag:s5] =	ssyncadd.s32 $0xFFFFE000  }
0x110: {  	[spmem:s1] =	stream.indirect.scatter.add.f32 [tilespmem:s6], [sflag:$0x9], $0x80, s25, s7, $0xb8;
	[tilespmem:$0x1FAA0] =	vst v63  }
0x111: {  	_ =	swait.ge [sflag:s5], $0x2000  }
0x112: {  	v0 =	vlaneseq.u32;
	[sflag:s5] =	ssyncset.done $0x0  }
0x113: {  	v0 =	vmul.u32 $0x80, v0;
	[sflag:s5] =	ssyncadd.s32 $0xFFFFE000  }
0x114: {  	[bflag:$0x0] =	sbarrier.arrive $0xFFFF  }
0x115: {  	v0 =	vor.u32 $0x1, v0;
	s6 =	simm.s32 $0x9;
	s5 =	simm.s32 $0x1C000;
	s8 =	rddreg [dreg:$0x1d]  }
0x116: {  	[tilespmem:s5], [sflag:$0x9] =	stream.linear.gather [spmem:s8], $0x800, $0x38;
	[tilespmem:$0x1FAA0] =	vst v63  }
0x117: {  	_ =	swait.ge [sflag:s6], $0x800  }
0x118: {  	[sflag:s6] =	ssyncset.done $0x0  }
0x119: {  	[sflag:s6] =	ssyncadd.s32 $0xFFFFF800  }
0x11a: {  	v1 =	vld.idx.msk [tilespmem:v0+s5+$0x0], $0xffff;
	_ =	sdelay $0x4  }
0x11b: {  	(erf) = vrcp.f32 v1;
	_ =	sdelay $0x7  }
0x11c: {  	v1 =	vmul.f32 $5.000000000e-01, v1  }
0x11d: {  	v2 =	vpop (erf)  }
0x11e: {  	v3 =	vmul.f32 v2, v1;
	_ =	sdelay $0x1  }
0x11f: {  	v3 =	vmul.f32 v3, v2;
	_ =	sdelay $0x1  }
0x120: {  	v3 =	vsub.f32 $1.500000000e+00, v3;
	_ =	sdelay $0x1  }
0x121: {  	v2 =	vmul.f32 v3, v2;
	_ =	sdelay $0x1  }
0x122: {  	v3 =	vmul.f32 v2, v1;
	_ =	sdelay $0x1  }
0x123: {  	v3 =	vmul.f32 v3, v2;
	_ =	sdelay $0x1  }
0x124: {  	v3 =	vsub.f32 $1.500000000e+00, v3;
	_ =	sdelay $0x1  }
0x125: {  	v2 =	vmul.f32 v3, v2;
	_ =	sdelay $0x1  }
0x126: {  	v3 =	vmul.f32 v2, v1;
	_ =	sdelay $0x1  }
0x127: {  	v3 =	vmul.f32 v3, v2;
	_ =	sdelay $0x1  }
0x128: {  	v3 =	vsub.f32 $1.500000000e+00, v3;
	_ =	sdelay $0x1  }
0x129: {  	v2 =	vmul.f32 v3, v2;
	_ =	sdelay $0x1  }
0x12a: {  	v3 =	vmul.f32 v2, v1;
	_ =	sdelay $0x1  }
0x12b: {  	v3 =	vmul.f32 v3, v2;
	_ =	sdelay $0x1  }
0x12c: {  	v3 =	vsub.f32 $1.500000000e+00, v3;
	_ =	sdelay $0x1  }
0x12d: {  	v2 =	vmul.f32 v3, v2;
	_ =	sdelay $0x1  }
0x12e: {  	v3 =	vmul.f32 v2, v1;
	_ =	sdelay $0x1  }
0x12f: {  	v3 =	vmul.f32 v3, v2;
	_ =	sdelay $0x1  }
0x130: {  	v3 =	vsub.f32 $1.500000000e+00, v3;
	_ =	sdelay $0x1  }
0x131: {  	v2 =	vmul.f32 v3, v2;
	_ =	sdelay $0x1  }
0x132: {  	v3 =	vmul.f32 v2, v1;
	_ =	sdelay $0x1  }
0x133: {  	v3 =	vmul.f32 v3, v2;
	_ =	sdelay $0x1  }
0x134: {  	v3 =	vsub.f32 $1.500000000e+00, v3;
	_ =	sdelay $0x1  }
0x135: {  	v2 =	vmul.f32 v3, v2;
	_ =	sdelay $0x1  }
0x136: {  	v3 =	vmul.f32 v2, v1;
	_ =	sdelay $0x1  }
0x137: {  	v3 =	vmul.f32 v3, v2;
	_ =	sdelay $0x1  }
0x138: {  	v3 =	vsub.f32 $1.500000000e+00, v3;
	_ =	sdelay $0x1  }
0x139: {  	v2 =	vmul.f32 v3, v2;
	_ =	sdelay $0x1  }
0x13a: {  	v3 =	vmul.f32 v2, v1;
	_ =	sdelay $0x1  }
0x13b: {  	v3 =	vmul.f32 v3, v2;
	_ =	sdelay $0x1  }
0x13c: {  	v3 =	vsub.f32 $1.500000000e+00, v3;
	_ =	sdelay $0x1  }
0x13d: {  	v2 =	vmul.f32 v3, v2;
	_ =	sdelay $0x1  }
0x13e: {  	v3 =	vmul.f32 v2, v1;
	_ =	sdelay $0x1  }
0x13f: {  	v3 =	vmul.f32 v3, v2;
	_ =	sdelay $0x1  }
0x140: {  	v3 =	vsub.f32 $1.500000000e+00, v3;
	_ =	sdelay $0x1  }
0x141: {  	v2 =	vmul.f32 v3, v2;
	_ =	sdelay $0x1  }
0x142: {  	v3 =	vmul.f32 v2, v1;
	_ =	sdelay $0x1  }
0x143: {  	v3 =	vmul.f32 v3, v2;
	_ =	sdelay $0x1  }
0x144: {  	v3 =	vsub.f32 $1.500000000e+00, v3;
	_ =	sdelay $0x1  }
0x145: {  	v2 =	vmul.f32 v3, v2;
	_ =	sdelay $0x1  }
0x146: {  	v3 =	vmul.f32 v2, v1;
	_ =	sdelay $0x1  }
0x147: {  	v3 =	vmul.f32 v3, v2;
	_ =	sdelay $0x1  }
0x148: {  	v3 =	vsub.f32 $1.500000000e+00, v3;
	_ =	sdelay $0x1  }
0x149: {  	v2 =	vmul.f32 v3, v2;
	_ =	sdelay $0x1  }
0x14a: {  	v3 =	vmul.f32 v2, v1;
	_ =	sdelay $0x1  }
0x14b: {  	v3 =	vmul.f32 v3, v2;
	_ =	sdelay $0x1  }
0x14c: {  	v3 =	vsub.f32 $1.500000000e+00, v3;
	_ =	sdelay $0x1  }
0x14d: {  	v2 =	vmul.f32 v3, v2;
	_ =	sdelay $0x1  }
0x14e: {  	v3 =	vmul.f32 v2, v1;
	_ =	sdelay $0x1  }
0x14f: {  	v3 =	vmul.f32 v3, v2;
	_ =	sdelay $0x1  }
0x150: {  	v3 =	vsub.f32 $1.500000000e+00, v3;
	_ =	sdelay $0x1  }
0x151: {  	v2 =	vmul.f32 v3, v2;
	_ =	sdelay $0x1  }
0x152: {  	v3 =	vmul.f32 v2, v1;
	_ =	sdelay $0x1  }
0x153: {  	v3 =	vmul.f32 v3, v2;
	_ =	sdelay $0x1  }
0x154: {  	v3 =	vsub.f32 $1.500000000e+00, v3;
	_ =	sdelay $0x1  }
0x155: {  	v2 =	vmul.f32 v3, v2;
	_ =	sdelay $0x1  }
0x156: {  	v3 =	vmul.f32 v2, v1;
	_ =	sdelay $0x1  }
0x157: {  	v3 =	vmul.f32 v3, v2;
	_ =	sdelay $0x1  }
0x158: {  	v3 =	vsub.f32 $1.500000000e+00, v3;
	_ =	sdelay $0x1  }
0x159: {  	v2 =	vmul.f32 v3, v2;
	_ =	sdelay $0x1  }
0x15a: {  	v3 =	vmul.f32 v2, v1;
	_ =	sdelay $0x1  }
0x15b: {  	v3 =	vmul.f32 v3, v2;
	_ =	sdelay $0x1  }
0x15c: {  	v3 =	vsub.f32 $1.500000000e+00, v3;
	_ =	sdelay $0x1  }
0x15d: {  	v2 =	vmul.f32 v3, v2;
	_ =	sdelay $0x1  }
0x15e: {  	v3 =	vmul.f32 v2, v1;
	_ =	sdelay $0x1  }
0x15f: {  	v3 =	vmul.f32 v3, v2;
	_ =	sdelay $0x1  }
0x160: {  	v3 =	vsub.f32 $1.500000000e+00, v3;
	_ =	sdelay $0x1  }
0x161: {  	v2 =	vmul.f32 v3, v2;
	_ =	sdelay $0x1  }
0x162: {  	v3 =	vmul.f32 v2, v1;
	_ =	sdelay $0x1  }
0x163: {  	v3 =	vmul.f32 v3, v2;
	_ =	sdelay $0x1  }
0x164: {  	v3 =	vsub.f32 $1.500000000e+00, v3;
	_ =	sdelay $0x1  }
0x165: {  	v2 =	vmul.f32 v3, v2;
	_ =	sdelay $0x1  }
0x166: {  	v3 =	vmul.f32 v2, v1;
	_ =	sdelay $0x1  }
0x167: {  	v3 =	vmul.f32 v3, v2;
	_ =	sdelay $0x1  }
0x168: {  	v3 =	vsub.f32 $1.500000000e+00, v3;
	_ =	sdelay $0x1  }
0x169: {  	v2 =	vmul.f32 v3, v2;
	_ =	sdelay $0x1  }
0x16a: {  	v3 =	vmul.f32 v2, v1;
	_ =	sdelay $0x1  }
0x16b: {  	v3 =	vmul.f32 v3, v2;
	_ =	sdelay $0x1  }
0x16c: {  	v3 =	vsub.f32 $1.500000000e+00, v3;
	_ =	sdelay $0x1  }
0x16d: {  	v2 =	vmul.f32 v3, v2;
	_ =	sdelay $0x1  }
0x16e: {  	v3 =	vmul.f32 v2, v1;
	_ =	sdelay $0x1  }
0x16f: {  	v3 =	vmul.f32 v3, v2;
	_ =	sdelay $0x1  }
0x170: {  	v3 =	vsub.f32 $1.500000000e+00, v3;
	_ =	sdelay $0x1  }
0x171: {  	v2 =	vmul.f32 v3, v2;
	_ =	sdelay $0x1  }
0x172: {  	v1 =	vmul.f32 v2, v1;
	_ =	sdelay $0x1  }
0x173: {  	v1 =	vmul.f32 v1, v2;
	_ =	sdelay $0x1  }
0x174: {  	s31 =	smul.u32 $0x280, s31;
	v1 =	vsub.f32 $1.500000000e+00, v1;
	_ =	sdelay $0x1  }
0x175: {  	s9 =	simm.s32 $0x0;
	s7 =	simm.s32 $0x40;
	[smem:$0x7F6] =	sst s31;
	v1 =	vmul.f32 v1, v2  }
.LBB2_5:
0x176: {  	p0 =	sne.s32 s7, $0x9C0  }
0x177: {  	[tilespmem:s9+$0x1F000] =	vst v1;
	s8 =	sadd.s32 $0x800, s8;
	s9 =	smov.u32 s7;
	s7 =	sadd.s32 $0x40, s7  }
0x178: {  	[tilespmem:s5], [sflag:$0x9] =	stream.linear.gather [spmem:s8], $0x800, $0x38;
	[tilespmem:$0x1FAA0] =	vst v63  }
0x179: {  	_ =	swait.ge [sflag:s6], $0x800  }
0x17a: {  	[sflag:s6] =	ssyncset.done $0x0  }
0x17b: {  	[sflag:s6] =	ssyncadd.s32 $0xFFFFF800  }
0x17c: {  	v1 =	vld.idx.msk [tilespmem:v0+s5+$0x0], $0xffff;
	_ =	sdelay $0x5  }
0x17d: {  	(erf) = vrcp.f32 v1;
	_ =	sdelay $0x7  }
0x17e: {  	v1 =	vmul.f32 $5.000000000e-01, v1  }
0x17f: {  	v2 =	vpop (erf)  }
0x180: {  	v3 =	vmul.f32 v2, v1;
	_ =	sdelay $0x1  }
0x181: {  	v3 =	vmul.f32 v3, v2;
	_ =	sdelay $0x1  }
0x182: {  	v3 =	vsub.f32 $1.500000000e+00, v3;
	_ =	sdelay $0x1  }
0x183: {  	v2 =	vmul.f32 v3, v2;
	_ =	sdelay $0x1  }
0x184: {  	v3 =	vmul.f32 v2, v1;
	_ =	sdelay $0x1  }
0x185: {  	v3 =	vmul.f32 v3, v2;
	_ =	sdelay $0x1  }
0x186: {  	v3 =	vsub.f32 $1.500000000e+00, v3;
	_ =	sdelay $0x1  }
0x187: {  	v2 =	vmul.f32 v3, v2;
	_ =	sdelay $0x1  }
0x188: {  	v3 =	vmul.f32 v2, v1;
	_ =	sdelay $0x1  }
0x189: {  	v3 =	vmul.f32 v3, v2;
	_ =	sdelay $0x1  }
0x18a: {  	v3 =	vsub.f32 $1.500000000e+00, v3;
	_ =	sdelay $0x1  }
0x18b: {  	v2 =	vmul.f32 v3, v2;
	_ =	sdelay $0x1  }
0x18c: {  	v3 =	vmul.f32 v2, v1;
	_ =	sdelay $0x1  }
0x18d: {  	v3 =	vmul.f32 v3, v2;
	_ =	sdelay $0x1  }
0x18e: {  	v3 =	vsub.f32 $1.500000000e+00, v3;
	_ =	sdelay $0x1  }
0x18f: {  	v2 =	vmul.f32 v3, v2;
	_ =	sdelay $0x1  }
0x190: {  	v3 =	vmul.f32 v2, v1;
	_ =	sdelay $0x1  }
0x191: {  	v3 =	vmul.f32 v3, v2;
	_ =	sdelay $0x1  }
0x192: {  	v3 =	vsub.f32 $1.500000000e+00, v3;
	_ =	sdelay $0x1  }
0x193: {  	v2 =	vmul.f32 v3, v2;
	_ =	sdelay $0x1  }
0x194: {  	v3 =	vmul.f32 v2, v1;
	_ =	sdelay $0x1  }
0x195: {  	v3 =	vmul.f32 v3, v2;
	_ =	sdelay $0x1  }
0x196: {  	v3 =	vsub.f32 $1.500000000e+00, v3;
	_ =	sdelay $0x1  }
0x197: {  	v2 =	vmul.f32 v3, v2;
	_ =	sdelay $0x1  }
0x198: {  	v3 =	vmul.f32 v2, v1;
	_ =	sdelay $0x1  }
0x199: {  	v3 =	vmul.f32 v3, v2;
	_ =	sdelay $0x1  }
0x19a: {  	v3 =	vsub.f32 $1.500000000e+00, v3;
	_ =	sdelay $0x1  }
0x19b: {  	v2 =	vmul.f32 v3, v2;
	_ =	sdelay $0x1  }
0x19c: {  	v3 =	vmul.f32 v2, v1;
	_ =	sdelay $0x1  }
0x19d: {  	v3 =	vmul.f32 v3, v2;
	_ =	sdelay $0x1  }
0x19e: {  	v3 =	vsub.f32 $1.500000000e+00, v3;
	_ =	sdelay $0x1  }
0x19f: {  	v2 =	vmul.f32 v3, v2;
	_ =	sdelay $0x1  }
0x1a0: {  	v3 =	vmul.f32 v2, v1;
	_ =	sdelay $0x1  }
0x1a1: {  	v3 =	vmul.f32 v3, v2;
	_ =	sdelay $0x1  }
0x1a2: {  	v3 =	vsub.f32 $1.500000000e+00, v3;
	_ =	sdelay $0x1  }
0x1a3: {  	v2 =	vmul.f32 v3, v2;
	_ =	sdelay $0x1  }
0x1a4: {  	v3 =	vmul.f32 v2, v1;
	_ =	sdelay $0x1  }
0x1a5: {  	v3 =	vmul.f32 v3, v2;
	_ =	sdelay $0x1  }
0x1a6: {  	v3 =	vsub.f32 $1.500000000e+00, v3;
	_ =	sdelay $0x1  }
0x1a7: {  	v2 =	vmul.f32 v3, v2;
	_ =	sdelay $0x1  }
0x1a8: {  	v3 =	vmul.f32 v2, v1;
	_ =	sdelay $0x1  }
0x1a9: {  	v3 =	vmul.f32 v3, v2;
	_ =	sdelay $0x1  }
0x1aa: {  	v3 =	vsub.f32 $1.500000000e+00, v3;
	_ =	sdelay $0x1  }
0x1ab: {  	v2 =	vmul.f32 v3, v2;
	_ =	sdelay $0x1  }
0x1ac: {  	v3 =	vmul.f32 v2, v1;
	_ =	sdelay $0x1  }
0x1ad: {  	v3 =	vmul.f32 v3, v2;
	_ =	sdelay $0x1  }
0x1ae: {  	v3 =	vsub.f32 $1.500000000e+00, v3;
	_ =	sdelay $0x1  }
0x1af: {  	v2 =	vmul.f32 v3, v2;
	_ =	sdelay $0x1  }
0x1b0: {  	v3 =	vmul.f32 v2, v1;
	_ =	sdelay $0x1  }
0x1b1: {  	v3 =	vmul.f32 v3, v2;
	_ =	sdelay $0x1  }
0x1b2: {  	v3 =	vsub.f32 $1.500000000e+00, v3;
	_ =	sdelay $0x1  }
0x1b3: {  	v2 =	vmul.f32 v3, v2;
	_ =	sdelay $0x1  }
0x1b4: {  	v3 =	vmul.f32 v2, v1;
	_ =	sdelay $0x1  }
0x1b5: {  	v3 =	vmul.f32 v3, v2;
	_ =	sdelay $0x1  }
0x1b6: {  	v3 =	vsub.f32 $1.500000000e+00, v3;
	_ =	sdelay $0x1  }
0x1b7: {  	v2 =	vmul.f32 v3, v2;
	_ =	sdelay $0x1  }
0x1b8: {  	v3 =	vmul.f32 v2, v1;
	_ =	sdelay $0x1  }
0x1b9: {  	v3 =	vmul.f32 v3, v2;
	_ =	sdelay $0x1  }
0x1ba: {  	v3 =	vsub.f32 $1.500000000e+00, v3;
	_ =	sdelay $0x1  }
0x1bb: {  	v2 =	vmul.f32 v3, v2;
	_ =	sdelay $0x1  }
0x1bc: {  	v3 =	vmul.f32 v2, v1;
	_ =	sdelay $0x1  }
0x1bd: {  	v3 =	vmul.f32 v3, v2;
	_ =	sdelay $0x1  }
0x1be: {  	v3 =	vsub.f32 $1.500000000e+00, v3;
	_ =	sdelay $0x1  }
0x1bf: {  	v2 =	vmul.f32 v3, v2;
	_ =	sdelay $0x1  }
0x1c0: {  	v3 =	vmul.f32 v2, v1;
	_ =	sdelay $0x1  }
0x1c1: {  	v3 =	vmul.f32 v3, v2;
	_ =	sdelay $0x1  }
0x1c2: {  	v3 =	vsub.f32 $1.500000000e+00, v3;
	_ =	sdelay $0x1  }
0x1c3: {  	v2 =	vmul.f32 v3, v2;
	_ =	sdelay $0x1  }
0x1c4: {  	v3 =	vmul.f32 v2, v1;
	_ =	sdelay $0x1  }
0x1c5: {  	v3 =	vmul.f32 v3, v2;
	_ =	sdelay $0x1  }
0x1c6: {  	v3 =	vsub.f32 $1.500000000e+00, v3;
	_ =	sdelay $0x1  }
0x1c7: {  	v2 =	vmul.f32 v3, v2;
	_ =	sdelay $0x1  }
0x1c8: {  	v3 =	vmul.f32 v2, v1;
	_ =	sdelay $0x1  }
0x1c9: {  	v3 =	vmul.f32 v3, v2;
	_ =	sdelay $0x1  }
0x1ca: {  	v3 =	vsub.f32 $1.500000000e+00, v3;
	_ =	sdelay $0x1  }
0x1cb: {  	v2 =	vmul.f32 v3, v2;
	_ =	sdelay $0x1  }
0x1cc: {  	v3 =	vmul.f32 v2, v1;
	_ =	sdelay $0x1  }
0x1cd: {  	v3 =	vmul.f32 v3, v2;
	_ =	sdelay $0x1  }
0x1ce: {  	v3 =	vsub.f32 $1.500000000e+00, v3;
	_ =	sdelay $0x1  }
0x1cf: {  	v2 =	vmul.f32 v3, v2;
	_ =	sdelay $0x1  }
0x1d0: {  	v3 =	vmul.f32 v2, v1;
	_ =	sdelay $0x1  }
0x1d1: {  	v3 =	vmul.f32 v3, v2;
	_ =	sdelay $0x1  }
0x1d2: {  	v3 =	vsub.f32 $1.500000000e+00, v3;
	_ =	sdelay $0x1  }
0x1d3: {  	v2 =	vmul.f32 v3, v2;
	_ =	sdelay $0x1  }
0x1d4: {  	v1 =	vmul.f32 v2, v1;
	_ =	sdelay $0x1  }
0x1d5: {  	v1 =	vmul.f32 v1, v2  }
.Ltmp2:
0x1d6: {  	(pc) =	sbr.rel @p0 .LBB2_5-.Ltmp2, $3  }
0x1d7: {  	v1 =	vsub.f32 $1.500000000e+00, v1;
	_ =	sdelay $0x1  }
0x1d8: {  	v1 =	vmul.f32 v1, v2  }
0x1d9: {  	s9 =	sshra.s32 s9, $0x2  }
0x1da: {  	[tilespmem:s9+$0x1F000] =	vst v1  }
0x1db: {  	s5 =	simm.s32 $0x0;
	s6 =	simm.s32 $0x1C000;
	v0 =	vld [tilespmem:$0x1FA90]  }
0x1dc: {  	s7 =	simm.s32 $0x9;
	s8 =	simm.s32 $0x1F000;
	s9 =	simm.s32 $0x1D000  }
0x1dd: {  	s10 =	simm.s32 $0x1E000;
	s11 =	simm.s32 $0x0;
	s12 =	simm.s32 $0x0  }
.LBB2_7:
0x1de: {  	s14 =	sld [smem:$0x7F6];
	_ =	sdelay $0x1  }
0x1df: {  	s13 =	sshll.u32 s12, $0x5  }
0x1e0: {  	s13 =	sadd.s32 s14, s13  }
0x1e1: {  	s13 =	sshll.u32 s13, $0x4  }
0x1e2: {  	s31 =	sadd.s32 s2, s13  }
0x1e3: {  	[tilespmem:s6], [sflag:$0x9] =	stream.linear.gather [hbm4b:s31+s5], $0x1000, $0x38;
	[tilespmem:$0x1FAA0] =	vst v63  }
0x1e4: {  	_ =	swait.ge [sflag:s7], $0x1000  }
0x1e5: {  	[sflag:s7] =	ssyncset.done $0x0  }
0x1e6: {  	s14 =	simm.s32 $0x0;
	[sflag:s7] =	ssyncadd.s32 $0xFFFFF000  }
0x1e7: {  	v1 =	vld [tilespmem:s14+$0x1C000]  }
0x1e8: {  	v2 =	vld [tilespmem:s14+$0x1C010]  }
0x1e9: {  	v3 =	vld [tilespmem:s14+$0x1C020]  }
0x1ea: {  	v4 =	vmov s11;
	v5 =	vld [tilespmem:s14+$0x1C030]  }
0x1eb: {  	v6 =	vld [tilespmem:s14+$0x1C040]  }
0x1ec: {  	v7 =	vld [tilespmem:s14+$0x1C050]  }
0x1ed: {  	v8 =	vld [tilespmem:s14+$0x1C060];
	v9 =	vmul.f32 v1, v0  }
0x1ee: {  	v10 =	vld [tilespmem:s14+$0x1C070];
	v11 =	vmul.f32 v2, v0  }
0x1ef: {  	v12 =	vld.idx.msk [tilespmem:v4+s8+$0x0], $0xffff;
	v4 =	vmul.f32 v3, v0;
	[tilespmem:s14+$0x1E000] =	vst v9  }
0x1f0: {  	[tilespmem:s14+$0x1E010] =	vst v11;
	v9 =	vmul.f32 v5, v0  }
0x1f1: {  	[tilespmem:s14+$0x1E020] =	vst v4;
	v4 =	vmul.f32 v6, v0  }
0x1f2: {  	[tilespmem:s14+$0x1E030] =	vst v9;
	v9 =	vmul.f32 v7, v0  }
0x1f3: {  	[tilespmem:s14+$0x1E040] =	vst v4;
	v4 =	vmul.f32 v8, v0  }
0x1f4: {  	[tilespmem:s14+$0x1E050] =	vst v9;
	v9 =	vmul.f32 v10, v0  }
0x1f5: {  	[tilespmem:s14+$0x1E060] =	vst v4;
	v4 =	vmul.f32 v1, v12  }
0x1f6: {  	s16 =	simm.s32 $0x80;
	[tilespmem:s14+$0x1E070] =	vst v9;
	v9 =	vmul.f32 v2, v12  }
0x1f7: {  	v1 =	vld [tilespmem:s16+$0x1C000];
	[tilespmem:s14+$0x1D000] =	vst v4;
	v4 =	vmul.f32 v3, v12  }
0x1f8: {  	v11 =	vmul.f32 v5, v12;
	v2 =	vld [tilespmem:s16+$0x1C010];
	[tilespmem:s14+$0x1D010] =	vst v9  }
0x1f9: {  	s17 =	sadd.s32 $0x1, s11;
	v5 =	vmul.f32 v10, v12;
	v9 =	vmul.f32 v6, v12;
	v3 =	vld [tilespmem:s16+$0x1C020];
	[tilespmem:s14+$0x1D020] =	vst v4  }
0x1fa: {  	s18 =	simm.s32 $0x400;
	v7 =	vmul.f32 v7, v12;
	v8 =	vmul.f32 v8, v12;
	v6 =	vmov s17;
	v4 =	vld [tilespmem:s16+$0x1C030];
	[tilespmem:s14+$0x1D030] =	vst v11  }
.LBB2_8:
0x1fb: {  	p0 =	sne.s32 s18, $0x3E00;
	v10 =	vld [tilespmem:s16+$0x1C040];
	[tilespmem:s14+$0x1D040] =	vst v9  }
0x1fc: {  	v11 =	vld [tilespmem:s16+$0x1C050];
	[tilespmem:s14+$0x1D050] =	vst v7  }
0x1fd: {  	v7 =	vmul.f32 v1, v0;
	v12 =	vld [tilespmem:s16+$0x1C060];
	[tilespmem:s14+$0x1D060] =	vst v8  }
0x1fe: {  	v8 =	vmul.f32 v2, v0;
	v13 =	vld [tilespmem:s16+$0x1C070];
	[tilespmem:s14+$0x1D070] =	vst v5;
	s14 =	smov.u32 s16  }
0x1ff: {  	v5 =	vld.idx.msk [tilespmem:v6+s8+$0x0], $0xffff;
	[tilespmem:s14+$0x1E000] =	vst v7;
	v6 =	vmul.f32 v3, v0  }
0x200: {  	v7 =	vmul.f32 v4, v0;
	[tilespmem:s14+$0x1E010] =	vst v8  }
0x201: {  	[tilespmem:s14+$0x1E020] =	vst v6;
	v6 =	vmul.f32 v10, v0  }
0x202: {  	[tilespmem:s14+$0x1E030] =	vst v7;
	v7 =	vmul.f32 v11, v0  }
0x203: {  	[tilespmem:s14+$0x1E040] =	vst v6;
	v6 =	vmul.f32 v12, v0  }
0x204: {  	[tilespmem:s14+$0x1E050] =	vst v7;
	v7 =	vmul.f32 v13, v0  }
0x205: {  	v8 =	vmul.f32 v1, v5;
	v14 =	vmul.f32 v2, v5;
	[tilespmem:s14+$0x1E060] =	vst v6  }
.Ltmp3:
0x206: {  	s16 =	sshra.s32 s18, $0x2;
	v15 =	vmul.f32 v4, v5;
	v6 =	vmul.f32 v3, v5;
	[tilespmem:s14+$0x1E070] =	vst v7;
	(pc) =	sbr.rel @p0 .LBB2_8-.Ltmp3, $4  }
0x207: {  	v9 =	vmul.f32 v10, v5;
	v7 =	vmul.f32 v11, v5;
	v1 =	vld [tilespmem:s16+$0x1C000];
	[tilespmem:s14+$0x1D000] =	vst v8  }
0x208: {  	v8 =	vmul.f32 v12, v5;
	v5 =	vmul.f32 v13, v5;
	v2 =	vld [tilespmem:s16+$0x1C010];
	[tilespmem:s14+$0x1D010] =	vst v14  }
0x209: {  	s17 =	sadd.s32 $0x1, s17;
	v3 =	vld [tilespmem:s16+$0x1C020];
	[tilespmem:s14+$0x1D020] =	vst v6  }
0x20a: {  	s18 =	sadd.s32 $0x200, s18;
	v6 =	vmov s17;
	v4 =	vld [tilespmem:s16+$0x1C030];
	[tilespmem:s14+$0x1D030] =	vst v15  }
0x20b: {  	v10 =	vld [tilespmem:s16+$0x1C040];
	[tilespmem:s14+$0x1D040] =	vst v9  }
0x20c: {  	v9 =	vld [tilespmem:s16+$0x1C050];
	[tilespmem:s14+$0x1D050] =	vst v7  }
0x20d: {  	v11 =	vmul.f32 v1, v0;
	v7 =	vld [tilespmem:s16+$0x1C060];
	[tilespmem:s14+$0x1D060] =	vst v8  }
0x20e: {  	v57 =	vmul.f32 v2, v0;
	v8 =	vld [tilespmem:s16+$0x1C070];
	[tilespmem:s14+$0x1D070] =	vst v5  }
0x20f: {  	v58 =	vmul.f32 v3, v0;
	v6 =	vld.idx.msk [tilespmem:v6+s8+$0x0], $0xffff;
	[tilespmem:s16+$0x1E000] =	vst v11  }
0x210: {  	[tilespmem:s16+$0x1E010] =	vst v57;
	v59 =	vmul.f32 v4, v0  }
0x211: {  	[tilespmem:s16+$0x1E020] =	vst v58;
	v60 =	vmul.f32 v10, v0  }
0x212: {  	[tilespmem:s16+$0x1E030] =	vst v59;
	v61 =	vmul.f32 v9, v0  }
0x213: {  	[tilespmem:s16+$0x1E040] =	vst v60;
	v62 =	vmul.f32 v7, v0  }
0x214: {  	[tilespmem:s16+$0x1E050] =	vst v61;
	v63 =	vmul.f32 v8, v0  }
0x215: {  	v1 =	vmul.f32 v1, v6;
	[tilespmem:s16+$0x1E060] =	vst v62  }
0x216: {  	v2 =	vmul.f32 v2, v6;
	[tilespmem:s16+$0x1E070] =	vst v63  }
0x217: {  	v3 =	vmul.f32 v3, v6;
	[tilespmem:s16+$0x1D000] =	vst v1  }
0x218: {  	v1 =	vmul.f32 v4, v6;
	[tilespmem:s16+$0x1D010] =	vst v2  }
0x219: {  	v2 =	vmul.f32 v10, v6;
	[tilespmem:s16+$0x1D020] =	vst v3  }
0x21a: {  	v3 =	vmul.f32 v9, v6;
	[tilespmem:s16+$0x1D030] =	vst v1  }
0x21b: {  	v1 =	vmul.f32 v7, v6;
	[tilespmem:s16+$0x1D040] =	vst v2  }
0x21c: {  	v2 =	vmul.f32 v8, v6;
	[tilespmem:s16+$0x1D050] =	vst v3  }
0x21d: {  	[tilespmem:s16+$0x1D060] =	vst v1  }
0x21e: {  	s29 =	sadd.s32 s4, s13;
	[tilespmem:s16+$0x1D070] =	vst v2  }
0x21f: {  	[hbm4b:s29+s5] =	stream.linear.scatter [tilespmem:s9], [sflag:$0x9], $0x1000, $0x38;
	[tilespmem:$0x1FAA0] =	vst v63  }
0x220: {  	s12 =	sadd.s32 $0x1, s12;
	_ =	swait.ge [sflag:s7], $0x1000  }
0x221: {  	p0 =	sne.s32 s12, $0x14;
	[sflag:s7] =	ssyncset.done $0x0;
	s30 =	rddreg [dreg:$0x1c]  }
.Ltmp4:
0x222: {  	[sflag:s7] =	ssyncadd.s32 $0xFFFFF000;
	s31 =	sadd.s32 s30, s13;
	(pc) =	sbr.rel @p0 .LBB2_7-.Ltmp4, $4  }
0x223: {  	[hbm4b:s31+s5] =	stream.linear.scatter [tilespmem:s10], [sflag:$0x9], $0x1000, $0x38;
	[tilespmem:$0x1FAA0] =	vst v63  }
0x224: {  	_ =	swait.ge [sflag:s7], $0x1000  }
0x225: {  	[sflag:s7] =	ssyncset.done $0x0  }
0x226: {  	s11 =	sadd.s32 $0x20, s11;
	[sflag:s7] =	ssyncadd.s32 $0xFFFFF000  }
0x227: {  	[smem:$0x7EA] =	sst s15  }
0x228: {  	[bflag:$0x0] =	sbarrier.arrive $0xFFFF  }
0x229: {  	s0 =	sadd.s32 s3, s0;
	s2 =	rddreg [dreg:$0x1d]  }
0x22a: {  	s18 =	simm.s32 $0x1F2C0;
	[dreg:$0x4] =	wrdreg s0  }
0x22b: {  	s20 =	simm.s32 $0x1F300;
	[dreg:$0x5] =	wrdreg s18  }
0x22c: {  	s22 =	simm.s32 $0x1F340;
	[dreg:$0x6] =	wrdreg s20  }
0x22d: {  	s24 =	simm.s32 $0x1F380;
	[dreg:$0x7] =	wrdreg s22  }
0x22e: {  	s26 =	simm.s32 $0x1F6C0;
	[dreg:$0x8] =	wrdreg s24  }
0x22f: {  	s5 =	simm.s32 $0x1F3C0;
	[dreg:$0x9] =	wrdreg s26  }
0x230: {  	s7 =	simm.s32 $0x1F700;
	[dreg:$0xa] =	wrdreg s5  }
0x231: {  	s9 =	simm.s32 $0x1F400;
	[dreg:$0xb] =	wrdreg s7  }
0x232: {  	s11 =	simm.s32 $0x1F740;
	[dreg:$0xc] =	wrdreg s9  }
0x233: {  	s12 =	simm.s32 $0x1F440;
	[dreg:$0xd] =	wrdreg s11  }
0x234: {  	s13 =	simm.s32 $0x1F780;
	[dreg:$0xe] =	wrdreg s12  }
0x235: {  	s28 =	simm.s32 $0x1;
	s14 =	simm.s32 $0x1F480;
	[dreg:$0xf] =	wrdreg s13  }
0x236: {  	s30 =	simm.s32 $0x9;
	s15 =	simm.s32 $0x1F7C0;
	[dreg:$0x10] =	wrdreg s14  }
0x237: {  	s31 =	simm.s32 $0x0;
	s16 =	simm.s32 $0x1F4C0;
	[dreg:$0x11] =	wrdreg s15  }
0x238: {  	s0 =	simm.s32 $0x1F280;
	[dreg:$0x12] =	wrdreg s16;
	s18 =	simm.s32 $0x1F500  }
0x239: {  	s26 =	simm.s32 $0x1F680;
	s20 =	simm.s32 $0x1F540;
	[dreg:$0x14] =	wrdreg s18  }
0x23a: {  	s7 =	simm.s32 $0x14000;
	s22 =	simm.s32 $0x1F580;
	[dreg:$0x16] =	wrdreg s20  }
0x23b: {  	s9 =	simm.s32 $0x18000;
	s24 =	simm.s32 $0x1F5C0;
	[dreg:$0x18] =	wrdreg s22  }
0x23c: {  	s11 =	simm.s32 $0x5;
	s17 =	sadd.s32 $0x1000, s2;
	[dreg:$0x1a] =	wrdreg s24  }
0x23d: {  	s12 =	simm.s32 $0x2;
	s19 =	sadd.s32 $0x3000, s2;
	[smem:$0x7EB] =	sst s17  }
0x23e: {  	s13 =	simm.s32 $0x6;
	s21 =	sadd.s32 $0x5000, s2;
	[smem:$0x7EC] =	sst s19  }
0x23f: {  	s14 =	simm.s32 $0x3;
	s23 =	sadd.s32 $0x7000, s2;
	[smem:$0x7ED] =	sst s21  }
0x240: {  	s5 =	simm.s32 $0x7;
	s25 =	sadd.s32 $0x9000, s2;
	[smem:$0x7EE] =	sst s23  }
0x241: {  	s15 =	simm.s32 $0x1FA40;
	s29 =	sadd.s32 $0xB000, s2;
	[smem:$0x7EF] =	sst s25  }
0x242: {  	s16 =	simm.s32 $0x1F000;
	s6 =	sadd.s32 $0xD000, s2;
	[smem:$0x7F0] =	sst s29  }
0x243: {  	s8 =	sadd.s32 $0xF000, s2;
	s10 =	sadd.s32 $0x11000, s2;
	[smem:$0x7F1] =	sst s6  }
0x244: {  	s2 =	sadd.s32 $0x13000, s2;
	s18 =	simm.s32 $0x8;
	[smem:$0x7F2] =	sst s8  }
0x245: {  	s20 =	simm.s32 $0x1F600;
	s22 =	simm.s32 $0x1F640;
	[smem:$0x7F3] =	sst s10  }
0x246: {  	s24 =	simm.s32 $0x1F9C0;
	[smem:$0x7F4] =	sst s2;
	s17 =	simm.s32 $0x1F800  }
0x247: {  	s6 =	simm.s32 $0x40;
	s19 =	simm.s32 $0x1F840;
	[dreg:$0x13] =	wrdreg s17  }
0x248: {  	s8 =	simm.s32 $0x16000;
	s21 =	simm.s32 $0x1F880;
	[dreg:$0x15] =	wrdreg s19  }
0x249: {  	s10 =	simm.s32 $0x1A000;
	s23 =	simm.s32 $0x1F8C0;
	[dreg:$0x17] =	wrdreg s21  }
0x24a: {  	s25 =	simm.s32 $0x1F900;
	s29 =	simm.s32 $0x1;
	[dreg:$0x19] =	wrdreg s23  }
0x24b: {  	[dreg:$0x1b] =	wrdreg s25;
	s17 =	simm.s32 $0x4;
	s21 =	simm.s32 $0x1F940  }
0x24c: {  	v0 =	vimm.f32 $0.0e+00;
	s23 =	simm.s32 $0x1F980;
	s25 =	simm.s32 $0x1FA00;
	[smem:$0x7F5] =	sst s29  }
.LBB2_11:
0x24d: {  	s3 =	simm.s32 $0x0;
	s19 =	simm.s32 $0x200  }
.LBB2_12:
0x24e: {  	p0 =	sne.s32 s19, $0x3E00;
	[tilespmem:s3+$0x1C070] =	vst v0  }
0x24f: {  	[tilespmem:s3+$0x1C000] =	vst v0  }
0x250: {  	[tilespmem:s3+$0x1C010] =	vst v0  }
.Ltmp5:
0x251: {  	[tilespmem:s3+$0x1C020] =	vst v0;
	(pc) =	sbr.rel @p0 .LBB2_12-.Ltmp5, $4  }
0x252: {  	[tilespmem:s3+$0x1C030] =	vst v0  }
0x253: {  	[tilespmem:s3+$0x1C040] =	vst v0  }
0x254: {  	[tilespmem:s3+$0x1C050] =	vst v0  }
0x255: {  	[tilespmem:s3+$0x1C060] =	vst v0;
	s3 =	sshra.s32 s19, $0x2;
	s19 =	sadd.s32 $0x200, s19  }
0x256: {  	[tilespmem:s3+$0x1C070] =	vst v0  }
0x257: {  	[tilespmem:s3+$0x1C000] =	vst v0  }
0x258: {  	[tilespmem:s3+$0x1C010] =	vst v0  }
0x259: {  	[tilespmem:s3+$0x1C020] =	vst v0  }
0x25a: {  	[tilespmem:s3+$0x1C030] =	vst v0  }
0x25b: {  	[tilespmem:s3+$0x1C040] =	vst v0  }
0x25c: {  	[tilespmem:s3+$0x1C050] =	vst v0  }
0x25d: {  	[tilespmem:s3+$0x1C060] =	vst v0;
	s2 =	rddreg [dreg:$0x1d];
	s19 =	simm.s32 $0x1C000  }
0x25e: {  	[spmem:s2] =	stream.linear.scatter [tilespmem:s19], [sflag:$0x9], $0x1000, $0x38;
	[tilespmem:$0x1FAA0] =	vst v63  }
0x25f: {  	_ =	swait.ge [sflag:s30], $0x1000  }
0x260: {  	s2 =	sld [smem:$0x7EB]  }
0x261: {  	[sflag:s30] =	ssyncset.done $0x0  }
0x262: {  	[sflag:s30] =	ssyncadd.s32 $0xFFFFF000  }
0x263: {  	[spmem:s2] =	stream.linear.scatter [tilespmem:s19], [sflag:$0x9], $0x1000, $0x38;
	[tilespmem:$0x1FAA0] =	vst v63  }
0x264: {  	_ =	swait.ge [sflag:s30], $0x1000  }
0x265: {  	[sflag:s30] =	ssyncset.done $0x0  }
0x266: {  	s2 =	rddreg [dreg:$0x1e];
	[sflag:s30] =	ssyncadd.s32 $0xFFFFF000  }
0x267: {  	[spmem:s2] =	stream.linear.scatter [tilespmem:s19], [sflag:$0x9], $0x1000, $0x38;
	[tilespmem:$0x1FAA0] =	vst v63  }
0x268: {  	_ =	swait.ge [sflag:s30], $0x1000  }
0x269: {  	s2 =	sld [smem:$0x7EC]  }
0x26a: {  	[sflag:s30] =	ssyncset.done $0x0  }
0x26b: {  	[sflag:s30] =	ssyncadd.s32 $0xFFFFF000  }
0x26c: {  	[spmem:s2] =	stream.linear.scatter [tilespmem:s19], [sflag:$0x9], $0x1000, $0x38;
	[tilespmem:$0x1FAA0] =	vst v63  }
0x26d: {  	_ =	swait.ge [sflag:s30], $0x1000  }
0x26e: {  	[sflag:s30] =	ssyncset.done $0x0  }
0x26f: {  	s2 =	rddreg [dreg:$0x1f];
	[sflag:s30] =	ssyncadd.s32 $0xFFFFF000  }
0x270: {  	[spmem:s2] =	stream.linear.scatter [tilespmem:s19], [sflag:$0x9], $0x1000, $0x38;
	[tilespmem:$0x1FAA0] =	vst v63  }
0x271: {  	_ =	swait.ge [sflag:s30], $0x1000  }
0x272: {  	s2 =	sld [smem:$0x7ED]  }
0x273: {  	[sflag:s30] =	ssyncset.done $0x0  }
0x274: {  	[sflag:s30] =	ssyncadd.s32 $0xFFFFF000  }
0x275: {  	[spmem:s2] =	stream.linear.scatter [tilespmem:s19], [sflag:$0x9], $0x1000, $0x38;
	[tilespmem:$0x1FAA0] =	vst v63  }
0x276: {  	_ =	swait.ge [sflag:s30], $0x1000  }
0x277: {  	s2 =	sld [smem:$0x7F7]  }
0x278: {  	[sflag:s30] =	ssyncset.done $0x0  }
0x279: {  	[sflag:s30] =	ssyncadd.s32 $0xFFFFF000  }
0x27a: {  	[spmem:s2] =	stream.linear.scatter [tilespmem:s19], [sflag:$0x9], $0x1000, $0x38;
	[tilespmem:$0x1FAA0] =	vst v63  }
0x27b: {  	_ =	swait.ge [sflag:s30], $0x1000  }
0x27c: {  	s2 =	sld [smem:$0x7EE]  }
0x27d: {  	[sflag:s30] =	ssyncset.done $0x0  }
0x27e: {  	[sflag:s30] =	ssyncadd.s32 $0xFFFFF000  }
0x27f: {  	[spmem:s2] =	stream.linear.scatter [tilespmem:s19], [sflag:$0x9], $0x1000, $0x38;
	[tilespmem:$0x1FAA0] =	vst v63  }
0x280: {  	_ =	swait.ge [sflag:s30], $0x1000  }
0x281: {  	s2 =	sld [smem:$0x7F8]  }
0x282: {  	[sflag:s30] =	ssyncset.done $0x0  }
0x283: {  	[sflag:s30] =	ssyncadd.s32 $0xFFFFF000  }
0x284: {  	[spmem:s2] =	stream.linear.scatter [tilespmem:s19], [sflag:$0x9], $0x1000, $0x38;
	[tilespmem:$0x1FAA0] =	vst v63  }
0x285: {  	_ =	swait.ge [sflag:s30], $0x1000  }
0x286: {  	s2 =	sld [smem:$0x7EF]  }
0x287: {  	[sflag:s30] =	ssyncset.done $0x0  }
0x288: {  	[sflag:s30] =	ssyncadd.s32 $0xFFFFF000  }
0x289: {  	[spmem:s2] =	stream.linear.scatter [tilespmem:s19], [sflag:$0x9], $0x1000, $0x38;
	[tilespmem:$0x1FAA0] =	vst v63  }
0x28a: {  	_ =	swait.ge [sflag:s30], $0x1000  }
0x28b: {  	s2 =	sld [smem:$0x7F9]  }
0x28c: {  	[sflag:s30] =	ssyncset.done $0x0  }
0x28d: {  	[sflag:s30] =	ssyncadd.s32 $0xFFFFF000  }
0x28e: {  	[spmem:s2] =	stream.linear.scatter [tilespmem:s19], [sflag:$0x9], $0x1000, $0x38;
	[tilespmem:$0x1FAA0] =	vst v63  }
0x28f: {  	_ =	swait.ge [sflag:s30], $0x1000  }
0x290: {  	s2 =	sld [smem:$0x7F0]  }
0x291: {  	[sflag:s30] =	ssyncset.done $0x0  }
0x292: {  	[sflag:s30] =	ssyncadd.s32 $0xFFFFF000  }
0x293: {  	[spmem:s2] =	stream.linear.scatter [tilespmem:s19], [sflag:$0x9], $0x1000, $0x38;
	[tilespmem:$0x1FAA0] =	vst v63  }
0x294: {  	_ =	swait.ge [sflag:s30], $0x1000  }
0x295: {  	s2 =	sld [smem:$0x7FA]  }
0x296: {  	[sflag:s30] =	ssyncset.done $0x0  }
0x297: {  	[sflag:s30] =	ssyncadd.s32 $0xFFFFF000  }
0x298: {  	[spmem:s2] =	stream.linear.scatter [tilespmem:s19], [sflag:$0x9], $0x1000, $0x38;
	[tilespmem:$0x1FAA0] =	vst v63  }
0x299: {  	_ =	swait.ge [sflag:s30], $0x1000  }
0x29a: {  	s2 =	sld [smem:$0x7F1]  }
0x29b: {  	[sflag:s30] =	ssyncset.done $0x0  }
0x29c: {  	[sflag:s30] =	ssyncadd.s32 $0xFFFFF000  }
0x29d: {  	[spmem:s2] =	stream.linear.scatter [tilespmem:s19], [sflag:$0x9], $0x1000, $0x38;
	[tilespmem:$0x1FAA0] =	vst v63  }
0x29e: {  	_ =	swait.ge [sflag:s30], $0x1000  }
0x29f: {  	s2 =	sld [smem:$0x7FB]  }
0x2a0: {  	[sflag:s30] =	ssyncset.done $0x0  }
0x2a1: {  	[sflag:s30] =	ssyncadd.s32 $0xFFFFF000  }
0x2a2: {  	[spmem:s2] =	stream.linear.scatter [tilespmem:s19], [sflag:$0x9], $0x1000, $0x38;
	[tilespmem:$0x1FAA0] =	vst v63  }
0x2a3: {  	_ =	swait.ge [sflag:s30], $0x1000  }
0x2a4: {  	s2 =	sld [smem:$0x7F2]  }
0x2a5: {  	[sflag:s30] =	ssyncset.done $0x0  }
0x2a6: {  	[sflag:s30] =	ssyncadd.s32 $0xFFFFF000  }
0x2a7: {  	[spmem:s2] =	stream.linear.scatter [tilespmem:s19], [sflag:$0x9], $0x1000, $0x38;
	[tilespmem:$0x1FAA0] =	vst v63  }
0x2a8: {  	_ =	swait.ge [sflag:s30], $0x1000  }
0x2a9: {  	s2 =	sld [smem:$0x7FC]  }
0x2aa: {  	[sflag:s30] =	ssyncset.done $0x0  }
0x2ab: {  	[sflag:s30] =	ssyncadd.s32 $0xFFFFF000  }
0x2ac: {  	[spmem:s2] =	stream.linear.scatter [tilespmem:s19], [sflag:$0x9], $0x1000, $0x38;
	[tilespmem:$0x1FAA0] =	vst v63  }
0x2ad: {  	_ =	swait.ge [sflag:s30], $0x1000  }
0x2ae: {  	s2 =	sld [smem:$0x7F3]  }
0x2af: {  	[sflag:s30] =	ssyncset.done $0x0  }
0x2b0: {  	[sflag:s30] =	ssyncadd.s32 $0xFFFFF000  }
0x2b1: {  	[spmem:s2] =	stream.linear.scatter [tilespmem:s19], [sflag:$0x9], $0x1000, $0x38;
	[tilespmem:$0x1FAA0] =	vst v63  }
0x2b2: {  	_ =	swait.ge [sflag:s30], $0x1000  }
0x2b3: {  	s2 =	sld [smem:$0x7FD]  }
0x2b4: {  	[sflag:s30] =	ssyncset.done $0x0  }
0x2b5: {  	[sflag:s30] =	ssyncadd.s32 $0xFFFFF000  }
0x2b6: {  	[spmem:s2] =	stream.linear.scatter [tilespmem:s19], [sflag:$0x9], $0x1000, $0x38;
	[tilespmem:$0x1FAA0] =	vst v63  }
0x2b7: {  	_ =	swait.ge [sflag:s30], $0x1000  }
0x2b8: {  	s2 =	sld [smem:$0x7F4]  }
0x2b9: {  	[sflag:s30] =	ssyncset.done $0x0  }
0x2ba: {  	[sflag:s30] =	ssyncadd.s32 $0xFFFFF000  }
0x2bb: {  	[spmem:s2] =	stream.linear.scatter [tilespmem:s19], [sflag:$0x9], $0x1000, $0x38;
	[tilespmem:$0x1FAA0] =	vst v63  }
0x2bc: {  	_ =	swait.ge [sflag:s30], $0x1000  }
0x2bd: {  	[sflag:s30] =	ssyncset.done $0x0  }
0x2be: {  	[sflag:s30] =	ssyncadd.s32 $0xFFFFF000  }
0x2bf: {  	[bflag:$0x0] =	sbarrier.arrive $0xFFFF  }
0x2c0: {  	s2 =	rddreg [dreg:$0x4]  }
0x2c1: {  	s3 =	sadd.s32 $0x0, s2  }
0x2c2: {  	[tilespmem:s0], [sflag:$0x9] =	stream.linear.gather [hbm4b:s3+s31], $0x400, $0x38;
	[tilespmem:$0x1FAA0] =	vst v63  }
0x2c3: {  	_ =	swait.ge [sflag:s30], $0x400  }
0x2c4: {  	s0 =	sld [smem:$0x7EA];
	_ =	sdelay $0x1  }
0x2c5: {  	[sflag:s30] =	ssyncset.done $0x0  }
0x2c6: {  	[sflag:s30] =	ssyncadd.s32 $0xFFFFFC00;
	s19 =	sadd.s32 $0x0, s0  }
0x2c7: {  	[tilespmem:s26], [sflag:$0x9] =	stream.linear.gather [hbm4b:s19+s31], $0x400, $0x38;
	[tilespmem:$0x1FAA0] =	vst v63  }
0x2c8: {  	_ =	swait.ge [sflag:s30], $0x400  }
0x2c9: {  	[sflag:s30] =	ssyncset.done $0x0  }
0x2ca: {  	s2 =	simm.s32 $0x1F280;
	[sflag:s30] =	ssyncadd.s32 $0xFFFFFC00  }
0x2cb: {  	[tilespmem:s7], [sflag:$0x1] =	stream.indirect.gather [hbm4b:s4+s6], $0x80, s2, s6, $0xb8;
	[tilespmem:$0x1FAA0] =	vst v63  }
0x2cc: {  	s3 =	rddreg [dreg:$0x5]  }
0x2cd: {  	[tilespmem:s8], [sflag:$0x2] =	stream.indirect.gather [hbm4b:s4+s6], $0x80, s3, s6, $0xb8;
	[tilespmem:$0x1FAA0] =	vst v63  }
0x2ce: {  	s19 =	rddreg [dreg:$0x6]  }
0x2cf: {  	[tilespmem:s9], [sflag:$0x3] =	stream.indirect.gather [hbm4b:s4+s6], $0x80, s19, s6, $0xb8;
	[tilespmem:$0x1FAA0] =	vst v63  }
0x2d0: {  	s3 =	rddreg [dreg:$0x7]  }
0x2d1: {  	[tilespmem:s10], [sflag:$0x4] =	stream.indirect.gather [hbm4b:s4+s6], $0x80, s3, s6, $0xb8;
	[tilespmem:$0x1FAA0] =	vst v63  }
0x2d2: {  	_ =	swait.ge [sflag:s28], $0x2000  }
0x2d3: {  	[sflag:s28] =	ssyncset.done $0x0  }
0x2d4: {  	[sflag:s28] =	ssyncadd.s32 $0xFFFFE000  }
0x2d5: {  	[spmem:s1] =	stream.indirect.scatter.add.f32 [tilespmem:s7], [sflag:$0x5], $0x80, s26, s6, $0xb8;
	[tilespmem:$0x1FAA0] =	vst v63  }
0x2d6: {  	_ =	swait.ge [sflag:s11], $0x2000  }
0x2d7: {  	[sflag:s11] =	ssyncset.done $0x0  }
0x2d8: {  	s19 =	rddreg [dreg:$0x8];
	[sflag:s11] =	ssyncadd.s32 $0xFFFFE000  }
0x2d9: {  	[tilespmem:s7], [sflag:$0x1] =	stream.indirect.gather [hbm4b:s4+s6], $0x80, s19, s6, $0xb8;
	[tilespmem:$0x1FAA0] =	vst v63  }
0x2da: {  	_ =	swait.ge [sflag:s12], $0x2000  }
0x2db: {  	[sflag:s12] =	ssyncset.done $0x0  }
0x2dc: {  	s26 =	rddreg [dreg:$0x9];
	[sflag:s12] =	ssyncadd.s32 $0xFFFFE000  }
0x2dd: {  	[spmem:s1] =	stream.indirect.scatter.add.f32 [tilespmem:s8], [sflag:$0x6], $0x80, s26, s6, $0xb8;
	[tilespmem:$0x1FAA0] =	vst v63  }
0x2de: {  	_ =	swait.ge [sflag:s13], $0x2000  }
0x2df: {  	[sflag:s13] =	ssyncset.done $0x0  }
0x2e0: {  	s19 =	rddreg [dreg:$0xa];
	[sflag:s13] =	ssyncadd.s32 $0xFFFFE000  }
0x2e1: {  	[tilespmem:s8], [sflag:$0x2] =	stream.indirect.gather [hbm4b:s4+s6], $0x80, s19, s6, $0xb8;
	[tilespmem:$0x1FAA0] =	vst v63  }
0x2e2: {  	_ =	swait.ge [sflag:s14], $0x2000  }
0x2e3: {  	[sflag:s14] =	ssyncset.done $0x0  }
0x2e4: {  	s26 =	rddreg [dreg:$0xb];
	[sflag:s14] =	ssyncadd.s32 $0xFFFFE000  }
0x2e5: {  	[spmem:s1] =	stream.indirect.scatter.add.f32 [tilespmem:s9], [sflag:$0x7], $0x80, s26, s6, $0xb8;
	[tilespmem:$0x1FAA0] =	vst v63  }
0x2e6: {  	_ =	swait.ge [sflag:s5], $0x2000  }
0x2e7: {  	[sflag:s5] =	ssyncset.done $0x0  }
0x2e8: {  	s19 =	rddreg [dreg:$0xc];
	[sflag:s5] =	ssyncadd.s32 $0xFFFFE000  }
0x2e9: {  	[tilespmem:s9], [sflag:$0x3] =	stream.indirect.gather [hbm4b:s4+s6], $0x80, s19, s6, $0xb8;
	[tilespmem:$0x1FAA0] =	vst v63  }
0x2ea: {  	_ =	swait.ge [sflag:s17], $0x2000  }
0x2eb: {  	[sflag:s17] =	ssyncset.done $0x0  }
0x2ec: {  	s26 =	rddreg [dreg:$0xd];
	[sflag:s17] =	ssyncadd.s32 $0xFFFFE000  }
0x2ed: {  	[spmem:s1] =	stream.indirect.scatter.add.f32 [tilespmem:s10], [sflag:$0x8], $0x80, s26, s6, $0xb8;
	[tilespmem:$0x1FAA0] =	vst v63  }
0x2ee: {  	_ =	swait.ge [sflag:s18], $0x2000  }
0x2ef: {  	[sflag:s18] =	ssyncset.done $0x0  }
0x2f0: {  	s19 =	rddreg [dreg:$0xe];
	[sflag:s18] =	ssyncadd.s32 $0xFFFFE000  }
0x2f1: {  	[tilespmem:s10], [sflag:$0x4] =	stream.indirect.gather [hbm4b:s4+s6], $0x80, s19, s6, $0xb8;
	[tilespmem:$0x1FAA0] =	vst v63  }
0x2f2: {  	_ =	swait.ge [sflag:s28], $0x2000  }
0x2f3: {  	[sflag:s28] =	ssyncset.done $0x0  }
0x2f4: {  	s26 =	rddreg [dreg:$0xf];
	[sflag:s28] =	ssyncadd.s32 $0xFFFFE000  }
0x2f5: {  	[spmem:s1] =	stream.indirect.scatter.add.f32 [tilespmem:s7], [sflag:$0x5], $0x80, s26, s6, $0xb8;
	[tilespmem:$0x1FAA0] =	vst v63  }
0x2f6: {  	_ =	swait.ge [sflag:s11], $0x2000  }
0x2f7: {  	[sflag:s11] =	ssyncset.done $0x0  }
0x2f8: {  	s19 =	rddreg [dreg:$0x10];
	[sflag:s11] =	ssyncadd.s32 $0xFFFFE000  }
0x2f9: {  	[tilespmem:s7], [sflag:$0x1] =	stream.indirect.gather [hbm4b:s4+s6], $0x80, s19, s6, $0xb8;
	[tilespmem:$0x1FAA0] =	vst v63  }
0x2fa: {  	_ =	swait.ge [sflag:s12], $0x2000  }
0x2fb: {  	[sflag:s12] =	ssyncset.done $0x0  }
0x2fc: {  	s26 =	rddreg [dreg:$0x11];
	[sflag:s12] =	ssyncadd.s32 $0xFFFFE000  }
0x2fd: {  	[spmem:s1] =	stream.indirect.scatter.add.f32 [tilespmem:s8], [sflag:$0x6], $0x80, s26, s6, $0xb8;
	[tilespmem:$0x1FAA0] =	vst v63  }
0x2fe: {  	_ =	swait.ge [sflag:s13], $0x2000  }
0x2ff: {  	[sflag:s13] =	ssyncset.done $0x0  }
0x300: {  	s19 =	rddreg [dreg:$0x12];
	[sflag:s13] =	ssyncadd.s32 $0xFFFFE000  }
0x301: {  	[tilespmem:s8], [sflag:$0x2] =	stream.indirect.gather [hbm4b:s4+s6], $0x80, s19, s6, $0xb8;
	[tilespmem:$0x1FAA0] =	vst v63  }
0x302: {  	_ =	swait.ge [sflag:s14], $0x2000  }
0x303: {  	[sflag:s14] =	ssyncset.done $0x0  }
0x304: {  	s26 =	rddreg [dreg:$0x13];
	[sflag:s14] =	ssyncadd.s32 $0xFFFFE000  }
0x305: {  	[spmem:s1] =	stream.indirect.scatter.add.f32 [tilespmem:s9], [sflag:$0x7], $0x80, s26, s6, $0xb8;
	[tilespmem:$0x1FAA0] =	vst v63  }
0x306: {  	_ =	swait.ge [sflag:s5], $0x2000  }
0x307: {  	[sflag:s5] =	ssyncset.done $0x0  }
0x308: {  	s19 =	rddreg [dreg:$0x14];
	[sflag:s5] =	ssyncadd.s32 $0xFFFFE000  }
0x309: {  	[tilespmem:s9], [sflag:$0x3] =	stream.indirect.gather [hbm4b:s4+s6], $0x80, s19, s6, $0xb8;
	[tilespmem:$0x1FAA0] =	vst v63  }
0x30a: {  	_ =	swait.ge [sflag:s17], $0x2000  }
0x30b: {  	[sflag:s17] =	ssyncset.done $0x0  }
0x30c: {  	s26 =	rddreg [dreg:$0x15];
	[sflag:s17] =	ssyncadd.s32 $0xFFFFE000  }
0x30d: {  	[spmem:s1] =	stream.indirect.scatter.add.f32 [tilespmem:s10], [sflag:$0x8], $0x80, s26, s6, $0xb8;
	[tilespmem:$0x1FAA0] =	vst v63  }
0x30e: {  	_ =	swait.ge [sflag:s18], $0x2000  }
0x30f: {  	[sflag:s18] =	ssyncset.done $0x0  }
0x310: {  	s19 =	rddreg [dreg:$0x16];
	[sflag:s18] =	ssyncadd.s32 $0xFFFFE000  }
0x311: {  	[tilespmem:s10], [sflag:$0x4] =	stream.indirect.gather [hbm4b:s4+s6], $0x80, s19, s6, $0xb8;
	[tilespmem:$0x1FAA0] =	vst v63  }
0x312: {  	_ =	swait.ge [sflag:s28], $0x2000  }
0x313: {  	[sflag:s28] =	ssyncset.done $0x0  }
0x314: {  	s26 =	rddreg [dreg:$0x17];
	[sflag:s28] =	ssyncadd.s32 $0xFFFFE000  }
0x315: {  	[spmem:s1] =	stream.indirect.scatter.add.f32 [tilespmem:s7], [sflag:$0x5], $0x80, s26, s6, $0xb8;
	[tilespmem:$0x1FAA0] =	vst v63  }
0x316: {  	_ =	swait.ge [sflag:s11], $0x2000  }
0x317: {  	[sflag:s11] =	ssyncset.done $0x0  }
0x318: {  	s19 =	rddreg [dreg:$0x18];
	[sflag:s11] =	ssyncadd.s32 $0xFFFFE000  }
0x319: {  	[tilespmem:s7], [sflag:$0x1] =	stream.indirect.gather [hbm4b:s4+s6], $0x80, s19, s6, $0xb8;
	[tilespmem:$0x1FAA0] =	vst v63  }
0x31a: {  	_ =	swait.ge [sflag:s12], $0x2000  }
0x31b: {  	[sflag:s12] =	ssyncset.done $0x0  }
0x31c: {  	s26 =	rddreg [dreg:$0x19];
	[sflag:s12] =	ssyncadd.s32 $0xFFFFE000  }
0x31d: {  	[spmem:s1] =	stream.indirect.scatter.add.f32 [tilespmem:s8], [sflag:$0x6], $0x80, s26, s6, $0xb8;
	[tilespmem:$0x1FAA0] =	vst v63  }
0x31e: {  	_ =	swait.ge [sflag:s13], $0x2000  }
0x31f: {  	[sflag:s13] =	ssyncset.done $0x0  }
0x320: {  	s19 =	rddreg [dreg:$0x1a];
	[sflag:s13] =	ssyncadd.s32 $0xFFFFE000  }
0x321: {  	[tilespmem:s8], [sflag:$0x2] =	stream.indirect.gather [hbm4b:s4+s6], $0x80, s19, s6, $0xb8;
	[tilespmem:$0x1FAA0] =	vst v63  }
0x322: {  	_ =	swait.ge [sflag:s14], $0x2000  }
0x323: {  	[sflag:s14] =	ssyncset.done $0x0  }
0x324: {  	s26 =	rddreg [dreg:$0x1b];
	[sflag:s14] =	ssyncadd.s32 $0xFFFFE000  }
0x325: {  	[spmem:s1] =	stream.indirect.scatter.add.f32 [tilespmem:s9], [sflag:$0x7], $0x80, s26, s6, $0xb8;
	[tilespmem:$0x1FAA0] =	vst v63  }
0x326: {  	_ =	swait.ge [sflag:s5], $0x2000  }
0x327: {  	[sflag:s5] =	ssyncset.done $0x0  }
0x328: {  	[sflag:s5] =	ssyncadd.s32 $0xFFFFE000  }
0x329: {  	[tilespmem:s9], [sflag:$0x3] =	stream.indirect.gather [hbm4b:s4+s6], $0x80, s20, s6, $0xb8;
	[tilespmem:$0x1FAA0] =	vst v63  }
0x32a: {  	_ =	swait.ge [sflag:s17], $0x2000  }
0x32b: {  	[sflag:s17] =	ssyncset.done $0x0  }
0x32c: {  	[sflag:s17] =	ssyncadd.s32 $0xFFFFE000  }
0x32d: {  	[spmem:s1] =	stream.indirect.scatter.add.f32 [tilespmem:s10], [sflag:$0x8], $0x80, s21, s6, $0xb8;
	[tilespmem:$0x1FAA0] =	vst v63  }
0x32e: {  	_ =	swait.ge [sflag:s18], $0x2000  }
0x32f: {  	[sflag:s18] =	ssyncset.done $0x0  }
0x330: {  	[sflag:s18] =	ssyncadd.s32 $0xFFFFE000  }
0x331: {  	[tilespmem:s10], [sflag:$0x4] =	stream.indirect.gather [hbm4b:s4+s6], $0x80, s22, s6, $0xb8;
	[tilespmem:$0x1FAA0] =	vst v63  }
0x332: {  	_ =	swait.ge [sflag:s28], $0x2000  }
0x333: {  	[sflag:s28] =	ssyncset.done $0x0  }
0x334: {  	[sflag:s28] =	ssyncadd.s32 $0xFFFFE000  }
0x335: {  	[spmem:s1] =	stream.indirect.scatter.add.f32 [tilespmem:s7], [sflag:$0x5], $0x80, s23, s6, $0xb8;
	[tilespmem:$0x1FAA0] =	vst v63  }
0x336: {  	_ =	swait.ge [sflag:s12], $0x2000  }
0x337: {  	[sflag:s12] =	ssyncset.done $0x0  }
0x338: {  	[sflag:s12] =	ssyncadd.s32 $0xFFFFE000  }
0x339: {  	[spmem:s1] =	stream.indirect.scatter.add.f32 [tilespmem:s8], [sflag:$0x6], $0x80, s24, s6, $0xb8;
	[tilespmem:$0x1FAA0] =	vst v63  }
0x33a: {  	_ =	swait.ge [sflag:s14], $0x2000  }
0x33b: {  	[sflag:s14] =	ssyncset.done $0x0  }
0x33c: {  	[sflag:s14] =	ssyncadd.s32 $0xFFFFE000  }
0x33d: {  	[spmem:s1] =	stream.indirect.scatter.add.f32 [tilespmem:s9], [sflag:$0x7], $0x80, s25, s6, $0xb8;
	[tilespmem:$0x1FAA0] =	vst v63  }
0x33e: {  	_ =	swait.ge [sflag:s17], $0x2000  }
0x33f: {  	[sflag:s17] =	ssyncset.done $0x0  }
0x340: {  	[sflag:s17] =	ssyncadd.s32 $0xFFFFE000  }
0x341: {  	[spmem:s1] =	stream.indirect.scatter.add.f32 [tilespmem:s10], [sflag:$0x8], $0x80, s15, s6, $0xb8;
	[tilespmem:$0x1FAA0] =	vst v63  }
0x342: {  	_ =	swait.ge [sflag:s11], $0x2000  }
0x343: {  	[sflag:s11] =	ssyncset.done $0x0  }
0x344: {  	[sflag:s11] =	ssyncadd.s32 $0xFFFFE000  }
0x345: {  	_ =	swait.ge [sflag:s13], $0x2000  }
0x346: {  	[sflag:s13] =	ssyncset.done $0x0  }
0x347: {  	[sflag:s13] =	ssyncadd.s32 $0xFFFFE000  }
0x348: {  	s29 =	simm.s32 $0x80;
	_ =	swait.ge [sflag:s5], $0x2000  }
0x349: {  	s31 =	simm.s32 $0x1F680;
	s26 =	simm.s32 $0x100;
	[sflag:s5] =	ssyncset.done $0x0  }
0x34a: {  	s22 =	simm.s32 $0x1F640;
	s23 =	simm.s32 $0x1F980;
	[sflag:s5] =	ssyncadd.s32 $0xFFFFE000  }
0x34b: {  	s24 =	simm.s32 $0x1F9C0;
	s25 =	simm.s32 $0x1FA00;
	_ =	swait.ge [sflag:s18], $0x2000  }
0x34c: {  	s15 =	simm.s32 $0x0;
	s3 =	rddreg [dreg:$0x4];
	[sflag:s18] =	ssyncset.done $0x0  }
.LBB2_14:
0x34d: {  	[sflag:s18] =	ssyncadd.s32 $0xFFFFE000;
	s3 =	sadd.s32 s29, s3  }
0x34e: {  	[tilespmem:s2], [sflag:$0x9] =	stream.linear.gather [hbm4b:s3+s15], $0x400, $0x38;
	[tilespmem:$0x1FAA0] =	vst v63  }
0x34f: {  	_ =	swait.ge [sflag:s30], $0x400  }
0x350: {  	[sflag:s30] =	ssyncset.done $0x0  }
0x351: {  	s3 =	sadd.s32 s29, s0;
	[sflag:s30] =	ssyncadd.s32 $0xFFFFFC00  }
0x352: {  	[tilespmem:s31], [sflag:$0x9] =	stream.linear.gather [hbm4b:s3+s15], $0x400, $0x38;
	[tilespmem:$0x1FAA0] =	vst v63  }
0x353: {  	_ =	swait.ge [sflag:s30], $0x400  }
0x354: {  	[sflag:s30] =	ssyncset.done $0x0  }
0x355: {  	[sflag:s30] =	ssyncadd.s32 $0xFFFFFC00  }
0x356: {  	[tilespmem:s7], [sflag:$0x1] =	stream.indirect.gather [hbm4b:s4+s6], $0x80, s2, s6, $0xb8;
	[tilespmem:$0x1FAA0] =	vst v63  }
0x357: {  	s19 =	smov.u32 s26;
	s3 =	rddreg [dreg:$0x5]  }
0x358: {  	[tilespmem:s8], [sflag:$0x2] =	stream.indirect.gather [hbm4b:s4+s6], $0x80, s3, s6, $0xb8;
	[tilespmem:$0x1FAA0] =	vst v63  }
0x359: {  	s29 =	smov.u32 s19;
	s19 =	rddreg [dreg:$0x6]  }
0x35a: {  	[tilespmem:s9], [sflag:$0x3] =	stream.indirect.gather [hbm4b:s4+s6], $0x80, s19, s6, $0xb8;
	[tilespmem:$0x1FAA0] =	vst v63  }
0x35b: {  	s3 =	rddreg [dreg:$0x7]  }
0x35c: {  	[tilespmem:s10], [sflag:$0x4] =	stream.indirect.gather [hbm4b:s4+s6], $0x80, s3, s6, $0xb8;
	[tilespmem:$0x1FAA0] =	vst v63  }
0x35d: {  	_ =	swait.ge [sflag:s28], $0x2000  }
0x35e: {  	[sflag:s28] =	ssyncset.done $0x0  }
0x35f: {  	[sflag:s28] =	ssyncadd.s32 $0xFFFFE000  }
0x360: {  	[spmem:s1] =	stream.indirect.scatter.add.f32 [tilespmem:s7], [sflag:$0x5], $0x80, s31, s6, $0xb8;
	[tilespmem:$0x1FAA0] =	vst v63  }
0x361: {  	_ =	swait.ge [sflag:s11], $0x2000  }
0x362: {  	[sflag:s11] =	ssyncset.done $0x0  }
0x363: {  	s19 =	rddreg [dreg:$0x8];
	[sflag:s11] =	ssyncadd.s32 $0xFFFFE000  }
0x364: {  	[tilespmem:s7], [sflag:$0x1] =	stream.indirect.gather [hbm4b:s4+s6], $0x80, s19, s6, $0xb8;
	[tilespmem:$0x1FAA0] =	vst v63  }
0x365: {  	_ =	swait.ge [sflag:s12], $0x2000  }
0x366: {  	[sflag:s12] =	ssyncset.done $0x0  }
0x367: {  	s19 =	rddreg [dreg:$0x9];
	[sflag:s12] =	ssyncadd.s32 $0xFFFFE000  }
0x368: {  	[spmem:s1] =	stream.indirect.scatter.add.f32 [tilespmem:s8], [sflag:$0x6], $0x80, s19, s6, $0xb8;
	[tilespmem:$0x1FAA0] =	vst v63  }
0x369: {  	_ =	swait.ge [sflag:s13], $0x2000  }
0x36a: {  	[sflag:s13] =	ssyncset.done $0x0  }
0x36b: {  	s19 =	rddreg [dreg:$0xa];
	[sflag:s13] =	ssyncadd.s32 $0xFFFFE000  }
0x36c: {  	[tilespmem:s8], [sflag:$0x2] =	stream.indirect.gather [hbm4b:s4+s6], $0x80, s19, s6, $0xb8;
	[tilespmem:$0x1FAA0] =	vst v63  }
0x36d: {  	_ =	swait.ge [sflag:s14], $0x2000  }
0x36e: {  	[sflag:s14] =	ssyncset.done $0x0  }
0x36f: {  	s19 =	rddreg [dreg:$0xb];
	[sflag:s14] =	ssyncadd.s32 $0xFFFFE000  }
0x370: {  	[spmem:s1] =	stream.indirect.scatter.add.f32 [tilespmem:s9], [sflag:$0x7], $0x80, s19, s6, $0xb8;
	[tilespmem:$0x1FAA0] =	vst v63  }
0x371: {  	_ =	swait.ge [sflag:s5], $0x2000  }
0x372: {  	[sflag:s5] =	ssyncset.done $0x0  }
0x373: {  	s19 =	rddreg [dreg:$0xc];
	[sflag:s5] =	ssyncadd.s32 $0xFFFFE000  }
0x374: {  	[tilespmem:s9], [sflag:$0x3] =	stream.indirect.gather [hbm4b:s4+s6], $0x80, s19, s6, $0xb8;
	[tilespmem:$0x1FAA0] =	vst v63  }
0x375: {  	_ =	swait.ge [sflag:s17], $0x2000  }
0x376: {  	[sflag:s17] =	ssyncset.done $0x0  }
0x377: {  	s19 =	rddreg [dreg:$0xd];
	[sflag:s17] =	ssyncadd.s32 $0xFFFFE000  }
0x378: {  	[spmem:s1] =	stream.indirect.scatter.add.f32 [tilespmem:s10], [sflag:$0x8], $0x80, s19, s6, $0xb8;
	[tilespmem:$0x1FAA0] =	vst v63  }
0x379: {  	_ =	swait.ge [sflag:s18], $0x2000  }
0x37a: {  	[sflag:s18] =	ssyncset.done $0x0  }
0x37b: {  	s19 =	rddreg [dreg:$0xe];
	[sflag:s18] =	ssyncadd.s32 $0xFFFFE000  }
0x37c: {  	[tilespmem:s10], [sflag:$0x4] =	stream.indirect.gather [hbm4b:s4+s6], $0x80, s19, s6, $0xb8;
	[tilespmem:$0x1FAA0] =	vst v63  }
0x37d: {  	_ =	swait.ge [sflag:s28], $0x2000  }
0x37e: {  	[sflag:s28] =	ssyncset.done $0x0  }
0x37f: {  	s19 =	rddreg [dreg:$0xf];
	[sflag:s28] =	ssyncadd.s32 $0xFFFFE000  }
0x380: {  	[spmem:s1] =	stream.indirect.scatter.add.f32 [tilespmem:s7], [sflag:$0x5], $0x80, s19, s6, $0xb8;
	[tilespmem:$0x1FAA0] =	vst v63  }
0x381: {  	_ =	swait.ge [sflag:s11], $0x2000  }
0x382: {  	[sflag:s11] =	ssyncset.done $0x0  }
0x383: {  	s19 =	rddreg [dreg:$0x10];
	[sflag:s11] =	ssyncadd.s32 $0xFFFFE000  }
0x384: {  	[tilespmem:s7], [sflag:$0x1] =	stream.indirect.gather [hbm4b:s4+s6], $0x80, s19, s6, $0xb8;
	[tilespmem:$0x1FAA0] =	vst v63  }
0x385: {  	_ =	swait.ge [sflag:s12], $0x2000  }
0x386: {  	[sflag:s12] =	ssyncset.done $0x0  }
0x387: {  	s19 =	rddreg [dreg:$0x11];
	[sflag:s12] =	ssyncadd.s32 $0xFFFFE000  }
0x388: {  	[spmem:s1] =	stream.indirect.scatter.add.f32 [tilespmem:s8], [sflag:$0x6], $0x80, s19, s6, $0xb8;
	[tilespmem:$0x1FAA0] =	vst v63  }
0x389: {  	_ =	swait.ge [sflag:s13], $0x2000  }
0x38a: {  	[sflag:s13] =	ssyncset.done $0x0  }
0x38b: {  	s19 =	rddreg [dreg:$0x12];
	[sflag:s13] =	ssyncadd.s32 $0xFFFFE000  }
0x38c: {  	[tilespmem:s8], [sflag:$0x2] =	stream.indirect.gather [hbm4b:s4+s6], $0x80, s19, s6, $0xb8;
	[tilespmem:$0x1FAA0] =	vst v63  }
0x38d: {  	_ =	swait.ge [sflag:s14], $0x2000  }
0x38e: {  	[sflag:s14] =	ssyncset.done $0x0  }
0x38f: {  	s19 =	rddreg [dreg:$0x13];
	[sflag:s14] =	ssyncadd.s32 $0xFFFFE000  }
0x390: {  	[spmem:s1] =	stream.indirect.scatter.add.f32 [tilespmem:s9], [sflag:$0x7], $0x80, s19, s6, $0xb8;
	[tilespmem:$0x1FAA0] =	vst v63  }
0x391: {  	_ =	swait.ge [sflag:s5], $0x2000  }
0x392: {  	[sflag:s5] =	ssyncset.done $0x0  }
0x393: {  	s19 =	rddreg [dreg:$0x14];
	[sflag:s5] =	ssyncadd.s32 $0xFFFFE000  }
0x394: {  	[tilespmem:s9], [sflag:$0x3] =	stream.indirect.gather [hbm4b:s4+s6], $0x80, s19, s6, $0xb8;
	[tilespmem:$0x1FAA0] =	vst v63  }
0x395: {  	_ =	swait.ge [sflag:s17], $0x2000  }
0x396: {  	[sflag:s17] =	ssyncset.done $0x0  }
0x397: {  	s19 =	rddreg [dreg:$0x15];
	[sflag:s17] =	ssyncadd.s32 $0xFFFFE000  }
0x398: {  	[spmem:s1] =	stream.indirect.scatter.add.f32 [tilespmem:s10], [sflag:$0x8], $0x80, s19, s6, $0xb8;
	[tilespmem:$0x1FAA0] =	vst v63  }
0x399: {  	_ =	swait.ge [sflag:s18], $0x2000  }
0x39a: {  	[sflag:s18] =	ssyncset.done $0x0  }
0x39b: {  	s19 =	rddreg [dreg:$0x16];
	[sflag:s18] =	ssyncadd.s32 $0xFFFFE000  }
0x39c: {  	[tilespmem:s10], [sflag:$0x4] =	stream.indirect.gather [hbm4b:s4+s6], $0x80, s19, s6, $0xb8;
	[tilespmem:$0x1FAA0] =	vst v63  }
0x39d: {  	_ =	swait.ge [sflag:s28], $0x2000  }
0x39e: {  	[sflag:s28] =	ssyncset.done $0x0  }
0x39f: {  	s19 =	rddreg [dreg:$0x17];
	[sflag:s28] =	ssyncadd.s32 $0xFFFFE000  }
0x3a0: {  	[spmem:s1] =	stream.indirect.scatter.add.f32 [tilespmem:s7], [sflag:$0x5], $0x80, s19, s6, $0xb8;
	[tilespmem:$0x1FAA0] =	vst v63  }
0x3a1: {  	_ =	swait.ge [sflag:s11], $0x2000  }
0x3a2: {  	[sflag:s11] =	ssyncset.done $0x0  }
0x3a3: {  	s19 =	rddreg [dreg:$0x18];
	[sflag:s11] =	ssyncadd.s32 $0xFFFFE000  }
0x3a4: {  	[tilespmem:s7], [sflag:$0x1] =	stream.indirect.gather [hbm4b:s4+s6], $0x80, s19, s6, $0xb8;
	[tilespmem:$0x1FAA0] =	vst v63  }
0x3a5: {  	_ =	swait.ge [sflag:s12], $0x2000  }
0x3a6: {  	[sflag:s12] =	ssyncset.done $0x0  }
0x3a7: {  	s19 =	rddreg [dreg:$0x19];
	[sflag:s12] =	ssyncadd.s32 $0xFFFFE000  }
0x3a8: {  	[spmem:s1] =	stream.indirect.scatter.add.f32 [tilespmem:s8], [sflag:$0x6], $0x80, s19, s6, $0xb8;
	[tilespmem:$0x1FAA0] =	vst v63  }
0x3a9: {  	_ =	swait.ge [sflag:s13], $0x2000  }
0x3aa: {  	[sflag:s13] =	ssyncset.done $0x0  }
0x3ab: {  	s19 =	rddreg [dreg:$0x1a];
	[sflag:s13] =	ssyncadd.s32 $0xFFFFE000  }
0x3ac: {  	[tilespmem:s8], [sflag:$0x2] =	stream.indirect.gather [hbm4b:s4+s6], $0x80, s19, s6, $0xb8;
	[tilespmem:$0x1FAA0] =	vst v63  }
0x3ad: {  	_ =	swait.ge [sflag:s14], $0x2000  }
0x3ae: {  	[sflag:s14] =	ssyncset.done $0x0  }
0x3af: {  	s19 =	rddreg [dreg:$0x1b];
	[sflag:s14] =	ssyncadd.s32 $0xFFFFE000  }
0x3b0: {  	[spmem:s1] =	stream.indirect.scatter.add.f32 [tilespmem:s9], [sflag:$0x7], $0x80, s19, s6, $0xb8;
	[tilespmem:$0x1FAA0] =	vst v63  }
0x3b1: {  	_ =	swait.ge [sflag:s5], $0x2000  }
0x3b2: {  	[sflag:s5] =	ssyncset.done $0x0  }
0x3b3: {  	[sflag:s5] =	ssyncadd.s32 $0xFFFFE000  }
0x3b4: {  	[tilespmem:s9], [sflag:$0x3] =	stream.indirect.gather [hbm4b:s4+s6], $0x80, s20, s6, $0xb8;
	[tilespmem:$0x1FAA0] =	vst v63  }
0x3b5: {  	_ =	swait.ge [sflag:s17], $0x2000  }
0x3b6: {  	[sflag:s17] =	ssyncset.done $0x0  }
0x3b7: {  	[sflag:s17] =	ssyncadd.s32 $0xFFFFE000  }
0x3b8: {  	[spmem:s1] =	stream.indirect.scatter.add.f32 [tilespmem:s10], [sflag:$0x8], $0x80, s21, s6, $0xb8;
	[tilespmem:$0x1FAA0] =	vst v63  }
0x3b9: {  	_ =	swait.ge [sflag:s18], $0x2000  }
0x3ba: {  	[sflag:s18] =	ssyncset.done $0x0  }
0x3bb: {  	[sflag:s18] =	ssyncadd.s32 $0xFFFFE000  }
0x3bc: {  	[tilespmem:s10], [sflag:$0x4] =	stream.indirect.gather [hbm4b:s4+s6], $0x80, s22, s6, $0xb8;
	[tilespmem:$0x1FAA0] =	vst v63  }
0x3bd: {  	_ =	swait.ge [sflag:s28], $0x2000  }
0x3be: {  	[sflag:s28] =	ssyncset.done $0x0  }
0x3bf: {  	[sflag:s28] =	ssyncadd.s32 $0xFFFFE000  }
0x3c0: {  	[spmem:s1] =	stream.indirect.scatter.add.f32 [tilespmem:s7], [sflag:$0x5], $0x80, s23, s6, $0xb8;
	[tilespmem:$0x1FAA0] =	vst v63  }
0x3c1: {  	_ =	swait.ge [sflag:s12], $0x2000  }
0x3c2: {  	[sflag:s12] =	ssyncset.done $0x0  }
0x3c3: {  	[sflag:s12] =	ssyncadd.s32 $0xFFFFE000  }
0x3c4: {  	[spmem:s1] =	stream.indirect.scatter.add.f32 [tilespmem:s8], [sflag:$0x6], $0x80, s24, s6, $0xb8;
	[tilespmem:$0x1FAA0] =	vst v63  }
0x3c5: {  	_ =	swait.ge [sflag:s14], $0x2000  }
0x3c6: {  	[sflag:s14] =	ssyncset.done $0x0  }
0x3c7: {  	[sflag:s14] =	ssyncadd.s32 $0xFFFFE000  }
0x3c8: {  	[spmem:s1] =	stream.indirect.scatter.add.f32 [tilespmem:s9], [sflag:$0x7], $0x80, s25, s6, $0xb8;
	[tilespmem:$0x1FAA0] =	vst v63  }
0x3c9: {  	_ =	swait.ge [sflag:s17], $0x2000  }
0x3ca: {  	[sflag:s17] =	ssyncset.done $0x0  }
0x3cb: {  	s19 =	simm.s32 $0x1FA40;
	[sflag:s17] =	ssyncadd.s32 $0xFFFFE000  }
0x3cc: {  	[spmem:s1] =	stream.indirect.scatter.add.f32 [tilespmem:s10], [sflag:$0x8], $0x80, s19, s6, $0xb8;
	[tilespmem:$0x1FAA0] =	vst v63  }
0x3cd: {  	_ =	swait.ge [sflag:s11], $0x2000  }
0x3ce: {  	[sflag:s11] =	ssyncset.done $0x0  }
0x3cf: {  	[sflag:s11] =	ssyncadd.s32 $0xFFFFE000  }
0x3d0: {  	_ =	swait.ge [sflag:s13], $0x2000  }
0x3d1: {  	[sflag:s13] =	ssyncset.done $0x0  }
0x3d2: {  	p0 =	sne.s32 s26, $0x980;
	[sflag:s13] =	ssyncadd.s32 $0xFFFFE000  }
.Ltmp6:
0x3d3: {  	_ =	swait.ge [sflag:s5], $0x2000;
	(pc) =	sbr.rel @p0 .LBB2_14-.Ltmp6, $4  }
0x3d4: {  	[sflag:s5] =	ssyncset.done $0x0  }
0x3d5: {  	[sflag:s5] =	ssyncadd.s32 $0xFFFFE000  }
0x3d6: {  	_ =	swait.ge [sflag:s18], $0x2000  }
0x3d7: {  	s26 =	sadd.s32 $0x80, s26;
	s3 =	rddreg [dreg:$0x4];
	[sflag:s18] =	ssyncset.done $0x0  }
0x3d8: {  	[sflag:s18] =	ssyncadd.s32 $0xFFFFE000;
	s3 =	sadd.s32 s29, s3  }
0x3d9: {  	[tilespmem:s2], [sflag:$0x9] =	stream.linear.gather [hbm4b:s3+s15], $0x400, $0x38;
	[tilespmem:$0x1FAA0] =	vst v63  }
0x3da: {  	_ =	swait.ge [sflag:s30], $0x400  }
0x3db: {  	[sflag:s30] =	ssyncset.done $0x0  }
0x3dc: {  	s26 =	sadd.s32 s29, s0;
	[sflag:s30] =	ssyncadd.s32 $0xFFFFFC00  }
0x3dd: {  	[tilespmem:s31], [sflag:$0x9] =	stream.linear.gather [hbm4b:s26+s15], $0x400, $0x38;
	[tilespmem:$0x1FAA0] =	vst v63  }
0x3de: {  	_ =	swait.ge [sflag:s30], $0x400  }
0x3df: {  	[sflag:s30] =	ssyncset.done $0x0  }
0x3e0: {  	[sflag:s30] =	ssyncadd.s32 $0xFFFFFC00  }
0x3e1: {  	[tilespmem:s7], [sflag:$0x1] =	stream.indirect.gather [hbm4b:s4+s6], $0x80, s2, s6, $0xb8;
	[tilespmem:$0x1FAA0] =	vst v63  }
0x3e2: {  	s0 =	rddreg [dreg:$0x5]  }
0x3e3: {  	[tilespmem:s8], [sflag:$0x2] =	stream.indirect.gather [hbm4b:s4+s6], $0x80, s0, s6, $0xb8;
	[tilespmem:$0x1FAA0] =	vst v63  }
0x3e4: {  	s19 =	rddreg [dreg:$0x6]  }
0x3e5: {  	[tilespmem:s9], [sflag:$0x3] =	stream.indirect.gather [hbm4b:s4+s6], $0x80, s19, s6, $0xb8;
	[tilespmem:$0x1FAA0] =	vst v63  }
0x3e6: {  	s15 =	rddreg [dreg:$0x7]  }
0x3e7: {  	[tilespmem:s10], [sflag:$0x4] =	stream.indirect.gather [hbm4b:s4+s6], $0x80, s15, s6, $0xb8;
	[tilespmem:$0x1FAA0] =	vst v63  }
0x3e8: {  	_ =	swait.ge [sflag:s28], $0x2000  }
0x3e9: {  	[sflag:s28] =	ssyncset.done $0x0  }
0x3ea: {  	[sflag:s28] =	ssyncadd.s32 $0xFFFFE000  }
0x3eb: {  	[spmem:s1] =	stream.indirect.scatter.add.f32 [tilespmem:s7], [sflag:$0x5], $0x80, s31, s6, $0xb8;
	[tilespmem:$0x1FAA0] =	vst v63  }
0x3ec: {  	_ =	swait.ge [sflag:s11], $0x2000  }
0x3ed: {  	[sflag:s11] =	ssyncset.done $0x0  }
0x3ee: {  	s26 =	rddreg [dreg:$0x8];
	[sflag:s11] =	ssyncadd.s32 $0xFFFFE000  }
0x3ef: {  	[tilespmem:s7], [sflag:$0x1] =	stream.indirect.gather [hbm4b:s4+s6], $0x80, s26, s6, $0xb8;
	[tilespmem:$0x1FAA0] =	vst v63  }
0x3f0: {  	_ =	swait.ge [sflag:s12], $0x2000  }
0x3f1: {  	[sflag:s12] =	ssyncset.done $0x0  }
0x3f2: {  	s0 =	rddreg [dreg:$0x9];
	[sflag:s12] =	ssyncadd.s32 $0xFFFFE000  }
0x3f3: {  	[spmem:s1] =	stream.indirect.scatter.add.f32 [tilespmem:s8], [sflag:$0x6], $0x80, s0, s6, $0xb8;
	[tilespmem:$0x1FAA0] =	vst v63  }
0x3f4: {  	_ =	swait.ge [sflag:s13], $0x2000  }
0x3f5: {  	[sflag:s13] =	ssyncset.done $0x0  }
0x3f6: {  	s2 =	rddreg [dreg:$0xa];
	[sflag:s13] =	ssyncadd.s32 $0xFFFFE000  }
0x3f7: {  	[tilespmem:s8], [sflag:$0x2] =	stream.indirect.gather [hbm4b:s4+s6], $0x80, s2, s6, $0xb8;
	[tilespmem:$0x1FAA0] =	vst v63  }
0x3f8: {  	_ =	swait.ge [sflag:s14], $0x2000  }
0x3f9: {  	[sflag:s14] =	ssyncset.done $0x0  }
0x3fa: {  	s15 =	rddreg [dreg:$0xb];
	[sflag:s14] =	ssyncadd.s32 $0xFFFFE000  }
0x3fb: {  	[spmem:s1] =	stream.indirect.scatter.add.f32 [tilespmem:s9], [sflag:$0x7], $0x80, s15, s6, $0xb8;
	[tilespmem:$0x1FAA0] =	vst v63  }
0x3fc: {  	_ =	swait.ge [sflag:s5], $0x2000  }
0x3fd: {  	[sflag:s5] =	ssyncset.done $0x0  }
0x3fe: {  	s19 =	rddreg [dreg:$0xc];
	[sflag:s5] =	ssyncadd.s32 $0xFFFFE000  }
0x3ff: {  	[tilespmem:s9], [sflag:$0x3] =	stream.indirect.gather [hbm4b:s4+s6], $0x80, s19, s6, $0xb8;
	[tilespmem:$0x1FAA0] =	vst v63  }
0x400: {  	_ =	swait.ge [sflag:s17], $0x2000  }
0x401: {  	[sflag:s17] =	ssyncset.done $0x0  }
0x402: {  	s26 =	rddreg [dreg:$0xd];
	[sflag:s17] =	ssyncadd.s32 $0xFFFFE000  }
0x403: {  	[spmem:s1] =	stream.indirect.scatter.add.f32 [tilespmem:s10], [sflag:$0x8], $0x80, s26, s6, $0xb8;
	[tilespmem:$0x1FAA0] =	vst v63  }
0x404: {  	_ =	swait.ge [sflag:s18], $0x2000  }
0x405: {  	[sflag:s18] =	ssyncset.done $0x0  }
0x406: {  	s0 =	rddreg [dreg:$0xe];
	[sflag:s18] =	ssyncadd.s32 $0xFFFFE000  }
0x407: {  	[tilespmem:s10], [sflag:$0x4] =	stream.indirect.gather [hbm4b:s4+s6], $0x80, s0, s6, $0xb8;
	[tilespmem:$0x1FAA0] =	vst v63  }
0x408: {  	_ =	swait.ge [sflag:s28], $0x2000  }
0x409: {  	[sflag:s28] =	ssyncset.done $0x0  }
0x40a: {  	s2 =	rddreg [dreg:$0xf];
	[sflag:s28] =	ssyncadd.s32 $0xFFFFE000  }
0x40b: {  	[spmem:s1] =	stream.indirect.scatter.add.f32 [tilespmem:s7], [sflag:$0x5], $0x80, s2, s6, $0xb8;
	[tilespmem:$0x1FAA0] =	vst v63  }
0x40c: {  	_ =	swait.ge [sflag:s11], $0x2000  }
0x40d: {  	[sflag:s11] =	ssyncset.done $0x0  }
0x40e: {  	s15 =	rddreg [dreg:$0x10];
	[sflag:s11] =	ssyncadd.s32 $0xFFFFE000  }
0x40f: {  	[tilespmem:s7], [sflag:$0x1] =	stream.indirect.gather [hbm4b:s4+s6], $0x80, s15, s6, $0xb8;
	[tilespmem:$0x1FAA0] =	vst v63  }
0x410: {  	_ =	swait.ge [sflag:s12], $0x2000  }
0x411: {  	[sflag:s12] =	ssyncset.done $0x0  }
0x412: {  	s19 =	rddreg [dreg:$0x11];
	[sflag:s12] =	ssyncadd.s32 $0xFFFFE000  }
0x413: {  	[spmem:s1] =	stream.indirect.scatter.add.f32 [tilespmem:s8], [sflag:$0x6], $0x80, s19, s6, $0xb8;
	[tilespmem:$0x1FAA0] =	vst v63  }
0x414: {  	_ =	swait.ge [sflag:s13], $0x2000  }
0x415: {  	[sflag:s13] =	ssyncset.done $0x0  }
0x416: {  	s26 =	rddreg [dreg:$0x12];
	[sflag:s13] =	ssyncadd.s32 $0xFFFFE000  }
0x417: {  	[tilespmem:s8], [sflag:$0x2] =	stream.indirect.gather [hbm4b:s4+s6], $0x80, s26, s6, $0xb8;
	[tilespmem:$0x1FAA0] =	vst v63  }
0x418: {  	_ =	swait.ge [sflag:s14], $0x2000  }
0x419: {  	[sflag:s14] =	ssyncset.done $0x0  }
0x41a: {  	s0 =	rddreg [dreg:$0x13];
	[sflag:s14] =	ssyncadd.s32 $0xFFFFE000  }
0x41b: {  	[spmem:s1] =	stream.indirect.scatter.add.f32 [tilespmem:s9], [sflag:$0x7], $0x80, s0, s6, $0xb8;
	[tilespmem:$0x1FAA0] =	vst v63  }
0x41c: {  	_ =	swait.ge [sflag:s5], $0x2000  }
0x41d: {  	[sflag:s5] =	ssyncset.done $0x0  }
0x41e: {  	s2 =	rddreg [dreg:$0x14];
	[sflag:s5] =	ssyncadd.s32 $0xFFFFE000  }
0x41f: {  	[tilespmem:s9], [sflag:$0x3] =	stream.indirect.gather [hbm4b:s4+s6], $0x80, s2, s6, $0xb8;
	[tilespmem:$0x1FAA0] =	vst v63  }
0x420: {  	_ =	swait.ge [sflag:s17], $0x2000  }
0x421: {  	[sflag:s17] =	ssyncset.done $0x0  }
0x422: {  	s15 =	rddreg [dreg:$0x15];
	[sflag:s17] =	ssyncadd.s32 $0xFFFFE000  }
0x423: {  	[spmem:s1] =	stream.indirect.scatter.add.f32 [tilespmem:s10], [sflag:$0x8], $0x80, s15, s6, $0xb8;
	[tilespmem:$0x1FAA0] =	vst v63  }
0x424: {  	_ =	swait.ge [sflag:s18], $0x2000  }
0x425: {  	[sflag:s18] =	ssyncset.done $0x0  }
0x426: {  	s19 =	rddreg [dreg:$0x16];
	[sflag:s18] =	ssyncadd.s32 $0xFFFFE000  }
0x427: {  	[tilespmem:s10], [sflag:$0x4] =	stream.indirect.gather [hbm4b:s4+s6], $0x80, s19, s6, $0xb8;
	[tilespmem:$0x1FAA0] =	vst v63  }
0x428: {  	_ =	swait.ge [sflag:s28], $0x2000  }
0x429: {  	[sflag:s28] =	ssyncset.done $0x0  }
0x42a: {  	s26 =	rddreg [dreg:$0x17];
	[sflag:s28] =	ssyncadd.s32 $0xFFFFE000  }
0x42b: {  	[spmem:s1] =	stream.indirect.scatter.add.f32 [tilespmem:s7], [sflag:$0x5], $0x80, s26, s6, $0xb8;
	[tilespmem:$0x1FAA0] =	vst v63  }
0x42c: {  	_ =	swait.ge [sflag:s11], $0x2000  }
0x42d: {  	[sflag:s11] =	ssyncset.done $0x0  }
0x42e: {  	s0 =	rddreg [dreg:$0x18];
	[sflag:s11] =	ssyncadd.s32 $0xFFFFE000  }
0x42f: {  	[tilespmem:s7], [sflag:$0x1] =	stream.indirect.gather [hbm4b:s4+s6], $0x80, s0, s6, $0xb8;
	[tilespmem:$0x1FAA0] =	vst v63  }
0x430: {  	_ =	swait.ge [sflag:s12], $0x2000  }
0x431: {  	[sflag:s12] =	ssyncset.done $0x0  }
0x432: {  	s2 =	rddreg [dreg:$0x19];
	[sflag:s12] =	ssyncadd.s32 $0xFFFFE000  }
0x433: {  	[spmem:s1] =	stream.indirect.scatter.add.f32 [tilespmem:s8], [sflag:$0x6], $0x80, s2, s6, $0xb8;
	[tilespmem:$0x1FAA0] =	vst v63  }
0x434: {  	_ =	swait.ge [sflag:s13], $0x2000  }
0x435: {  	[sflag:s13] =	ssyncset.done $0x0  }
0x436: {  	s15 =	rddreg [dreg:$0x1a];
	[sflag:s13] =	ssyncadd.s32 $0xFFFFE000  }
0x437: {  	[tilespmem:s8], [sflag:$0x2] =	stream.indirect.gather [hbm4b:s4+s6], $0x80, s15, s6, $0xb8;
	[tilespmem:$0x1FAA0] =	vst v63  }
0x438: {  	_ =	swait.ge [sflag:s14], $0x2000  }
0x439: {  	[sflag:s14] =	ssyncset.done $0x0  }
0x43a: {  	s19 =	rddreg [dreg:$0x1b];
	[sflag:s14] =	ssyncadd.s32 $0xFFFFE000  }
0x43b: {  	[spmem:s1] =	stream.indirect.scatter.add.f32 [tilespmem:s9], [sflag:$0x7], $0x80, s19, s6, $0xb8;
	[tilespmem:$0x1FAA0] =	vst v63  }
0x43c: {  	_ =	swait.ge [sflag:s5], $0x2000  }
0x43d: {  	[sflag:s5] =	ssyncset.done $0x0  }
0x43e: {  	[sflag:s5] =	ssyncadd.s32 $0xFFFFE000  }
0x43f: {  	[tilespmem:s9], [sflag:$0x3] =	stream.indirect.gather [hbm4b:s4+s6], $0x80, s20, s6, $0xb8;
	[tilespmem:$0x1FAA0] =	vst v63  }
0x440: {  	_ =	swait.ge [sflag:s17], $0x2000  }
0x441: {  	[sflag:s17] =	ssyncset.done $0x0  }
0x442: {  	[sflag:s17] =	ssyncadd.s32 $0xFFFFE000  }
0x443: {  	[spmem:s1] =	stream.indirect.scatter.add.f32 [tilespmem:s10], [sflag:$0x8], $0x80, s21, s6, $0xb8;
	[tilespmem:$0x1FAA0] =	vst v63  }
0x444: {  	_ =	swait.ge [sflag:s18], $0x2000  }
0x445: {  	[sflag:s18] =	ssyncset.done $0x0  }
0x446: {  	[sflag:s18] =	ssyncadd.s32 $0xFFFFE000  }
0x447: {  	[tilespmem:s10], [sflag:$0x4] =	stream.indirect.gather [hbm4b:s4+s6], $0x80, s22, s6, $0xb8;
	[tilespmem:$0x1FAA0] =	vst v63  }
0x448: {  	_ =	swait.ge [sflag:s28], $0x2000  }
0x449: {  	[sflag:s28] =	ssyncset.done $0x0  }
0x44a: {  	[sflag:s28] =	ssyncadd.s32 $0xFFFFE000  }
0x44b: {  	[spmem:s1] =	stream.indirect.scatter.add.f32 [tilespmem:s7], [sflag:$0x5], $0x80, s23, s6, $0xb8;
	[tilespmem:$0x1FAA0] =	vst v63  }
0x44c: {  	_ =	swait.ge [sflag:s12], $0x2000  }
0x44d: {  	[sflag:s12] =	ssyncset.done $0x0  }
0x44e: {  	[sflag:s12] =	ssyncadd.s32 $0xFFFFE000  }
0x44f: {  	[spmem:s1] =	stream.indirect.scatter.add.f32 [tilespmem:s8], [sflag:$0x6], $0x80, s24, s6, $0xb8;
	[tilespmem:$0x1FAA0] =	vst v63  }
0x450: {  	_ =	swait.ge [sflag:s14], $0x2000  }
0x451: {  	[sflag:s14] =	ssyncset.done $0x0  }
0x452: {  	[sflag:s14] =	ssyncadd.s32 $0xFFFFE000  }
0x453: {  	[spmem:s1] =	stream.indirect.scatter.add.f32 [tilespmem:s9], [sflag:$0x7], $0x80, s25, s6, $0xb8;
	[tilespmem:$0x1FAA0] =	vst v63  }
0x454: {  	_ =	swait.ge [sflag:s17], $0x2000  }
0x455: {  	[sflag:s17] =	ssyncset.done $0x0  }
0x456: {  	s25 =	simm.s32 $0x1FA40;
	[sflag:s17] =	ssyncadd.s32 $0xFFFFE000  }
0x457: {  	[spmem:s1] =	stream.indirect.scatter.add.f32 [tilespmem:s10], [sflag:$0x8], $0x80, s25, s6, $0xb8;
	[tilespmem:$0x1FAA0] =	vst v63  }
0x458: {  	_ =	swait.ge [sflag:s11], $0x2000  }
0x459: {  	[sflag:s11] =	ssyncset.done $0x0  }
0x45a: {  	[sflag:s11] =	ssyncadd.s32 $0xFFFFE000  }
0x45b: {  	_ =	swait.ge [sflag:s13], $0x2000  }
0x45c: {  	[sflag:s13] =	ssyncset.done $0x0  }
0x45d: {  	[sflag:s13] =	ssyncadd.s32 $0xFFFFE000  }
0x45e: {  	_ =	swait.ge [sflag:s5], $0x2000  }
0x45f: {  	s22 =	sld [smem:$0x7F5];
	_ =	sdelay $0x1  }
0x460: {  	[sflag:s5] =	ssyncset.done $0x0  }
0x461: {  	[sflag:s5] =	ssyncadd.s32 $0xFFFFE000;
	v1 =	vmov s22  }
0x462: {  	_ =	swait.ge [sflag:s18], $0x2000  }
0x463: {  	s29 =	simm.s32 $0x0;
	[sflag:s18] =	ssyncset.done $0x0  }
0x464: {  	s3 =	simm.s32 $0x0;
	s31 =	simm.s32 $0x0;
	[sflag:s18] =	ssyncadd.s32 $0xFFFFE000  }
0x465: {  	s26 =	simm.s32 $0x1FA80;
	s0 =	simm.s32 $0x1F280;
	[bflag:$0x0] =	sbarrier.arrive $0xFFFF  }
0x466: {  	s2 =	simm.s32 $0x1D000;
	s15 =	simm.s32 $0x1E000;
	s23 =	simm.s32 $0x0;
	v1 =	vld.idx.msk [tilespmem:v1+s26+$0x0], $0xffff  }
.LBB2_16:
0x467: {  	s20 =	sld [smem:$0x7F6];
	_ =	sdelay $0x1  }
0x468: {  	s19 =	sshll.u32 s3, $0x5  }
0x469: {  	s19 =	sadd.s32 s20, s19  }
0x46a: {  	s20 =	sshll.u32 s19, $0x7  }
0x46b: {  	s20 =	sand.u32 $0x3FFFFF80, s20  }
0x46c: {  	s21 =	simm.s32 $0x1C000;
	s20 =	sadd.s32 s20, s1  }
0x46d: {  	[tilespmem:s21], [sflag:$0x9] =	stream.linear.gather [spmem:s20], $0x1000, $0x38;
	[tilespmem:$0x1FAA0] =	vst v63  }
0x46e: {  	_ =	swait.ge [sflag:s30], $0x1000  }
0x46f: {  	s19 =	sshll.u32 s19, $0x4;
	[sflag:s30] =	ssyncset.done $0x0  }
0x470: {  	s24 =	sadd.s32 s4, s19;
	[sflag:s30] =	ssyncadd.s32 $0xFFFFF000  }
0x471: {  	[tilespmem:s2], [sflag:$0x9] =	stream.linear.gather [hbm4b:s24+s23], $0x1000, $0x38;
	[tilespmem:$0x1FAA0] =	vst v63  }
0x472: {  	_ =	swait.ge [sflag:s30], $0x1000  }
0x473: {  	[sflag:s30] =	ssyncset.done $0x0;
	s26 =	rddreg [dreg:$0x1c]  }
0x474: {  	[sflag:s30] =	ssyncadd.s32 $0xFFFFF000;
	s25 =	sadd.s32 s26, s19  }
0x475: {  	[tilespmem:s15], [sflag:$0x9] =	stream.linear.gather [hbm4b:s25+s23], $0x1000, $0x38;
	[tilespmem:$0x1FAA0] =	vst v63  }
0x476: {  	_ =	swait.ge [sflag:s30], $0x1000  }
0x477: {  	[sflag:s30] =	ssyncset.done $0x0  }
0x478: {  	s26 =	simm.s32 $0x0;
	[sflag:s30] =	ssyncadd.s32 $0xFFFFF000  }
0x479: {  	v2 =	vld [tilespmem:s26+$0x1D040]  }
0x47a: {  	v5 =	vld [tilespmem:s26+$0x1D070]  }
0x47b: {  	v6 =	vld [tilespmem:s26+$0x1C050]  }
0x47c: {  	v3 =	vld [tilespmem:s26+$0x1C040]  }
0x47d: {  	v4 =	vmov s29;
	v12 =	vld [tilespmem:s26+$0x1C030]  }
0x47e: {  	v13 =	vld [tilespmem:s26+$0x1D030]  }
0x47f: {  	v14 =	vld [tilespmem:s26+$0x1D010]  }
0x480: {  	v7 =	vld [tilespmem:s26+$0x1C070]  }
0x481: {  	v9 =	vld [tilespmem:s26+$0x1C000]  }
0x482: {  	v16 =	vld.idx.msk [tilespmem:v4+s16+$0x0], $0xffff  }
0x483: {  	v18 =	vld [tilespmem:s26+$0x1D000]  }
0x484: {  	v8 =	vld [tilespmem:s26+$0x1D050]  }
0x485: {  	v19 =	vld [tilespmem:s26+$0x1C060]  }
0x486: {  	v20 =	vld [tilespmem:s26+$0x1D060]  }
0x487: {  	v15 =	vld [tilespmem:s26+$0x1C010]  }
0x488: {  	v21 =	vld [tilespmem:s26+$0x1C020]  }
0x489: {  	v22 =	vld [tilespmem:s26+$0x1D020];
	v23 =	vadd.f32 v2, v3;
	v2 =	vmul.f32 v16, v16  }
0x48a: {  	v4 =	vld [tilespmem:s26+$0x1E040];
	v7 =	vadd.f32 v5, v7;
	v24 =	vadd.f32 v8, v6  }
0x48b: {  	v10 =	vld [tilespmem:s26+$0x1E010];
	v8 =	vadd.f32 v20, v19;
	v6 =	vadd.f32 v18, v9;
	v11 =	vmul.f32 v23, v2  }
0x48c: {  	v17 =	vld [tilespmem:s26+$0x1E050];
	v20 =	vadd.f32 v14, v15;
	v14 =	vmul.f32 v16, v1;
	v5 =	vmul.f32 v7, v2  }
0x48d: {  	v3 =	vld [tilespmem:s26+$0x1E060];
	v25 =	vmul.f32 v24, v2;
	v15 =	vmul.f32 v8, v2;
	[tilespmem:s26+$0x1D040] =	vst v11  }
0x48e: {  	v9 =	vld [tilespmem:s26+$0x1E030];
	v63 =	vmul.f32 v6, v2;
	v19 =	vmul.f32 v20, v2;
	[tilespmem:s26+$0x1D070] =	vst v5  }
0x48f: {  	v11 =	vld [tilespmem:s26+$0x1E070];
	v5 =	vadd.f32 v13, v12;
	[tilespmem:s26+$0x1D050] =	vst v25;
	v12 =	vadd.f32 v22, v21;
	v21 =	vmul.f32 v24, v14  }
0x490: {  	v13 =	vld [tilespmem:s26+$0x1E020];
	[tilespmem:s26+$0x1D060] =	vst v15;
	v22 =	vmul.f32 v20, v14;
	v20 =	vmul.f32 v23, v14  }
0x491: {  	s20 =	sadd.s32 $0x1, s29;
	s19 =	simm.s32 $0x200;
	v16 =	vld [tilespmem:s26+$0x1E000];
	[tilespmem:s26+$0x1D000] =	vst v63;
	v18 =	vmul.f32 v5, v2;
	v15 =	vmul.f32 v12, v14  }
.LBB2_17:
0x492: {  	v23 =	vmov s20;
	s21 =	sshra.s32 s19, $0x2;
	p0 =	sne.s32 s19, $0x3E00;
	s19 =	sadd.s32 $0x200, s19;
	[tilespmem:s26+$0x1D010] =	vst v19;
	v17 =	vadd.f32 v21, v17;
	v7 =	vmul.f32 v7, v14  }
0x493: {  	v6 =	vmul.f32 v6, v14;
	v5 =	vmul.f32 v5, v14;
	v19 =	vld [tilespmem:s21+$0x1D040];
	v10 =	vadd.f32 v22, v10;
	[tilespmem:s26+$0x1D030] =	vst v18  }
0x494: {  	v8 =	vmul.f32 v8, v14;
	v4 =	vadd.f32 v20, v4;
	v18 =	vld [tilespmem:s21+$0x1D070];
	[tilespmem:s26+$0x1E050] =	vst v17;
	v7 =	vadd.f32 v7, v11  }
0x495: {  	v2 =	vmul.f32 v12, v2;
	v5 =	vadd.f32 v5, v9;
	v11 =	vld [tilespmem:s21+$0x1C050];
	[tilespmem:s26+$0x1E010] =	vst v10;
	v10 =	vadd.f32 v15, v13  }
0x496: {  	v3 =	vadd.f32 v8, v3;
	v9 =	vld [tilespmem:s21+$0x1C040];
	v6 =	vadd.f32 v6, v16;
	[tilespmem:s26+$0x1E040] =	vst v4  }
0x497: {  	v4 =	vld [tilespmem:s21+$0x1C030];
	[tilespmem:s26+$0x1E070] =	vst v7  }
0x498: {  	v7 =	vld [tilespmem:s21+$0x1D030];
	[tilespmem:s26+$0x1D020] =	vst v2  }
0x499: {  	v2 =	vld [tilespmem:s21+$0x1D010];
	[tilespmem:s26+$0x1E060] =	vst v3  }
0x49a: {  	v3 =	vld [tilespmem:s21+$0x1C010];
	[tilespmem:s26+$0x1E030] =	vst v5  }
0x49b: {  	v8 =	vld [tilespmem:s21+$0x1C070];
	[tilespmem:s26+$0x1E000] =	vst v6  }
0x49c: {  	v6 =	vld [tilespmem:s21+$0x1C000];
	[tilespmem:s26+$0x1E020] =	vst v10;
	s26 =	smov.u32 s21  }
0x49d: {  	v12 =	vld.idx.msk [tilespmem:v23+s16+$0x0], $0xffff  }
0x49e: {  	v10 =	vld [tilespmem:s26+$0x1D000]  }
0x49f: {  	v20 =	vadd.f32 v2, v3;
	v3 =	vld [tilespmem:s26+$0x1D050]  }
0x4a0: {  	v5 =	vadd.f32 v7, v4;
	v13 =	vld [tilespmem:s26+$0x1C060]  }
0x4a1: {  	v14 =	vld [tilespmem:s26+$0x1D060]  }
0x4a2: {  	v23 =	vadd.f32 v19, v9;
	v15 =	vld [tilespmem:s26+$0x1C020]  }
0x4a3: {  	v7 =	vadd.f32 v18, v8;
	v2 =	vmul.f32 v12, v12;
	v6 =	vadd.f32 v10, v6;
	v9 =	vld [tilespmem:s26+$0x1D020]  }
0x4a4: {  	v4 =	vld [tilespmem:s26+$0x1E040];
	v16 =	vadd.f32 v3, v11  }
0x4a5: {  	v11 =	vmul.f32 v23, v2;
	v21 =	vmul.f32 v7, v2;
	v3 =	vld [tilespmem:s26+$0x1E060]  }
0x4a6: {  	v22 =	vmul.f32 v6, v2;
	v10 =	vld [tilespmem:s26+$0x1E010];
	v24 =	vmul.f32 v16, v2;
	v8 =	vadd.f32 v14, v13  }
.Ltmp7:
0x4a7: {  	v19 =	vmul.f32 v20, v2;
	v18 =	vmul.f32 v5, v2;
	[tilespmem:s26+$0x1D040] =	vst v11;
	v17 =	vld [tilespmem:s26+$0x1E050];
	(pc) =	sbr.rel @p0 .LBB2_17-.Ltmp7, $4  }
0x4a8: {  	v14 =	vmul.f32 v12, v1;
	v12 =	vadd.f32 v9, v15;
	v25 =	vmul.f32 v8, v2;
	v11 =	vld [tilespmem:s26+$0x1E070];
	[tilespmem:s26+$0x1D070] =	vst v21  }
0x4a9: {  	v9 =	vld [tilespmem:s26+$0x1E030];
	[tilespmem:s26+$0x1D050] =	vst v24  }
0x4aa: {  	v21 =	vmul.f32 v16, v14;
	v13 =	vld [tilespmem:s26+$0x1E020];
	v15 =	vmul.f32 v12, v14;
	[tilespmem:s26+$0x1D060] =	vst v25  }
0x4ab: {  	s20 =	sadd.s32 $0x1, s20;
	v16 =	vld [tilespmem:s26+$0x1E000];
	[tilespmem:s26+$0x1D000] =	vst v22;
	v22 =	vmul.f32 v20, v14;
	v20 =	vmul.f32 v23, v14  }
0x4ac: {  	[tilespmem:s26+$0x1D010] =	vst v19;
	v17 =	vadd.f32 v21, v17  }
0x4ad: {  	[tilespmem:s26+$0x1D030] =	vst v18;
	v2 =	vmul.f32 v12, v2  }
0x4ae: {  	v7 =	vmul.f32 v7, v14;
	v10 =	vadd.f32 v22, v10;
	[tilespmem:s26+$0x1E050] =	vst v17  }
0x4af: {  	v8 =	vmul.f32 v8, v14;
	v4 =	vadd.f32 v20, v4;
	[tilespmem:s26+$0x1D020] =	vst v2  }
0x4b0: {  	v5 =	vmul.f32 v5, v14;
	v7 =	vadd.f32 v7, v11;
	[tilespmem:s26+$0x1E010] =	vst v10  }
0x4b1: {  	v63 =	vmul.f32 v6, v14;
	v3 =	vadd.f32 v8, v3;
	[tilespmem:s26+$0x1E040] =	vst v4  }
0x4b2: {  	v5 =	vadd.f32 v5, v9;
	[tilespmem:s26+$0x1E070] =	vst v7  }
0x4b3: {  	v2 =	vadd.f32 v63, v16;
	[tilespmem:s26+$0x1E060] =	vst v3  }
0x4b4: {  	v3 =	vadd.f32 v15, v13;
	[tilespmem:s26+$0x1E030] =	vst v5  }
0x4b5: {  	[tilespmem:s26+$0x1E000] =	vst v2  }
0x4b6: {  	[tilespmem:s26+$0x1E020] =	vst v3  }
0x4b7: {  	[hbm4b:s24+s31] =	stream.linear.scatter [tilespmem:s2], [sflag:$0x9], $0x1000, $0x38;
	[tilespmem:$0x1FAA0] =	vst v63  }
0x4b8: {  	s3 =	sadd.s32 $0x1, s3;
	_ =	swait.ge [sflag:s30], $0x1000  }
0x4b9: {  	p0 =	sne.s32 s3, $0x14;
	[sflag:s30] =	ssyncset.done $0x0  }
.Ltmp8:
0x4ba: {  	[sflag:s30] =	ssyncadd.s32 $0xFFFFF000;
	(pc) =	sbr.rel @p0 .LBB2_16-.Ltmp8, $4  }
0x4bb: {  	[hbm4b:s25+s31] =	stream.linear.scatter [tilespmem:s15], [sflag:$0x9], $0x1000, $0x38;
	[tilespmem:$0x1FAA0] =	vst v63  }
0x4bc: {  	_ =	swait.ge [sflag:s30], $0x1000  }
0x4bd: {  	[sflag:s30] =	ssyncset.done $0x0  }
0x4be: {  	s29 =	sadd.s32 $0x20, s29;
	[sflag:s30] =	ssyncadd.s32 $0xFFFFF000  }
0x4bf: {  	s22 =	sadd.s32 $0x1, s22  }
0x4c0: {  	p0 =	sne.s32 s22, $0xA  }
.Ltmp9:
0x4c1: {  	_ = 	snop;
	(pc) =	sbr.rel @p0 .LBB2_11-.Ltmp9, $4  }
0x4c2: {  	s20 =	simm.s32 $0x1F600  }
0x4c3: {  	s21 =	simm.s32 $0x1F940;
	s23 =	simm.s32 $0x1F980;
	[smem:$0x7F5] =	sst s22  }
0x4c4: {  	s24 =	simm.s32 $0x1F9C0;
	s25 =	simm.s32 $0x1FA00;
	[bflag:$0x0] =	sbarrier.arrive $0xFFFF  }
0x4c5: {  	s15 =	simm.s32 $0x1FA40;
	s26 =	simm.s32 $0x1F680;
	s22 =	simm.s32 $0x1F640  }
0x4c6: {  	_ =	sfence.sel $0x180000  }
0x4c7: {  	[bflag:$0x0] =	sbarrier.arrive $0xFFFF  }
0x4c8: {  	_ =	strace $0x90000047  }
0x4c9: {  	s0 =	stileid.u32;
	[bflag:$0x2] =	sbarrier.arrive $0xFFFF  }
0x4ca: {  	p0 =	sne.s32 s0, $0x0;
	s0 =	rddreg [dreg:$0x3]  }
0x4cb: {  	s0 =	sadd.s32 @!p0 $0x100000, s0  }
0x4cc: {  	[sflag:s0] =	ssyncadd.tile.s32 @!p0 $0x1;
	_ =	shalt  }
.Lfunc_end2:
_tile_overlayer_lowered:
.L_overlay_start_2:
0x4cd: {  	(tag) =	ssettag $0x2  }
0x4ce: {  	s0 =	rddreg [dreg:$0x0];
	s2 =	stileid.u32  }
0x4cf: {  	s1 =	rddreg [dreg:$0x1];
	p0 =	sne.s32 s2, $0x0  }
0x4d0: {  	s3 =	rddreg [dreg:$0x2];
	[bflag:$0x3] =	sbarrier.arrive $0xFFFF;
	s2 =	simm.s32 @!p0 $0x1C09  }
0x4d1: {  	[timem:s3], [sflag:s2] =	dma.local @!p0 [hbm:s0], s1  }
0x4d2: {  	s0 =	simm.s32 @!p0 $0x9  }
0x4d3: {  	_ =	swait.ge @!p0 [sflag:s0], s1  }
0x4d4: {  	s1 =	ssub.s32 @!p0 $0x0, s1;
	[sflag:s0] =	ssyncset.done @!p0 $0x0  }
0x4d5: {  	[sflag:s0] =	ssyncadd.s32 @!p0 s1  }
0x4d6: {  	[bflag:$0x3] =	sbarrier.arrive $0xFFFF  }
0x4d7: {  	_ =	shalt  }

</sc_bundles>
